<compile_context>
chip_gen: v7x
topology: tpu7x:2x2x1
jax: 0.10.2.dev20260603
libtpu: 0.0.44.dev20260713+nightly
codegen_flags: <defaults>
</compile_context>

<pallas_src>
import functools

import jax
import jax.numpy as jnp
from jax import lax
from jax.experimental import pallas as pl
from jax.experimental.pallas import tpu as pltpu
from jax.experimental.pallas import tpu_sc as plsc

N_NODES = 10000
N_EDGES = 320000
NPAD = 10240
BLK = 1024
MAXSTEPS = 1024
EBUF = 344064
NC, NS = 2, 16
NW = NC * NS
EPAD = 327680
TRASH = EBUF - 8


def _sc_gather(table, idx, ch, depth):
    tot = idx.shape[0]
    v, d = table.shape
    rows_pw = tot // NW
    nchunks = rows_pw // ch
    assert nchunks % depth == 0 and rows_pw % ch == 0
    mesh = plsc.VectorSubcoreMesh(core_axis_name="c", subcore_axis_name="s")

    @functools.partial(
        pl.kernel, mesh=mesh,
        out_type=jax.ShapeDtypeStruct((tot, d), jnp.float32),
        scratch_types=[
            pltpu.MemorySpace.VMEM((rows_pw,), jnp.int32),
            pltpu.MemorySpace.VMEM((depth, ch, d), jnp.float32),
            pltpu.SemaphoreType.DMA((depth,)),
        ],
    )
    def k(table_hbm, idx_hbm, out_hbm, idx_all, rows_v, gsem):
        wid = lax.axis_index("s") * NC + lax.axis_index("c")
        tile_base = wid * rows_pw
        pltpu.sync_copy(idx_hbm.at[pl.ds(tile_base, rows_pw)], idx_all)

        def gdesc(j, s):
            return pltpu.make_async_copy(
                table_hbm.at[idx_all.at[pl.ds(j * ch, ch)]],
                rows_v.at[s], gsem.at[s])

        for s in range(depth):
            gdesc(s, s).start()

        def body(j2, carry):
            for s in range(depth):
                j = j2 * depth + s
                gdesc(j, s).wait()
                pltpu.sync_copy(rows_v.at[s],
                                out_hbm.at[pl.ds(tile_base + j * ch, ch)])
                jn = j + depth

                @pl.when(jn < nchunks)
                def _():
                    gdesc(jn, s).start()
            return carry

        lax.fori_loop(0, nchunks // depth, body, 0)

    return k(table, idx)


def _sc_edge_prep(starts_pad, rankpos_pad, ssrc_pad, sdst_pad, offsets):
    edges_pw = EPAD // NW
    mesh = plsc.VectorSubcoreMesh(core_axis_name="c", subcore_axis_name="s")

    @functools.partial(
        pl.kernel, mesh=mesh,
        compiler_params=pltpu.CompilerParams(needs_layout_passes=False),
        out_type=(jax.ShapeDtypeStruct((EPAD,), jnp.int32),
                  jax.ShapeDtypeStruct((EPAD,), jnp.int32),
                  jax.ShapeDtypeStruct((EPAD,), jnp.int32)),
        scratch_types=[
            pltpu.MemorySpace.VMEM((edges_pw,), jnp.int32),
            pltpu.MemorySpace.VMEM((edges_pw,), jnp.int32),
            pltpu.MemorySpace.VMEM((NPAD,), jnp.int32),
            pltpu.MemorySpace.VMEM((NPAD,), jnp.int32),
            pltpu.MemorySpace.VMEM((MAXSTEPS,), jnp.int32),
            pltpu.MemorySpace.VMEM((edges_pw,), jnp.int32),
            pltpu.MemorySpace.VMEM((edges_pw,), jnp.int32),
            pltpu.MemorySpace.VMEM((edges_pw,), jnp.int32),
        ],
    )
    def k(ssrc_hbm, sdst_hbm, starts_hbm, rank_hbm, off_hbm,
          slot_hbm, r1_hbm, r2_hbm,
          ssrc_b, sdst_b, tab_st, tab_rk, tab_off, slot_b, r1_b, r2_b):
        wid = lax.axis_index("s") * NC + lax.axis_index("c")
        tb = wid * edges_pw
        pltpu.sync_copy(ssrc_hbm.at[pl.ds(tb, edges_pw)], ssrc_b)
        pltpu.sync_copy(sdst_hbm.at[pl.ds(tb, edges_pw)], sdst_b)
        pltpu.sync_copy(starts_hbm, tab_st)
        pltpu.sync_copy(rank_hbm, tab_rk)
        pltpu.sync_copy(off_hbm, tab_off)

        def body(v, carry):
            b = v * 16
            d_v = sdst_b[pl.ds(b, 16)]
            s_v = ssrc_b[pl.ds(b, 16)]
            st = plsc.load_gather(tab_st, [d_v])
            rkd = plsc.load_gather(tab_rk, [d_v])
            e_v = tb + b + lax.iota(jnp.int32, 16)
            t_v = e_v - st
            valid = (t_v < MAXSTEPS) & (e_v < N_EDGES)
            t_c = jnp.clip(t_v, 0, MAXSTEPS - 1)
            off = plsc.load_gather(tab_off, [t_c])
            slot_b[pl.ds(b, 16)] = jnp.where(valid, off + rkd, TRASH)
            r1_b[pl.ds(b, 16)] = s_v
            r2_b[pl.ds(b, 16)] = plsc.load_gather(tab_rk, [s_v])
            return carry

        lax.fori_loop(0, edges_pw // 16, body, 0)
        pltpu.sync_copy(slot_b, slot_hbm.at[pl.ds(tb, edges_pw)])
        pltpu.sync_copy(r1_b, r1_hbm.at[pl.ds(tb, edges_pw)])
        pltpu.sync_copy(r2_b, r2_hbm.at[pl.ds(tb, edges_pw)])

    return k(ssrc_pad, sdst_pad, starts_pad, rankpos_pad, offsets)


def _sc_gather_scatter(table, row, slot, ch, depth):
    v, d = table.shape
    edges_pw = EPAD // NW
    nchunks = edges_pw // ch
    assert nchunks % depth == 0 and depth == 4
    mesh = plsc.VectorSubcoreMesh(core_axis_name="c", subcore_axis_name="s")

    scratch = ([pltpu.MemorySpace.VMEM((edges_pw,), jnp.int32),
                pltpu.MemorySpace.VMEM((edges_pw,), jnp.int32)]
               + [pltpu.MemorySpace.VMEM((ch, d), jnp.float32)
                  for _ in range(depth)]
               + [pltpu.MemorySpace.VMEM((ch,), jnp.int32)
                  for _ in range(depth)]
               + [pltpu.SemaphoreType.DMA((depth,)),
                  pltpu.SemaphoreType.DMA((depth,))])

    @functools.partial(
        pl.kernel, mesh=mesh,
        out_type=jax.ShapeDtypeStruct((EBUF, d), jnp.float32),
        scratch_types=scratch,
    )
    def k(table_hbm, row_hbm, slot_hbm, xg_hbm, *bufs):
        row_all, slot_all = bufs[0], bufs[1]
        rows_v = bufs[2:2 + depth]
        slot_v = bufs[2 + depth:2 + 2 * depth]
        gsem, ssem = bufs[-2], bufs[-1]
        wid = lax.axis_index("s") * NC + lax.axis_index("c")
        tb = wid * edges_pw
        pltpu.sync_copy(row_hbm.at[pl.ds(tb, edges_pw)], row_all)
        pltpu.sync_copy(slot_hbm.at[pl.ds(tb, edges_pw)], slot_all)

        def gdesc(j, s):
            return pltpu.make_async_copy(
                table_hbm.at[row_all.at[pl.ds(j * ch, ch)]],
                rows_v[s], gsem.at[s])

        def load_slots(j, s):
            for i in range(ch // 16):
                slot_v[s][pl.ds(i * 16, 16)] = (
                    slot_all[pl.ds(j * ch + i * 16, 16)])

        def sdesc(j, s):
            return pltpu.make_async_copy(
                rows_v[s], xg_hbm.at[slot_v[s]], ssem.at[s])

        for s in range(2):
            gdesc(s, s).start()

        def body(j2, carry):
            for s0 in range(depth):
                j = j2 * depth + s0
                s = s0
                gdesc(j, s).wait()
                load_slots(j, s)
                sdesc(j, s).start()
                jq = j + 2
                sq = (s0 + 2) % depth

                @pl.when(jq < nchunks)
                def _():
                    @pl.when(jq >= depth)
                    def _():
                        sdesc(jq - depth, sq).wait()
                    gdesc(jq, sq).start()
            return carry

        lax.fori_loop(0, nchunks // depth, body, 0)
        for s0 in range(depth):
            sdesc(nchunks - depth + s0, s0).wait()

    return k(table, row, slot)


def _lstm_layer(xg, xs, offsets, cnt, steps_b, wih_t, whh_t, b2,
                wself_t, bself, wneigh_t, relu):
    d = xs.shape[1]
    h_dim = whh_t.shape[0]
    do = wself_t.shape[1]
    nb_total = NPAD // BLK

    def body(xg_ref, off_ref, cnt_ref, steps_ref, xs_ref, wih_ref, whh_ref,
             b2_ref, wself_ref, bself_ref, wneigh_ref, out_ref,
             xbuf, h_ref, c_ref, sem):
        nb = pl.program_id(0)
        nsteps = steps_ref[nb]
        base_row = nb * BLK
        h_ref[...] = jnp.zeros_like(h_ref)
        c_ref[...] = jnp.zeros_like(c_ref)

        def dma(t):
            slot = lax.rem(t, 2)
            row = pl.multiple_of(off_ref[t] + base_row, 8)
            return pltpu.make_async_copy(
                xg_ref.at[pl.ds(row, BLK)], xbuf.at[slot], sem.at[slot])

        @pl.when(nsteps > 0)
        def _():
            dma(0).start()

        def step(t, carry):
            dma(t).wait()

            @pl.when(t + 1 < nsteps)
            def _():
                dma(t + 1).start()

            xt = xbuf[lax.rem(t, 2)]
            h_old = h_ref[...]
            c_old = c_ref[...]
            gates = (jnp.dot(xt, wih_ref[...],
                             preferred_element_type=jnp.float32)
                     + jnp.dot(h_old, whh_ref[...],
                               preferred_element_type=jnp.float32)
                     + b2_ref[...])
            i_ = jax.nn.sigmoid(gates[:, :h_dim])
            f_ = jax.nn.sigmoid(gates[:, h_dim:2 * h_dim])
            g_ = jnp.tanh(gates[:, 2 * h_dim:3 * h_dim])
            o_ = jax.nn.sigmoid(gates[:, 3 * h_dim:])
            c2 = f_ * c_old + i_ * g_
            h2 = o_ * jnp.tanh(c2)
            act = cnt_ref[t] - base_row
            mask = lax.broadcasted_iota(jnp.int32, (BLK, 1), 0) < act
            h_ref[...] = jnp.where(mask, h2, h_old)
            c_ref[...] = jnp.where(mask, c2, c_old)
            return carry

        lax.fori_loop(0, nsteps, step, 0)

        out = (jnp.dot(xs_ref[...], wself_ref[...],
                       preferred_element_type=jnp.float32)
               + bself_ref[...]
               + jnp.dot(h_ref[...], wneigh_ref[...],
                         preferred_element_type=jnp.float32))
        if relu:
            out = jnp.maximum(out, 0.0)
        out_ref[...] = out

    return pl.pallas_call(
        body,
        grid=(nb_total,),
        in_specs=[
            pl.BlockSpec(memory_space=pltpu.MemorySpace.HBM),
            pl.BlockSpec(memory_space=pltpu.MemorySpace.SMEM),
            pl.BlockSpec(memory_space=pltpu.MemorySpace.SMEM),
            pl.BlockSpec(memory_space=pltpu.MemorySpace.SMEM),
            pl.BlockSpec((BLK, d), lambda nb: (nb, 0)),
            pl.BlockSpec((d, 4 * h_dim), lambda nb: (0, 0)),
            pl.BlockSpec((h_dim, 4 * h_dim), lambda nb: (0, 0)),
            pl.BlockSpec((1, 4 * h_dim), lambda nb: (0, 0)),
            pl.BlockSpec((d, do), lambda nb: (0, 0)),
            pl.BlockSpec((1, do), lambda nb: (0, 0)),
            pl.BlockSpec((h_dim, do), lambda nb: (0, 0)),
        ],
        out_specs=pl.BlockSpec((BLK, do), lambda nb: (nb, 0)),
        out_shape=jax.ShapeDtypeStruct((NPAD, do), jnp.float32),
        scratch_shapes=[
            pltpu.MemorySpace.VMEM((2, BLK, d), jnp.float32),
            pltpu.MemorySpace.VMEM((BLK, h_dim), jnp.float32),
            pltpu.MemorySpace.VMEM((BLK, h_dim), jnp.float32),
            pltpu.SemaphoreType.DMA((2,)),
        ],
    )(xg, offsets, cnt, steps_b, xs, wih_t, whh_t, b2,
      wself_t, bself, wneigh_t)


def _prep_indices(edge_index):
    src = edge_index[0].astype(jnp.int32)
    dst = edge_index[1].astype(jnp.int32)
    sdst, ssrc = lax.sort((dst, src), num_keys=1, is_stable=True)
    deg = jnp.bincount(dst, length=N_NODES).astype(jnp.int32)
    starts = jnp.concatenate(
        [jnp.zeros((1,), jnp.int32), jnp.cumsum(deg)[:-1].astype(jnp.int32)])

    p = jnp.argsort(-deg).astype(jnp.int32)
    rankpos = jnp.zeros((N_NODES,), jnp.int32).at[p].set(
        jnp.arange(N_NODES, dtype=jnp.int32))
    deg_sorted = deg[p]

    asc = jnp.sort(deg)
    tgrid = jnp.arange(MAXSTEPS, dtype=jnp.int32)
    cnt = (N_NODES - jnp.searchsorted(asc, tgrid, side='right')
           ).astype(jnp.int32)
    cnt8 = ((cnt + 7) // 8) * 8
    offsets = jnp.concatenate(
        [jnp.zeros((1,), jnp.int32),
         jnp.cumsum(cnt8)[:-1].astype(jnp.int32)])

    pade = EPAD - N_EDGES
    ssrc_pad = jnp.concatenate([ssrc, jnp.zeros((pade,), jnp.int32)])
    sdst_pad = jnp.concatenate([sdst, jnp.zeros((pade,), jnp.int32)])

    padn = NPAD - N_NODES
    deg_pad = jnp.concatenate([deg_sorted, jnp.zeros((padn,), jnp.int32)])
    steps_b = jnp.minimum(deg_pad[::BLK], MAXSTEPS).astype(jnp.int32)
    p_pad = jnp.concatenate([p, jnp.zeros((padn,), jnp.int32)])
    rank_pad = jnp.concatenate([rankpos, jnp.zeros((padn,), jnp.int32)])
    starts_pad = jnp.concatenate([starts, jnp.zeros((padn,), jnp.int32)])
    return (ssrc_pad, sdst_pad, starts_pad, offsets, cnt,
            steps_b, p_pad, rank_pad)


def kernel(x, edge_index, Wih1, Whh1, bih1, bhh1, Wself1, bself1, Wneigh1,
           Wih2, Whh2, bih2, bhh2, Wself2, bself2, Wneigh2):
    (ssrc_pad, sdst_pad, starts_pad, offsets, cnt,
     steps_b, p_pad, rank_pad) = _prep_indices(edge_index)

    slot, row1, row2 = _sc_edge_prep(starts_pad, rank_pad,
                                     ssrc_pad, sdst_pad, offsets)
    xs1 = _sc_gather(x, p_pad, 80, 4)
    xg1 = _sc_gather_scatter(x, row1, slot, 128, 4)
    h1 = _lstm_layer(xg1, xs1, offsets, cnt, steps_b,
                     Wih1.T, Whh1.T, (bih1 + bhh1).reshape(1, -1),
                     Wself1.T, bself1.reshape(1, -1), Wneigh1.T,
                     relu=True)
    xg2 = _sc_gather_scatter(h1, row2, slot, 64, 4)
    out2 = _lstm_layer(xg2, h1, offsets, cnt, steps_b,
                       Wih2.T, Whh2.T, (bih2 + bhh2).reshape(1, -1),
                       Wself2.T, bself2.reshape(1, -1), Wneigh2.T,
                       relu=False)
    out = _sc_gather(out2, rank_pad, 80, 4)
    return out[:N_NODES]

# --- scband reference (transcript-rebuilt; emitter-appended) ---
"""Pipeline reference for scband-sage-4028679323669 (READ-ONLY COPY).

The authoritative reference and input builder live on the scoring server;
editing this copy changes nothing except your own understanding.
"""

import jax, jax.numpy as jnp
import numpy as np

N_NODES, N_EDGES, D_IN, D_HID, D_OUT = 10000, 320000, 128, 256, 128


def _build_nbr(edge_index, n_nodes):
    src = edge_index[0]
    dst = edge_index[1]
    deg = jnp.bincount(dst, length=n_nodes)
    order = jnp.argsort(dst)
    ssrc = src[order]
    starts = jnp.concatenate([jnp.zeros((1,), deg.dtype), jnp.cumsum(deg)[:-1]])
    return ssrc, starts, deg


def _lstm_agg(x, ssrc, starts, deg, Wih, Whh, bih, bhh):
    # DGL SAGEConv 'lstm' aggregator: nn.LSTM(in, in); final hidden state per node.
    N = x.shape[0]
    E = ssrc.shape[0]
    H = Whh.shape[1]
    dmax = deg.max()

    def step(carry):
        t, h, c = carry
        idx = jnp.clip(starts + t, 0, E - 1)
        xt = x[ssrc[idx]]
        mt = (t < deg)[:, None]
        gates = xt @ Wih.T + bih + h @ Whh.T + bhh   # PyTorch gate order i,f,g,o
        i, f, g, o = jnp.split(gates, 4, axis=1)
        i = jax.nn.sigmoid(i)
        f = jax.nn.sigmoid(f)
        g = jnp.tanh(g)
        o = jax.nn.sigmoid(o)
        c2 = f * c + i * g
        h2 = o * jnp.tanh(c2)
        h = jnp.where(mt, h2, h)
        c = jnp.where(mt, c2, c)
        return t + 1, h, c

    def cond(carry):
        return carry[0] < dmax

    init = (jnp.zeros((), deg.dtype),
            jnp.zeros((N, H), x.dtype),
            jnp.zeros((N, H), x.dtype))
    _, h, c = jax.lax.while_loop(cond, step, init)
    return h


def _sage_conv(x, ssrc, starts, deg, Wih, Whh, bih, bhh, Wself, bself, Wneigh):
    h_neigh = _lstm_agg(x, ssrc, starts, deg, Wih, Whh, bih, bhh)
    return x @ Wself.T + bself + h_neigh @ Wneigh.T


def setup_inputs(seed: int = 0) -> dict:
    key = jax.random.key(seed)
    ks = [jax.random.fold_in(key, i) for i in range(20)]
    x = jax.random.normal(ks[0], (N_NODES, D_IN), jnp.float32)
    edge_index = jax.random.randint(ks[1], (2, N_EDGES), 0, N_NODES)
    s = 0.05
    inp = {
        'x': x,
        'edge_index': edge_index,
        # layer 1: SAGEConv(128 -> 256, lstm) ; LSTM hidden = in_feats = 128
        'Wih1': jax.random.normal(ks[2], (4 * D_IN, D_IN), jnp.float32) * s,
        'Whh1': jax.random.normal(ks[3], (4 * D_IN, D_IN), jnp.float32) * s,
        'bih1': jnp.zeros((4 * D_IN,), jnp.float32),
        'bhh1': jnp.zeros((4 * D_IN,), jnp.float32),
        'Wself1': jax.random.normal(ks[4], (D_HID, D_IN), jnp.float32) * s,
        'bself1': jnp.zeros((D_HID,), jnp.float32),
        'Wneigh1': jax.random.normal(ks[5], (D_HID, D_IN), jnp.float32) * s,
        # layer 2: SAGEConv(256 -> 128, lstm) ; LSTM hidden = in_feats = 256
        'Wih2': jax.random.normal(ks[6], (4 * D_HID, D_HID), jnp.float32) * s,
        'Whh2': jax.random.normal(ks[7], (4 * D_HID, D_HID), jnp.float32) * s,
        'bih2': jnp.zeros((4 * D_HID,), jnp.float32),
        'bhh2': jnp.zeros((4 * D_HID,), jnp.float32),
        'Wself2': jax.random.normal(ks[8], (D_OUT, D_HID), jnp.float32) * s,
        'bself2': jnp.zeros((D_OUT,), jnp.float32),
        'Wneigh2': jax.random.normal(ks[9], (D_OUT, D_HID), jnp.float32) * s,
    }
    return inp


def reference(x, edge_index, Wih1, Whh1, bih1, bhh1, Wself1, bself1, Wneigh1,
              Wih2, Whh2, bih2, bhh2, Wself2, bself2, Wneigh2):
    ssrc, starts, deg = _build_nbr(edge_index, x.shape[0])
    h = _sage_conv(x, ssrc, starts, deg, Wih1, Whh1, bih1, bhh1, Wself1, bself1, Wneigh1)
    h = jax.nn.relu(h)
    h = _sage_conv(h, ssrc, starts, deg, Wih2, Whh2, bih2, bhh2, Wself2, bself2, Wneigh2)
    return h

if __name__ == "__main__":
    import jax
    _d = setup_inputs()
    print(jax.jit(kernel)(*tuple(_d.values())))

</pallas_src>

<mosaic_0001>
#map = affine_map<(d0, d1) -> (0, 0)>
#map1 = affine_map<(d0, d1) -> (0)>
module attributes {stable_mosaic.version = 14 : i64} {
  func.func @k(%arg0: i32, %arg1: i32, %arg2: memref<10000x128xf32, #tpu.memory_space<hbm>>, %arg3: memref<10240xi32, #tpu.memory_space<hbm>>, %arg4: memref<10240x128xf32, #tpu.memory_space<hbm>>, %arg5: memref<320xi32, #tpu.memory_space<vmem>>, %arg6: memref<4x80x128xf32, #tpu.memory_space<vmem>>, %arg7: memref<4x!tpu.dma_semaphore, #tpu.memory_space<semaphore_mem>>) attributes {dimension_semantics = [#tpu.dimension_semantics<core_parallel>, #tpu.dimension_semantics<subcore_parallel>], iteration_bounds = array<i64: 2, 16>, scalar_prefetch = 0 : i64, scratch_operands = 3 : i64, tpu.core_type = #tpu.core_type<sc_vector_subcore>, window_params = [{transform_indices = #map}, {transform_indices = #map1}, {transform_indices = #map}]} {
    %mul3A = arith.constant 2 : i32
    %mul3A_0 = arith.muli %arg1, %mul3A : i32
    %add3A = arith.addi %mul3A_0, %arg0 : i32
    %mul3A_1 = arith.constant 320 : i32
    %mul3A_2 = arith.muli %add3A, %mul3A_1 : i32
    "tpu.region"() ({
      %run_scoped3A_167 = tpu.sem_alloc : memref<!tpu.dma_semaphore, #tpu.memory_space<semaphore_mem>>
      %dma_start3A_168 = tpu.memref_slice %arg3[%mul3A_2] : memref<10240xi32, #tpu.memory_space<hbm>> -> memref<320xi32, #tpu.memory_space<hbm>>
      %dma_start3A_169 = tpu.memref_slice %arg3[%mul3A_2] : memref<10240xi32, #tpu.memory_space<hbm>> -> memref<320xi32, #tpu.memory_space<hbm>>
      tpu.enqueue_dma source(%dma_start3A_169 : memref<320xi32, #tpu.memory_space<hbm>>) target(%arg5 : memref<320xi32, #tpu.memory_space<vmem>>) target_semaphore(%run_scoped3A_167 : memref<!tpu.dma_semaphore, #tpu.memory_space<semaphore_mem>>)
      %dma_wait3A_170 = tpu.memref_slice %arg3[%mul3A_2] : memref<10240xi32, #tpu.memory_space<hbm>> -> memref<320xi32, #tpu.memory_space<hbm>>
      %dma_wait3A_171 = tpu.memref_slice %arg3[%mul3A_2] : memref<10240xi32, #tpu.memory_space<hbm>> -> memref<320xi32, #tpu.memory_space<hbm>>
      tpu.wait_dma2 semaphore(%run_scoped3A_167 : memref<!tpu.dma_semaphore, #tpu.memory_space<semaphore_mem>>) src(%dma_wait3A_171 : memref<320xi32, #tpu.memory_space<hbm>>) dst(%arg5 : memref<320xi32, #tpu.memory_space<vmem>>)
      tpu.yield
    }) : () -> ()
    %dma_start3A = arith.constant 0 : i32
    %dma_start3A_3 = arith.constant 0 : i32
    %dma_start3A_4 = arith.constant 0 : i32
    %dma_start3A_5 = arith.constant 0 : i32
    %dma_start3A_6 = tpu.memref_slice %arg6[%dma_start3A, %dma_start3A_4, %dma_start3A_5] : memref<4x80x128xf32, #tpu.memory_space<vmem>> -> memref<1x80x128xf32, #tpu.memory_space<vmem>>
    %dma_start3A_7 = tpu.memref_squeeze %dma_start3A_6 : memref<1x80x128xf32, #tpu.memory_space<vmem>> -> memref<80x128xf32, #tpu.memory_space<vmem>>
    %dma_start3A_8 = arith.constant 0 : i32
    %dma_start3A_9 = tpu.memref_slice %arg5[%dma_start3A_8] : memref<320xi32, #tpu.memory_space<vmem>> -> memref<80xi32, #tpu.memory_space<vmem>>
    %dma_start3A_10 = arith.constant 0 : i32
    %dma_start3A_11 = arith.constant 0 : i32
    %dma_start3A_12 = tpu.memref_slice %arg2[%dma_start3A_10, %dma_start3A_11] : memref<10000x128xf32, #tpu.memory_space<hbm>> -> memref<10000x128xf32, #tpu.memory_space<hbm>>
    %dma_start3A_13 = tpu.memref_slice %arg7[%dma_start3A_3] : memref<4x!tpu.dma_semaphore, #tpu.memory_space<semaphore_mem>> -> memref<1x!tpu.dma_semaphore, #tpu.memory_space<semaphore_mem>>
    %dma_start3A_14 = tpu.memref_squeeze %dma_start3A_13 : memref<1x!tpu.dma_semaphore, #tpu.memory_space<semaphore_mem>> -> memref<!tpu.dma_semaphore, #tpu.memory_space<semaphore_mem>>
    tpu.enqueue_indirect_dma source(%dma_start3A_12 : memref<10000x128xf32, #tpu.memory_space<hbm>>) target(%dma_start3A_7 : memref<80x128xf32, #tpu.memory_space<vmem>>) offsets(%dma_start3A_9 : memref<80xi32, #tpu.memory_space<vmem>>) semaphore(%dma_start3A_14 : memref<!tpu.dma_semaphore, #tpu.memory_space<semaphore_mem>>)
    %dma_start3A_15 = arith.constant 1 : i32
    %dma_start3A_16 = arith.constant 1 : i32
    %dma_start3A_17 = arith.constant 0 : i32
    %dma_start3A_18 = arith.constant 0 : i32
    %dma_start3A_19 = tpu.memref_slice %arg6[%dma_start3A_15, %dma_start3A_17, %dma_start3A_18] : memref<4x80x128xf32, #tpu.memory_space<vmem>> -> memref<1x80x128xf32, #tpu.memory_space<vmem>>
    %dma_start3A_20 = tpu.memref_squeeze %dma_start3A_19 : memref<1x80x128xf32, #tpu.memory_space<vmem>> -> memref<80x128xf32, #tpu.memory_space<vmem>>
    %dma_start3A_21 = arith.constant 80 : i32
    %dma_start3A_22 = tpu.memref_slice %arg5[%dma_start3A_21] : memref<320xi32, #tpu.memory_space<vmem>> -> memref<80xi32, #tpu.memory_space<vmem>>
    %dma_start3A_23 = arith.constant 0 : i32
    %dma_start3A_24 = arith.constant 0 : i32
    %dma_start3A_25 = tpu.memref_slice %arg2[%dma_start3A_23, %dma_start3A_24] : memref<10000x128xf32, #tpu.memory_space<hbm>> -> memref<10000x128xf32, #tpu.memory_space<hbm>>
    %dma_start3A_26 = tpu.memref_slice %arg7[%dma_start3A_16] : memref<4x!tpu.dma_semaphore, #tpu.memory_space<semaphore_mem>> -> memref<1x!tpu.dma_semaphore, #tpu.memory_space<semaphore_mem>>
    %dma_start3A_27 = tpu.memref_squeeze %dma_start3A_26 : memref<1x!tpu.dma_semaphore, #tpu.memory_space<semaphore_mem>> -> memref<!tpu.dma_semaphore, #tpu.memory_space<semaphore_mem>>
    tpu.enqueue_indirect_dma source(%dma_start3A_25 : memref<10000x128xf32, #tpu.memory_space<hbm>>) target(%dma_start3A_20 : memref<80x128xf32, #tpu.memory_space<vmem>>) offsets(%dma_start3A_22 : memref<80xi32, #tpu.memory_space<vmem>>) semaphore(%dma_start3A_27 : memref<!tpu.dma_semaphore, #tpu.memory_space<semaphore_mem>>)
    %dma_start3A_28 = arith.constant 2 : i32
    %dma_start3A_29 = arith.constant 2 : i32
    %dma_start3A_30 = arith.constant 0 : i32
    %dma_start3A_31 = arith.constant 0 : i32
    %dma_start3A_32 = tpu.memref_slice %arg6[%dma_start3A_28, %dma_start3A_30, %dma_start3A_31] : memref<4x80x128xf32, #tpu.memory_space<vmem>> -> memref<1x80x128xf32, #tpu.memory_space<vmem>>
    %dma_start3A_33 = tpu.memref_squeeze %dma_start3A_32 : memref<1x80x128xf32, #tpu.memory_space<vmem>> -> memref<80x128xf32, #tpu.memory_space<vmem>>
    %dma_start3A_34 = arith.constant 160 : i32
    %dma_start3A_35 = tpu.memref_slice %arg5[%dma_start3A_34] : memref<320xi32, #tpu.memory_space<vmem>> -> memref<80xi32, #tpu.memory_space<vmem>>
    %dma_start3A_36 = arith.constant 0 : i32
    %dma_start3A_37 = arith.constant 0 : i32
    %dma_start3A_38 = tpu.memref_slice %arg2[%dma_start3A_36, %dma_start3A_37] : memref<10000x128xf32, #tpu.memory_space<hbm>> -> memref<10000x128xf32, #tpu.memory_space<hbm>>
    %dma_start3A_39 = tpu.memref_slice %arg7[%dma_start3A_29] : memref<4x!tpu.dma_semaphore, #tpu.memory_space<semaphore_mem>> -> memref<1x!tpu.dma_semaphore, #tpu.memory_space<semaphore_mem>>
    %dma_start3A_40 = tpu.memref_squeeze %dma_start3A_39 : memref<1x!tpu.dma_semaphore, #tpu.memory_space<semaphore_mem>> -> memref<!tpu.dma_semaphore, #tpu.memory_space<semaphore_mem>>
    tpu.enqueue_indirect_dma source(%dma_start3A_38 : memref<10000x128xf32, #tpu.memory_space<hbm>>) target(%dma_start3A_33 : memref<80x128xf32, #tpu.memory_space<vmem>>) offsets(%dma_start3A_35 : memref<80xi32, #tpu.memory_space<vmem>>) semaphore(%dma_start3A_40 : memref<!tpu.dma_semaphore, #tpu.memory_space<semaphore_mem>>)
    %dma_start3A_41 = arith.constant 3 : i32
    %dma_start3A_42 = arith.constant 3 : i32
    %dma_start3A_43 = arith.constant 0 : i32
    %dma_start3A_44 = arith.constant 0 : i32
    %dma_start3A_45 = tpu.memref_slice %arg6[%dma_start3A_41, %dma_start3A_43, %dma_start3A_44] : memref<4x80x128xf32, #tpu.memory_space<vmem>> -> memref<1x80x128xf32, #tpu.memory_space<vmem>>
    %dma_start3A_46 = tpu.memref_squeeze %dma_start3A_45 : memref<1x80x128xf32, #tpu.memory_space<vmem>> -> memref<80x128xf32, #tpu.memory_space<vmem>>
    %dma_start3A_47 = arith.constant 240 : i32
    %dma_start3A_48 = tpu.memref_slice %arg5[%dma_start3A_47] : memref<320xi32, #tpu.memory_space<vmem>> -> memref<80xi32, #tpu.memory_space<vmem>>
    %dma_start3A_49 = arith.constant 0 : i32
    %dma_start3A_50 = arith.constant 0 : i32
    %dma_start3A_51 = tpu.memref_slice %arg2[%dma_start3A_49, %dma_start3A_50] : memref<10000x128xf32, #tpu.memory_space<hbm>> -> memref<10000x128xf32, #tpu.memory_space<hbm>>
    %dma_start3A_52 = tpu.memref_slice %arg7[%dma_start3A_42] : memref<4x!tpu.dma_semaphore, #tpu.memory_space<semaphore_mem>> -> memref<1x!tpu.dma_semaphore, #tpu.memory_space<semaphore_mem>>
    %dma_start3A_53 = tpu.memref_squeeze %dma_start3A_52 : memref<1x!tpu.dma_semaphore, #tpu.memory_space<semaphore_mem>> -> memref<!tpu.dma_semaphore, #tpu.memory_space<semaphore_mem>>
    tpu.enqueue_indirect_dma source(%dma_start3A_51 : memref<10000x128xf32, #tpu.memory_space<hbm>>) target(%dma_start3A_46 : memref<80x128xf32, #tpu.memory_space<vmem>>) offsets(%dma_start3A_48 : memref<80xi32, #tpu.memory_space<vmem>>) semaphore(%dma_start3A_53 : memref<!tpu.dma_semaphore, #tpu.memory_space<semaphore_mem>>)
    %scan3A = arith.constant 0 : i32
    %scan3A_54 = arith.constant 0 : i32
    %mul3A_55 = arith.constant 4 : i32
    %mul3A_56 = arith.muli %scan3A_54, %mul3A_55 : i32
    %add3A_57 = arith.constant 0 : i32
    %add3A_58 = arith.addi %mul3A_56, %add3A_57 : i32
    %mul3A_59 = arith.constant 80 : i32
    %mul3A_60 = arith.muli %add3A_58, %mul3A_59 : i32
    %dma_wait3A = arith.constant 0 : i32
    %dma_wait3A_61 = arith.constant 0 : i32
    %dma_wait3A_62 = arith.constant 0 : i32
    %dma_wait3A_63 = arith.constant 0 : i32
    %dma_wait3A_64 = tpu.memref_slice %arg6[%dma_wait3A, %dma_wait3A_62, %dma_wait3A_63] : memref<4x80x128xf32, #tpu.memory_space<vmem>> -> memref<1x80x128xf32, #tpu.memory_space<vmem>>
    %dma_wait3A_65 = tpu.memref_squeeze %dma_wait3A_64 : memref<1x80x128xf32, #tpu.memory_space<vmem>> -> memref<80x128xf32, #tpu.memory_space<vmem>>
    %dma_wait3A_66 = tpu.memref_slice %arg5[%mul3A_60] : memref<320xi32, #tpu.memory_space<vmem>> -> memref<80xi32, #tpu.memory_space<vmem>>
    %dma_wait3A_67 = arith.constant 0 : i32
    %dma_wait3A_68 = arith.constant 0 : i32
    %dma_wait3A_69 = tpu.memref_slice %arg2[%dma_wait3A_67, %dma_wait3A_68] : memref<10000x128xf32, #tpu.memory_space<hbm>> -> memref<10000x128xf32, #tpu.memory_space<hbm>>
    %dma_wait3A_70 = tpu.memref_slice %arg7[%dma_wait3A_61] : memref<4x!tpu.dma_semaphore, #tpu.memory_space<semaphore_mem>> -> memref<1x!tpu.dma_semaphore, #tpu.memory_space<semaphore_mem>>
    %dma_wait3A_71 = tpu.memref_squeeze %dma_wait3A_70 : memref<1x!tpu.dma_semaphore, #tpu.memory_space<semaphore_mem>> -> memref<!tpu.dma_semaphore, #tpu.memory_space<semaphore_mem>>
    tpu.wait_indirect_dma semaphore(%dma_wait3A_71 : memref<!tpu.dma_semaphore, #tpu.memory_space<semaphore_mem>>) src(%dma_wait3A_69 : memref<10000x128xf32, #tpu.memory_space<hbm>>) dst(%dma_wait3A_65 : memref<80x128xf32, #tpu.memory_space<vmem>>)
    %mul3A_72 = arith.constant 80 : i32
    %mul3A_73 = arith.muli %add3A_58, %mul3A_72 : i32
    %add3A_74 = arith.addi %mul3A_2, %mul3A_73 : i32
    %run_scoped3A = arith.constant 0 : i32
    "tpu.region"() ({
      %run_scoped3A_167 = tpu.sem_alloc : memref<!tpu.dma_semaphore, #tpu.memory_space<semaphore_mem>>
      %dma_start3A_168 = arith.constant 0 : i32
      %dma_start3A_169 = arith.constant 0 : i32
      %dma_start3A_170 = tpu.memref_slice %arg6[%run_scoped3A, %dma_start3A_168, %dma_start3A_169] : memref<4x80x128xf32, #tpu.memory_space<vmem>> -> memref<1x80x128xf32, #tpu.memory_space<vmem>>
      %dma_start3A_171 = tpu.memref_squeeze %dma_start3A_170 : memref<1x80x128xf32, #tpu.memory_space<vmem>> -> memref<80x128xf32, #tpu.memory_space<vmem>>
      %dma_start3A_172 = arith.constant 0 : i32
      %dma_start3A_173 = tpu.memref_slice %arg4[%add3A_74, %dma_start3A_172] : memref<10240x128xf32, #tpu.memory_space<hbm>> -> memref<80x128xf32, #tpu.memory_space<hbm>>
      %dma_start3A_174 = arith.constant 0 : i32
      %dma_start3A_175 = tpu.memref_slice %arg4[%add3A_74, %dma_start3A_174] : memref<10240x128xf32, #tpu.memory_space<hbm>> -> memref<80x128xf32, #tpu.memory_space<hbm>>
      %dma_start3A_176 = arith.constant 0 : i32
      %dma_start3A_177 = arith.constant 0 : i32
      %dma_start3A_178 = tpu.memref_slice %arg6[%run_scoped3A, %dma_start3A_176, %dma_start3A_177] : memref<4x80x128xf32, #tpu.memory_space<vmem>> -> memref<1x80x128xf32, #tpu.memory_space<vmem>>
      %dma_start3A_179 = tpu.memref_squeeze %dma_start3A_178 : memref<1x80x128xf32, #tpu.memory_space<vmem>> -> memref<80x128xf32, #tpu.memory_space<vmem>>
      tpu.enqueue_dma source(%dma_start3A_179 : memref<80x128xf32, #tpu.memory_space<vmem>>) target(%dma_start3A_175 : memref<80x128xf32, #tpu.memory_space<hbm>>) target_semaphore(%run_scoped3A_167 : memref<!tpu.dma_semaphore, #tpu.memory_space<semaphore_mem>>)
      %dma_wait3A_180 = arith.constant 0 : i32
      %dma_wait3A_181 = arith.constant 0 : i32
      %dma_wait3A_182 = tpu.memref_slice %arg6[%run_scoped3A, %dma_wait3A_180, %dma_wait3A_181] : memref<4x80x128xf32, #tpu.memory_space<vmem>> -> memref<1x80x128xf32, #tpu.memory_space<vmem>>
      %dma_wait3A_183 = tpu.memref_squeeze %dma_wait3A_182 : memref<1x80x128xf32, #tpu.memory_space<vmem>> -> memref<80x128xf32, #tpu.memory_space<vmem>>
      %dma_wait3A_184 = arith.constant 0 : i32
      %dma_wait3A_185 = tpu.memref_slice %arg4[%add3A_74, %dma_wait3A_184] : memref<10240x128xf32, #tpu.memory_space<hbm>> -> memref<80x128xf32, #tpu.memory_space<hbm>>
      %dma_wait3A_186 = arith.constant 0 : i32
      %dma_wait3A_187 = tpu.memref_slice %arg4[%add3A_74, %dma_wait3A_186] : memref<10240x128xf32, #tpu.memory_space<hbm>> -> memref<80x128xf32, #tpu.memory_space<hbm>>
      %dma_wait3A_188 = arith.constant 0 : i32
      %dma_wait3A_189 = arith.constant 0 : i32
      %dma_wait3A_190 = tpu.memref_slice %arg6[%run_scoped3A, %dma_wait3A_188, %dma_wait3A_189] : memref<4x80x128xf32, #tpu.memory_space<vmem>> -> memref<1x80x128xf32, #tpu.memory_space<vmem>>
      %dma_wait3A_191 = tpu.memref_squeeze %dma_wait3A_190 : memref<1x80x128xf32, #tpu.memory_space<vmem>> -> memref<80x128xf32, #tpu.memory_space<vmem>>
      tpu.wait_dma2 semaphore(%run_scoped3A_167 : memref<!tpu.dma_semaphore, #tpu.memory_space<semaphore_mem>>) src(%dma_wait3A_191 : memref<80x128xf32, #tpu.memory_space<vmem>>) dst(%dma_wait3A_187 : memref<80x128xf32, #tpu.memory_space<hbm>>)
      tpu.yield
    }) : () -> ()
    %add3A_75 = arith.constant 4 : i32
    %add3A_76 = arith.addi %add3A_58, %add3A_75 : i32
    %lt3A = arith.constant 4 : i32
    %lt3A_77 = arith.cmpi slt, %add3A_76, %lt3A : i32
    %convert_element_type3A = arith.extui %lt3A_77 : i1 to i32
    %cond3A = arith.constant 0 : i32
    %cond3A_78 = arith.cmpi ne, %convert_element_type3A, %cond3A : i32
    scf.if %cond3A_78 {
      %mul3A_167 = arith.constant 80 : i32
      %mul3A_168 = arith.muli %add3A_76, %mul3A_167 : i32
      %dma_start3A_169 = arith.constant 0 : i32
      %dma_start3A_170 = arith.constant 0 : i32
      %dma_start3A_171 = arith.constant 0 : i32
      %dma_start3A_172 = arith.constant 0 : i32
      %dma_start3A_173 = tpu.memref_slice %arg6[%dma_start3A_169, %dma_start3A_171, %dma_start3A_172] : memref<4x80x128xf32, #tpu.memory_space<vmem>> -> memref<1x80x128xf32, #tpu.memory_space<vmem>>
      %dma_start3A_174 = tpu.memref_squeeze %dma_start3A_173 : memref<1x80x128xf32, #tpu.memory_space<vmem>> -> memref<80x128xf32, #tpu.memory_space<vmem>>
      %dma_start3A_175 = tpu.memref_slice %arg5[%mul3A_168] : memref<320xi32, #tpu.memory_space<vmem>> -> memref<80xi32, #tpu.memory_space<vmem>>
      %dma_start3A_176 = arith.constant 0 : i32
      %dma_start3A_177 = arith.constant 0 : i32
      %dma_start3A_178 = tpu.memref_slice %arg2[%dma_start3A_176, %dma_start3A_177] : memref<10000x128xf32, #tpu.memory_space<hbm>> -> memref<10000x128xf32, #tpu.memory_space<hbm>>
      %dma_start3A_179 = tpu.memref_slice %arg7[%dma_start3A_170] : memref<4x!tpu.dma_semaphore, #tpu.memory_space<semaphore_mem>> -> memref<1x!tpu.dma_semaphore, #tpu.memory_space<semaphore_mem>>
      %dma_start3A_180 = tpu.memref_squeeze %dma_start3A_179 : memref<1x!tpu.dma_semaphore, #tpu.memory_space<semaphore_mem>> -> memref<!tpu.dma_semaphore, #tpu.memory_space<semaphore_mem>>
      tpu.enqueue_indirect_dma source(%dma_start3A_178 : memref<10000x128xf32, #tpu.memory_space<hbm>>) target(%dma_start3A_174 : memref<80x128xf32, #tpu.memory_space<vmem>>) offsets(%dma_start3A_175 : memref<80xi32, #tpu.memory_space<vmem>>) semaphore(%dma_start3A_180 : memref<!tpu.dma_semaphore, #tpu.memory_space<semaphore_mem>>)
    } else {
    }
    %mul3A_79 = arith.constant 4 : i32
    %mul3A_80 = arith.muli %scan3A_54, %mul3A_79 : i32
    %add3A_81 = arith.constant 1 : i32
    %add3A_82 = arith.addi %mul3A_80, %add3A_81 : i32
    %mul3A_83 = arith.constant 80 : i32
    %mul3A_84 = arith.muli %add3A_82, %mul3A_83 : i32
    %dma_wait3A_85 = arith.constant 1 : i32
    %dma_wait3A_86 = arith.constant 1 : i32
    %dma_wait3A_87 = arith.constant 0 : i32
    %dma_wait3A_88 = arith.constant 0 : i32
    %dma_wait3A_89 = tpu.memref_slice %arg6[%dma_wait3A_85, %dma_wait3A_87, %dma_wait3A_88] : memref<4x80x128xf32, #tpu.memory_space<vmem>> -> memref<1x80x128xf32, #tpu.memory_space<vmem>>
    %dma_wait3A_90 = tpu.memref_squeeze %dma_wait3A_89 : memref<1x80x128xf32, #tpu.memory_space<vmem>> -> memref<80x128xf32, #tpu.memory_space<vmem>>
    %dma_wait3A_91 = tpu.memref_slice %arg5[%mul3A_84] : memref<320xi32, #tpu.memory_space<vmem>> -> memref<80xi32, #tpu.memory_space<vmem>>
    %dma_wait3A_92 = arith.constant 0 : i32
    %dma_wait3A_93 = arith.constant 0 : i32
    %dma_wait3A_94 = tpu.memref_slice %arg2[%dma_wait3A_92, %dma_wait3A_93] : memref<10000x128xf32, #tpu.memory_space<hbm>> -> memref<10000x128xf32, #tpu.memory_space<hbm>>
    %dma_wait3A_95 = tpu.memref_slice %arg7[%dma_wait3A_86] : memref<4x!tpu.dma_semaphore, #tpu.memory_space<semaphore_mem>> -> memref<1x!tpu.dma_semaphore, #tpu.memory_space<semaphore_mem>>
    %dma_wait3A_96 = tpu.memref_squeeze %dma_wait3A_95 : memref<1x!tpu.dma_semaphore, #tpu.memory_space<semaphore_mem>> -> memref<!tpu.dma_semaphore, #tpu.memory_space<semaphore_mem>>
    tpu.wait_indirect_dma semaphore(%dma_wait3A_96 : memref<!tpu.dma_semaphore, #tpu.memory_space<semaphore_mem>>) src(%dma_wait3A_94 : memref<10000x128xf32, #tpu.memory_space<hbm>>) dst(%dma_wait3A_90 : memref<80x128xf32, #tpu.memory_space<vmem>>)
    %mul3A_97 = arith.constant 80 : i32
    %mul3A_98 = arith.muli %add3A_82, %mul3A_97 : i32
    %add3A_99 = arith.addi %mul3A_2, %mul3A_98 : i32
    %run_scoped3A_100 = arith.constant 1 : i32
    "tpu.region"() ({
      %run_scoped3A_167 = tpu.sem_alloc : memref<!tpu.dma_semaphore, #tpu.memory_space<semaphore_mem>>
      %dma_start3A_168 = arith.constant 0 : i32
      %dma_start3A_169 = arith.constant 0 : i32
      %dma_start3A_170 = tpu.memref_slice %arg6[%run_scoped3A_100, %dma_start3A_168, %dma_start3A_169] : memref<4x80x128xf32, #tpu.memory_space<vmem>> -> memref<1x80x128xf32, #tpu.memory_space<vmem>>
      %dma_start3A_171 = tpu.memref_squeeze %dma_start3A_170 : memref<1x80x128xf32, #tpu.memory_space<vmem>> -> memref<80x128xf32, #tpu.memory_space<vmem>>
      %dma_start3A_172 = arith.constant 0 : i32
      %dma_start3A_173 = tpu.memref_slice %arg4[%add3A_99, %dma_start3A_172] : memref<10240x128xf32, #tpu.memory_space<hbm>> -> memref<80x128xf32, #tpu.memory_space<hbm>>
      %dma_start3A_174 = arith.constant 0 : i32
      %dma_start3A_175 = tpu.memref_slice %arg4[%add3A_99, %dma_start3A_174] : memref<10240x128xf32, #tpu.memory_space<hbm>> -> memref<80x128xf32, #tpu.memory_space<hbm>>
      %dma_start3A_176 = arith.constant 0 : i32
      %dma_start3A_177 = arith.constant 0 : i32
      %dma_start3A_178 = tpu.memref_slice %arg6[%run_scoped3A_100, %dma_start3A_176, %dma_start3A_177] : memref<4x80x128xf32, #tpu.memory_space<vmem>> -> memref<1x80x128xf32, #tpu.memory_space<vmem>>
      %dma_start3A_179 = tpu.memref_squeeze %dma_start3A_178 : memref<1x80x128xf32, #tpu.memory_space<vmem>> -> memref<80x128xf32, #tpu.memory_space<vmem>>
      tpu.enqueue_dma source(%dma_start3A_179 : memref<80x128xf32, #tpu.memory_space<vmem>>) target(%dma_start3A_175 : memref<80x128xf32, #tpu.memory_space<hbm>>) target_semaphore(%run_scoped3A_167 : memref<!tpu.dma_semaphore, #tpu.memory_space<semaphore_mem>>)
      %dma_wait3A_180 = arith.constant 0 : i32
      %dma_wait3A_181 = arith.constant 0 : i32
      %dma_wait3A_182 = tpu.memref_slice %arg6[%run_scoped3A_100, %dma_wait3A_180, %dma_wait3A_181] : memref<4x80x128xf32, #tpu.memory_space<vmem>> -> memref<1x80x128xf32, #tpu.memory_space<vmem>>
      %dma_wait3A_183 = tpu.memref_squeeze %dma_wait3A_182 : memref<1x80x128xf32, #tpu.memory_space<vmem>> -> memref<80x128xf32, #tpu.memory_space<vmem>>
      %dma_wait3A_184 = arith.constant 0 : i32
      %dma_wait3A_185 = tpu.memref_slice %arg4[%add3A_99, %dma_wait3A_184] : memref<10240x128xf32, #tpu.memory_space<hbm>> -> memref<80x128xf32, #tpu.memory_space<hbm>>
      %dma_wait3A_186 = arith.constant 0 : i32
      %dma_wait3A_187 = tpu.memref_slice %arg4[%add3A_99, %dma_wait3A_186] : memref<10240x128xf32, #tpu.memory_space<hbm>> -> memref<80x128xf32, #tpu.memory_space<hbm>>
      %dma_wait3A_188 = arith.constant 0 : i32
      %dma_wait3A_189 = arith.constant 0 : i32
      %dma_wait3A_190 = tpu.memref_slice %arg6[%run_scoped3A_100, %dma_wait3A_188, %dma_wait3A_189] : memref<4x80x128xf32, #tpu.memory_space<vmem>> -> memref<1x80x128xf32, #tpu.memory_space<vmem>>
      %dma_wait3A_191 = tpu.memref_squeeze %dma_wait3A_190 : memref<1x80x128xf32, #tpu.memory_space<vmem>> -> memref<80x128xf32, #tpu.memory_space<vmem>>
      tpu.wait_dma2 semaphore(%run_scoped3A_167 : memref<!tpu.dma_semaphore, #tpu.memory_space<semaphore_mem>>) src(%dma_wait3A_191 : memref<80x128xf32, #tpu.memory_space<vmem>>) dst(%dma_wait3A_187 : memref<80x128xf32, #tpu.memory_space<hbm>>)
      tpu.yield
    }) : () -> ()
    %add3A_101 = arith.constant 4 : i32
    %add3A_102 = arith.addi %add3A_82, %add3A_101 : i32
    %lt3A_103 = arith.constant 4 : i32
    %lt3A_104 = arith.cmpi slt, %add3A_102, %lt3A_103 : i32
    %convert_element_type3A_105 = arith.extui %lt3A_104 : i1 to i32
    %cond3A_106 = arith.constant 0 : i32
    %cond3A_107 = arith.cmpi ne, %convert_element_type3A_105, %cond3A_106 : i32
    scf.if %cond3A_107 {
      %mul3A_167 = arith.constant 80 : i32
      %mul3A_168 = arith.muli %add3A_102, %mul3A_167 : i32
      %dma_start3A_169 = arith.constant 1 : i32
      %dma_start3A_170 = arith.constant 1 : i32
      %dma_start3A_171 = arith.constant 0 : i32
      %dma_start3A_172 = arith.constant 0 : i32
      %dma_start3A_173 = tpu.memref_slice %arg6[%dma_start3A_169, %dma_start3A_171, %dma_start3A_172] : memref<4x80x128xf32, #tpu.memory_space<vmem>> -> memref<1x80x128xf32, #tpu.memory_space<vmem>>
      %dma_start3A_174 = tpu.memref_squeeze %dma_start3A_173 : memref<1x80x128xf32, #tpu.memory_space<vmem>> -> memref<80x128xf32, #tpu.memory_space<vmem>>
      %dma_start3A_175 = tpu.memref_slice %arg5[%mul3A_168] : memref<320xi32, #tpu.memory_space<vmem>> -> memref<80xi32, #tpu.memory_space<vmem>>
      %dma_start3A_176 = arith.constant 0 : i32
      %dma_start3A_177 = arith.constant 0 : i32
      %dma_start3A_178 = tpu.memref_slice %arg2[%dma_start3A_176, %dma_start3A_177] : memref<10000x128xf32, #tpu.memory_space<hbm>> -> memref<10000x128xf32, #tpu.memory_space<hbm>>
      %dma_start3A_179 = tpu.memref_slice %arg7[%dma_start3A_170] : memref<4x!tpu.dma_semaphore, #tpu.memory_space<semaphore_mem>> -> memref<1x!tpu.dma_semaphore, #tpu.memory_space<semaphore_mem>>
      %dma_start3A_180 = tpu.memref_squeeze %dma_start3A_179 : memref<1x!tpu.dma_semaphore, #tpu.memory_space<semaphore_mem>> -> memref<!tpu.dma_semaphore, #tpu.memory_space<semaphore_mem>>
      tpu.enqueue_indirect_dma source(%dma_start3A_178 : memref<10000x128xf32, #tpu.memory_space<hbm>>) target(%dma_start3A_174 : memref<80x128xf32, #tpu.memory_space<vmem>>) offsets(%dma_start3A_175 : memref<80xi32, #tpu.memory_space<vmem>>) semaphore(%dma_start3A_180 : memref<!tpu.dma_semaphore, #tpu.memory_space<semaphore_mem>>)
    } else {
    }
    %mul3A_108 = arith.constant 4 : i32
    %mul3A_109 = arith.muli %scan3A_54, %mul3A_108 : i32
    %add3A_110 = arith.constant 2 : i32
    %add3A_111 = arith.addi %mul3A_109, %add3A_110 : i32
    %mul3A_112 = arith.constant 80 : i32
    %mul3A_113 = arith.muli %add3A_111, %mul3A_112 : i32
    %dma_wait3A_114 = arith.constant 2 : i32
    %dma_wait3A_115 = arith.constant 2 : i32
    %dma_wait3A_116 = arith.constant 0 : i32
    %dma_wait3A_117 = arith.constant 0 : i32
    %dma_wait3A_118 = tpu.memref_slice %arg6[%dma_wait3A_114, %dma_wait3A_116, %dma_wait3A_117] : memref<4x80x128xf32, #tpu.memory_space<vmem>> -> memref<1x80x128xf32, #tpu.memory_space<vmem>>
    %dma_wait3A_119 = tpu.memref_squeeze %dma_wait3A_118 : memref<1x80x128xf32, #tpu.memory_space<vmem>> -> memref<80x128xf32, #tpu.memory_space<vmem>>
    %dma_wait3A_120 = tpu.memref_slice %arg5[%mul3A_113] : memref<320xi32, #tpu.memory_space<vmem>> -> memref<80xi32, #tpu.memory_space<vmem>>
    %dma_wait3A_121 = arith.constant 0 : i32
    %dma_wait3A_122 = arith.constant 0 : i32
    %dma_wait3A_123 = tpu.memref_slice %arg2[%dma_wait3A_121, %dma_wait3A_122] : memref<10000x128xf32, #tpu.memory_space<hbm>> -> memref<10000x128xf32, #tpu.memory_space<hbm>>
    %dma_wait3A_124 = tpu.memref_slice %arg7[%dma_wait3A_115] : memref<4x!tpu.dma_semaphore, #tpu.memory_space<semaphore_mem>> -> memref<1x!tpu.dma_semaphore, #tpu.memory_space<semaphore_mem>>
    %dma_wait3A_125 = tpu.memref_squeeze %dma_wait3A_124 : memref<1x!tpu.dma_semaphore, #tpu.memory_space<semaphore_mem>> -> memref<!tpu.dma_semaphore, #tpu.memory_space<semaphore_mem>>
    tpu.wait_indirect_dma semaphore(%dma_wait3A_125 : memref<!tpu.dma_semaphore, #tpu.memory_space<semaphore_mem>>) src(%dma_wait3A_123 : memref<10000x128xf32, #tpu.memory_space<hbm>>) dst(%dma_wait3A_119 : memref<80x128xf32, #tpu.memory_space<vmem>>)
    %mul3A_126 = arith.constant 80 : i32
    %mul3A_127 = arith.muli %add3A_111, %mul3A_126 : i32
    %add3A_128 = arith.addi %mul3A_2, %mul3A_127 : i32
    %run_scoped3A_129 = arith.constant 2 : i32
    "tpu.region"() ({
      %run_scoped3A_167 = tpu.sem_alloc : memref<!tpu.dma_semaphore, #tpu.memory_space<semaphore_mem>>
      %dma_start3A_168 = arith.constant 0 : i32
      %dma_start3A_169 = arith.constant 0 : i32
      %dma_start3A_170 = tpu.memref_slice %arg6[%run_scoped3A_129, %dma_start3A_168, %dma_start3A_169] : memref<4x80x128xf32, #tpu.memory_space<vmem>> -> memref<1x80x128xf32, #tpu.memory_space<vmem>>
      %dma_start3A_171 = tpu.memref_squeeze %dma_start3A_170 : memref<1x80x128xf32, #tpu.memory_space<vmem>> -> memref<80x128xf32, #tpu.memory_space<vmem>>
      %dma_start3A_172 = arith.constant 0 : i32
      %dma_start3A_173 = tpu.memref_slice %arg4[%add3A_128, %dma_start3A_172] : memref<10240x128xf32, #tpu.memory_space<hbm>> -> memref<80x128xf32, #tpu.memory_space<hbm>>
      %dma_start3A_174 = arith.constant 0 : i32
      %dma_start3A_175 = tpu.memref_slice %arg4[%add3A_128, %dma_start3A_174] : memref<10240x128xf32, #tpu.memory_space<hbm>> -> memref<80x128xf32, #tpu.memory_space<hbm>>
      %dma_start3A_176 = arith.constant 0 : i32
      %dma_start3A_177 = arith.constant 0 : i32
      %dma_start3A_178 = tpu.memref_slice %arg6[%run_scoped3A_129, %dma_start3A_176, %dma_start3A_177] : memref<4x80x128xf32, #tpu.memory_space<vmem>> -> memref<1x80x128xf32, #tpu.memory_space<vmem>>
      %dma_start3A_179 = tpu.memref_squeeze %dma_start3A_178 : memref<1x80x128xf32, #tpu.memory_space<vmem>> -> memref<80x128xf32, #tpu.memory_space<vmem>>
      tpu.enqueue_dma source(%dma_start3A_179 : memref<80x128xf32, #tpu.memory_space<vmem>>) target(%dma_start3A_175 : memref<80x128xf32, #tpu.memory_space<hbm>>) target_semaphore(%run_scoped3A_167 : memref<!tpu.dma_semaphore, #tpu.memory_space<semaphore_mem>>)
      %dma_wait3A_180 = arith.constant 0 : i32
      %dma_wait3A_181 = arith.constant 0 : i32
      %dma_wait3A_182 = tpu.memref_slice %arg6[%run_scoped3A_129, %dma_wait3A_180, %dma_wait3A_181] : memref<4x80x128xf32, #tpu.memory_space<vmem>> -> memref<1x80x128xf32, #tpu.memory_space<vmem>>
      %dma_wait3A_183 = tpu.memref_squeeze %dma_wait3A_182 : memref<1x80x128xf32, #tpu.memory_space<vmem>> -> memref<80x128xf32, #tpu.memory_space<vmem>>
      %dma_wait3A_184 = arith.constant 0 : i32
      %dma_wait3A_185 = tpu.memref_slice %arg4[%add3A_128, %dma_wait3A_184] : memref<10240x128xf32, #tpu.memory_space<hbm>> -> memref<80x128xf32, #tpu.memory_space<hbm>>
      %dma_wait3A_186 = arith.constant 0 : i32
      %dma_wait3A_187 = tpu.memref_slice %arg4[%add3A_128, %dma_wait3A_186] : memref<10240x128xf32, #tpu.memory_space<hbm>> -> memref<80x128xf32, #tpu.memory_space<hbm>>
      %dma_wait3A_188 = arith.constant 0 : i32
      %dma_wait3A_189 = arith.constant 0 : i32
      %dma_wait3A_190 = tpu.memref_slice %arg6[%run_scoped3A_129, %dma_wait3A_188, %dma_wait3A_189] : memref<4x80x128xf32, #tpu.memory_space<vmem>> -> memref<1x80x128xf32, #tpu.memory_space<vmem>>
      %dma_wait3A_191 = tpu.memref_squeeze %dma_wait3A_190 : memref<1x80x128xf32, #tpu.memory_space<vmem>> -> memref<80x128xf32, #tpu.memory_space<vmem>>
      tpu.wait_dma2 semaphore(%run_scoped3A_167 : memref<!tpu.dma_semaphore, #tpu.memory_space<semaphore_mem>>) src(%dma_wait3A_191 : memref<80x128xf32, #tpu.memory_space<vmem>>) dst(%dma_wait3A_187 : memref<80x128xf32, #tpu.memory_space<hbm>>)
      tpu.yield
    }) : () -> ()
    %add3A_130 = arith.constant 4 : i32
    %add3A_131 = arith.addi %add3A_111, %add3A_130 : i32
    %lt3A_132 = arith.constant 4 : i32
    %lt3A_133 = arith.cmpi slt, %add3A_131, %lt3A_132 : i32
    %convert_element_type3A_134 = arith.extui %lt3A_133 : i1 to i32
    %cond3A_135 = arith.constant 0 : i32
    %cond3A_136 = arith.cmpi ne, %convert_element_type3A_134, %cond3A_135 : i32
    scf.if %cond3A_136 {
      %mul3A_167 = arith.constant 80 : i32
      %mul3A_168 = arith.muli %add3A_131, %mul3A_167 : i32
      %dma_start3A_169 = arith.constant 2 : i32
      %dma_start3A_170 = arith.constant 2 : i32
      %dma_start3A_171 = arith.constant 0 : i32
      %dma_start3A_172 = arith.constant 0 : i32
      %dma_start3A_173 = tpu.memref_slice %arg6[%dma_start3A_169, %dma_start3A_171, %dma_start3A_172] : memref<4x80x128xf32, #tpu.memory_space<vmem>> -> memref<1x80x128xf32, #tpu.memory_space<vmem>>
      %dma_start3A_174 = tpu.memref_squeeze %dma_start3A_173 : memref<1x80x128xf32, #tpu.memory_space<vmem>> -> memref<80x128xf32, #tpu.memory_space<vmem>>
      %dma_start3A_175 = tpu.memref_slice %arg5[%mul3A_168] : memref<320xi32, #tpu.memory_space<vmem>> -> memref<80xi32, #tpu.memory_space<vmem>>
      %dma_start3A_176 = arith.constant 0 : i32
      %dma_start3A_177 = arith.constant 0 : i32
      %dma_start3A_178 = tpu.memref_slice %arg2[%dma_start3A_176, %dma_start3A_177] : memref<10000x128xf32, #tpu.memory_space<hbm>> -> memref<10000x128xf32, #tpu.memory_space<hbm>>
      %dma_start3A_179 = tpu.memref_slice %arg7[%dma_start3A_170] : memref<4x!tpu.dma_semaphore, #tpu.memory_space<semaphore_mem>> -> memref<1x!tpu.dma_semaphore, #tpu.memory_space<semaphore_mem>>
      %dma_start3A_180 = tpu.memref_squeeze %dma_start3A_179 : memref<1x!tpu.dma_semaphore, #tpu.memory_space<semaphore_mem>> -> memref<!tpu.dma_semaphore, #tpu.memory_space<semaphore_mem>>
      tpu.enqueue_indirect_dma source(%dma_start3A_178 : memref<10000x128xf32, #tpu.memory_space<hbm>>) target(%dma_start3A_174 : memref<80x128xf32, #tpu.memory_space<vmem>>) offsets(%dma_start3A_175 : memref<80xi32, #tpu.memory_space<vmem>>) semaphore(%dma_start3A_180 : memref<!tpu.dma_semaphore, #tpu.memory_space<semaphore_mem>>)
    } else {
    }
    %mul3A_137 = arith.constant 4 : i32
    %mul3A_138 = arith.muli %scan3A_54, %mul3A_137 : i32
    %add3A_139 = arith.constant 3 : i32
    %add3A_140 = arith.addi %mul3A_138, %add3A_139 : i32
    %mul3A_141 = arith.constant 80 : i32
    %mul3A_142 = arith.muli %add3A_140, %mul3A_141 : i32
    %dma_wait3A_143 = arith.constant 3 : i32
    %dma_wait3A_144 = arith.constant 3 : i32
    %dma_wait3A_145 = arith.constant 0 : i32
    %dma_wait3A_146 = arith.constant 0 : i32
    %dma_wait3A_147 = tpu.memref_slice %arg6[%dma_wait3A_143, %dma_wait3A_145, %dma_wait3A_146] : memref<4x80x128xf32, #tpu.memory_space<vmem>> -> memref<1x80x128xf32, #tpu.memory_space<vmem>>
    %dma_wait3A_148 = tpu.memref_squeeze %dma_wait3A_147 : memref<1x80x128xf32, #tpu.memory_space<vmem>> -> memref<80x128xf32, #tpu.memory_space<vmem>>
    %dma_wait3A_149 = tpu.memref_slice %arg5[%mul3A_142] : memref<320xi32, #tpu.memory_space<vmem>> -> memref<80xi32, #tpu.memory_space<vmem>>
    %dma_wait3A_150 = arith.constant 0 : i32
    %dma_wait3A_151 = arith.constant 0 : i32
    %dma_wait3A_152 = tpu.memref_slice %arg2[%dma_wait3A_150, %dma_wait3A_151] : memref<10000x128xf32, #tpu.memory_space<hbm>> -> memref<10000x128xf32, #tpu.memory_space<hbm>>
    %dma_wait3A_153 = tpu.memref_slice %arg7[%dma_wait3A_144] : memref<4x!tpu.dma_semaphore, #tpu.memory_space<semaphore_mem>> -> memref<1x!tpu.dma_semaphore, #tpu.memory_space<semaphore_mem>>
    %dma_wait3A_154 = tpu.memref_squeeze %dma_wait3A_153 : memref<1x!tpu.dma_semaphore, #tpu.memory_space<semaphore_mem>> -> memref<!tpu.dma_semaphore, #tpu.memory_space<semaphore_mem>>
    tpu.wait_indirect_dma semaphore(%dma_wait3A_154 : memref<!tpu.dma_semaphore, #tpu.memory_space<semaphore_mem>>) src(%dma_wait3A_152 : memref<10000x128xf32, #tpu.memory_space<hbm>>) dst(%dma_wait3A_148 : memref<80x128xf32, #tpu.memory_space<vmem>>)
    %mul3A_155 = arith.constant 80 : i32
    %mul3A_156 = arith.muli %add3A_140, %mul3A_155 : i32
    %add3A_157 = arith.addi %mul3A_2, %mul3A_156 : i32
    %run_scoped3A_158 = arith.constant 3 : i32
    "tpu.region"() ({
      %run_scoped3A_167 = tpu.sem_alloc : memref<!tpu.dma_semaphore, #tpu.memory_space<semaphore_mem>>
      %dma_start3A_168 = arith.constant 0 : i32
      %dma_start3A_169 = arith.constant 0 : i32
      %dma_start3A_170 = tpu.memref_slice %arg6[%run_scoped3A_158, %dma_start3A_168, %dma_start3A_169] : memref<4x80x128xf32, #tpu.memory_space<vmem>> -> memref<1x80x128xf32, #tpu.memory_space<vmem>>
      %dma_start3A_171 = tpu.memref_squeeze %dma_start3A_170 : memref<1x80x128xf32, #tpu.memory_space<vmem>> -> memref<80x128xf32, #tpu.memory_space<vmem>>
      %dma_start3A_172 = arith.constant 0 : i32
      %dma_start3A_173 = tpu.memref_slice %arg4[%add3A_157, %dma_start3A_172] : memref<10240x128xf32, #tpu.memory_space<hbm>> -> memref<80x128xf32, #tpu.memory_space<hbm>>
      %dma_start3A_174 = arith.constant 0 : i32
      %dma_start3A_175 = tpu.memref_slice %arg4[%add3A_157, %dma_start3A_174] : memref<10240x128xf32, #tpu.memory_space<hbm>> -> memref<80x128xf32, #tpu.memory_space<hbm>>
      %dma_start3A_176 = arith.constant 0 : i32
      %dma_start3A_177 = arith.constant 0 : i32
      %dma_start3A_178 = tpu.memref_slice %arg6[%run_scoped3A_158, %dma_start3A_176, %dma_start3A_177] : memref<4x80x128xf32, #tpu.memory_space<vmem>> -> memref<1x80x128xf32, #tpu.memory_space<vmem>>
      %dma_start3A_179 = tpu.memref_squeeze %dma_start3A_178 : memref<1x80x128xf32, #tpu.memory_space<vmem>> -> memref<80x128xf32, #tpu.memory_space<vmem>>
      tpu.enqueue_dma source(%dma_start3A_179 : memref<80x128xf32, #tpu.memory_space<vmem>>) target(%dma_start3A_175 : memref<80x128xf32, #tpu.memory_space<hbm>>) target_semaphore(%run_scoped3A_167 : memref<!tpu.dma_semaphore, #tpu.memory_space<semaphore_mem>>)
      %dma_wait3A_180 = arith.constant 0 : i32
      %dma_wait3A_181 = arith.constant 0 : i32
      %dma_wait3A_182 = tpu.memref_slice %arg6[%run_scoped3A_158, %dma_wait3A_180, %dma_wait3A_181] : memref<4x80x128xf32, #tpu.memory_space<vmem>> -> memref<1x80x128xf32, #tpu.memory_space<vmem>>
      %dma_wait3A_183 = tpu.memref_squeeze %dma_wait3A_182 : memref<1x80x128xf32, #tpu.memory_space<vmem>> -> memref<80x128xf32, #tpu.memory_space<vmem>>
      %dma_wait3A_184 = arith.constant 0 : i32
      %dma_wait3A_185 = tpu.memref_slice %arg4[%add3A_157, %dma_wait3A_184] : memref<10240x128xf32, #tpu.memory_space<hbm>> -> memref<80x128xf32, #tpu.memory_space<hbm>>
      %dma_wait3A_186 = arith.constant 0 : i32
      %dma_wait3A_187 = tpu.memref_slice %arg4[%add3A_157, %dma_wait3A_186] : memref<10240x128xf32, #tpu.memory_space<hbm>> -> memref<80x128xf32, #tpu.memory_space<hbm>>
      %dma_wait3A_188 = arith.constant 0 : i32
      %dma_wait3A_189 = arith.constant 0 : i32
      %dma_wait3A_190 = tpu.memref_slice %arg6[%run_scoped3A_158, %dma_wait3A_188, %dma_wait3A_189] : memref<4x80x128xf32, #tpu.memory_space<vmem>> -> memref<1x80x128xf32, #tpu.memory_space<vmem>>
      %dma_wait3A_191 = tpu.memref_squeeze %dma_wait3A_190 : memref<1x80x128xf32, #tpu.memory_space<vmem>> -> memref<80x128xf32, #tpu.memory_space<vmem>>
      tpu.wait_dma2 semaphore(%run_scoped3A_167 : memref<!tpu.dma_semaphore, #tpu.memory_space<semaphore_mem>>) src(%dma_wait3A_191 : memref<80x128xf32, #tpu.memory_space<vmem>>) dst(%dma_wait3A_187 : memref<80x128xf32, #tpu.memory_space<hbm>>)
      tpu.yield
    }) : () -> ()
    %add3A_159 = arith.constant 4 : i32
    %add3A_160 = arith.addi %add3A_140, %add3A_159 : i32
    %lt3A_161 = arith.constant 4 : i32
    %lt3A_162 = arith.cmpi slt, %add3A_160, %lt3A_161 : i32
    %convert_element_type3A_163 = arith.extui %lt3A_162 : i1 to i32
    %cond3A_164 = arith.constant 0 : i32
    %cond3A_165 = arith.cmpi ne, %convert_element_type3A_163, %cond3A_164 : i32
    scf.if %cond3A_165 {
      %mul3A_167 = arith.constant 80 : i32
      %mul3A_168 = arith.muli %add3A_160, %mul3A_167 : i32
      %dma_start3A_169 = arith.constant 3 : i32
      %dma_start3A_170 = arith.constant 3 : i32
      %dma_start3A_171 = arith.constant 0 : i32
      %dma_start3A_172 = arith.constant 0 : i32
      %dma_start3A_173 = tpu.memref_slice %arg6[%dma_start3A_169, %dma_start3A_171, %dma_start3A_172] : memref<4x80x128xf32, #tpu.memory_space<vmem>> -> memref<1x80x128xf32, #tpu.memory_space<vmem>>
      %dma_start3A_174 = tpu.memref_squeeze %dma_start3A_173 : memref<1x80x128xf32, #tpu.memory_space<vmem>> -> memref<80x128xf32, #tpu.memory_space<vmem>>
      %dma_start3A_175 = tpu.memref_slice %arg5[%mul3A_168] : memref<320xi32, #tpu.memory_space<vmem>> -> memref<80xi32, #tpu.memory_space<vmem>>
      %dma_start3A_176 = arith.constant 0 : i32
      %dma_start3A_177 = arith.constant 0 : i32
      %dma_start3A_178 = tpu.memref_slice %arg2[%dma_start3A_176, %dma_start3A_177] : memref<10000x128xf32, #tpu.memory_space<hbm>> -> memref<10000x128xf32, #tpu.memory_space<hbm>>
      %dma_start3A_179 = tpu.memref_slice %arg7[%dma_start3A_170] : memref<4x!tpu.dma_semaphore, #tpu.memory_space<semaphore_mem>> -> memref<1x!tpu.dma_semaphore, #tpu.memory_space<semaphore_mem>>
      %dma_start3A_180 = tpu.memref_squeeze %dma_start3A_179 : memref<1x!tpu.dma_semaphore, #tpu.memory_space<semaphore_mem>> -> memref<!tpu.dma_semaphore, #tpu.memory_space<semaphore_mem>>
      tpu.enqueue_indirect_dma source(%dma_start3A_178 : memref<10000x128xf32, #tpu.memory_space<hbm>>) target(%dma_start3A_174 : memref<80x128xf32, #tpu.memory_space<vmem>>) offsets(%dma_start3A_175 : memref<80xi32, #tpu.memory_space<vmem>>) semaphore(%dma_start3A_180 : memref<!tpu.dma_semaphore, #tpu.memory_space<semaphore_mem>>)
    } else {
    }
    %scan3A_166 = arith.constant 1 : i32
    return
  }
}

#map = affine_map<(d0, d1) -> (0)>
module attributes {stable_mosaic.version = 14 : i64} {
  func.func @k(%arg0: i32, %arg1: i32, %arg2: memref<327680xi32, #tpu.memory_space<hbm>>, %arg3: memref<327680xi32, #tpu.memory_space<hbm>>, %arg4: memref<10240xi32, #tpu.memory_space<hbm>>, %arg5: memref<10240xi32, #tpu.memory_space<hbm>>, %arg6: memref<1024xi32, #tpu.memory_space<hbm>>, %arg7: memref<327680xi32, #tpu.memory_space<hbm>>, %arg8: memref<327680xi32, #tpu.memory_space<hbm>>, %arg9: memref<327680xi32, #tpu.memory_space<hbm>>, %arg10: memref<10240xi32, #tpu.memory_space<vmem>>, %arg11: memref<10240xi32, #tpu.memory_space<vmem>>, %arg12: memref<10240xi32, #tpu.memory_space<vmem>>, %arg13: memref<10240xi32, #tpu.memory_space<vmem>>, %arg14: memref<1024xi32, #tpu.memory_space<vmem>>, %arg15: memref<10240xi32, #tpu.memory_space<vmem>>, %arg16: memref<10240xi32, #tpu.memory_space<vmem>>, %arg17: memref<10240xi32, #tpu.memory_space<vmem>>) attributes {dimension_semantics = [#tpu.dimension_semantics<core_parallel>, #tpu.dimension_semantics<subcore_parallel>], iteration_bounds = array<i64: 2, 16>, scalar_prefetch = 0 : i64, scratch_operands = 8 : i64, tpu.core_type = #tpu.core_type<sc_vector_subcore>, window_params = [{transform_indices = #map}, {transform_indices = #map}, {transform_indices = #map}, {transform_indices = #map}, {transform_indices = #map}, {transform_indices = #map}, {transform_indices = #map}, {transform_indices = #map}]} {
    %mul3A = arith.constant 2 : i32
    %mul3A_0 = arith.muli %arg1, %mul3A : i32
    %add3A = arith.addi %mul3A_0, %arg0 : i32
    %mul3A_1 = arith.constant 10240 : i32
    %mul3A_2 = arith.muli %add3A, %mul3A_1 : i32
    "tpu.region"() ({
      %run_scoped3A = tpu.sem_alloc : memref<!tpu.dma_semaphore, #tpu.memory_space<semaphore_mem>>
      %dma_start3A = tpu.memref_slice %arg2[%mul3A_2] : memref<327680xi32, #tpu.memory_space<hbm>> -> memref<10240xi32, #tpu.memory_space<hbm>>
      %dma_start3A_8 = tpu.memref_slice %arg2[%mul3A_2] : memref<327680xi32, #tpu.memory_space<hbm>> -> memref<10240xi32, #tpu.memory_space<hbm>>
      tpu.enqueue_dma source(%dma_start3A_8 : memref<10240xi32, #tpu.memory_space<hbm>>) target(%arg10 : memref<10240xi32, #tpu.memory_space<vmem>>) target_semaphore(%run_scoped3A : memref<!tpu.dma_semaphore, #tpu.memory_space<semaphore_mem>>)
      %dma_wait3A = tpu.memref_slice %arg2[%mul3A_2] : memref<327680xi32, #tpu.memory_space<hbm>> -> memref<10240xi32, #tpu.memory_space<hbm>>
      %dma_wait3A_9 = tpu.memref_slice %arg2[%mul3A_2] : memref<327680xi32, #tpu.memory_space<hbm>> -> memref<10240xi32, #tpu.memory_space<hbm>>
      tpu.wait_dma2 semaphore(%run_scoped3A : memref<!tpu.dma_semaphore, #tpu.memory_space<semaphore_mem>>) src(%dma_wait3A_9 : memref<10240xi32, #tpu.memory_space<hbm>>) dst(%arg10 : memref<10240xi32, #tpu.memory_space<vmem>>)
      tpu.yield
    }) : () -> ()
    "tpu.region"() ({
      %run_scoped3A = tpu.sem_alloc : memref<!tpu.dma_semaphore, #tpu.memory_space<semaphore_mem>>
      %dma_start3A = tpu.memref_slice %arg3[%mul3A_2] : memref<327680xi32, #tpu.memory_space<hbm>> -> memref<10240xi32, #tpu.memory_space<hbm>>
      %dma_start3A_8 = tpu.memref_slice %arg3[%mul3A_2] : memref<327680xi32, #tpu.memory_space<hbm>> -> memref<10240xi32, #tpu.memory_space<hbm>>
      tpu.enqueue_dma source(%dma_start3A_8 : memref<10240xi32, #tpu.memory_space<hbm>>) target(%arg11 : memref<10240xi32, #tpu.memory_space<vmem>>) target_semaphore(%run_scoped3A : memref<!tpu.dma_semaphore, #tpu.memory_space<semaphore_mem>>)
      %dma_wait3A = tpu.memref_slice %arg3[%mul3A_2] : memref<327680xi32, #tpu.memory_space<hbm>> -> memref<10240xi32, #tpu.memory_space<hbm>>
      %dma_wait3A_9 = tpu.memref_slice %arg3[%mul3A_2] : memref<327680xi32, #tpu.memory_space<hbm>> -> memref<10240xi32, #tpu.memory_space<hbm>>
      tpu.wait_dma2 semaphore(%run_scoped3A : memref<!tpu.dma_semaphore, #tpu.memory_space<semaphore_mem>>) src(%dma_wait3A_9 : memref<10240xi32, #tpu.memory_space<hbm>>) dst(%arg11 : memref<10240xi32, #tpu.memory_space<vmem>>)
      tpu.yield
    }) : () -> ()
    "tpu.region"() ({
      %run_scoped3A = tpu.sem_alloc : memref<!tpu.dma_semaphore, #tpu.memory_space<semaphore_mem>>
      tpu.enqueue_dma source(%arg4 : memref<10240xi32, #tpu.memory_space<hbm>>) target(%arg12 : memref<10240xi32, #tpu.memory_space<vmem>>) target_semaphore(%run_scoped3A : memref<!tpu.dma_semaphore, #tpu.memory_space<semaphore_mem>>)
      tpu.wait_dma2 semaphore(%run_scoped3A : memref<!tpu.dma_semaphore, #tpu.memory_space<semaphore_mem>>) src(%arg4 : memref<10240xi32, #tpu.memory_space<hbm>>) dst(%arg12 : memref<10240xi32, #tpu.memory_space<vmem>>)
      tpu.yield
    }) : () -> ()
    "tpu.region"() ({
      %run_scoped3A = tpu.sem_alloc : memref<!tpu.dma_semaphore, #tpu.memory_space<semaphore_mem>>
      tpu.enqueue_dma source(%arg5 : memref<10240xi32, #tpu.memory_space<hbm>>) target(%arg13 : memref<10240xi32, #tpu.memory_space<vmem>>) target_semaphore(%run_scoped3A : memref<!tpu.dma_semaphore, #tpu.memory_space<semaphore_mem>>)
      tpu.wait_dma2 semaphore(%run_scoped3A : memref<!tpu.dma_semaphore, #tpu.memory_space<semaphore_mem>>) src(%arg5 : memref<10240xi32, #tpu.memory_space<hbm>>) dst(%arg13 : memref<10240xi32, #tpu.memory_space<vmem>>)
      tpu.yield
    }) : () -> ()
    "tpu.region"() ({
      %run_scoped3A = tpu.sem_alloc : memref<!tpu.dma_semaphore, #tpu.memory_space<semaphore_mem>>
      tpu.enqueue_dma source(%arg6 : memref<1024xi32, #tpu.memory_space<hbm>>) target(%arg14 : memref<1024xi32, #tpu.memory_space<vmem>>) target_semaphore(%run_scoped3A : memref<!tpu.dma_semaphore, #tpu.memory_space<semaphore_mem>>)
      tpu.wait_dma2 semaphore(%run_scoped3A : memref<!tpu.dma_semaphore, #tpu.memory_space<semaphore_mem>>) src(%arg6 : memref<1024xi32, #tpu.memory_space<hbm>>) dst(%arg14 : memref<1024xi32, #tpu.memory_space<vmem>>)
      tpu.yield
    }) : () -> ()
    %scan3A = arith.constant 0 : i32
    %scan3A_3 = arith.constant 0 : i32
    %scan3A_4 = arith.constant 640 : i32
    %scan3A_5 = arith.addi %scan3A_3, %scan3A_4 : i32
    %scan3A_6 = arith.constant 1 : i32
    scf.for %scan3A_8 = %scan3A_3 to %scan3A_5 step %scan3A_6  : i32 {
      %mul3A_9 = arith.constant 16 : i32
      %mul3A_10 = arith.muli %scan3A_8, %mul3A_9 : i32
      %get3A = arith.index_cast %mul3A_10 : i32 to index
      %get3A_11 = tpu.vector_load %arg11[%get3A] {strides = array<i32>} : memref<10240xi32, #tpu.memory_space<vmem>>, vector<16xi32>,
      %get3A_12 = arith.index_cast %mul3A_10 : i32 to index
      %get3A_13 = tpu.vector_load %arg10[%get3A_12] {strides = array<i32>} : memref<10240xi32, #tpu.memory_space<vmem>>, vector<16xi32>,
      %gather3A = tpu.vector_load_idx %arg12[%get3A_11] : memref<10240xi32, #tpu.memory_space<vmem>>[vector<16xi32>], vector<16xi32>,
      %gather3A_14 = tpu.vector_load_idx %arg13[%get3A_11] : memref<10240xi32, #tpu.memory_space<vmem>>[vector<16xi32>], vector<16xi32>,
      %add3A_15 = arith.addi %mul3A_2, %mul3A_10 : i32
      %iota3A = tpu.iota {dimensions = array<i32: 0>} : vector<16xi32>
      %add3A_16 = vector.broadcast %add3A_15 : i32 to vector<16xi32>
      %add3A_17 = arith.addi %add3A_16, %iota3A : vector<16xi32>
      %sub3A = arith.subi %add3A_17, %gather3A : vector<16xi32>
      %lt3A = arith.constant 1024 : i32
      %lt3A_18 = vector.broadcast %lt3A : i32 to vector<16xi32>
      %lt3A_19 = arith.cmpi slt, %sub3A, %lt3A_18 : vector<16xi32>
      %lt3A_20 = arith.constant 320000 : i32
      %lt3A_21 = vector.broadcast %lt3A_20 : i32 to vector<16xi32>
      %lt3A_22 = arith.cmpi slt, %add3A_17, %lt3A_21 : vector<16xi32>
      %and3A = arith.andi %lt3A_19, %lt3A_22 : vector<16xi1>
      %jit3A = arith.constant 0 : i32
      %jit3A_23 = arith.constant 1023 : i32
      %max3A = vector.broadcast %jit3A : i32 to vector<16xi32>
      %max3A_24 = arith.maxsi %max3A, %sub3A : vector<16xi32>
      %min3A = vector.broadcast %jit3A_23 : i32 to vector<16xi32>
      %min3A_25 = arith.minsi %min3A, %max3A_24 : vector<16xi32>
      %gather3A_26 = tpu.vector_load_idx %arg14[%min3A_25] : memref<1024xi32, #tpu.memory_space<vmem>>[vector<16xi32>], vector<16xi32>,
      %add3A_27 = arith.addi %gather3A_26, %gather3A_14 : vector<16xi32>
      %jit3A_28 = arith.constant 344056 : i32
      %broadcast_in_dim3A = vector.broadcast %jit3A_28 : i32 to vector<16xi32>
      %select_n3A = arith.select %and3A, %add3A_27, %broadcast_in_dim3A : vector<16xi1>, vector<16xi32>
      %swap3A = arith.index_cast %mul3A_10 : i32 to index
      %swap3A_29 = tpu.vector_load %arg15[%swap3A] {strides = array<i32>} : memref<10240xi32, #tpu.memory_space<vmem>>, vector<16xi32>,
      tpu.vector_store %arg15[%swap3A], %select_n3A {strides = array<i32>} : memref<10240xi32, #tpu.memory_space<vmem>>, vector<16xi32>,
      %swap3A_30 = arith.index_cast %mul3A_10 : i32 to index
      %swap3A_31 = tpu.vector_load %arg16[%swap3A_30] {strides = array<i32>} : memref<10240xi32, #tpu.memory_space<vmem>>, vector<16xi32>,
      tpu.vector_store %arg16[%swap3A_30], %get3A_13 {strides = array<i32>} : memref<10240xi32, #tpu.memory_space<vmem>>, vector<16xi32>,
      %gather3A_32 = tpu.vector_load_idx %arg13[%get3A_13] : memref<10240xi32, #tpu.memory_space<vmem>>[vector<16xi32>], vector<16xi32>,
      %swap3A_33 = arith.index_cast %mul3A_10 : i32 to index
      %swap3A_34 = tpu.vector_load %arg17[%swap3A_33] {strides = array<i32>} : memref<10240xi32, #tpu.memory_space<vmem>>, vector<16xi32>,
      tpu.vector_store %arg17[%swap3A_33], %gather3A_32 {strides = array<i32>} : memref<10240xi32, #tpu.memory_space<vmem>>, vector<16xi32>,
    }
    %scan3A_7 = arith.constant 640 : i32
    "tpu.region"() ({
      %run_scoped3A = tpu.sem_alloc : memref<!tpu.dma_semaphore, #tpu.memory_space<semaphore_mem>>
      %dma_start3A = tpu.memref_slice %arg7[%mul3A_2] : memref<327680xi32, #tpu.memory_space<hbm>> -> memref<10240xi32, #tpu.memory_space<hbm>>
      %dma_start3A_8 = tpu.memref_slice %arg7[%mul3A_2] : memref<327680xi32, #tpu.memory_space<hbm>> -> memref<10240xi32, #tpu.memory_space<hbm>>
      tpu.enqueue_dma source(%arg15 : memref<10240xi32, #tpu.memory_space<vmem>>) target(%dma_start3A_8 : memref<10240xi32, #tpu.memory_space<hbm>>) target_semaphore(%run_scoped3A : memref<!tpu.dma_semaphore, #tpu.memory_space<semaphore_mem>>)
      %dma_wait3A = tpu.memref_slice %arg7[%mul3A_2] : memref<327680xi32, #tpu.memory_space<hbm>> -> memref<10240xi32, #tpu.memory_space<hbm>>
      %dma_wait3A_9 = tpu.memref_slice %arg7[%mul3A_2] : memref<327680xi32, #tpu.memory_space<hbm>> -> memref<10240xi32, #tpu.memory_space<hbm>>
      tpu.wait_dma2 semaphore(%run_scoped3A : memref<!tpu.dma_semaphore, #tpu.memory_space<semaphore_mem>>) src(%arg15 : memref<10240xi32, #tpu.memory_space<vmem>>) dst(%dma_wait3A_9 : memref<10240xi32, #tpu.memory_space<hbm>>)
      tpu.yield
    }) : () -> ()
    "tpu.region"() ({
      %run_scoped3A = tpu.sem_alloc : memref<!tpu.dma_semaphore, #tpu.memory_space<semaphore_mem>>
      %dma_start3A = tpu.memref_slice %arg8[%mul3A_2] : memref<327680xi32, #tpu.memory_space<hbm>> -> memref<10240xi32, #tpu.memory_space<hbm>>
      %dma_start3A_8 = tpu.memref_slice %arg8[%mul3A_2] : memref<327680xi32, #tpu.memory_space<hbm>> -> memref<10240xi32, #tpu.memory_space<hbm>>
      tpu.enqueue_dma source(%arg16 : memref<10240xi32, #tpu.memory_space<vmem>>) target(%dma_start3A_8 : memref<10240xi32, #tpu.memory_space<hbm>>) target_semaphore(%run_scoped3A : memref<!tpu.dma_semaphore, #tpu.memory_space<semaphore_mem>>)
      %dma_wait3A = tpu.memref_slice %arg8[%mul3A_2] : memref<327680xi32, #tpu.memory_space<hbm>> -> memref<10240xi32, #tpu.memory_space<hbm>>
      %dma_wait3A_9 = tpu.memref_slice %arg8[%mul3A_2] : memref<327680xi32, #tpu.memory_space<hbm>> -> memref<10240xi32, #tpu.memory_space<hbm>>
      tpu.wait_dma2 semaphore(%run_scoped3A : memref<!tpu.dma_semaphore, #tpu.memory_space<semaphore_mem>>) src(%arg16 : memref<10240xi32, #tpu.memory_space<vmem>>) dst(%dma_wait3A_9 : memref<10240xi32, #tpu.memory_space<hbm>>)
      tpu.yield
    }) : () -> ()
    "tpu.region"() ({
      %run_scoped3A = tpu.sem_alloc : memref<!tpu.dma_semaphore, #tpu.memory_space<semaphore_mem>>
      %dma_start3A = tpu.memref_slice %arg9[%mul3A_2] : memref<327680xi32, #tpu.memory_space<hbm>> -> memref<10240xi32, #tpu.memory_space<hbm>>
      %dma_start3A_8 = tpu.memref_slice %arg9[%mul3A_2] : memref<327680xi32, #tpu.memory_space<hbm>> -> memref<10240xi32, #tpu.memory_space<hbm>>
      tpu.enqueue_dma source(%arg17 : memref<10240xi32, #tpu.memory_space<vmem>>) target(%dma_start3A_8 : memref<10240xi32, #tpu.memory_space<hbm>>) target_semaphore(%run_scoped3A : memref<!tpu.dma_semaphore, #tpu.memory_space<semaphore_mem>>)
      %dma_wait3A = tpu.memref_slice %arg9[%mul3A_2] : memref<327680xi32, #tpu.memory_space<hbm>> -> memref<10240xi32, #tpu.memory_space<hbm>>
      %dma_wait3A_9 = tpu.memref_slice %arg9[%mul3A_2] : memref<327680xi32, #tpu.memory_space<hbm>> -> memref<10240xi32, #tpu.memory_space<hbm>>
      tpu.wait_dma2 semaphore(%run_scoped3A : memref<!tpu.dma_semaphore, #tpu.memory_space<semaphore_mem>>) src(%arg17 : memref<10240xi32, #tpu.memory_space<vmem>>) dst(%dma_wait3A_9 : memref<10240xi32, #tpu.memory_space<hbm>>)
      tpu.yield
    }) : () -> ()
    return
  }
}

#map = affine_map<(d0, d1) -> (0, 0)>
#map1 = affine_map<(d0, d1) -> (0)>
module attributes {stable_mosaic.version = 14 : i64} {
  func.func @k(%arg0: i32, %arg1: i32, %arg2: memref<10000x128xf32, #tpu.memory_space<hbm>>, %arg3: memref<327680xi32, #tpu.memory_space<hbm>>, %arg4: memref<327680xi32, #tpu.memory_space<hbm>>, %arg5: memref<344064x128xf32, #tpu.memory_space<hbm>>, %arg6: memref<10240xi32, #tpu.memory_space<vmem>>, %arg7: memref<10240xi32, #tpu.memory_space<vmem>>, %arg8: memref<128x128xf32, #tpu.memory_space<vmem>>, %arg9: memref<128x128xf32, #tpu.memory_space<vmem>>, %arg10: memref<128x128xf32, #tpu.memory_space<vmem>>, %arg11: memref<128x128xf32, #tpu.memory_space<vmem>>, %arg12: memref<128xi32, #tpu.memory_space<vmem>>, %arg13: memref<128xi32, #tpu.memory_space<vmem>>, %arg14: memref<128xi32, #tpu.memory_space<vmem>>, %arg15: memref<128xi32, #tpu.memory_space<vmem>>, %arg16: memref<4x!tpu.dma_semaphore, #tpu.memory_space<semaphore_mem>>, %arg17: memref<4x!tpu.dma_semaphore, #tpu.memory_space<semaphore_mem>>) attributes {dimension_semantics = [#tpu.dimension_semantics<core_parallel>, #tpu.dimension_semantics<subcore_parallel>], iteration_bounds = array<i64: 2, 16>, scalar_prefetch = 0 : i64, scratch_operands = 12 : i64, tpu.core_type = #tpu.core_type<sc_vector_subcore>, window_params = [{transform_indices = #map}, {transform_indices = #map1}, {transform_indices = #map1}, {transform_indices = #map}]} {
    %mul3A = arith.constant 2 : i32
    %mul3A_0 = arith.muli %arg1, %mul3A : i32
    %add3A = arith.addi %mul3A_0, %arg0 : i32
    %mul3A_1 = arith.constant 10240 : i32
    %mul3A_2 = arith.muli %add3A, %mul3A_1 : i32
    "tpu.region"() ({
      %run_scoped3A = tpu.sem_alloc : memref<!tpu.dma_semaphore, #tpu.memory_space<semaphore_mem>>
      %dma_start3A_46 = tpu.memref_slice %arg3[%mul3A_2] : memref<327680xi32, #tpu.memory_space<hbm>> -> memref<10240xi32, #tpu.memory_space<hbm>>
      %dma_start3A_47 = tpu.memref_slice %arg3[%mul3A_2] : memref<327680xi32, #tpu.memory_space<hbm>> -> memref<10240xi32, #tpu.memory_space<hbm>>
      tpu.enqueue_dma source(%dma_start3A_47 : memref<10240xi32, #tpu.memory_space<hbm>>) target(%arg6 : memref<10240xi32, #tpu.memory_space<vmem>>) target_semaphore(%run_scoped3A : memref<!tpu.dma_semaphore, #tpu.memory_space<semaphore_mem>>)
      %dma_wait3A_48 = tpu.memref_slice %arg3[%mul3A_2] : memref<327680xi32, #tpu.memory_space<hbm>> -> memref<10240xi32, #tpu.memory_space<hbm>>
      %dma_wait3A_49 = tpu.memref_slice %arg3[%mul3A_2] : memref<327680xi32, #tpu.memory_space<hbm>> -> memref<10240xi32, #tpu.memory_space<hbm>>
      tpu.wait_dma2 semaphore(%run_scoped3A : memref<!tpu.dma_semaphore, #tpu.memory_space<semaphore_mem>>) src(%dma_wait3A_49 : memref<10240xi32, #tpu.memory_space<hbm>>) dst(%arg6 : memref<10240xi32, #tpu.memory_space<vmem>>)
      tpu.yield
    }) : () -> ()
    "tpu.region"() ({
      %run_scoped3A = tpu.sem_alloc : memref<!tpu.dma_semaphore, #tpu.memory_space<semaphore_mem>>
      %dma_start3A_46 = tpu.memref_slice %arg4[%mul3A_2] : memref<327680xi32, #tpu.memory_space<hbm>> -> memref<10240xi32, #tpu.memory_space<hbm>>
      %dma_start3A_47 = tpu.memref_slice %arg4[%mul3A_2] : memref<327680xi32, #tpu.memory_space<hbm>> -> memref<10240xi32, #tpu.memory_space<hbm>>
      tpu.enqueue_dma source(%dma_start3A_47 : memref<10240xi32, #tpu.memory_space<hbm>>) target(%arg7 : memref<10240xi32, #tpu.memory_space<vmem>>) target_semaphore(%run_scoped3A : memref<!tpu.dma_semaphore, #tpu.memory_space<semaphore_mem>>)
      %dma_wait3A_48 = tpu.memref_slice %arg4[%mul3A_2] : memref<327680xi32, #tpu.memory_space<hbm>> -> memref<10240xi32, #tpu.memory_space<hbm>>
      %dma_wait3A_49 = tpu.memref_slice %arg4[%mul3A_2] : memref<327680xi32, #tpu.memory_space<hbm>> -> memref<10240xi32, #tpu.memory_space<hbm>>
      tpu.wait_dma2 semaphore(%run_scoped3A : memref<!tpu.dma_semaphore, #tpu.memory_space<semaphore_mem>>) src(%dma_wait3A_49 : memref<10240xi32, #tpu.memory_space<hbm>>) dst(%arg7 : memref<10240xi32, #tpu.memory_space<vmem>>)
      tpu.yield
    }) : () -> ()
    %dma_start3A = arith.constant 0 : i32
    %dma_start3A_3 = arith.constant 0 : i32
    %dma_start3A_4 = tpu.memref_slice %arg6[%dma_start3A_3] : memref<10240xi32, #tpu.memory_space<vmem>> -> memref<128xi32, #tpu.memory_space<vmem>>
    %dma_start3A_5 = arith.constant 0 : i32
    %dma_start3A_6 = arith.constant 0 : i32
    %dma_start3A_7 = tpu.memref_slice %arg2[%dma_start3A_5, %dma_start3A_6] : memref<10000x128xf32, #tpu.memory_space<hbm>> -> memref<10000x128xf32, #tpu.memory_space<hbm>>
    %dma_start3A_8 = tpu.memref_slice %arg16[%dma_start3A] : memref<4x!tpu.dma_semaphore, #tpu.memory_space<semaphore_mem>> -> memref<1x!tpu.dma_semaphore, #tpu.memory_space<semaphore_mem>>
    %dma_start3A_9 = tpu.memref_squeeze %dma_start3A_8 : memref<1x!tpu.dma_semaphore, #tpu.memory_space<semaphore_mem>> -> memref<!tpu.dma_semaphore, #tpu.memory_space<semaphore_mem>>
    tpu.enqueue_indirect_dma source(%dma_start3A_7 : memref<10000x128xf32, #tpu.memory_space<hbm>>) target(%arg8 : memref<128x128xf32, #tpu.memory_space<vmem>>) offsets(%dma_start3A_4 : memref<128xi32, #tpu.memory_space<vmem>>) semaphore(%dma_start3A_9 : memref<!tpu.dma_semaphore, #tpu.memory_space<semaphore_mem>>)
    %dma_start3A_10 = arith.constant 1 : i32
    %dma_start3A_11 = arith.constant 128 : i32
    %dma_start3A_12 = tpu.memref_slice %arg6[%dma_start3A_11] : memref<10240xi32, #tpu.memory_space<vmem>> -> memref<128xi32, #tpu.memory_space<vmem>>
    %dma_start3A_13 = arith.constant 0 : i32
    %dma_start3A_14 = arith.constant 0 : i32
    %dma_start3A_15 = tpu.memref_slice %arg2[%dma_start3A_13, %dma_start3A_14] : memref<10000x128xf32, #tpu.memory_space<hbm>> -> memref<10000x128xf32, #tpu.memory_space<hbm>>
    %dma_start3A_16 = tpu.memref_slice %arg16[%dma_start3A_10] : memref<4x!tpu.dma_semaphore, #tpu.memory_space<semaphore_mem>> -> memref<1x!tpu.dma_semaphore, #tpu.memory_space<semaphore_mem>>
    %dma_start3A_17 = tpu.memref_squeeze %dma_start3A_16 : memref<1x!tpu.dma_semaphore, #tpu.memory_space<semaphore_mem>> -> memref<!tpu.dma_semaphore, #tpu.memory_space<semaphore_mem>>
    tpu.enqueue_indirect_dma source(%dma_start3A_15 : memref<10000x128xf32, #tpu.memory_space<hbm>>) target(%arg9 : memref<128x128xf32, #tpu.memory_space<vmem>>) offsets(%dma_start3A_12 : memref<128xi32, #tpu.memory_space<vmem>>) semaphore(%dma_start3A_17 : memref<!tpu.dma_semaphore, #tpu.memory_space<semaphore_mem>>)
    %scan3A = arith.constant 0 : i32
    %scan3A_18 = arith.constant 0 : i32
    %scan3A_19 = arith.constant 20 : i32
    %scan3A_20 = arith.addi %scan3A_18, %scan3A_19 : i32
    %scan3A_21 = arith.constant 1 : i32
    scf.for %scan3A_46 = %scan3A_18 to %scan3A_20 step %scan3A_21  : i32 {
      %mul3A_47 = arith.constant 4 : i32
      %mul3A_48 = arith.muli %scan3A_46, %mul3A_47 : i32
      %add3A_49 = arith.constant 0 : i32
      %add3A_50 = arith.addi %mul3A_48, %add3A_49 : i32
      %mul3A_51 = arith.constant 128 : i32
      %mul3A_52 = arith.muli %add3A_50, %mul3A_51 : i32
      %dma_wait3A_53 = arith.constant 0 : i32
      %dma_wait3A_54 = tpu.memref_slice %arg6[%mul3A_52] : memref<10240xi32, #tpu.memory_space<vmem>> -> memref<128xi32, #tpu.memory_space<vmem>>
      %dma_wait3A_55 = arith.constant 0 : i32
      %dma_wait3A_56 = arith.constant 0 : i32
      %dma_wait3A_57 = tpu.memref_slice %arg2[%dma_wait3A_55, %dma_wait3A_56] : memref<10000x128xf32, #tpu.memory_space<hbm>> -> memref<10000x128xf32, #tpu.memory_space<hbm>>
      %dma_wait3A_58 = tpu.memref_slice %arg16[%dma_wait3A_53] : memref<4x!tpu.dma_semaphore, #tpu.memory_space<semaphore_mem>> -> memref<1x!tpu.dma_semaphore, #tpu.memory_space<semaphore_mem>>
      %dma_wait3A_59 = tpu.memref_squeeze %dma_wait3A_58 : memref<1x!tpu.dma_semaphore, #tpu.memory_space<semaphore_mem>> -> memref<!tpu.dma_semaphore, #tpu.memory_space<semaphore_mem>>
      tpu.wait_indirect_dma semaphore(%dma_wait3A_59 : memref<!tpu.dma_semaphore, #tpu.memory_space<semaphore_mem>>) src(%dma_wait3A_57 : memref<10000x128xf32, #tpu.memory_space<hbm>>) dst(%arg8 : memref<128x128xf32, #tpu.memory_space<vmem>>)
      %mul3A_60 = arith.constant 128 : i32
      %mul3A_61 = arith.muli %add3A_50, %mul3A_60 : i32
      %add3A_62 = arith.constant 0 : i32
      %add3A_63 = arith.addi %mul3A_61, %add3A_62 : i32
      %get3A = arith.index_cast %add3A_63 : i32 to index
      %get3A_64 = tpu.vector_load %arg7[%get3A] {strides = array<i32>} : memref<10240xi32, #tpu.memory_space<vmem>>, vector<16xi32>,
      %swap3A = arith.constant 0 : index
      %swap3A_65 = tpu.vector_load %arg12[%swap3A] {strides = array<i32>} : memref<128xi32, #tpu.memory_space<vmem>>, vector<16xi32>,
      %swap3A_66 = vector.shape_cast %swap3A_65 : vector<16xi32> to vector<16xi32>
      %swap3A_67 = vector.shape_cast %get3A_64 : vector<16xi32> to vector<16xi32>
      tpu.vector_store %arg12[%swap3A], %swap3A_67 {strides = array<i32>} : memref<128xi32, #tpu.memory_space<vmem>>, vector<16xi32>,
      %mul3A_68 = arith.constant 128 : i32
      %mul3A_69 = arith.muli %add3A_50, %mul3A_68 : i32
      %add3A_70 = arith.constant 16 : i32
      %add3A_71 = arith.addi %mul3A_69, %add3A_70 : i32
      %get3A_72 = arith.index_cast %add3A_71 : i32 to index
      %get3A_73 = tpu.vector_load %arg7[%get3A_72] {strides = array<i32>} : memref<10240xi32, #tpu.memory_space<vmem>>, vector<16xi32>,
      %swap3A_74 = arith.constant 16 : index
      %swap3A_75 = tpu.vector_load %arg12[%swap3A_74] {strides = array<i32>} : memref<128xi32, #tpu.memory_space<vmem>>, vector<16xi32>,
      %swap3A_76 = vector.shape_cast %swap3A_75 : vector<16xi32> to vector<16xi32>
      %swap3A_77 = vector.shape_cast %get3A_73 : vector<16xi32> to vector<16xi32>
      tpu.vector_store %arg12[%swap3A_74], %swap3A_77 {strides = array<i32>} : memref<128xi32, #tpu.memory_space<vmem>>, vector<16xi32>,
      %mul3A_78 = arith.constant 128 : i32
      %mul3A_79 = arith.muli %add3A_50, %mul3A_78 : i32
      %add3A_80 = arith.constant 32 : i32
      %add3A_81 = arith.addi %mul3A_79, %add3A_80 : i32
      %get3A_82 = arith.index_cast %add3A_81 : i32 to index
      %get3A_83 = tpu.vector_load %arg7[%get3A_82] {strides = array<i32>} : memref<10240xi32, #tpu.memory_space<vmem>>, vector<16xi32>,
      %swap3A_84 = arith.constant 32 : index
      %swap3A_85 = tpu.vector_load %arg12[%swap3A_84] {strides = array<i32>} : memref<128xi32, #tpu.memory_space<vmem>>, vector<16xi32>,
      %swap3A_86 = vector.shape_cast %swap3A_85 : vector<16xi32> to vector<16xi32>
      %swap3A_87 = vector.shape_cast %get3A_83 : vector<16xi32> to vector<16xi32>
      tpu.vector_store %arg12[%swap3A_84], %swap3A_87 {strides = array<i32>} : memref<128xi32, #tpu.memory_space<vmem>>, vector<16xi32>,
      %mul3A_88 = arith.constant 128 : i32
      %mul3A_89 = arith.muli %add3A_50, %mul3A_88 : i32
      %add3A_90 = arith.constant 48 : i32
      %add3A_91 = arith.addi %mul3A_89, %add3A_90 : i32
      %get3A_92 = arith.index_cast %add3A_91 : i32 to index
      %get3A_93 = tpu.vector_load %arg7[%get3A_92] {strides = array<i32>} : memref<10240xi32, #tpu.memory_space<vmem>>, vector<16xi32>,
      %swap3A_94 = arith.constant 48 : index
      %swap3A_95 = tpu.vector_load %arg12[%swap3A_94] {strides = array<i32>} : memref<128xi32, #tpu.memory_space<vmem>>, vector<16xi32>,
      %swap3A_96 = vector.shape_cast %swap3A_95 : vector<16xi32> to vector<16xi32>
      %swap3A_97 = vector.shape_cast %get3A_93 : vector<16xi32> to vector<16xi32>
      tpu.vector_store %arg12[%swap3A_94], %swap3A_97 {strides = array<i32>} : memref<128xi32, #tpu.memory_space<vmem>>, vector<16xi32>,
      %mul3A_98 = arith.constant 128 : i32
      %mul3A_99 = arith.muli %add3A_50, %mul3A_98 : i32
      %add3A_100 = arith.constant 64 : i32
      %add3A_101 = arith.addi %mul3A_99, %add3A_100 : i32
      %get3A_102 = arith.index_cast %add3A_101 : i32 to index
      %get3A_103 = tpu.vector_load %arg7[%get3A_102] {strides = array<i32>} : memref<10240xi32, #tpu.memory_space<vmem>>, vector<16xi32>,
      %swap3A_104 = arith.constant 64 : index
      %swap3A_105 = tpu.vector_load %arg12[%swap3A_104] {strides = array<i32>} : memref<128xi32, #tpu.memory_space<vmem>>, vector<16xi32>,
      %swap3A_106 = vector.shape_cast %swap3A_105 : vector<16xi32> to vector<16xi32>
      %swap3A_107 = vector.shape_cast %get3A_103 : vector<16xi32> to vector<16xi32>
      tpu.vector_store %arg12[%swap3A_104], %swap3A_107 {strides = array<i32>} : memref<128xi32, #tpu.memory_space<vmem>>, vector<16xi32>,
      %mul3A_108 = arith.constant 128 : i32
      %mul3A_109 = arith.muli %add3A_50, %mul3A_108 : i32
      %add3A_110 = arith.constant 80 : i32
      %add3A_111 = arith.addi %mul3A_109, %add3A_110 : i32
      %get3A_112 = arith.index_cast %add3A_111 : i32 to index
      %get3A_113 = tpu.vector_load %arg7[%get3A_112] {strides = array<i32>} : memref<10240xi32, #tpu.memory_space<vmem>>, vector<16xi32>,
      %swap3A_114 = arith.constant 80 : index
      %swap3A_115 = tpu.vector_load %arg12[%swap3A_114] {strides = array<i32>} : memref<128xi32, #tpu.memory_space<vmem>>, vector<16xi32>,
      %swap3A_116 = vector.shape_cast %swap3A_115 : vector<16xi32> to vector<16xi32>
      %swap3A_117 = vector.shape_cast %get3A_113 : vector<16xi32> to vector<16xi32>
      tpu.vector_store %arg12[%swap3A_114], %swap3A_117 {strides = array<i32>} : memref<128xi32, #tpu.memory_space<vmem>>, vector<16xi32>,
      %mul3A_118 = arith.constant 128 : i32
      %mul3A_119 = arith.muli %add3A_50, %mul3A_118 : i32
      %add3A_120 = arith.constant 96 : i32
      %add3A_121 = arith.addi %mul3A_119, %add3A_120 : i32
      %get3A_122 = arith.index_cast %add3A_121 : i32 to index
      %get3A_123 = tpu.vector_load %arg7[%get3A_122] {strides = array<i32>} : memref<10240xi32, #tpu.memory_space<vmem>>, vector<16xi32>,
      %swap3A_124 = arith.constant 96 : index
      %swap3A_125 = tpu.vector_load %arg12[%swap3A_124] {strides = array<i32>} : memref<128xi32, #tpu.memory_space<vmem>>, vector<16xi32>,
      %swap3A_126 = vector.shape_cast %swap3A_125 : vector<16xi32> to vector<16xi32>
      %swap3A_127 = vector.shape_cast %get3A_123 : vector<16xi32> to vector<16xi32>
      tpu.vector_store %arg12[%swap3A_124], %swap3A_127 {strides = array<i32>} : memref<128xi32, #tpu.memory_space<vmem>>, vector<16xi32>,
      %mul3A_128 = arith.constant 128 : i32
      %mul3A_129 = arith.muli %add3A_50, %mul3A_128 : i32
      %add3A_130 = arith.constant 112 : i32
      %add3A_131 = arith.addi %mul3A_129, %add3A_130 : i32
      %get3A_132 = arith.index_cast %add3A_131 : i32 to index
      %get3A_133 = tpu.vector_load %arg7[%get3A_132] {strides = array<i32>} : memref<10240xi32, #tpu.memory_space<vmem>>, vector<16xi32>,
      %swap3A_134 = arith.constant 112 : index
      %swap3A_135 = tpu.vector_load %arg12[%swap3A_134] {strides = array<i32>} : memref<128xi32, #tpu.memory_space<vmem>>, vector<16xi32>,
      %swap3A_136 = vector.shape_cast %swap3A_135 : vector<16xi32> to vector<16xi32>
      %swap3A_137 = vector.shape_cast %get3A_133 : vector<16xi32> to vector<16xi32>
      tpu.vector_store %arg12[%swap3A_134], %swap3A_137 {strides = array<i32>} : memref<128xi32, #tpu.memory_space<vmem>>, vector<16xi32>,
      %dma_start3A_138 = arith.constant 0 : i32
      %dma_start3A_139 = arith.constant 0 : i32
      %dma_start3A_140 = arith.constant 0 : i32
      %dma_start3A_141 = tpu.memref_slice %arg5[%dma_start3A_139, %dma_start3A_140] : memref<344064x128xf32, #tpu.memory_space<hbm>> -> memref<344064x128xf32, #tpu.memory_space<hbm>>
      %dma_start3A_142 = tpu.memref_slice %arg17[%dma_start3A_138] : memref<4x!tpu.dma_semaphore, #tpu.memory_space<semaphore_mem>> -> memref<1x!tpu.dma_semaphore, #tpu.memory_space<semaphore_mem>>
      %dma_start3A_143 = tpu.memref_squeeze %dma_start3A_142 : memref<1x!tpu.dma_semaphore, #tpu.memory_space<semaphore_mem>> -> memref<!tpu.dma_semaphore, #tpu.memory_space<semaphore_mem>>
      tpu.enqueue_indirect_dma source(%arg8 : memref<128x128xf32, #tpu.memory_space<vmem>>) target(%dma_start3A_141 : memref<344064x128xf32, #tpu.memory_space<hbm>>) offsets(%arg12 : memref<128xi32, #tpu.memory_space<vmem>>) semaphore(%dma_start3A_143 : memref<!tpu.dma_semaphore, #tpu.memory_space<semaphore_mem>>)
      %add3A_144 = arith.constant 2 : i32
      %add3A_145 = arith.addi %add3A_50, %add3A_144 : i32
      %lt3A = arith.constant 80 : i32
      %lt3A_146 = arith.cmpi slt, %add3A_145, %lt3A : i32
      %convert_element_type3A = arith.extui %lt3A_146 : i1 to i32
      %cond3A = arith.constant 0 : i32
      %cond3A_147 = arith.cmpi ne, %convert_element_type3A, %cond3A : i32
      scf.if %cond3A_147 {
        %ge3A = arith.constant 4 : i32
        %ge3A_466 = arith.cmpi sge, %add3A_145, %ge3A : i32
        %convert_element_type3A_467 = arith.extui %ge3A_466 : i1 to i32
        %cond3A_468 = arith.constant 0 : i32
        %cond3A_469 = arith.cmpi ne, %convert_element_type3A_467, %cond3A_468 : i32
        scf.if %cond3A_469 {
          %sub3A = arith.constant 4 : i32
          %sub3A_479 = arith.subi %add3A_145, %sub3A : i32
          %dma_wait3A_480 = arith.constant 2 : i32
          %dma_wait3A_481 = arith.constant 0 : i32
          %dma_wait3A_482 = arith.constant 0 : i32
          %dma_wait3A_483 = tpu.memref_slice %arg5[%dma_wait3A_481, %dma_wait3A_482] : memref<344064x128xf32, #tpu.memory_space<hbm>> -> memref<344064x128xf32, #tpu.memory_space<hbm>>
          %dma_wait3A_484 = tpu.memref_slice %arg17[%dma_wait3A_480] : memref<4x!tpu.dma_semaphore, #tpu.memory_space<semaphore_mem>> -> memref<1x!tpu.dma_semaphore, #tpu.memory_space<semaphore_mem>>
          %dma_wait3A_485 = tpu.memref_squeeze %dma_wait3A_484 : memref<1x!tpu.dma_semaphore, #tpu.memory_space<semaphore_mem>> -> memref<!tpu.dma_semaphore, #tpu.memory_space<semaphore_mem>>
          tpu.wait_indirect_dma semaphore(%dma_wait3A_485 : memref<!tpu.dma_semaphore, #tpu.memory_space<semaphore_mem>>) src(%arg10 : memref<128x128xf32, #tpu.memory_space<vmem>>) dst(%dma_wait3A_483 : memref<344064x128xf32, #tpu.memory_space<hbm>>)
        } else {
        }
        %mul3A_470 = arith.constant 128 : i32
        %mul3A_471 = arith.muli %add3A_145, %mul3A_470 : i32
        %dma_start3A_472 = arith.constant 2 : i32
        %dma_start3A_473 = tpu.memref_slice %arg6[%mul3A_471] : memref<10240xi32, #tpu.memory_space<vmem>> -> memref<128xi32, #tpu.memory_space<vmem>>
        %dma_start3A_474 = arith.constant 0 : i32
        %dma_start3A_475 = arith.constant 0 : i32
        %dma_start3A_476 = tpu.memref_slice %arg2[%dma_start3A_474, %dma_start3A_475] : memref<10000x128xf32, #tpu.memory_space<hbm>> -> memref<10000x128xf32, #tpu.memory_space<hbm>>
        %dma_start3A_477 = tpu.memref_slice %arg16[%dma_start3A_472] : memref<4x!tpu.dma_semaphore, #tpu.memory_space<semaphore_mem>> -> memref<1x!tpu.dma_semaphore, #tpu.memory_space<semaphore_mem>>
        %dma_start3A_478 = tpu.memref_squeeze %dma_start3A_477 : memref<1x!tpu.dma_semaphore, #tpu.memory_space<semaphore_mem>> -> memref<!tpu.dma_semaphore, #tpu.memory_space<semaphore_mem>>
        tpu.enqueue_indirect_dma source(%dma_start3A_476 : memref<10000x128xf32, #tpu.memory_space<hbm>>) target(%arg10 : memref<128x128xf32, #tpu.memory_space<vmem>>) offsets(%dma_start3A_473 : memref<128xi32, #tpu.memory_space<vmem>>) semaphore(%dma_start3A_478 : memref<!tpu.dma_semaphore, #tpu.memory_space<semaphore_mem>>)
      } else {
      }
      %mul3A_148 = arith.constant 4 : i32
      %mul3A_149 = arith.muli %scan3A_46, %mul3A_148 : i32
      %add3A_150 = arith.constant 1 : i32
      %add3A_151 = arith.addi %mul3A_149, %add3A_150 : i32
      %mul3A_152 = arith.constant 128 : i32
      %mul3A_153 = arith.muli %add3A_151, %mul3A_152 : i32
      %dma_wait3A_154 = arith.constant 1 : i32
      %dma_wait3A_155 = tpu.memref_slice %arg6[%mul3A_153] : memref<10240xi32, #tpu.memory_space<vmem>> -> memref<128xi32, #tpu.memory_space<vmem>>
      %dma_wait3A_156 = arith.constant 0 : i32
      %dma_wait3A_157 = arith.constant 0 : i32
      %dma_wait3A_158 = tpu.memref_slice %arg2[%dma_wait3A_156, %dma_wait3A_157] : memref<10000x128xf32, #tpu.memory_space<hbm>> -> memref<10000x128xf32, #tpu.memory_space<hbm>>
      %dma_wait3A_159 = tpu.memref_slice %arg16[%dma_wait3A_154] : memref<4x!tpu.dma_semaphore, #tpu.memory_space<semaphore_mem>> -> memref<1x!tpu.dma_semaphore, #tpu.memory_space<semaphore_mem>>
      %dma_wait3A_160 = tpu.memref_squeeze %dma_wait3A_159 : memref<1x!tpu.dma_semaphore, #tpu.memory_space<semaphore_mem>> -> memref<!tpu.dma_semaphore, #tpu.memory_space<semaphore_mem>>
      tpu.wait_indirect_dma semaphore(%dma_wait3A_160 : memref<!tpu.dma_semaphore, #tpu.memory_space<semaphore_mem>>) src(%dma_wait3A_158 : memref<10000x128xf32, #tpu.memory_space<hbm>>) dst(%arg9 : memref<128x128xf32, #tpu.memory_space<vmem>>)
      %mul3A_161 = arith.constant 128 : i32
      %mul3A_162 = arith.muli %add3A_151, %mul3A_161 : i32
      %add3A_163 = arith.constant 0 : i32
      %add3A_164 = arith.addi %mul3A_162, %add3A_163 : i32
      %get3A_165 = arith.index_cast %add3A_164 : i32 to index
      %get3A_166 = tpu.vector_load %arg7[%get3A_165] {strides = array<i32>} : memref<10240xi32, #tpu.memory_space<vmem>>, vector<16xi32>,
      %swap3A_167 = arith.constant 0 : index
      %swap3A_168 = tpu.vector_load %arg13[%swap3A_167] {strides = array<i32>} : memref<128xi32, #tpu.memory_space<vmem>>, vector<16xi32>,
      %swap3A_169 = vector.shape_cast %swap3A_168 : vector<16xi32> to vector<16xi32>
      %swap3A_170 = vector.shape_cast %get3A_166 : vector<16xi32> to vector<16xi32>
      tpu.vector_store %arg13[%swap3A_167], %swap3A_170 {strides = array<i32>} : memref<128xi32, #tpu.memory_space<vmem>>, vector<16xi32>,
      %mul3A_171 = arith.constant 128 : i32
      %mul3A_172 = arith.muli %add3A_151, %mul3A_171 : i32
      %add3A_173 = arith.constant 16 : i32
      %add3A_174 = arith.addi %mul3A_172, %add3A_173 : i32
      %get3A_175 = arith.index_cast %add3A_174 : i32 to index
      %get3A_176 = tpu.vector_load %arg7[%get3A_175] {strides = array<i32>} : memref<10240xi32, #tpu.memory_space<vmem>>, vector<16xi32>,
      %swap3A_177 = arith.constant 16 : index
      %swap3A_178 = tpu.vector_load %arg13[%swap3A_177] {strides = array<i32>} : memref<128xi32, #tpu.memory_space<vmem>>, vector<16xi32>,
      %swap3A_179 = vector.shape_cast %swap3A_178 : vector<16xi32> to vector<16xi32>
      %swap3A_180 = vector.shape_cast %get3A_176 : vector<16xi32> to vector<16xi32>
      tpu.vector_store %arg13[%swap3A_177], %swap3A_180 {strides = array<i32>} : memref<128xi32, #tpu.memory_space<vmem>>, vector<16xi32>,
      %mul3A_181 = arith.constant 128 : i32
      %mul3A_182 = arith.muli %add3A_151, %mul3A_181 : i32
      %add3A_183 = arith.constant 32 : i32
      %add3A_184 = arith.addi %mul3A_182, %add3A_183 : i32
      %get3A_185 = arith.index_cast %add3A_184 : i32 to index
      %get3A_186 = tpu.vector_load %arg7[%get3A_185] {strides = array<i32>} : memref<10240xi32, #tpu.memory_space<vmem>>, vector<16xi32>,
      %swap3A_187 = arith.constant 32 : index
      %swap3A_188 = tpu.vector_load %arg13[%swap3A_187] {strides = array<i32>} : memref<128xi32, #tpu.memory_space<vmem>>, vector<16xi32>,
      %swap3A_189 = vector.shape_cast %swap3A_188 : vector<16xi32> to vector<16xi32>
      %swap3A_190 = vector.shape_cast %get3A_186 : vector<16xi32> to vector<16xi32>
      tpu.vector_store %arg13[%swap3A_187], %swap3A_190 {strides = array<i32>} : memref<128xi32, #tpu.memory_space<vmem>>, vector<16xi32>,
      %mul3A_191 = arith.constant 128 : i32
      %mul3A_192 = arith.muli %add3A_151, %mul3A_191 : i32
      %add3A_193 = arith.constant 48 : i32
      %add3A_194 = arith.addi %mul3A_192, %add3A_193 : i32
      %get3A_195 = arith.index_cast %add3A_194 : i32 to index
      %get3A_196 = tpu.vector_load %arg7[%get3A_195] {strides = array<i32>} : memref<10240xi32, #tpu.memory_space<vmem>>, vector<16xi32>,
      %swap3A_197 = arith.constant 48 : index
      %swap3A_198 = tpu.vector_load %arg13[%swap3A_197] {strides = array<i32>} : memref<128xi32, #tpu.memory_space<vmem>>, vector<16xi32>,
      %swap3A_199 = vector.shape_cast %swap3A_198 : vector<16xi32> to vector<16xi32>
      %swap3A_200 = vector.shape_cast %get3A_196 : vector<16xi32> to vector<16xi32>
      tpu.vector_store %arg13[%swap3A_197], %swap3A_200 {strides = array<i32>} : memref<128xi32, #tpu.memory_space<vmem>>, vector<16xi32>,
      %mul3A_201 = arith.constant 128 : i32
      %mul3A_202 = arith.muli %add3A_151, %mul3A_201 : i32
      %add3A_203 = arith.constant 64 : i32
      %add3A_204 = arith.addi %mul3A_202, %add3A_203 : i32
      %get3A_205 = arith.index_cast %add3A_204 : i32 to index
      %get3A_206 = tpu.vector_load %arg7[%get3A_205] {strides = array<i32>} : memref<10240xi32, #tpu.memory_space<vmem>>, vector<16xi32>,
      %swap3A_207 = arith.constant 64 : index
      %swap3A_208 = tpu.vector_load %arg13[%swap3A_207] {strides = array<i32>} : memref<128xi32, #tpu.memory_space<vmem>>, vector<16xi32>,
      %swap3A_209 = vector.shape_cast %swap3A_208 : vector<16xi32> to vector<16xi32>
      %swap3A_210 = vector.shape_cast %get3A_206 : vector<16xi32> to vector<16xi32>
      tpu.vector_store %arg13[%swap3A_207], %swap3A_210 {strides = array<i32>} : memref<128xi32, #tpu.memory_space<vmem>>, vector<16xi32>,
      %mul3A_211 = arith.constant 128 : i32
      %mul3A_212 = arith.muli %add3A_151, %mul3A_211 : i32
      %add3A_213 = arith.constant 80 : i32
      %add3A_214 = arith.addi %mul3A_212, %add3A_213 : i32
      %get3A_215 = arith.index_cast %add3A_214 : i32 to index
      %get3A_216 = tpu.vector_load %arg7[%get3A_215] {strides = array<i32>} : memref<10240xi32, #tpu.memory_space<vmem>>, vector<16xi32>,
      %swap3A_217 = arith.constant 80 : index
      %swap3A_218 = tpu.vector_load %arg13[%swap3A_217] {strides = array<i32>} : memref<128xi32, #tpu.memory_space<vmem>>, vector<16xi32>,
      %swap3A_219 = vector.shape_cast %swap3A_218 : vector<16xi32> to vector<16xi32>
      %swap3A_220 = vector.shape_cast %get3A_216 : vector<16xi32> to vector<16xi32>
      tpu.vector_store %arg13[%swap3A_217], %swap3A_220 {strides = array<i32>} : memref<128xi32, #tpu.memory_space<vmem>>, vector<16xi32>,
      %mul3A_221 = arith.constant 128 : i32
      %mul3A_222 = arith.muli %add3A_151, %mul3A_221 : i32
      %add3A_223 = arith.constant 96 : i32
      %add3A_224 = arith.addi %mul3A_222, %add3A_223 : i32
      %get3A_225 = arith.index_cast %add3A_224 : i32 to index
      %get3A_226 = tpu.vector_load %arg7[%get3A_225] {strides = array<i32>} : memref<10240xi32, #tpu.memory_space<vmem>>, vector<16xi32>,
      %swap3A_227 = arith.constant 96 : index
      %swap3A_228 = tpu.vector_load %arg13[%swap3A_227] {strides = array<i32>} : memref<128xi32, #tpu.memory_space<vmem>>, vector<16xi32>,
      %swap3A_229 = vector.shape_cast %swap3A_228 : vector<16xi32> to vector<16xi32>
      %swap3A_230 = vector.shape_cast %get3A_226 : vector<16xi32> to vector<16xi32>
      tpu.vector_store %arg13[%swap3A_227], %swap3A_230 {strides = array<i32>} : memref<128xi32, #tpu.memory_space<vmem>>, vector<16xi32>,
      %mul3A_231 = arith.constant 128 : i32
      %mul3A_232 = arith.muli %add3A_151, %mul3A_231 : i32
      %add3A_233 = arith.constant 112 : i32
      %add3A_234 = arith.addi %mul3A_232, %add3A_233 : i32
      %get3A_235 = arith.index_cast %add3A_234 : i32 to index
      %get3A_236 = tpu.vector_load %arg7[%get3A_235] {strides = array<i32>} : memref<10240xi32, #tpu.memory_space<vmem>>, vector<16xi32>,
      %swap3A_237 = arith.constant 112 : index
      %swap3A_238 = tpu.vector_load %arg13[%swap3A_237] {strides = array<i32>} : memref<128xi32, #tpu.memory_space<vmem>>, vector<16xi32>,
      %swap3A_239 = vector.shape_cast %swap3A_238 : vector<16xi32> to vector<16xi32>
      %swap3A_240 = vector.shape_cast %get3A_236 : vector<16xi32> to vector<16xi32>
      tpu.vector_store %arg13[%swap3A_237], %swap3A_240 {strides = array<i32>} : memref<128xi32, #tpu.memory_space<vmem>>, vector<16xi32>,
      %dma_start3A_241 = arith.constant 1 : i32
      %dma_start3A_242 = arith.constant 0 : i32
      %dma_start3A_243 = arith.constant 0 : i32
      %dma_start3A_244 = tpu.memref_slice %arg5[%dma_start3A_242, %dma_start3A_243] : memref<344064x128xf32, #tpu.memory_space<hbm>> -> memref<344064x128xf32, #tpu.memory_space<hbm>>
      %dma_start3A_245 = tpu.memref_slice %arg17[%dma_start3A_241] : memref<4x!tpu.dma_semaphore, #tpu.memory_space<semaphore_mem>> -> memref<1x!tpu.dma_semaphore, #tpu.memory_space<semaphore_mem>>
      %dma_start3A_246 = tpu.memref_squeeze %dma_start3A_245 : memref<1x!tpu.dma_semaphore, #tpu.memory_space<semaphore_mem>> -> memref<!tpu.dma_semaphore, #tpu.memory_space<semaphore_mem>>
      tpu.enqueue_indirect_dma source(%arg9 : memref<128x128xf32, #tpu.memory_space<vmem>>) target(%dma_start3A_244 : memref<344064x128xf32, #tpu.memory_space<hbm>>) offsets(%arg13 : memref<128xi32, #tpu.memory_space<vmem>>) semaphore(%dma_start3A_246 : memref<!tpu.dma_semaphore, #tpu.memory_space<semaphore_mem>>)
      %add3A_247 = arith.constant 2 : i32
      %add3A_248 = arith.addi %add3A_151, %add3A_247 : i32
      %lt3A_249 = arith.constant 80 : i32
      %lt3A_250 = arith.cmpi slt, %add3A_248, %lt3A_249 : i32
      %convert_element_type3A_251 = arith.extui %lt3A_250 : i1 to i32
      %cond3A_252 = arith.constant 0 : i32
      %cond3A_253 = arith.cmpi ne, %convert_element_type3A_251, %cond3A_252 : i32
      scf.if %cond3A_253 {
        %ge3A = arith.constant 4 : i32
        %ge3A_466 = arith.cmpi sge, %add3A_248, %ge3A : i32
        %convert_element_type3A_467 = arith.extui %ge3A_466 : i1 to i32
        %cond3A_468 = arith.constant 0 : i32
        %cond3A_469 = arith.cmpi ne, %convert_element_type3A_467, %cond3A_468 : i32
        scf.if %cond3A_469 {
          %sub3A = arith.constant 4 : i32
          %sub3A_479 = arith.subi %add3A_248, %sub3A : i32
          %dma_wait3A_480 = arith.constant 3 : i32
          %dma_wait3A_481 = arith.constant 0 : i32
          %dma_wait3A_482 = arith.constant 0 : i32
          %dma_wait3A_483 = tpu.memref_slice %arg5[%dma_wait3A_481, %dma_wait3A_482] : memref<344064x128xf32, #tpu.memory_space<hbm>> -> memref<344064x128xf32, #tpu.memory_space<hbm>>
          %dma_wait3A_484 = tpu.memref_slice %arg17[%dma_wait3A_480] : memref<4x!tpu.dma_semaphore, #tpu.memory_space<semaphore_mem>> -> memref<1x!tpu.dma_semaphore, #tpu.memory_space<semaphore_mem>>
          %dma_wait3A_485 = tpu.memref_squeeze %dma_wait3A_484 : memref<1x!tpu.dma_semaphore, #tpu.memory_space<semaphore_mem>> -> memref<!tpu.dma_semaphore, #tpu.memory_space<semaphore_mem>>
          tpu.wait_indirect_dma semaphore(%dma_wait3A_485 : memref<!tpu.dma_semaphore, #tpu.memory_space<semaphore_mem>>) src(%arg11 : memref<128x128xf32, #tpu.memory_space<vmem>>) dst(%dma_wait3A_483 : memref<344064x128xf32, #tpu.memory_space<hbm>>)
        } else {
        }
        %mul3A_470 = arith.constant 128 : i32
        %mul3A_471 = arith.muli %add3A_248, %mul3A_470 : i32
        %dma_start3A_472 = arith.constant 3 : i32
        %dma_start3A_473 = tpu.memref_slice %arg6[%mul3A_471] : memref<10240xi32, #tpu.memory_space<vmem>> -> memref<128xi32, #tpu.memory_space<vmem>>
        %dma_start3A_474 = arith.constant 0 : i32
        %dma_start3A_475 = arith.constant 0 : i32
        %dma_start3A_476 = tpu.memref_slice %arg2[%dma_start3A_474, %dma_start3A_475] : memref<10000x128xf32, #tpu.memory_space<hbm>> -> memref<10000x128xf32, #tpu.memory_space<hbm>>
        %dma_start3A_477 = tpu.memref_slice %arg16[%dma_start3A_472] : memref<4x!tpu.dma_semaphore, #tpu.memory_space<semaphore_mem>> -> memref<1x!tpu.dma_semaphore, #tpu.memory_space<semaphore_mem>>
        %dma_start3A_478 = tpu.memref_squeeze %dma_start3A_477 : memref<1x!tpu.dma_semaphore, #tpu.memory_space<semaphore_mem>> -> memref<!tpu.dma_semaphore, #tpu.memory_space<semaphore_mem>>
        tpu.enqueue_indirect_dma source(%dma_start3A_476 : memref<10000x128xf32, #tpu.memory_space<hbm>>) target(%arg11 : memref<128x128xf32, #tpu.memory_space<vmem>>) offsets(%dma_start3A_473 : memref<128xi32, #tpu.memory_space<vmem>>) semaphore(%dma_start3A_478 : memref<!tpu.dma_semaphore, #tpu.memory_space<semaphore_mem>>)
      } else {
      }
      %mul3A_254 = arith.constant 4 : i32
      %mul3A_255 = arith.muli %scan3A_46, %mul3A_254 : i32
      %add3A_256 = arith.constant 2 : i32
      %add3A_257 = arith.addi %mul3A_255, %add3A_256 : i32
      %mul3A_258 = arith.constant 128 : i32
      %mul3A_259 = arith.muli %add3A_257, %mul3A_258 : i32
      %dma_wait3A_260 = arith.constant 2 : i32
      %dma_wait3A_261 = tpu.memref_slice %arg6[%mul3A_259] : memref<10240xi32, #tpu.memory_space<vmem>> -> memref<128xi32, #tpu.memory_space<vmem>>
      %dma_wait3A_262 = arith.constant 0 : i32
      %dma_wait3A_263 = arith.constant 0 : i32
      %dma_wait3A_264 = tpu.memref_slice %arg2[%dma_wait3A_262, %dma_wait3A_263] : memref<10000x128xf32, #tpu.memory_space<hbm>> -> memref<10000x128xf32, #tpu.memory_space<hbm>>
      %dma_wait3A_265 = tpu.memref_slice %arg16[%dma_wait3A_260] : memref<4x!tpu.dma_semaphore, #tpu.memory_space<semaphore_mem>> -> memref<1x!tpu.dma_semaphore, #tpu.memory_space<semaphore_mem>>
      %dma_wait3A_266 = tpu.memref_squeeze %dma_wait3A_265 : memref<1x!tpu.dma_semaphore, #tpu.memory_space<semaphore_mem>> -> memref<!tpu.dma_semaphore, #tpu.memory_space<semaphore_mem>>
      tpu.wait_indirect_dma semaphore(%dma_wait3A_266 : memref<!tpu.dma_semaphore, #tpu.memory_space<semaphore_mem>>) src(%dma_wait3A_264 : memref<10000x128xf32, #tpu.memory_space<hbm>>) dst(%arg10 : memref<128x128xf32, #tpu.memory_space<vmem>>)
      %mul3A_267 = arith.constant 128 : i32
      %mul3A_268 = arith.muli %add3A_257, %mul3A_267 : i32
      %add3A_269 = arith.constant 0 : i32
      %add3A_270 = arith.addi %mul3A_268, %add3A_269 : i32
      %get3A_271 = arith.index_cast %add3A_270 : i32 to index
      %get3A_272 = tpu.vector_load %arg7[%get3A_271] {strides = array<i32>} : memref<10240xi32, #tpu.memory_space<vmem>>, vector<16xi32>,
      %swap3A_273 = arith.constant 0 : index
      %swap3A_274 = tpu.vector_load %arg14[%swap3A_273] {strides = array<i32>} : memref<128xi32, #tpu.memory_space<vmem>>, vector<16xi32>,
      %swap3A_275 = vector.shape_cast %swap3A_274 : vector<16xi32> to vector<16xi32>
      %swap3A_276 = vector.shape_cast %get3A_272 : vector<16xi32> to vector<16xi32>
      tpu.vector_store %arg14[%swap3A_273], %swap3A_276 {strides = array<i32>} : memref<128xi32, #tpu.memory_space<vmem>>, vector<16xi32>,
      %mul3A_277 = arith.constant 128 : i32
      %mul3A_278 = arith.muli %add3A_257, %mul3A_277 : i32
      %add3A_279 = arith.constant 16 : i32
      %add3A_280 = arith.addi %mul3A_278, %add3A_279 : i32
      %get3A_281 = arith.index_cast %add3A_280 : i32 to index
      %get3A_282 = tpu.vector_load %arg7[%get3A_281] {strides = array<i32>} : memref<10240xi32, #tpu.memory_space<vmem>>, vector<16xi32>,
      %swap3A_283 = arith.constant 16 : index
      %swap3A_284 = tpu.vector_load %arg14[%swap3A_283] {strides = array<i32>} : memref<128xi32, #tpu.memory_space<vmem>>, vector<16xi32>,
      %swap3A_285 = vector.shape_cast %swap3A_284 : vector<16xi32> to vector<16xi32>
      %swap3A_286 = vector.shape_cast %get3A_282 : vector<16xi32> to vector<16xi32>
      tpu.vector_store %arg14[%swap3A_283], %swap3A_286 {strides = array<i32>} : memref<128xi32, #tpu.memory_space<vmem>>, vector<16xi32>,
      %mul3A_287 = arith.constant 128 : i32
      %mul3A_288 = arith.muli %add3A_257, %mul3A_287 : i32
      %add3A_289 = arith.constant 32 : i32
      %add3A_290 = arith.addi %mul3A_288, %add3A_289 : i32
      %get3A_291 = arith.index_cast %add3A_290 : i32 to index
      %get3A_292 = tpu.vector_load %arg7[%get3A_291] {strides = array<i32>} : memref<10240xi32, #tpu.memory_space<vmem>>, vector<16xi32>,
      %swap3A_293 = arith.constant 32 : index
      %swap3A_294 = tpu.vector_load %arg14[%swap3A_293] {strides = array<i32>} : memref<128xi32, #tpu.memory_space<vmem>>, vector<16xi32>,
      %swap3A_295 = vector.shape_cast %swap3A_294 : vector<16xi32> to vector<16xi32>
      %swap3A_296 = vector.shape_cast %get3A_292 : vector<16xi32> to vector<16xi32>
      tpu.vector_store %arg14[%swap3A_293], %swap3A_296 {strides = array<i32>} : memref<128xi32, #tpu.memory_space<vmem>>, vector<16xi32>,
      %mul3A_297 = arith.constant 128 : i32
      %mul3A_298 = arith.muli %add3A_257, %mul3A_297 : i32
      %add3A_299 = arith.constant 48 : i32
      %add3A_300 = arith.addi %mul3A_298, %add3A_299 : i32
      %get3A_301 = arith.index_cast %add3A_300 : i32 to index
      %get3A_302 = tpu.vector_load %arg7[%get3A_301] {strides = array<i32>} : memref<10240xi32, #tpu.memory_space<vmem>>, vector<16xi32>,
      %swap3A_303 = arith.constant 48 : index
      %swap3A_304 = tpu.vector_load %arg14[%swap3A_303] {strides = array<i32>} : memref<128xi32, #tpu.memory_space<vmem>>, vector<16xi32>,
      %swap3A_305 = vector.shape_cast %swap3A_304 : vector<16xi32> to vector<16xi32>
      %swap3A_306 = vector.shape_cast %get3A_302 : vector<16xi32> to vector<16xi32>
      tpu.vector_store %arg14[%swap3A_303], %swap3A_306 {strides = array<i32>} : memref<128xi32, #tpu.memory_space<vmem>>, vector<16xi32>,
      %mul3A_307 = arith.constant 128 : i32
      %mul3A_308 = arith.muli %add3A_257, %mul3A_307 : i32
      %add3A_309 = arith.constant 64 : i32
      %add3A_310 = arith.addi %mul3A_308, %add3A_309 : i32
      %get3A_311 = arith.index_cast %add3A_310 : i32 to index
      %get3A_312 = tpu.vector_load %arg7[%get3A_311] {strides = array<i32>} : memref<10240xi32, #tpu.memory_space<vmem>>, vector<16xi32>,
      %swap3A_313 = arith.constant 64 : index
      %swap3A_314 = tpu.vector_load %arg14[%swap3A_313] {strides = array<i32>} : memref<128xi32, #tpu.memory_space<vmem>>, vector<16xi32>,
      %swap3A_315 = vector.shape_cast %swap3A_314 : vector<16xi32> to vector<16xi32>
      %swap3A_316 = vector.shape_cast %get3A_312 : vector<16xi32> to vector<16xi32>
      tpu.vector_store %arg14[%swap3A_313], %swap3A_316 {strides = array<i32>} : memref<128xi32, #tpu.memory_space<vmem>>, vector<16xi32>,
      %mul3A_317 = arith.constant 128 : i32
      %mul3A_318 = arith.muli %add3A_257, %mul3A_317 : i32
      %add3A_319 = arith.constant 80 : i32
      %add3A_320 = arith.addi %mul3A_318, %add3A_319 : i32
      %get3A_321 = arith.index_cast %add3A_320 : i32 to index
      %get3A_322 = tpu.vector_load %arg7[%get3A_321] {strides = array<i32>} : memref<10240xi32, #tpu.memory_space<vmem>>, vector<16xi32>,
      %swap3A_323 = arith.constant 80 : index
      %swap3A_324 = tpu.vector_load %arg14[%swap3A_323] {strides = array<i32>} : memref<128xi32, #tpu.memory_space<vmem>>, vector<16xi32>,
      %swap3A_325 = vector.shape_cast %swap3A_324 : vector<16xi32> to vector<16xi32>
      %swap3A_326 = vector.shape_cast %get3A_322 : vector<16xi32> to vector<16xi32>
      tpu.vector_store %arg14[%swap3A_323], %swap3A_326 {strides = array<i32>} : memref<128xi32, #tpu.memory_space<vmem>>, vector<16xi32>,
      %mul3A_327 = arith.constant 128 : i32
      %mul3A_328 = arith.muli %add3A_257, %mul3A_327 : i32
      %add3A_329 = arith.constant 96 : i32
      %add3A_330 = arith.addi %mul3A_328, %add3A_329 : i32
      %get3A_331 = arith.index_cast %add3A_330 : i32 to index
      %get3A_332 = tpu.vector_load %arg7[%get3A_331] {strides = array<i32>} : memref<10240xi32, #tpu.memory_space<vmem>>, vector<16xi32>,
      %swap3A_333 = arith.constant 96 : index
      %swap3A_334 = tpu.vector_load %arg14[%swap3A_333] {strides = array<i32>} : memref<128xi32, #tpu.memory_space<vmem>>, vector<16xi32>,
      %swap3A_335 = vector.shape_cast %swap3A_334 : vector<16xi32> to vector<16xi32>
      %swap3A_336 = vector.shape_cast %get3A_332 : vector<16xi32> to vector<16xi32>
      tpu.vector_store %arg14[%swap3A_333], %swap3A_336 {strides = array<i32>} : memref<128xi32, #tpu.memory_space<vmem>>, vector<16xi32>,
      %mul3A_337 = arith.constant 128 : i32
      %mul3A_338 = arith.muli %add3A_257, %mul3A_337 : i32
      %add3A_339 = arith.constant 112 : i32
      %add3A_340 = arith.addi %mul3A_338, %add3A_339 : i32
      %get3A_341 = arith.index_cast %add3A_340 : i32 to index
      %get3A_342 = tpu.vector_load %arg7[%get3A_341] {strides = array<i32>} : memref<10240xi32, #tpu.memory_space<vmem>>, vector<16xi32>,
      %swap3A_343 = arith.constant 112 : index
      %swap3A_344 = tpu.vector_load %arg14[%swap3A_343] {strides = array<i32>} : memref<128xi32, #tpu.memory_space<vmem>>, vector<16xi32>,
      %swap3A_345 = vector.shape_cast %swap3A_344 : vector<16xi32> to vector<16xi32>
      %swap3A_346 = vector.shape_cast %get3A_342 : vector<16xi32> to vector<16xi32>
      tpu.vector_store %arg14[%swap3A_343], %swap3A_346 {strides = array<i32>} : memref<128xi32, #tpu.memory_space<vmem>>, vector<16xi32>,
      %dma_start3A_347 = arith.constant 2 : i32
      %dma_start3A_348 = arith.constant 0 : i32
      %dma_start3A_349 = arith.constant 0 : i32
      %dma_start3A_350 = tpu.memref_slice %arg5[%dma_start3A_348, %dma_start3A_349] : memref<344064x128xf32, #tpu.memory_space<hbm>> -> memref<344064x128xf32, #tpu.memory_space<hbm>>
      %dma_start3A_351 = tpu.memref_slice %arg17[%dma_start3A_347] : memref<4x!tpu.dma_semaphore, #tpu.memory_space<semaphore_mem>> -> memref<1x!tpu.dma_semaphore, #tpu.memory_space<semaphore_mem>>
      %dma_start3A_352 = tpu.memref_squeeze %dma_start3A_351 : memref<1x!tpu.dma_semaphore, #tpu.memory_space<semaphore_mem>> -> memref<!tpu.dma_semaphore, #tpu.memory_space<semaphore_mem>>
      tpu.enqueue_indirect_dma source(%arg10 : memref<128x128xf32, #tpu.memory_space<vmem>>) target(%dma_start3A_350 : memref<344064x128xf32, #tpu.memory_space<hbm>>) offsets(%arg14 : memref<128xi32, #tpu.memory_space<vmem>>) semaphore(%dma_start3A_352 : memref<!tpu.dma_semaphore, #tpu.memory_space<semaphore_mem>>)
      %add3A_353 = arith.constant 2 : i32
      %add3A_354 = arith.addi %add3A_257, %add3A_353 : i32
      %lt3A_355 = arith.constant 80 : i32
      %lt3A_356 = arith.cmpi slt, %add3A_354, %lt3A_355 : i32
      %convert_element_type3A_357 = arith.extui %lt3A_356 : i1 to i32
      %cond3A_358 = arith.constant 0 : i32
      %cond3A_359 = arith.cmpi ne, %convert_element_type3A_357, %cond3A_358 : i32
      scf.if %cond3A_359 {
        %ge3A = arith.constant 4 : i32
        %ge3A_466 = arith.cmpi sge, %add3A_354, %ge3A : i32
        %convert_element_type3A_467 = arith.extui %ge3A_466 : i1 to i32
        %cond3A_468 = arith.constant 0 : i32
        %cond3A_469 = arith.cmpi ne, %convert_element_type3A_467, %cond3A_468 : i32
        scf.if %cond3A_469 {
          %sub3A = arith.constant 4 : i32
          %sub3A_479 = arith.subi %add3A_354, %sub3A : i32
          %dma_wait3A_480 = arith.constant 0 : i32
          %dma_wait3A_481 = arith.constant 0 : i32
          %dma_wait3A_482 = arith.constant 0 : i32
          %dma_wait3A_483 = tpu.memref_slice %arg5[%dma_wait3A_481, %dma_wait3A_482] : memref<344064x128xf32, #tpu.memory_space<hbm>> -> memref<344064x128xf32, #tpu.memory_space<hbm>>
          %dma_wait3A_484 = tpu.memref_slice %arg17[%dma_wait3A_480] : memref<4x!tpu.dma_semaphore, #tpu.memory_space<semaphore_mem>> -> memref<1x!tpu.dma_semaphore, #tpu.memory_space<semaphore_mem>>
          %dma_wait3A_485 = tpu.memref_squeeze %dma_wait3A_484 : memref<1x!tpu.dma_semaphore, #tpu.memory_space<semaphore_mem>> -> memref<!tpu.dma_semaphore, #tpu.memory_space<semaphore_mem>>
          tpu.wait_indirect_dma semaphore(%dma_wait3A_485 : memref<!tpu.dma_semaphore, #tpu.memory_space<semaphore_mem>>) src(%arg8 : memref<128x128xf32, #tpu.memory_space<vmem>>) dst(%dma_wait3A_483 : memref<344064x128xf32, #tpu.memory_space<hbm>>)
        } else {
        }
        %mul3A_470 = arith.constant 128 : i32
        %mul3A_471 = arith.muli %add3A_354, %mul3A_470 : i32
        %dma_start3A_472 = arith.constant 0 : i32
        %dma_start3A_473 = tpu.memref_slice %arg6[%mul3A_471] : memref<10240xi32, #tpu.memory_space<vmem>> -> memref<128xi32, #tpu.memory_space<vmem>>
        %dma_start3A_474 = arith.constant 0 : i32
        %dma_start3A_475 = arith.constant 0 : i32
        %dma_start3A_476 = tpu.memref_slice %arg2[%dma_start3A_474, %dma_start3A_475] : memref<10000x128xf32, #tpu.memory_space<hbm>> -> memref<10000x128xf32, #tpu.memory_space<hbm>>
        %dma_start3A_477 = tpu.memref_slice %arg16[%dma_start3A_472] : memref<4x!tpu.dma_semaphore, #tpu.memory_space<semaphore_mem>> -> memref<1x!tpu.dma_semaphore, #tpu.memory_space<semaphore_mem>>
        %dma_start3A_478 = tpu.memref_squeeze %dma_start3A_477 : memref<1x!tpu.dma_semaphore, #tpu.memory_space<semaphore_mem>> -> memref<!tpu.dma_semaphore, #tpu.memory_space<semaphore_mem>>
        tpu.enqueue_indirect_dma source(%dma_start3A_476 : memref<10000x128xf32, #tpu.memory_space<hbm>>) target(%arg8 : memref<128x128xf32, #tpu.memory_space<vmem>>) offsets(%dma_start3A_473 : memref<128xi32, #tpu.memory_space<vmem>>) semaphore(%dma_start3A_478 : memref<!tpu.dma_semaphore, #tpu.memory_space<semaphore_mem>>)
      } else {
      }
      %mul3A_360 = arith.constant 4 : i32
      %mul3A_361 = arith.muli %scan3A_46, %mul3A_360 : i32
      %add3A_362 = arith.constant 3 : i32
      %add3A_363 = arith.addi %mul3A_361, %add3A_362 : i32
      %mul3A_364 = arith.constant 128 : i32
      %mul3A_365 = arith.muli %add3A_363, %mul3A_364 : i32
      %dma_wait3A_366 = arith.constant 3 : i32
      %dma_wait3A_367 = tpu.memref_slice %arg6[%mul3A_365] : memref<10240xi32, #tpu.memory_space<vmem>> -> memref<128xi32, #tpu.memory_space<vmem>>
      %dma_wait3A_368 = arith.constant 0 : i32
      %dma_wait3A_369 = arith.constant 0 : i32
      %dma_wait3A_370 = tpu.memref_slice %arg2[%dma_wait3A_368, %dma_wait3A_369] : memref<10000x128xf32, #tpu.memory_space<hbm>> -> memref<10000x128xf32, #tpu.memory_space<hbm>>
      %dma_wait3A_371 = tpu.memref_slice %arg16[%dma_wait3A_366] : memref<4x!tpu.dma_semaphore, #tpu.memory_space<semaphore_mem>> -> memref<1x!tpu.dma_semaphore, #tpu.memory_space<semaphore_mem>>
      %dma_wait3A_372 = tpu.memref_squeeze %dma_wait3A_371 : memref<1x!tpu.dma_semaphore, #tpu.memory_space<semaphore_mem>> -> memref<!tpu.dma_semaphore, #tpu.memory_space<semaphore_mem>>
      tpu.wait_indirect_dma semaphore(%dma_wait3A_372 : memref<!tpu.dma_semaphore, #tpu.memory_space<semaphore_mem>>) src(%dma_wait3A_370 : memref<10000x128xf32, #tpu.memory_space<hbm>>) dst(%arg11 : memref<128x128xf32, #tpu.memory_space<vmem>>)
      %mul3A_373 = arith.constant 128 : i32
      %mul3A_374 = arith.muli %add3A_363, %mul3A_373 : i32
      %add3A_375 = arith.constant 0 : i32
      %add3A_376 = arith.addi %mul3A_374, %add3A_375 : i32
      %get3A_377 = arith.index_cast %add3A_376 : i32 to index
      %get3A_378 = tpu.vector_load %arg7[%get3A_377] {strides = array<i32>} : memref<10240xi32, #tpu.memory_space<vmem>>, vector<16xi32>,
      %swap3A_379 = arith.constant 0 : index
      %swap3A_380 = tpu.vector_load %arg15[%swap3A_379] {strides = array<i32>} : memref<128xi32, #tpu.memory_space<vmem>>, vector<16xi32>,
      %swap3A_381 = vector.shape_cast %swap3A_380 : vector<16xi32> to vector<16xi32>
      %swap3A_382 = vector.shape_cast %get3A_378 : vector<16xi32> to vector<16xi32>
      tpu.vector_store %arg15[%swap3A_379], %swap3A_382 {strides = array<i32>} : memref<128xi32, #tpu.memory_space<vmem>>, vector<16xi32>,
      %mul3A_383 = arith.constant 128 : i32
      %mul3A_384 = arith.muli %add3A_363, %mul3A_383 : i32
      %add3A_385 = arith.constant 16 : i32
      %add3A_386 = arith.addi %mul3A_384, %add3A_385 : i32
      %get3A_387 = arith.index_cast %add3A_386 : i32 to index
      %get3A_388 = tpu.vector_load %arg7[%get3A_387] {strides = array<i32>} : memref<10240xi32, #tpu.memory_space<vmem>>, vector<16xi32>,
      %swap3A_389 = arith.constant 16 : index
      %swap3A_390 = tpu.vector_load %arg15[%swap3A_389] {strides = array<i32>} : memref<128xi32, #tpu.memory_space<vmem>>, vector<16xi32>,
      %swap3A_391 = vector.shape_cast %swap3A_390 : vector<16xi32> to vector<16xi32>
      %swap3A_392 = vector.shape_cast %get3A_388 : vector<16xi32> to vector<16xi32>
      tpu.vector_store %arg15[%swap3A_389], %swap3A_392 {strides = array<i32>} : memref<128xi32, #tpu.memory_space<vmem>>, vector<16xi32>,
      %mul3A_393 = arith.constant 128 : i32
      %mul3A_394 = arith.muli %add3A_363, %mul3A_393 : i32
      %add3A_395 = arith.constant 32 : i32
      %add3A_396 = arith.addi %mul3A_394, %add3A_395 : i32
      %get3A_397 = arith.index_cast %add3A_396 : i32 to index
      %get3A_398 = tpu.vector_load %arg7[%get3A_397] {strides = array<i32>} : memref<10240xi32, #tpu.memory_space<vmem>>, vector<16xi32>,
      %swap3A_399 = arith.constant 32 : index
      %swap3A_400 = tpu.vector_load %arg15[%swap3A_399] {strides = array<i32>} : memref<128xi32, #tpu.memory_space<vmem>>, vector<16xi32>,
      %swap3A_401 = vector.shape_cast %swap3A_400 : vector<16xi32> to vector<16xi32>
      %swap3A_402 = vector.shape_cast %get3A_398 : vector<16xi32> to vector<16xi32>
      tpu.vector_store %arg15[%swap3A_399], %swap3A_402 {strides = array<i32>} : memref<128xi32, #tpu.memory_space<vmem>>, vector<16xi32>,
      %mul3A_403 = arith.constant 128 : i32
      %mul3A_404 = arith.muli %add3A_363, %mul3A_403 : i32
      %add3A_405 = arith.constant 48 : i32
      %add3A_406 = arith.addi %mul3A_404, %add3A_405 : i32
      %get3A_407 = arith.index_cast %add3A_406 : i32 to index
      %get3A_408 = tpu.vector_load %arg7[%get3A_407] {strides = array<i32>} : memref<10240xi32, #tpu.memory_space<vmem>>, vector<16xi32>,
      %swap3A_409 = arith.constant 48 : index
      %swap3A_410 = tpu.vector_load %arg15[%swap3A_409] {strides = array<i32>} : memref<128xi32, #tpu.memory_space<vmem>>, vector<16xi32>,
      %swap3A_411 = vector.shape_cast %swap3A_410 : vector<16xi32> to vector<16xi32>
      %swap3A_412 = vector.shape_cast %get3A_408 : vector<16xi32> to vector<16xi32>
      tpu.vector_store %arg15[%swap3A_409], %swap3A_412 {strides = array<i32>} : memref<128xi32, #tpu.memory_space<vmem>>, vector<16xi32>,
      %mul3A_413 = arith.constant 128 : i32
      %mul3A_414 = arith.muli %add3A_363, %mul3A_413 : i32
      %add3A_415 = arith.constant 64 : i32
      %add3A_416 = arith.addi %mul3A_414, %add3A_415 : i32
      %get3A_417 = arith.index_cast %add3A_416 : i32 to index
      %get3A_418 = tpu.vector_load %arg7[%get3A_417] {strides = array<i32>} : memref<10240xi32, #tpu.memory_space<vmem>>, vector<16xi32>,
      %swap3A_419 = arith.constant 64 : index
      %swap3A_420 = tpu.vector_load %arg15[%swap3A_419] {strides = array<i32>} : memref<128xi32, #tpu.memory_space<vmem>>, vector<16xi32>,
      %swap3A_421 = vector.shape_cast %swap3A_420 : vector<16xi32> to vector<16xi32>
      %swap3A_422 = vector.shape_cast %get3A_418 : vector<16xi32> to vector<16xi32>
      tpu.vector_store %arg15[%swap3A_419], %swap3A_422 {strides = array<i32>} : memref<128xi32, #tpu.memory_space<vmem>>, vector<16xi32>,
      %mul3A_423 = arith.constant 128 : i32
      %mul3A_424 = arith.muli %add3A_363, %mul3A_423 : i32
      %add3A_425 = arith.constant 80 : i32
      %add3A_426 = arith.addi %mul3A_424, %add3A_425 : i32
      %get3A_427 = arith.index_cast %add3A_426 : i32 to index
      %get3A_428 = tpu.vector_load %arg7[%get3A_427] {strides = array<i32>} : memref<10240xi32, #tpu.memory_space<vmem>>, vector<16xi32>,
      %swap3A_429 = arith.constant 80 : index
      %swap3A_430 = tpu.vector_load %arg15[%swap3A_429] {strides = array<i32>} : memref<128xi32, #tpu.memory_space<vmem>>, vector<16xi32>,
      %swap3A_431 = vector.shape_cast %swap3A_430 : vector<16xi32> to vector<16xi32>
      %swap3A_432 = vector.shape_cast %get3A_428 : vector<16xi32> to vector<16xi32>
      tpu.vector_store %arg15[%swap3A_429], %swap3A_432 {strides = array<i32>} : memref<128xi32, #tpu.memory_space<vmem>>, vector<16xi32>,
      %mul3A_433 = arith.constant 128 : i32
      %mul3A_434 = arith.muli %add3A_363, %mul3A_433 : i32
      %add3A_435 = arith.constant 96 : i32
      %add3A_436 = arith.addi %mul3A_434, %add3A_435 : i32
      %get3A_437 = arith.index_cast %add3A_436 : i32 to index
      %get3A_438 = tpu.vector_load %arg7[%get3A_437] {strides = array<i32>} : memref<10240xi32, #tpu.memory_space<vmem>>, vector<16xi32>,
      %swap3A_439 = arith.constant 96 : index
      %swap3A_440 = tpu.vector_load %arg15[%swap3A_439] {strides = array<i32>} : memref<128xi32, #tpu.memory_space<vmem>>, vector<16xi32>,
      %swap3A_441 = vector.shape_cast %swap3A_440 : vector<16xi32> to vector<16xi32>
      %swap3A_442 = vector.shape_cast %get3A_438 : vector<16xi32> to vector<16xi32>
      tpu.vector_store %arg15[%swap3A_439], %swap3A_442 {strides = array<i32>} : memref<128xi32, #tpu.memory_space<vmem>>, vector<16xi32>,
      %mul3A_443 = arith.constant 128 : i32
      %mul3A_444 = arith.muli %add3A_363, %mul3A_443 : i32
      %add3A_445 = arith.constant 112 : i32
      %add3A_446 = arith.addi %mul3A_444, %add3A_445 : i32
      %get3A_447 = arith.index_cast %add3A_446 : i32 to index
      %get3A_448 = tpu.vector_load %arg7[%get3A_447] {strides = array<i32>} : memref<10240xi32, #tpu.memory_space<vmem>>, vector<16xi32>,
      %swap3A_449 = arith.constant 112 : index
      %swap3A_450 = tpu.vector_load %arg15[%swap3A_449] {strides = array<i32>} : memref<128xi32, #tpu.memory_space<vmem>>, vector<16xi32>,
      %swap3A_451 = vector.shape_cast %swap3A_450 : vector<16xi32> to vector<16xi32>
      %swap3A_452 = vector.shape_cast %get3A_448 : vector<16xi32> to vector<16xi32>
      tpu.vector_store %arg15[%swap3A_449], %swap3A_452 {strides = array<i32>} : memref<128xi32, #tpu.memory_space<vmem>>, vector<16xi32>,
      %dma_start3A_453 = arith.constant 3 : i32
      %dma_start3A_454 = arith.constant 0 : i32
      %dma_start3A_455 = arith.constant 0 : i32
      %dma_start3A_456 = tpu.memref_slice %arg5[%dma_start3A_454, %dma_start3A_455] : memref<344064x128xf32, #tpu.memory_space<hbm>> -> memref<344064x128xf32, #tpu.memory_space<hbm>>
      %dma_start3A_457 = tpu.memref_slice %arg17[%dma_start3A_453] : memref<4x!tpu.dma_semaphore, #tpu.memory_space<semaphore_mem>> -> memref<1x!tpu.dma_semaphore, #tpu.memory_space<semaphore_mem>>
      %dma_start3A_458 = tpu.memref_squeeze %dma_start3A_457 : memref<1x!tpu.dma_semaphore, #tpu.memory_space<semaphore_mem>> -> memref<!tpu.dma_semaphore, #tpu.memory_space<semaphore_mem>>
      tpu.enqueue_indirect_dma source(%arg11 : memref<128x128xf32, #tpu.memory_space<vmem>>) target(%dma_start3A_456 : memref<344064x128xf32, #tpu.memory_space<hbm>>) offsets(%arg15 : memref<128xi32, #tpu.memory_space<vmem>>) semaphore(%dma_start3A_458 : memref<!tpu.dma_semaphore, #tpu.memory_space<semaphore_mem>>)
      %add3A_459 = arith.constant 2 : i32
      %add3A_460 = arith.addi %add3A_363, %add3A_459 : i32
      %lt3A_461 = arith.constant 80 : i32
      %lt3A_462 = arith.cmpi slt, %add3A_460, %lt3A_461 : i32
      %convert_element_type3A_463 = arith.extui %lt3A_462 : i1 to i32
      %cond3A_464 = arith.constant 0 : i32
      %cond3A_465 = arith.cmpi ne, %convert_element_type3A_463, %cond3A_464 : i32
      scf.if %cond3A_465 {
        %ge3A = arith.constant 4 : i32
        %ge3A_466 = arith.cmpi sge, %add3A_460, %ge3A : i32
        %convert_element_type3A_467 = arith.extui %ge3A_466 : i1 to i32
        %cond3A_468 = arith.constant 0 : i32
        %cond3A_469 = arith.cmpi ne, %convert_element_type3A_467, %cond3A_468 : i32
        scf.if %cond3A_469 {
          %sub3A = arith.constant 4 : i32
          %sub3A_479 = arith.subi %add3A_460, %sub3A : i32
          %dma_wait3A_480 = arith.constant 1 : i32
          %dma_wait3A_481 = arith.constant 0 : i32
          %dma_wait3A_482 = arith.constant 0 : i32
          %dma_wait3A_483 = tpu.memref_slice %arg5[%dma_wait3A_481, %dma_wait3A_482] : memref<344064x128xf32, #tpu.memory_space<hbm>> -> memref<344064x128xf32, #tpu.memory_space<hbm>>
          %dma_wait3A_484 = tpu.memref_slice %arg17[%dma_wait3A_480] : memref<4x!tpu.dma_semaphore, #tpu.memory_space<semaphore_mem>> -> memref<1x!tpu.dma_semaphore, #tpu.memory_space<semaphore_mem>>
          %dma_wait3A_485 = tpu.memref_squeeze %dma_wait3A_484 : memref<1x!tpu.dma_semaphore, #tpu.memory_space<semaphore_mem>> -> memref<!tpu.dma_semaphore, #tpu.memory_space<semaphore_mem>>
          tpu.wait_indirect_dma semaphore(%dma_wait3A_485 : memref<!tpu.dma_semaphore, #tpu.memory_space<semaphore_mem>>) src(%arg9 : memref<128x128xf32, #tpu.memory_space<vmem>>) dst(%dma_wait3A_483 : memref<344064x128xf32, #tpu.memory_space<hbm>>)
        } else {
        }
        %mul3A_470 = arith.constant 128 : i32
        %mul3A_471 = arith.muli %add3A_460, %mul3A_470 : i32
        %dma_start3A_472 = arith.constant 1 : i32
        %dma_start3A_473 = tpu.memref_slice %arg6[%mul3A_471] : memref<10240xi32, #tpu.memory_space<vmem>> -> memref<128xi32, #tpu.memory_space<vmem>>
        %dma_start3A_474 = arith.constant 0 : i32
        %dma_start3A_475 = arith.constant 0 : i32
        %dma_start3A_476 = tpu.memref_slice %arg2[%dma_start3A_474, %dma_start3A_475] : memref<10000x128xf32, #tpu.memory_space<hbm>> -> memref<10000x128xf32, #tpu.memory_space<hbm>>
        %dma_start3A_477 = tpu.memref_slice %arg16[%dma_start3A_472] : memref<4x!tpu.dma_semaphore, #tpu.memory_space<semaphore_mem>> -> memref<1x!tpu.dma_semaphore, #tpu.memory_space<semaphore_mem>>
        %dma_start3A_478 = tpu.memref_squeeze %dma_start3A_477 : memref<1x!tpu.dma_semaphore, #tpu.memory_space<semaphore_mem>> -> memref<!tpu.dma_semaphore, #tpu.memory_space<semaphore_mem>>
        tpu.enqueue_indirect_dma source(%dma_start3A_476 : memref<10000x128xf32, #tpu.memory_space<hbm>>) target(%arg9 : memref<128x128xf32, #tpu.memory_space<vmem>>) offsets(%dma_start3A_473 : memref<128xi32, #tpu.memory_space<vmem>>) semaphore(%dma_start3A_478 : memref<!tpu.dma_semaphore, #tpu.memory_space<semaphore_mem>>)
      } else {
      }
    }
    %scan3A_22 = arith.constant 20 : i32
    %dma_wait3A = arith.constant 0 : i32
    %dma_wait3A_23 = arith.constant 0 : i32
    %dma_wait3A_24 = arith.constant 0 : i32
    %dma_wait3A_25 = tpu.memref_slice %arg5[%dma_wait3A_23, %dma_wait3A_24] : memref<344064x128xf32, #tpu.memory_space<hbm>> -> memref<344064x128xf32, #tpu.memory_space<hbm>>
    %dma_wait3A_26 = tpu.memref_slice %arg17[%dma_wait3A] : memref<4x!tpu.dma_semaphore, #tpu.memory_space<semaphore_mem>> -> memref<1x!tpu.dma_semaphore, #tpu.memory_space<semaphore_mem>>
    %dma_wait3A_27 = tpu.memref_squeeze %dma_wait3A_26 : memref<1x!tpu.dma_semaphore, #tpu.memory_space<semaphore_mem>> -> memref<!tpu.dma_semaphore, #tpu.memory_space<semaphore_mem>>
    tpu.wait_indirect_dma semaphore(%dma_wait3A_27 : memref<!tpu.dma_semaphore, #tpu.memory_space<semaphore_mem>>) src(%arg8 : memref<128x128xf32, #tpu.memory_space<vmem>>) dst(%dma_wait3A_25 : memref<344064x128xf32, #tpu.memory_space<hbm>>)
    %dma_wait3A_28 = arith.constant 1 : i32
    %dma_wait3A_29 = arith.constant 0 : i32
    %dma_wait3A_30 = arith.constant 0 : i32
    %dma_wait3A_31 = tpu.memref_slice %arg5[%dma_wait3A_29, %dma_wait3A_30] : memref<344064x128xf32, #tpu.memory_space<hbm>> -> memref<344064x128xf32, #tpu.memory_space<hbm>>
    %dma_wait3A_32 = tpu.memref_slice %arg17[%dma_wait3A_28] : memref<4x!tpu.dma_semaphore, #tpu.memory_space<semaphore_mem>> -> memref<1x!tpu.dma_semaphore, #tpu.memory_space<semaphore_mem>>
    %dma_wait3A_33 = tpu.memref_squeeze %dma_wait3A_32 : memref<1x!tpu.dma_semaphore, #tpu.memory_space<semaphore_mem>> -> memref<!tpu.dma_semaphore, #tpu.memory_space<semaphore_mem>>
    tpu.wait_indirect_dma semaphore(%dma_wait3A_33 : memref<!tpu.dma_semaphore, #tpu.memory_space<semaphore_mem>>) src(%arg9 : memref<128x128xf32, #tpu.memory_space<vmem>>) dst(%dma_wait3A_31 : memref<344064x128xf32, #tpu.memory_space<hbm>>)
    %dma_wait3A_34 = arith.constant 2 : i32
    %dma_wait3A_35 = arith.constant 0 : i32
    %dma_wait3A_36 = arith.constant 0 : i32
    %dma_wait3A_37 = tpu.memref_slice %arg5[%dma_wait3A_35, %dma_wait3A_36] : memref<344064x128xf32, #tpu.memory_space<hbm>> -> memref<344064x128xf32, #tpu.memory_space<hbm>>
    %dma_wait3A_38 = tpu.memref_slice %arg17[%dma_wait3A_34] : memref<4x!tpu.dma_semaphore, #tpu.memory_space<semaphore_mem>> -> memref<1x!tpu.dma_semaphore, #tpu.memory_space<semaphore_mem>>
    %dma_wait3A_39 = tpu.memref_squeeze %dma_wait3A_38 : memref<1x!tpu.dma_semaphore, #tpu.memory_space<semaphore_mem>> -> memref<!tpu.dma_semaphore, #tpu.memory_space<semaphore_mem>>
    tpu.wait_indirect_dma semaphore(%dma_wait3A_39 : memref<!tpu.dma_semaphore, #tpu.memory_space<semaphore_mem>>) src(%arg10 : memref<128x128xf32, #tpu.memory_space<vmem>>) dst(%dma_wait3A_37 : memref<344064x128xf32, #tpu.memory_space<hbm>>)
    %dma_wait3A_40 = arith.constant 3 : i32
    %dma_wait3A_41 = arith.constant 0 : i32
    %dma_wait3A_42 = arith.constant 0 : i32
    %dma_wait3A_43 = tpu.memref_slice %arg5[%dma_wait3A_41, %dma_wait3A_42] : memref<344064x128xf32, #tpu.memory_space<hbm>> -> memref<344064x128xf32, #tpu.memory_space<hbm>>
    %dma_wait3A_44 = tpu.memref_slice %arg17[%dma_wait3A_40] : memref<4x!tpu.dma_semaphore, #tpu.memory_space<semaphore_mem>> -> memref<1x!tpu.dma_semaphore, #tpu.memory_space<semaphore_mem>>
    %dma_wait3A_45 = tpu.memref_squeeze %dma_wait3A_44 : memref<1x!tpu.dma_semaphore, #tpu.memory_space<semaphore_mem>> -> memref<!tpu.dma_semaphore, #tpu.memory_space<semaphore_mem>>
    tpu.wait_indirect_dma semaphore(%dma_wait3A_45 : memref<!tpu.dma_semaphore, #tpu.memory_space<semaphore_mem>>) src(%arg11 : memref<128x128xf32, #tpu.memory_space<vmem>>) dst(%dma_wait3A_43 : memref<344064x128xf32, #tpu.memory_space<hbm>>)
    return
  }
}

#map = affine_map<(d0, d1) -> (0, 0)>
#map1 = affine_map<(d0, d1) -> (0)>
module attributes {stable_mosaic.version = 14 : i64} {
  func.func @k(%arg0: i32, %arg1: i32, %arg2: memref<10240x256xf32, #tpu.memory_space<hbm>>, %arg3: memref<327680xi32, #tpu.memory_space<hbm>>, %arg4: memref<327680xi32, #tpu.memory_space<hbm>>, %arg5: memref<344064x256xf32, #tpu.memory_space<hbm>>, %arg6: memref<10240xi32, #tpu.memory_space<vmem>>, %arg7: memref<10240xi32, #tpu.memory_space<vmem>>, %arg8: memref<64x256xf32, #tpu.memory_space<vmem>>, %arg9: memref<64x256xf32, #tpu.memory_space<vmem>>, %arg10: memref<64x256xf32, #tpu.memory_space<vmem>>, %arg11: memref<64x256xf32, #tpu.memory_space<vmem>>, %arg12: memref<64xi32, #tpu.memory_space<vmem>>, %arg13: memref<64xi32, #tpu.memory_space<vmem>>, %arg14: memref<64xi32, #tpu.memory_space<vmem>>, %arg15: memref<64xi32, #tpu.memory_space<vmem>>, %arg16: memref<4x!tpu.dma_semaphore, #tpu.memory_space<semaphore_mem>>, %arg17: memref<4x!tpu.dma_semaphore, #tpu.memory_space<semaphore_mem>>) attributes {dimension_semantics = [#tpu.dimension_semantics<core_parallel>, #tpu.dimension_semantics<subcore_parallel>], iteration_bounds = array<i64: 2, 16>, scalar_prefetch = 0 : i64, scratch_operands = 12 : i64, tpu.core_type = #tpu.core_type<sc_vector_subcore>, window_params = [{transform_indices = #map}, {transform_indices = #map1}, {transform_indices = #map1}, {transform_indices = #map}]} {
    %mul3A = arith.constant 2 : i32
    %mul3A_0 = arith.muli %arg1, %mul3A : i32
    %add3A = arith.addi %mul3A_0, %arg0 : i32
    %mul3A_1 = arith.constant 10240 : i32
    %mul3A_2 = arith.muli %add3A, %mul3A_1 : i32
    "tpu.region"() ({
      %run_scoped3A = tpu.sem_alloc : memref<!tpu.dma_semaphore, #tpu.memory_space<semaphore_mem>>
      %dma_start3A_46 = tpu.memref_slice %arg3[%mul3A_2] : memref<327680xi32, #tpu.memory_space<hbm>> -> memref<10240xi32, #tpu.memory_space<hbm>>
      %dma_start3A_47 = tpu.memref_slice %arg3[%mul3A_2] : memref<327680xi32, #tpu.memory_space<hbm>> -> memref<10240xi32, #tpu.memory_space<hbm>>
      tpu.enqueue_dma source(%dma_start3A_47 : memref<10240xi32, #tpu.memory_space<hbm>>) target(%arg6 : memref<10240xi32, #tpu.memory_space<vmem>>) target_semaphore(%run_scoped3A : memref<!tpu.dma_semaphore, #tpu.memory_space<semaphore_mem>>)
      %dma_wait3A_48 = tpu.memref_slice %arg3[%mul3A_2] : memref<327680xi32, #tpu.memory_space<hbm>> -> memref<10240xi32, #tpu.memory_space<hbm>>
      %dma_wait3A_49 = tpu.memref_slice %arg3[%mul3A_2] : memref<327680xi32, #tpu.memory_space<hbm>> -> memref<10240xi32, #tpu.memory_space<hbm>>
      tpu.wait_dma2 semaphore(%run_scoped3A : memref<!tpu.dma_semaphore, #tpu.memory_space<semaphore_mem>>) src(%dma_wait3A_49 : memref<10240xi32, #tpu.memory_space<hbm>>) dst(%arg6 : memref<10240xi32, #tpu.memory_space<vmem>>)
      tpu.yield
    }) : () -> ()
    "tpu.region"() ({
      %run_scoped3A = tpu.sem_alloc : memref<!tpu.dma_semaphore, #tpu.memory_space<semaphore_mem>>
      %dma_start3A_46 = tpu.memref_slice %arg4[%mul3A_2] : memref<327680xi32, #tpu.memory_space<hbm>> -> memref<10240xi32, #tpu.memory_space<hbm>>
      %dma_start3A_47 = tpu.memref_slice %arg4[%mul3A_2] : memref<327680xi32, #tpu.memory_space<hbm>> -> memref<10240xi32, #tpu.memory_space<hbm>>
      tpu.enqueue_dma source(%dma_start3A_47 : memref<10240xi32, #tpu.memory_space<hbm>>) target(%arg7 : memref<10240xi32, #tpu.memory_space<vmem>>) target_semaphore(%run_scoped3A : memref<!tpu.dma_semaphore, #tpu.memory_space<semaphore_mem>>)
      %dma_wait3A_48 = tpu.memref_slice %arg4[%mul3A_2] : memref<327680xi32, #tpu.memory_space<hbm>> -> memref<10240xi32, #tpu.memory_space<hbm>>
      %dma_wait3A_49 = tpu.memref_slice %arg4[%mul3A_2] : memref<327680xi32, #tpu.memory_space<hbm>> -> memref<10240xi32, #tpu.memory_space<hbm>>
      tpu.wait_dma2 semaphore(%run_scoped3A : memref<!tpu.dma_semaphore, #tpu.memory_space<semaphore_mem>>) src(%dma_wait3A_49 : memref<10240xi32, #tpu.memory_space<hbm>>) dst(%arg7 : memref<10240xi32, #tpu.memory_space<vmem>>)
      tpu.yield
    }) : () -> ()
    %dma_start3A = arith.constant 0 : i32
    %dma_start3A_3 = arith.constant 0 : i32
    %dma_start3A_4 = tpu.memref_slice %arg6[%dma_start3A_3] : memref<10240xi32, #tpu.memory_space<vmem>> -> memref<64xi32, #tpu.memory_space<vmem>>
    %dma_start3A_5 = arith.constant 0 : i32
    %dma_start3A_6 = arith.constant 0 : i32
    %dma_start3A_7 = tpu.memref_slice %arg2[%dma_start3A_5, %dma_start3A_6] : memref<10240x256xf32, #tpu.memory_space<hbm>> -> memref<10240x256xf32, #tpu.memory_space<hbm>>
    %dma_start3A_8 = tpu.memref_slice %arg16[%dma_start3A] : memref<4x!tpu.dma_semaphore, #tpu.memory_space<semaphore_mem>> -> memref<1x!tpu.dma_semaphore, #tpu.memory_space<semaphore_mem>>
    %dma_start3A_9 = tpu.memref_squeeze %dma_start3A_8 : memref<1x!tpu.dma_semaphore, #tpu.memory_space<semaphore_mem>> -> memref<!tpu.dma_semaphore, #tpu.memory_space<semaphore_mem>>
    tpu.enqueue_indirect_dma source(%dma_start3A_7 : memref<10240x256xf32, #tpu.memory_space<hbm>>) target(%arg8 : memref<64x256xf32, #tpu.memory_space<vmem>>) offsets(%dma_start3A_4 : memref<64xi32, #tpu.memory_space<vmem>>) semaphore(%dma_start3A_9 : memref<!tpu.dma_semaphore, #tpu.memory_space<semaphore_mem>>)
    %dma_start3A_10 = arith.constant 1 : i32
    %dma_start3A_11 = arith.constant 64 : i32
    %dma_start3A_12 = tpu.memref_slice %arg6[%dma_start3A_11] : memref<10240xi32, #tpu.memory_space<vmem>> -> memref<64xi32, #tpu.memory_space<vmem>>
    %dma_start3A_13 = arith.constant 0 : i32
    %dma_start3A_14 = arith.constant 0 : i32
    %dma_start3A_15 = tpu.memref_slice %arg2[%dma_start3A_13, %dma_start3A_14] : memref<10240x256xf32, #tpu.memory_space<hbm>> -> memref<10240x256xf32, #tpu.memory_space<hbm>>
    %dma_start3A_16 = tpu.memref_slice %arg16[%dma_start3A_10] : memref<4x!tpu.dma_semaphore, #tpu.memory_space<semaphore_mem>> -> memref<1x!tpu.dma_semaphore, #tpu.memory_space<semaphore_mem>>
    %dma_start3A_17 = tpu.memref_squeeze %dma_start3A_16 : memref<1x!tpu.dma_semaphore, #tpu.memory_space<semaphore_mem>> -> memref<!tpu.dma_semaphore, #tpu.memory_space<semaphore_mem>>
    tpu.enqueue_indirect_dma source(%dma_start3A_15 : memref<10240x256xf32, #tpu.memory_space<hbm>>) target(%arg9 : memref<64x256xf32, #tpu.memory_space<vmem>>) offsets(%dma_start3A_12 : memref<64xi32, #tpu.memory_space<vmem>>) semaphore(%dma_start3A_17 : memref<!tpu.dma_semaphore, #tpu.memory_space<semaphore_mem>>)
    %scan3A = arith.constant 0 : i32
    %scan3A_18 = arith.constant 0 : i32
    %scan3A_19 = arith.constant 40 : i32
    %scan3A_20 = arith.addi %scan3A_18, %scan3A_19 : i32
    %scan3A_21 = arith.constant 1 : i32
    scf.for %scan3A_46 = %scan3A_18 to %scan3A_20 step %scan3A_21  : i32 {
      %mul3A_47 = arith.constant 4 : i32
      %mul3A_48 = arith.muli %scan3A_46, %mul3A_47 : i32
      %add3A_49 = arith.constant 0 : i32
      %add3A_50 = arith.addi %mul3A_48, %add3A_49 : i32
      %mul3A_51 = arith.constant 64 : i32
      %mul3A_52 = arith.muli %add3A_50, %mul3A_51 : i32
      %dma_wait3A_53 = arith.constant 0 : i32
      %dma_wait3A_54 = tpu.memref_slice %arg6[%mul3A_52] : memref<10240xi32, #tpu.memory_space<vmem>> -> memref<64xi32, #tpu.memory_space<vmem>>
      %dma_wait3A_55 = arith.constant 0 : i32
      %dma_wait3A_56 = arith.constant 0 : i32
      %dma_wait3A_57 = tpu.memref_slice %arg2[%dma_wait3A_55, %dma_wait3A_56] : memref<10240x256xf32, #tpu.memory_space<hbm>> -> memref<10240x256xf32, #tpu.memory_space<hbm>>
      %dma_wait3A_58 = tpu.memref_slice %arg16[%dma_wait3A_53] : memref<4x!tpu.dma_semaphore, #tpu.memory_space<semaphore_mem>> -> memref<1x!tpu.dma_semaphore, #tpu.memory_space<semaphore_mem>>
      %dma_wait3A_59 = tpu.memref_squeeze %dma_wait3A_58 : memref<1x!tpu.dma_semaphore, #tpu.memory_space<semaphore_mem>> -> memref<!tpu.dma_semaphore, #tpu.memory_space<semaphore_mem>>
      tpu.wait_indirect_dma semaphore(%dma_wait3A_59 : memref<!tpu.dma_semaphore, #tpu.memory_space<semaphore_mem>>) src(%dma_wait3A_57 : memref<10240x256xf32, #tpu.memory_space<hbm>>) dst(%arg8 : memref<64x256xf32, #tpu.memory_space<vmem>>)
      %mul3A_60 = arith.constant 64 : i32
      %mul3A_61 = arith.muli %add3A_50, %mul3A_60 : i32
      %add3A_62 = arith.constant 0 : i32
      %add3A_63 = arith.addi %mul3A_61, %add3A_62 : i32
      %get3A = arith.index_cast %add3A_63 : i32 to index
      %get3A_64 = tpu.vector_load %arg7[%get3A] {strides = array<i32>} : memref<10240xi32, #tpu.memory_space<vmem>>, vector<16xi32>,
      %swap3A = arith.constant 0 : index
      %swap3A_65 = tpu.vector_load %arg12[%swap3A] {strides = array<i32>} : memref<64xi32, #tpu.memory_space<vmem>>, vector<16xi32>,
      %swap3A_66 = vector.shape_cast %swap3A_65 : vector<16xi32> to vector<16xi32>
      %swap3A_67 = vector.shape_cast %get3A_64 : vector<16xi32> to vector<16xi32>
      tpu.vector_store %arg12[%swap3A], %swap3A_67 {strides = array<i32>} : memref<64xi32, #tpu.memory_space<vmem>>, vector<16xi32>,
      %mul3A_68 = arith.constant 64 : i32
      %mul3A_69 = arith.muli %add3A_50, %mul3A_68 : i32
      %add3A_70 = arith.constant 16 : i32
      %add3A_71 = arith.addi %mul3A_69, %add3A_70 : i32
      %get3A_72 = arith.index_cast %add3A_71 : i32 to index
      %get3A_73 = tpu.vector_load %arg7[%get3A_72] {strides = array<i32>} : memref<10240xi32, #tpu.memory_space<vmem>>, vector<16xi32>,
      %swap3A_74 = arith.constant 16 : index
      %swap3A_75 = tpu.vector_load %arg12[%swap3A_74] {strides = array<i32>} : memref<64xi32, #tpu.memory_space<vmem>>, vector<16xi32>,
      %swap3A_76 = vector.shape_cast %swap3A_75 : vector<16xi32> to vector<16xi32>
      %swap3A_77 = vector.shape_cast %get3A_73 : vector<16xi32> to vector<16xi32>
      tpu.vector_store %arg12[%swap3A_74], %swap3A_77 {strides = array<i32>} : memref<64xi32, #tpu.memory_space<vmem>>, vector<16xi32>,
      %mul3A_78 = arith.constant 64 : i32
      %mul3A_79 = arith.muli %add3A_50, %mul3A_78 : i32
      %add3A_80 = arith.constant 32 : i32
      %add3A_81 = arith.addi %mul3A_79, %add3A_80 : i32
      %get3A_82 = arith.index_cast %add3A_81 : i32 to index
      %get3A_83 = tpu.vector_load %arg7[%get3A_82] {strides = array<i32>} : memref<10240xi32, #tpu.memory_space<vmem>>, vector<16xi32>,
      %swap3A_84 = arith.constant 32 : index
      %swap3A_85 = tpu.vector_load %arg12[%swap3A_84] {strides = array<i32>} : memref<64xi32, #tpu.memory_space<vmem>>, vector<16xi32>,
      %swap3A_86 = vector.shape_cast %swap3A_85 : vector<16xi32> to vector<16xi32>
      %swap3A_87 = vector.shape_cast %get3A_83 : vector<16xi32> to vector<16xi32>
      tpu.vector_store %arg12[%swap3A_84], %swap3A_87 {strides = array<i32>} : memref<64xi32, #tpu.memory_space<vmem>>, vector<16xi32>,
      %mul3A_88 = arith.constant 64 : i32
      %mul3A_89 = arith.muli %add3A_50, %mul3A_88 : i32
      %add3A_90 = arith.constant 48 : i32
      %add3A_91 = arith.addi %mul3A_89, %add3A_90 : i32
      %get3A_92 = arith.index_cast %add3A_91 : i32 to index
      %get3A_93 = tpu.vector_load %arg7[%get3A_92] {strides = array<i32>} : memref<10240xi32, #tpu.memory_space<vmem>>, vector<16xi32>,
      %swap3A_94 = arith.constant 48 : index
      %swap3A_95 = tpu.vector_load %arg12[%swap3A_94] {strides = array<i32>} : memref<64xi32, #tpu.memory_space<vmem>>, vector<16xi32>,
      %swap3A_96 = vector.shape_cast %swap3A_95 : vector<16xi32> to vector<16xi32>
      %swap3A_97 = vector.shape_cast %get3A_93 : vector<16xi32> to vector<16xi32>
      tpu.vector_store %arg12[%swap3A_94], %swap3A_97 {strides = array<i32>} : memref<64xi32, #tpu.memory_space<vmem>>, vector<16xi32>,
      %dma_start3A_98 = arith.constant 0 : i32
      %dma_start3A_99 = arith.constant 0 : i32
      %dma_start3A_100 = arith.constant 0 : i32
      %dma_start3A_101 = tpu.memref_slice %arg5[%dma_start3A_99, %dma_start3A_100] : memref<344064x256xf32, #tpu.memory_space<hbm>> -> memref<344064x256xf32, #tpu.memory_space<hbm>>
      %dma_start3A_102 = tpu.memref_slice %arg17[%dma_start3A_98] : memref<4x!tpu.dma_semaphore, #tpu.memory_space<semaphore_mem>> -> memref<1x!tpu.dma_semaphore, #tpu.memory_space<semaphore_mem>>
      %dma_start3A_103 = tpu.memref_squeeze %dma_start3A_102 : memref<1x!tpu.dma_semaphore, #tpu.memory_space<semaphore_mem>> -> memref<!tpu.dma_semaphore, #tpu.memory_space<semaphore_mem>>
      tpu.enqueue_indirect_dma source(%arg8 : memref<64x256xf32, #tpu.memory_space<vmem>>) target(%dma_start3A_101 : memref<344064x256xf32, #tpu.memory_space<hbm>>) offsets(%arg12 : memref<64xi32, #tpu.memory_space<vmem>>) semaphore(%dma_start3A_103 : memref<!tpu.dma_semaphore, #tpu.memory_space<semaphore_mem>>)
      %add3A_104 = arith.constant 2 : i32
      %add3A_105 = arith.addi %add3A_50, %add3A_104 : i32
      %lt3A = arith.constant 160 : i32
      %lt3A_106 = arith.cmpi slt, %add3A_105, %lt3A : i32
      %convert_element_type3A = arith.extui %lt3A_106 : i1 to i32
      %cond3A = arith.constant 0 : i32
      %cond3A_107 = arith.cmpi ne, %convert_element_type3A, %cond3A : i32
      scf.if %cond3A_107 {
        %ge3A = arith.constant 4 : i32
        %ge3A_306 = arith.cmpi sge, %add3A_105, %ge3A : i32
        %convert_element_type3A_307 = arith.extui %ge3A_306 : i1 to i32
        %cond3A_308 = arith.constant 0 : i32
        %cond3A_309 = arith.cmpi ne, %convert_element_type3A_307, %cond3A_308 : i32
        scf.if %cond3A_309 {
          %sub3A = arith.constant 4 : i32
          %sub3A_319 = arith.subi %add3A_105, %sub3A : i32
          %dma_wait3A_320 = arith.constant 2 : i32
          %dma_wait3A_321 = arith.constant 0 : i32
          %dma_wait3A_322 = arith.constant 0 : i32
          %dma_wait3A_323 = tpu.memref_slice %arg5[%dma_wait3A_321, %dma_wait3A_322] : memref<344064x256xf32, #tpu.memory_space<hbm>> -> memref<344064x256xf32, #tpu.memory_space<hbm>>
          %dma_wait3A_324 = tpu.memref_slice %arg17[%dma_wait3A_320] : memref<4x!tpu.dma_semaphore, #tpu.memory_space<semaphore_mem>> -> memref<1x!tpu.dma_semaphore, #tpu.memory_space<semaphore_mem>>
          %dma_wait3A_325 = tpu.memref_squeeze %dma_wait3A_324 : memref<1x!tpu.dma_semaphore, #tpu.memory_space<semaphore_mem>> -> memref<!tpu.dma_semaphore, #tpu.memory_space<semaphore_mem>>
          tpu.wait_indirect_dma semaphore(%dma_wait3A_325 : memref<!tpu.dma_semaphore, #tpu.memory_space<semaphore_mem>>) src(%arg10 : memref<64x256xf32, #tpu.memory_space<vmem>>) dst(%dma_wait3A_323 : memref<344064x256xf32, #tpu.memory_space<hbm>>)
        } else {
        }
        %mul3A_310 = arith.constant 64 : i32
        %mul3A_311 = arith.muli %add3A_105, %mul3A_310 : i32
        %dma_start3A_312 = arith.constant 2 : i32
        %dma_start3A_313 = tpu.memref_slice %arg6[%mul3A_311] : memref<10240xi32, #tpu.memory_space<vmem>> -> memref<64xi32, #tpu.memory_space<vmem>>
        %dma_start3A_314 = arith.constant 0 : i32
        %dma_start3A_315 = arith.constant 0 : i32
        %dma_start3A_316 = tpu.memref_slice %arg2[%dma_start3A_314, %dma_start3A_315] : memref<10240x256xf32, #tpu.memory_space<hbm>> -> memref<10240x256xf32, #tpu.memory_space<hbm>>
        %dma_start3A_317 = tpu.memref_slice %arg16[%dma_start3A_312] : memref<4x!tpu.dma_semaphore, #tpu.memory_space<semaphore_mem>> -> memref<1x!tpu.dma_semaphore, #tpu.memory_space<semaphore_mem>>
        %dma_start3A_318 = tpu.memref_squeeze %dma_start3A_317 : memref<1x!tpu.dma_semaphore, #tpu.memory_space<semaphore_mem>> -> memref<!tpu.dma_semaphore, #tpu.memory_space<semaphore_mem>>
        tpu.enqueue_indirect_dma source(%dma_start3A_316 : memref<10240x256xf32, #tpu.memory_space<hbm>>) target(%arg10 : memref<64x256xf32, #tpu.memory_space<vmem>>) offsets(%dma_start3A_313 : memref<64xi32, #tpu.memory_space<vmem>>) semaphore(%dma_start3A_318 : memref<!tpu.dma_semaphore, #tpu.memory_space<semaphore_mem>>)
      } else {
      }
      %mul3A_108 = arith.constant 4 : i32
      %mul3A_109 = arith.muli %scan3A_46, %mul3A_108 : i32
      %add3A_110 = arith.constant 1 : i32
      %add3A_111 = arith.addi %mul3A_109, %add3A_110 : i32
      %mul3A_112 = arith.constant 64 : i32
      %mul3A_113 = arith.muli %add3A_111, %mul3A_112 : i32
      %dma_wait3A_114 = arith.constant 1 : i32
      %dma_wait3A_115 = tpu.memref_slice %arg6[%mul3A_113] : memref<10240xi32, #tpu.memory_space<vmem>> -> memref<64xi32, #tpu.memory_space<vmem>>
      %dma_wait3A_116 = arith.constant 0 : i32
      %dma_wait3A_117 = arith.constant 0 : i32
      %dma_wait3A_118 = tpu.memref_slice %arg2[%dma_wait3A_116, %dma_wait3A_117] : memref<10240x256xf32, #tpu.memory_space<hbm>> -> memref<10240x256xf32, #tpu.memory_space<hbm>>
      %dma_wait3A_119 = tpu.memref_slice %arg16[%dma_wait3A_114] : memref<4x!tpu.dma_semaphore, #tpu.memory_space<semaphore_mem>> -> memref<1x!tpu.dma_semaphore, #tpu.memory_space<semaphore_mem>>
      %dma_wait3A_120 = tpu.memref_squeeze %dma_wait3A_119 : memref<1x!tpu.dma_semaphore, #tpu.memory_space<semaphore_mem>> -> memref<!tpu.dma_semaphore, #tpu.memory_space<semaphore_mem>>
      tpu.wait_indirect_dma semaphore(%dma_wait3A_120 : memref<!tpu.dma_semaphore, #tpu.memory_space<semaphore_mem>>) src(%dma_wait3A_118 : memref<10240x256xf32, #tpu.memory_space<hbm>>) dst(%arg9 : memref<64x256xf32, #tpu.memory_space<vmem>>)
      %mul3A_121 = arith.constant 64 : i32
      %mul3A_122 = arith.muli %add3A_111, %mul3A_121 : i32
      %add3A_123 = arith.constant 0 : i32
      %add3A_124 = arith.addi %mul3A_122, %add3A_123 : i32
      %get3A_125 = arith.index_cast %add3A_124 : i32 to index
      %get3A_126 = tpu.vector_load %arg7[%get3A_125] {strides = array<i32>} : memref<10240xi32, #tpu.memory_space<vmem>>, vector<16xi32>,
      %swap3A_127 = arith.constant 0 : index
      %swap3A_128 = tpu.vector_load %arg13[%swap3A_127] {strides = array<i32>} : memref<64xi32, #tpu.memory_space<vmem>>, vector<16xi32>,
      %swap3A_129 = vector.shape_cast %swap3A_128 : vector<16xi32> to vector<16xi32>
      %swap3A_130 = vector.shape_cast %get3A_126 : vector<16xi32> to vector<16xi32>
      tpu.vector_store %arg13[%swap3A_127], %swap3A_130 {strides = array<i32>} : memref<64xi32, #tpu.memory_space<vmem>>, vector<16xi32>,
      %mul3A_131 = arith.constant 64 : i32
      %mul3A_132 = arith.muli %add3A_111, %mul3A_131 : i32
      %add3A_133 = arith.constant 16 : i32
      %add3A_134 = arith.addi %mul3A_132, %add3A_133 : i32
      %get3A_135 = arith.index_cast %add3A_134 : i32 to index
      %get3A_136 = tpu.vector_load %arg7[%get3A_135] {strides = array<i32>} : memref<10240xi32, #tpu.memory_space<vmem>>, vector<16xi32>,
      %swap3A_137 = arith.constant 16 : index
      %swap3A_138 = tpu.vector_load %arg13[%swap3A_137] {strides = array<i32>} : memref<64xi32, #tpu.memory_space<vmem>>, vector<16xi32>,
      %swap3A_139 = vector.shape_cast %swap3A_138 : vector<16xi32> to vector<16xi32>
      %swap3A_140 = vector.shape_cast %get3A_136 : vector<16xi32> to vector<16xi32>
      tpu.vector_store %arg13[%swap3A_137], %swap3A_140 {strides = array<i32>} : memref<64xi32, #tpu.memory_space<vmem>>, vector<16xi32>,
      %mul3A_141 = arith.constant 64 : i32
      %mul3A_142 = arith.muli %add3A_111, %mul3A_141 : i32
      %add3A_143 = arith.constant 32 : i32
      %add3A_144 = arith.addi %mul3A_142, %add3A_143 : i32
      %get3A_145 = arith.index_cast %add3A_144 : i32 to index
      %get3A_146 = tpu.vector_load %arg7[%get3A_145] {strides = array<i32>} : memref<10240xi32, #tpu.memory_space<vmem>>, vector<16xi32>,
      %swap3A_147 = arith.constant 32 : index
      %swap3A_148 = tpu.vector_load %arg13[%swap3A_147] {strides = array<i32>} : memref<64xi32, #tpu.memory_space<vmem>>, vector<16xi32>,
      %swap3A_149 = vector.shape_cast %swap3A_148 : vector<16xi32> to vector<16xi32>
      %swap3A_150 = vector.shape_cast %get3A_146 : vector<16xi32> to vector<16xi32>
      tpu.vector_store %arg13[%swap3A_147], %swap3A_150 {strides = array<i32>} : memref<64xi32, #tpu.memory_space<vmem>>, vector<16xi32>,
      %mul3A_151 = arith.constant 64 : i32
      %mul3A_152 = arith.muli %add3A_111, %mul3A_151 : i32
      %add3A_153 = arith.constant 48 : i32
      %add3A_154 = arith.addi %mul3A_152, %add3A_153 : i32
      %get3A_155 = arith.index_cast %add3A_154 : i32 to index
      %get3A_156 = tpu.vector_load %arg7[%get3A_155] {strides = array<i32>} : memref<10240xi32, #tpu.memory_space<vmem>>, vector<16xi32>,
      %swap3A_157 = arith.constant 48 : index
      %swap3A_158 = tpu.vector_load %arg13[%swap3A_157] {strides = array<i32>} : memref<64xi32, #tpu.memory_space<vmem>>, vector<16xi32>,
      %swap3A_159 = vector.shape_cast %swap3A_158 : vector<16xi32> to vector<16xi32>
      %swap3A_160 = vector.shape_cast %get3A_156 : vector<16xi32> to vector<16xi32>
      tpu.vector_store %arg13[%swap3A_157], %swap3A_160 {strides = array<i32>} : memref<64xi32, #tpu.memory_space<vmem>>, vector<16xi32>,
      %dma_start3A_161 = arith.constant 1 : i32
      %dma_start3A_162 = arith.constant 0 : i32
      %dma_start3A_163 = arith.constant 0 : i32
      %dma_start3A_164 = tpu.memref_slice %arg5[%dma_start3A_162, %dma_start3A_163] : memref<344064x256xf32, #tpu.memory_space<hbm>> -> memref<344064x256xf32, #tpu.memory_space<hbm>>
      %dma_start3A_165 = tpu.memref_slice %arg17[%dma_start3A_161] : memref<4x!tpu.dma_semaphore, #tpu.memory_space<semaphore_mem>> -> memref<1x!tpu.dma_semaphore, #tpu.memory_space<semaphore_mem>>
      %dma_start3A_166 = tpu.memref_squeeze %dma_start3A_165 : memref<1x!tpu.dma_semaphore, #tpu.memory_space<semaphore_mem>> -> memref<!tpu.dma_semaphore, #tpu.memory_space<semaphore_mem>>
      tpu.enqueue_indirect_dma source(%arg9 : memref<64x256xf32, #tpu.memory_space<vmem>>) target(%dma_start3A_164 : memref<344064x256xf32, #tpu.memory_space<hbm>>) offsets(%arg13 : memref<64xi32, #tpu.memory_space<vmem>>) semaphore(%dma_start3A_166 : memref<!tpu.dma_semaphore, #tpu.memory_space<semaphore_mem>>)
      %add3A_167 = arith.constant 2 : i32
      %add3A_168 = arith.addi %add3A_111, %add3A_167 : i32
      %lt3A_169 = arith.constant 160 : i32
      %lt3A_170 = arith.cmpi slt, %add3A_168, %lt3A_169 : i32
      %convert_element_type3A_171 = arith.extui %lt3A_170 : i1 to i32
      %cond3A_172 = arith.constant 0 : i32
      %cond3A_173 = arith.cmpi ne, %convert_element_type3A_171, %cond3A_172 : i32
      scf.if %cond3A_173 {
        %ge3A = arith.constant 4 : i32
        %ge3A_306 = arith.cmpi sge, %add3A_168, %ge3A : i32
        %convert_element_type3A_307 = arith.extui %ge3A_306 : i1 to i32
        %cond3A_308 = arith.constant 0 : i32
        %cond3A_309 = arith.cmpi ne, %convert_element_type3A_307, %cond3A_308 : i32
        scf.if %cond3A_309 {
          %sub3A = arith.constant 4 : i32
          %sub3A_319 = arith.subi %add3A_168, %sub3A : i32
          %dma_wait3A_320 = arith.constant 3 : i32
          %dma_wait3A_321 = arith.constant 0 : i32
          %dma_wait3A_322 = arith.constant 0 : i32
          %dma_wait3A_323 = tpu.memref_slice %arg5[%dma_wait3A_321, %dma_wait3A_322] : memref<344064x256xf32, #tpu.memory_space<hbm>> -> memref<344064x256xf32, #tpu.memory_space<hbm>>
          %dma_wait3A_324 = tpu.memref_slice %arg17[%dma_wait3A_320] : memref<4x!tpu.dma_semaphore, #tpu.memory_space<semaphore_mem>> -> memref<1x!tpu.dma_semaphore, #tpu.memory_space<semaphore_mem>>
          %dma_wait3A_325 = tpu.memref_squeeze %dma_wait3A_324 : memref<1x!tpu.dma_semaphore, #tpu.memory_space<semaphore_mem>> -> memref<!tpu.dma_semaphore, #tpu.memory_space<semaphore_mem>>
          tpu.wait_indirect_dma semaphore(%dma_wait3A_325 : memref<!tpu.dma_semaphore, #tpu.memory_space<semaphore_mem>>) src(%arg11 : memref<64x256xf32, #tpu.memory_space<vmem>>) dst(%dma_wait3A_323 : memref<344064x256xf32, #tpu.memory_space<hbm>>)
        } else {
        }
        %mul3A_310 = arith.constant 64 : i32
        %mul3A_311 = arith.muli %add3A_168, %mul3A_310 : i32
        %dma_start3A_312 = arith.constant 3 : i32
        %dma_start3A_313 = tpu.memref_slice %arg6[%mul3A_311] : memref<10240xi32, #tpu.memory_space<vmem>> -> memref<64xi32, #tpu.memory_space<vmem>>
        %dma_start3A_314 = arith.constant 0 : i32
        %dma_start3A_315 = arith.constant 0 : i32
        %dma_start3A_316 = tpu.memref_slice %arg2[%dma_start3A_314, %dma_start3A_315] : memref<10240x256xf32, #tpu.memory_space<hbm>> -> memref<10240x256xf32, #tpu.memory_space<hbm>>
        %dma_start3A_317 = tpu.memref_slice %arg16[%dma_start3A_312] : memref<4x!tpu.dma_semaphore, #tpu.memory_space<semaphore_mem>> -> memref<1x!tpu.dma_semaphore, #tpu.memory_space<semaphore_mem>>
        %dma_start3A_318 = tpu.memref_squeeze %dma_start3A_317 : memref<1x!tpu.dma_semaphore, #tpu.memory_space<semaphore_mem>> -> memref<!tpu.dma_semaphore, #tpu.memory_space<semaphore_mem>>
        tpu.enqueue_indirect_dma source(%dma_start3A_316 : memref<10240x256xf32, #tpu.memory_space<hbm>>) target(%arg11 : memref<64x256xf32, #tpu.memory_space<vmem>>) offsets(%dma_start3A_313 : memref<64xi32, #tpu.memory_space<vmem>>) semaphore(%dma_start3A_318 : memref<!tpu.dma_semaphore, #tpu.memory_space<semaphore_mem>>)
      } else {
      }
      %mul3A_174 = arith.constant 4 : i32
      %mul3A_175 = arith.muli %scan3A_46, %mul3A_174 : i32
      %add3A_176 = arith.constant 2 : i32
      %add3A_177 = arith.addi %mul3A_175, %add3A_176 : i32
      %mul3A_178 = arith.constant 64 : i32
      %mul3A_179 = arith.muli %add3A_177, %mul3A_178 : i32
      %dma_wait3A_180 = arith.constant 2 : i32
      %dma_wait3A_181 = tpu.memref_slice %arg6[%mul3A_179] : memref<10240xi32, #tpu.memory_space<vmem>> -> memref<64xi32, #tpu.memory_space<vmem>>
      %dma_wait3A_182 = arith.constant 0 : i32
      %dma_wait3A_183 = arith.constant 0 : i32
      %dma_wait3A_184 = tpu.memref_slice %arg2[%dma_wait3A_182, %dma_wait3A_183] : memref<10240x256xf32, #tpu.memory_space<hbm>> -> memref<10240x256xf32, #tpu.memory_space<hbm>>
      %dma_wait3A_185 = tpu.memref_slice %arg16[%dma_wait3A_180] : memref<4x!tpu.dma_semaphore, #tpu.memory_space<semaphore_mem>> -> memref<1x!tpu.dma_semaphore, #tpu.memory_space<semaphore_mem>>
      %dma_wait3A_186 = tpu.memref_squeeze %dma_wait3A_185 : memref<1x!tpu.dma_semaphore, #tpu.memory_space<semaphore_mem>> -> memref<!tpu.dma_semaphore, #tpu.memory_space<semaphore_mem>>
      tpu.wait_indirect_dma semaphore(%dma_wait3A_186 : memref<!tpu.dma_semaphore, #tpu.memory_space<semaphore_mem>>) src(%dma_wait3A_184 : memref<10240x256xf32, #tpu.memory_space<hbm>>) dst(%arg10 : memref<64x256xf32, #tpu.memory_space<vmem>>)
      %mul3A_187 = arith.constant 64 : i32
      %mul3A_188 = arith.muli %add3A_177, %mul3A_187 : i32
      %add3A_189 = arith.constant 0 : i32
      %add3A_190 = arith.addi %mul3A_188, %add3A_189 : i32
      %get3A_191 = arith.index_cast %add3A_190 : i32 to index
      %get3A_192 = tpu.vector_load %arg7[%get3A_191] {strides = array<i32>} : memref<10240xi32, #tpu.memory_space<vmem>>, vector<16xi32>,
      %swap3A_193 = arith.constant 0 : index
      %swap3A_194 = tpu.vector_load %arg14[%swap3A_193] {strides = array<i32>} : memref<64xi32, #tpu.memory_space<vmem>>, vector<16xi32>,
      %swap3A_195 = vector.shape_cast %swap3A_194 : vector<16xi32> to vector<16xi32>
      %swap3A_196 = vector.shape_cast %get3A_192 : vector<16xi32> to vector<16xi32>
      tpu.vector_store %arg14[%swap3A_193], %swap3A_196 {strides = array<i32>} : memref<64xi32, #tpu.memory_space<vmem>>, vector<16xi32>,
      %mul3A_197 = arith.constant 64 : i32
      %mul3A_198 = arith.muli %add3A_177, %mul3A_197 : i32
      %add3A_199 = arith.constant 16 : i32
      %add3A_200 = arith.addi %mul3A_198, %add3A_199 : i32
      %get3A_201 = arith.index_cast %add3A_200 : i32 to index
      %get3A_202 = tpu.vector_load %arg7[%get3A_201] {strides = array<i32>} : memref<10240xi32, #tpu.memory_space<vmem>>, vector<16xi32>,
      %swap3A_203 = arith.constant 16 : index
      %swap3A_204 = tpu.vector_load %arg14[%swap3A_203] {strides = array<i32>} : memref<64xi32, #tpu.memory_space<vmem>>, vector<16xi32>,
      %swap3A_205 = vector.shape_cast %swap3A_204 : vector<16xi32> to vector<16xi32>
      %swap3A_206 = vector.shape_cast %get3A_202 : vector<16xi32> to vector<16xi32>
      tpu.vector_store %arg14[%swap3A_203], %swap3A_206 {strides = array<i32>} : memref<64xi32, #tpu.memory_space<vmem>>, vector<16xi32>,
      %mul3A_207 = arith.constant 64 : i32
      %mul3A_208 = arith.muli %add3A_177, %mul3A_207 : i32
      %add3A_209 = arith.constant 32 : i32
      %add3A_210 = arith.addi %mul3A_208, %add3A_209 : i32
      %get3A_211 = arith.index_cast %add3A_210 : i32 to index
      %get3A_212 = tpu.vector_load %arg7[%get3A_211] {strides = array<i32>} : memref<10240xi32, #tpu.memory_space<vmem>>, vector<16xi32>,
      %swap3A_213 = arith.constant 32 : index
      %swap3A_214 = tpu.vector_load %arg14[%swap3A_213] {strides = array<i32>} : memref<64xi32, #tpu.memory_space<vmem>>, vector<16xi32>,
      %swap3A_215 = vector.shape_cast %swap3A_214 : vector<16xi32> to vector<16xi32>
      %swap3A_216 = vector.shape_cast %get3A_212 : vector<16xi32> to vector<16xi32>
      tpu.vector_store %arg14[%swap3A_213], %swap3A_216 {strides = array<i32>} : memref<64xi32, #tpu.memory_space<vmem>>, vector<16xi32>,
      %mul3A_217 = arith.constant 64 : i32
      %mul3A_218 = arith.muli %add3A_177, %mul3A_217 : i32
      %add3A_219 = arith.constant 48 : i32
      %add3A_220 = arith.addi %mul3A_218, %add3A_219 : i32
      %get3A_221 = arith.index_cast %add3A_220 : i32 to index
      %get3A_222 = tpu.vector_load %arg7[%get3A_221] {strides = array<i32>} : memref<10240xi32, #tpu.memory_space<vmem>>, vector<16xi32>,
      %swap3A_223 = arith.constant 48 : index
      %swap3A_224 = tpu.vector_load %arg14[%swap3A_223] {strides = array<i32>} : memref<64xi32, #tpu.memory_space<vmem>>, vector<16xi32>,
      %swap3A_225 = vector.shape_cast %swap3A_224 : vector<16xi32> to vector<16xi32>
      %swap3A_226 = vector.shape_cast %get3A_222 : vector<16xi32> to vector<16xi32>
      tpu.vector_store %arg14[%swap3A_223], %swap3A_226 {strides = array<i32>} : memref<64xi32, #tpu.memory_space<vmem>>, vector<16xi32>,
      %dma_start3A_227 = arith.constant 2 : i32
      %dma_start3A_228 = arith.constant 0 : i32
      %dma_start3A_229 = arith.constant 0 : i32
      %dma_start3A_230 = tpu.memref_slice %arg5[%dma_start3A_228, %dma_start3A_229] : memref<344064x256xf32, #tpu.memory_space<hbm>> -> memref<344064x256xf32, #tpu.memory_space<hbm>>
      %dma_start3A_231 = tpu.memref_slice %arg17[%dma_start3A_227] : memref<4x!tpu.dma_semaphore, #tpu.memory_space<semaphore_mem>> -> memref<1x!tpu.dma_semaphore, #tpu.memory_space<semaphore_mem>>
      %dma_start3A_232 = tpu.memref_squeeze %dma_start3A_231 : memref<1x!tpu.dma_semaphore, #tpu.memory_space<semaphore_mem>> -> memref<!tpu.dma_semaphore, #tpu.memory_space<semaphore_mem>>
      tpu.enqueue_indirect_dma source(%arg10 : memref<64x256xf32, #tpu.memory_space<vmem>>) target(%dma_start3A_230 : memref<344064x256xf32, #tpu.memory_space<hbm>>) offsets(%arg14 : memref<64xi32, #tpu.memory_space<vmem>>) semaphore(%dma_start3A_232 : memref<!tpu.dma_semaphore, #tpu.memory_space<semaphore_mem>>)
      %add3A_233 = arith.constant 2 : i32
      %add3A_234 = arith.addi %add3A_177, %add3A_233 : i32
      %lt3A_235 = arith.constant 160 : i32
      %lt3A_236 = arith.cmpi slt, %add3A_234, %lt3A_235 : i32
      %convert_element_type3A_237 = arith.extui %lt3A_236 : i1 to i32
      %cond3A_238 = arith.constant 0 : i32
      %cond3A_239 = arith.cmpi ne, %convert_element_type3A_237, %cond3A_238 : i32
      scf.if %cond3A_239 {
        %ge3A = arith.constant 4 : i32
        %ge3A_306 = arith.cmpi sge, %add3A_234, %ge3A : i32
        %convert_element_type3A_307 = arith.extui %ge3A_306 : i1 to i32
        %cond3A_308 = arith.constant 0 : i32
        %cond3A_309 = arith.cmpi ne, %convert_element_type3A_307, %cond3A_308 : i32
        scf.if %cond3A_309 {
          %sub3A = arith.constant 4 : i32
          %sub3A_319 = arith.subi %add3A_234, %sub3A : i32
          %dma_wait3A_320 = arith.constant 0 : i32
          %dma_wait3A_321 = arith.constant 0 : i32
          %dma_wait3A_322 = arith.constant 0 : i32
          %dma_wait3A_323 = tpu.memref_slice %arg5[%dma_wait3A_321, %dma_wait3A_322] : memref<344064x256xf32, #tpu.memory_space<hbm>> -> memref<344064x256xf32, #tpu.memory_space<hbm>>
          %dma_wait3A_324 = tpu.memref_slice %arg17[%dma_wait3A_320] : memref<4x!tpu.dma_semaphore, #tpu.memory_space<semaphore_mem>> -> memref<1x!tpu.dma_semaphore, #tpu.memory_space<semaphore_mem>>
          %dma_wait3A_325 = tpu.memref_squeeze %dma_wait3A_324 : memref<1x!tpu.dma_semaphore, #tpu.memory_space<semaphore_mem>> -> memref<!tpu.dma_semaphore, #tpu.memory_space<semaphore_mem>>
          tpu.wait_indirect_dma semaphore(%dma_wait3A_325 : memref<!tpu.dma_semaphore, #tpu.memory_space<semaphore_mem>>) src(%arg8 : memref<64x256xf32, #tpu.memory_space<vmem>>) dst(%dma_wait3A_323 : memref<344064x256xf32, #tpu.memory_space<hbm>>)
        } else {
        }
        %mul3A_310 = arith.constant 64 : i32
        %mul3A_311 = arith.muli %add3A_234, %mul3A_310 : i32
        %dma_start3A_312 = arith.constant 0 : i32
        %dma_start3A_313 = tpu.memref_slice %arg6[%mul3A_311] : memref<10240xi32, #tpu.memory_space<vmem>> -> memref<64xi32, #tpu.memory_space<vmem>>
        %dma_start3A_314 = arith.constant 0 : i32
        %dma_start3A_315 = arith.constant 0 : i32
        %dma_start3A_316 = tpu.memref_slice %arg2[%dma_start3A_314, %dma_start3A_315] : memref<10240x256xf32, #tpu.memory_space<hbm>> -> memref<10240x256xf32, #tpu.memory_space<hbm>>
        %dma_start3A_317 = tpu.memref_slice %arg16[%dma_start3A_312] : memref<4x!tpu.dma_semaphore, #tpu.memory_space<semaphore_mem>> -> memref<1x!tpu.dma_semaphore, #tpu.memory_space<semaphore_mem>>
        %dma_start3A_318 = tpu.memref_squeeze %dma_start3A_317 : memref<1x!tpu.dma_semaphore, #tpu.memory_space<semaphore_mem>> -> memref<!tpu.dma_semaphore, #tpu.memory_space<semaphore_mem>>
        tpu.enqueue_indirect_dma source(%dma_start3A_316 : memref<10240x256xf32, #tpu.memory_space<hbm>>) target(%arg8 : memref<64x256xf32, #tpu.memory_space<vmem>>) offsets(%dma_start3A_313 : memref<64xi32, #tpu.memory_space<vmem>>) semaphore(%dma_start3A_318 : memref<!tpu.dma_semaphore, #tpu.memory_space<semaphore_mem>>)
      } else {
      }
      %mul3A_240 = arith.constant 4 : i32
      %mul3A_241 = arith.muli %scan3A_46, %mul3A_240 : i32
      %add3A_242 = arith.constant 3 : i32
      %add3A_243 = arith.addi %mul3A_241, %add3A_242 : i32
      %mul3A_244 = arith.constant 64 : i32
      %mul3A_245 = arith.muli %add3A_243, %mul3A_244 : i32
      %dma_wait3A_246 = arith.constant 3 : i32
      %dma_wait3A_247 = tpu.memref_slice %arg6[%mul3A_245] : memref<10240xi32, #tpu.memory_space<vmem>> -> memref<64xi32, #tpu.memory_space<vmem>>
      %dma_wait3A_248 = arith.constant 0 : i32
      %dma_wait3A_249 = arith.constant 0 : i32
      %dma_wait3A_250 = tpu.memref_slice %arg2[%dma_wait3A_248, %dma_wait3A_249] : memref<10240x256xf32, #tpu.memory_space<hbm>> -> memref<10240x256xf32, #tpu.memory_space<hbm>>
      %dma_wait3A_251 = tpu.memref_slice %arg16[%dma_wait3A_246] : memref<4x!tpu.dma_semaphore, #tpu.memory_space<semaphore_mem>> -> memref<1x!tpu.dma_semaphore, #tpu.memory_space<semaphore_mem>>
      %dma_wait3A_252 = tpu.memref_squeeze %dma_wait3A_251 : memref<1x!tpu.dma_semaphore, #tpu.memory_space<semaphore_mem>> -> memref<!tpu.dma_semaphore, #tpu.memory_space<semaphore_mem>>
      tpu.wait_indirect_dma semaphore(%dma_wait3A_252 : memref<!tpu.dma_semaphore, #tpu.memory_space<semaphore_mem>>) src(%dma_wait3A_250 : memref<10240x256xf32, #tpu.memory_space<hbm>>) dst(%arg11 : memref<64x256xf32, #tpu.memory_space<vmem>>)
      %mul3A_253 = arith.constant 64 : i32
      %mul3A_254 = arith.muli %add3A_243, %mul3A_253 : i32
      %add3A_255 = arith.constant 0 : i32
      %add3A_256 = arith.addi %mul3A_254, %add3A_255 : i32
      %get3A_257 = arith.index_cast %add3A_256 : i32 to index
      %get3A_258 = tpu.vector_load %arg7[%get3A_257] {strides = array<i32>} : memref<10240xi32, #tpu.memory_space<vmem>>, vector<16xi32>,
      %swap3A_259 = arith.constant 0 : index
      %swap3A_260 = tpu.vector_load %arg15[%swap3A_259] {strides = array<i32>} : memref<64xi32, #tpu.memory_space<vmem>>, vector<16xi32>,
      %swap3A_261 = vector.shape_cast %swap3A_260 : vector<16xi32> to vector<16xi32>
      %swap3A_262 = vector.shape_cast %get3A_258 : vector<16xi32> to vector<16xi32>
      tpu.vector_store %arg15[%swap3A_259], %swap3A_262 {strides = array<i32>} : memref<64xi32, #tpu.memory_space<vmem>>, vector<16xi32>,
      %mul3A_263 = arith.constant 64 : i32
      %mul3A_264 = arith.muli %add3A_243, %mul3A_263 : i32
      %add3A_265 = arith.constant 16 : i32
      %add3A_266 = arith.addi %mul3A_264, %add3A_265 : i32
      %get3A_267 = arith.index_cast %add3A_266 : i32 to index
      %get3A_268 = tpu.vector_load %arg7[%get3A_267] {strides = array<i32>} : memref<10240xi32, #tpu.memory_space<vmem>>, vector<16xi32>,
      %swap3A_269 = arith.constant 16 : index
      %swap3A_270 = tpu.vector_load %arg15[%swap3A_269] {strides = array<i32>} : memref<64xi32, #tpu.memory_space<vmem>>, vector<16xi32>,
      %swap3A_271 = vector.shape_cast %swap3A_270 : vector<16xi32> to vector<16xi32>
      %swap3A_272 = vector.shape_cast %get3A_268 : vector<16xi32> to vector<16xi32>
      tpu.vector_store %arg15[%swap3A_269], %swap3A_272 {strides = array<i32>} : memref<64xi32, #tpu.memory_space<vmem>>, vector<16xi32>,
      %mul3A_273 = arith.constant 64 : i32
      %mul3A_274 = arith.muli %add3A_243, %mul3A_273 : i32
      %add3A_275 = arith.constant 32 : i32
      %add3A_276 = arith.addi %mul3A_274, %add3A_275 : i32
      %get3A_277 = arith.index_cast %add3A_276 : i32 to index
      %get3A_278 = tpu.vector_load %arg7[%get3A_277] {strides = array<i32>} : memref<10240xi32, #tpu.memory_space<vmem>>, vector<16xi32>,
      %swap3A_279 = arith.constant 32 : index
      %swap3A_280 = tpu.vector_load %arg15[%swap3A_279] {strides = array<i32>} : memref<64xi32, #tpu.memory_space<vmem>>, vector<16xi32>,
      %swap3A_281 = vector.shape_cast %swap3A_280 : vector<16xi32> to vector<16xi32>
      %swap3A_282 = vector.shape_cast %get3A_278 : vector<16xi32> to vector<16xi32>
      tpu.vector_store %arg15[%swap3A_279], %swap3A_282 {strides = array<i32>} : memref<64xi32, #tpu.memory_space<vmem>>, vector<16xi32>,
      %mul3A_283 = arith.constant 64 : i32
      %mul3A_284 = arith.muli %add3A_243, %mul3A_283 : i32
      %add3A_285 = arith.constant 48 : i32
      %add3A_286 = arith.addi %mul3A_284, %add3A_285 : i32
      %get3A_287 = arith.index_cast %add3A_286 : i32 to index
      %get3A_288 = tpu.vector_load %arg7[%get3A_287] {strides = array<i32>} : memref<10240xi32, #tpu.memory_space<vmem>>, vector<16xi32>,
      %swap3A_289 = arith.constant 48 : index
      %swap3A_290 = tpu.vector_load %arg15[%swap3A_289] {strides = array<i32>} : memref<64xi32, #tpu.memory_space<vmem>>, vector<16xi32>,
      %swap3A_291 = vector.shape_cast %swap3A_290 : vector<16xi32> to vector<16xi32>
      %swap3A_292 = vector.shape_cast %get3A_288 : vector<16xi32> to vector<16xi32>
      tpu.vector_store %arg15[%swap3A_289], %swap3A_292 {strides = array<i32>} : memref<64xi32, #tpu.memory_space<vmem>>, vector<16xi32>,
      %dma_start3A_293 = arith.constant 3 : i32
      %dma_start3A_294 = arith.constant 0 : i32
      %dma_start3A_295 = arith.constant 0 : i32
      %dma_start3A_296 = tpu.memref_slice %arg5[%dma_start3A_294, %dma_start3A_295] : memref<344064x256xf32, #tpu.memory_space<hbm>> -> memref<344064x256xf32, #tpu.memory_space<hbm>>
      %dma_start3A_297 = tpu.memref_slice %arg17[%dma_start3A_293] : memref<4x!tpu.dma_semaphore, #tpu.memory_space<semaphore_mem>> -> memref<1x!tpu.dma_semaphore, #tpu.memory_space<semaphore_mem>>
      %dma_start3A_298 = tpu.memref_squeeze %dma_start3A_297 : memref<1x!tpu.dma_semaphore, #tpu.memory_space<semaphore_mem>> -> memref<!tpu.dma_semaphore, #tpu.memory_space<semaphore_mem>>
      tpu.enqueue_indirect_dma source(%arg11 : memref<64x256xf32, #tpu.memory_space<vmem>>) target(%dma_start3A_296 : memref<344064x256xf32, #tpu.memory_space<hbm>>) offsets(%arg15 : memref<64xi32, #tpu.memory_space<vmem>>) semaphore(%dma_start3A_298 : memref<!tpu.dma_semaphore, #tpu.memory_space<semaphore_mem>>)
      %add3A_299 = arith.constant 2 : i32
      %add3A_300 = arith.addi %add3A_243, %add3A_299 : i32
      %lt3A_301 = arith.constant 160 : i32
      %lt3A_302 = arith.cmpi slt, %add3A_300, %lt3A_301 : i32
      %convert_element_type3A_303 = arith.extui %lt3A_302 : i1 to i32
      %cond3A_304 = arith.constant 0 : i32
      %cond3A_305 = arith.cmpi ne, %convert_element_type3A_303, %cond3A_304 : i32
      scf.if %cond3A_305 {
        %ge3A = arith.constant 4 : i32
        %ge3A_306 = arith.cmpi sge, %add3A_300, %ge3A : i32
        %convert_element_type3A_307 = arith.extui %ge3A_306 : i1 to i32
        %cond3A_308 = arith.constant 0 : i32
        %cond3A_309 = arith.cmpi ne, %convert_element_type3A_307, %cond3A_308 : i32
        scf.if %cond3A_309 {
          %sub3A = arith.constant 4 : i32
          %sub3A_319 = arith.subi %add3A_300, %sub3A : i32
          %dma_wait3A_320 = arith.constant 1 : i32
          %dma_wait3A_321 = arith.constant 0 : i32
          %dma_wait3A_322 = arith.constant 0 : i32
          %dma_wait3A_323 = tpu.memref_slice %arg5[%dma_wait3A_321, %dma_wait3A_322] : memref<344064x256xf32, #tpu.memory_space<hbm>> -> memref<344064x256xf32, #tpu.memory_space<hbm>>
          %dma_wait3A_324 = tpu.memref_slice %arg17[%dma_wait3A_320] : memref<4x!tpu.dma_semaphore, #tpu.memory_space<semaphore_mem>> -> memref<1x!tpu.dma_semaphore, #tpu.memory_space<semaphore_mem>>
          %dma_wait3A_325 = tpu.memref_squeeze %dma_wait3A_324 : memref<1x!tpu.dma_semaphore, #tpu.memory_space<semaphore_mem>> -> memref<!tpu.dma_semaphore, #tpu.memory_space<semaphore_mem>>
          tpu.wait_indirect_dma semaphore(%dma_wait3A_325 : memref<!tpu.dma_semaphore, #tpu.memory_space<semaphore_mem>>) src(%arg9 : memref<64x256xf32, #tpu.memory_space<vmem>>) dst(%dma_wait3A_323 : memref<344064x256xf32, #tpu.memory_space<hbm>>)
        } else {
        }
        %mul3A_310 = arith.constant 64 : i32
        %mul3A_311 = arith.muli %add3A_300, %mul3A_310 : i32
        %dma_start3A_312 = arith.constant 1 : i32
        %dma_start3A_313 = tpu.memref_slice %arg6[%mul3A_311] : memref<10240xi32, #tpu.memory_space<vmem>> -> memref<64xi32, #tpu.memory_space<vmem>>
        %dma_start3A_314 = arith.constant 0 : i32
        %dma_start3A_315 = arith.constant 0 : i32
        %dma_start3A_316 = tpu.memref_slice %arg2[%dma_start3A_314, %dma_start3A_315] : memref<10240x256xf32, #tpu.memory_space<hbm>> -> memref<10240x256xf32, #tpu.memory_space<hbm>>
        %dma_start3A_317 = tpu.memref_slice %arg16[%dma_start3A_312] : memref<4x!tpu.dma_semaphore, #tpu.memory_space<semaphore_mem>> -> memref<1x!tpu.dma_semaphore, #tpu.memory_space<semaphore_mem>>
        %dma_start3A_318 = tpu.memref_squeeze %dma_start3A_317 : memref<1x!tpu.dma_semaphore, #tpu.memory_space<semaphore_mem>> -> memref<!tpu.dma_semaphore, #tpu.memory_space<semaphore_mem>>
        tpu.enqueue_indirect_dma source(%dma_start3A_316 : memref<10240x256xf32, #tpu.memory_space<hbm>>) target(%arg9 : memref<64x256xf32, #tpu.memory_space<vmem>>) offsets(%dma_start3A_313 : memref<64xi32, #tpu.memory_space<vmem>>) semaphore(%dma_start3A_318 : memref<!tpu.dma_semaphore, #tpu.memory_space<semaphore_mem>>)
      } else {
      }
    }
    %scan3A_22 = arith.constant 40 : i32
    %dma_wait3A = arith.constant 0 : i32
    %dma_wait3A_23 = arith.constant 0 : i32
    %dma_wait3A_24 = arith.constant 0 : i32
    %dma_wait3A_25 = tpu.memref_slice %arg5[%dma_wait3A_23, %dma_wait3A_24] : memref<344064x256xf32, #tpu.memory_space<hbm>> -> memref<344064x256xf32, #tpu.memory_space<hbm>>
    %dma_wait3A_26 = tpu.memref_slice %arg17[%dma_wait3A] : memref<4x!tpu.dma_semaphore, #tpu.memory_space<semaphore_mem>> -> memref<1x!tpu.dma_semaphore, #tpu.memory_space<semaphore_mem>>
    %dma_wait3A_27 = tpu.memref_squeeze %dma_wait3A_26 : memref<1x!tpu.dma_semaphore, #tpu.memory_space<semaphore_mem>> -> memref<!tpu.dma_semaphore, #tpu.memory_space<semaphore_mem>>
    tpu.wait_indirect_dma semaphore(%dma_wait3A_27 : memref<!tpu.dma_semaphore, #tpu.memory_space<semaphore_mem>>) src(%arg8 : memref<64x256xf32, #tpu.memory_space<vmem>>) dst(%dma_wait3A_25 : memref<344064x256xf32, #tpu.memory_space<hbm>>)
    %dma_wait3A_28 = arith.constant 1 : i32
    %dma_wait3A_29 = arith.constant 0 : i32
    %dma_wait3A_30 = arith.constant 0 : i32
    %dma_wait3A_31 = tpu.memref_slice %arg5[%dma_wait3A_29, %dma_wait3A_30] : memref<344064x256xf32, #tpu.memory_space<hbm>> -> memref<344064x256xf32, #tpu.memory_space<hbm>>
    %dma_wait3A_32 = tpu.memref_slice %arg17[%dma_wait3A_28] : memref<4x!tpu.dma_semaphore, #tpu.memory_space<semaphore_mem>> -> memref<1x!tpu.dma_semaphore, #tpu.memory_space<semaphore_mem>>
    %dma_wait3A_33 = tpu.memref_squeeze %dma_wait3A_32 : memref<1x!tpu.dma_semaphore, #tpu.memory_space<semaphore_mem>> -> memref<!tpu.dma_semaphore, #tpu.memory_space<semaphore_mem>>
    tpu.wait_indirect_dma semaphore(%dma_wait3A_33 : memref<!tpu.dma_semaphore, #tpu.memory_space<semaphore_mem>>) src(%arg9 : memref<64x256xf32, #tpu.memory_space<vmem>>) dst(%dma_wait3A_31 : memref<344064x256xf32, #tpu.memory_space<hbm>>)
    %dma_wait3A_34 = arith.constant 2 : i32
    %dma_wait3A_35 = arith.constant 0 : i32
    %dma_wait3A_36 = arith.constant 0 : i32
    %dma_wait3A_37 = tpu.memref_slice %arg5[%dma_wait3A_35, %dma_wait3A_36] : memref<344064x256xf32, #tpu.memory_space<hbm>> -> memref<344064x256xf32, #tpu.memory_space<hbm>>
    %dma_wait3A_38 = tpu.memref_slice %arg17[%dma_wait3A_34] : memref<4x!tpu.dma_semaphore, #tpu.memory_space<semaphore_mem>> -> memref<1x!tpu.dma_semaphore, #tpu.memory_space<semaphore_mem>>
    %dma_wait3A_39 = tpu.memref_squeeze %dma_wait3A_38 : memref<1x!tpu.dma_semaphore, #tpu.memory_space<semaphore_mem>> -> memref<!tpu.dma_semaphore, #tpu.memory_space<semaphore_mem>>
    tpu.wait_indirect_dma semaphore(%dma_wait3A_39 : memref<!tpu.dma_semaphore, #tpu.memory_space<semaphore_mem>>) src(%arg10 : memref<64x256xf32, #tpu.memory_space<vmem>>) dst(%dma_wait3A_37 : memref<344064x256xf32, #tpu.memory_space<hbm>>)
    %dma_wait3A_40 = arith.constant 3 : i32
    %dma_wait3A_41 = arith.constant 0 : i32
    %dma_wait3A_42 = arith.constant 0 : i32
    %dma_wait3A_43 = tpu.memref_slice %arg5[%dma_wait3A_41, %dma_wait3A_42] : memref<344064x256xf32, #tpu.memory_space<hbm>> -> memref<344064x256xf32, #tpu.memory_space<hbm>>
    %dma_wait3A_44 = tpu.memref_slice %arg17[%dma_wait3A_40] : memref<4x!tpu.dma_semaphore, #tpu.memory_space<semaphore_mem>> -> memref<1x!tpu.dma_semaphore, #tpu.memory_space<semaphore_mem>>
    %dma_wait3A_45 = tpu.memref_squeeze %dma_wait3A_44 : memref<1x!tpu.dma_semaphore, #tpu.memory_space<semaphore_mem>> -> memref<!tpu.dma_semaphore, #tpu.memory_space<semaphore_mem>>
    tpu.wait_indirect_dma semaphore(%dma_wait3A_45 : memref<!tpu.dma_semaphore, #tpu.memory_space<semaphore_mem>>) src(%arg11 : memref<64x256xf32, #tpu.memory_space<vmem>>) dst(%dma_wait3A_43 : memref<344064x256xf32, #tpu.memory_space<hbm>>)
    return
  }
}

#map = affine_map<(d0, d1) -> (0, 0)>
#map1 = affine_map<(d0, d1) -> (0)>
module attributes {stable_mosaic.version = 14 : i64} {
  func.func @k(%arg0: i32, %arg1: i32, %arg2: memref<10240x128xf32, #tpu.memory_space<hbm>>, %arg3: memref<10240xi32, #tpu.memory_space<hbm>>, %arg4: memref<10240x128xf32, #tpu.memory_space<hbm>>, %arg5: memref<320xi32, #tpu.memory_space<vmem>>, %arg6: memref<4x80x128xf32, #tpu.memory_space<vmem>>, %arg7: memref<4x!tpu.dma_semaphore, #tpu.memory_space<semaphore_mem>>) attributes {dimension_semantics = [#tpu.dimension_semantics<core_parallel>, #tpu.dimension_semantics<subcore_parallel>], iteration_bounds = array<i64: 2, 16>, scalar_prefetch = 0 : i64, scratch_operands = 3 : i64, tpu.core_type = #tpu.core_type<sc_vector_subcore>, window_params = [{transform_indices = #map}, {transform_indices = #map1}, {transform_indices = #map}]} {
    %mul3A = arith.constant 2 : i32
    %mul3A_0 = arith.muli %arg1, %mul3A : i32
    %add3A = arith.addi %mul3A_0, %arg0 : i32
    %mul3A_1 = arith.constant 320 : i32
    %mul3A_2 = arith.muli %add3A, %mul3A_1 : i32
    "tpu.region"() ({
      %run_scoped3A_167 = tpu.sem_alloc : memref<!tpu.dma_semaphore, #tpu.memory_space<semaphore_mem>>
      %dma_start3A_168 = tpu.memref_slice %arg3[%mul3A_2] : memref<10240xi32, #tpu.memory_space<hbm>> -> memref<320xi32, #tpu.memory_space<hbm>>
      %dma_start3A_169 = tpu.memref_slice %arg3[%mul3A_2] : memref<10240xi32, #tpu.memory_space<hbm>> -> memref<320xi32, #tpu.memory_space<hbm>>
      tpu.enqueue_dma source(%dma_start3A_169 : memref<320xi32, #tpu.memory_space<hbm>>) target(%arg5 : memref<320xi32, #tpu.memory_space<vmem>>) target_semaphore(%run_scoped3A_167 : memref<!tpu.dma_semaphore, #tpu.memory_space<semaphore_mem>>)
      %dma_wait3A_170 = tpu.memref_slice %arg3[%mul3A_2] : memref<10240xi32, #tpu.memory_space<hbm>> -> memref<320xi32, #tpu.memory_space<hbm>>
      %dma_wait3A_171 = tpu.memref_slice %arg3[%mul3A_2] : memref<10240xi32, #tpu.memory_space<hbm>> -> memref<320xi32, #tpu.memory_space<hbm>>
      tpu.wait_dma2 semaphore(%run_scoped3A_167 : memref<!tpu.dma_semaphore, #tpu.memory_space<semaphore_mem>>) src(%dma_wait3A_171 : memref<320xi32, #tpu.memory_space<hbm>>) dst(%arg5 : memref<320xi32, #tpu.memory_space<vmem>>)
      tpu.yield
    }) : () -> ()
    %dma_start3A = arith.constant 0 : i32
    %dma_start3A_3 = arith.constant 0 : i32
    %dma_start3A_4 = arith.constant 0 : i32
    %dma_start3A_5 = arith.constant 0 : i32
    %dma_start3A_6 = tpu.memref_slice %arg6[%dma_start3A, %dma_start3A_4, %dma_start3A_5] : memref<4x80x128xf32, #tpu.memory_space<vmem>> -> memref<1x80x128xf32, #tpu.memory_space<vmem>>
    %dma_start3A_7 = tpu.memref_squeeze %dma_start3A_6 : memref<1x80x128xf32, #tpu.memory_space<vmem>> -> memref<80x128xf32, #tpu.memory_space<vmem>>
    %dma_start3A_8 = arith.constant 0 : i32
    %dma_start3A_9 = tpu.memref_slice %arg5[%dma_start3A_8] : memref<320xi32, #tpu.memory_space<vmem>> -> memref<80xi32, #tpu.memory_space<vmem>>
    %dma_start3A_10 = arith.constant 0 : i32
    %dma_start3A_11 = arith.constant 0 : i32
    %dma_start3A_12 = tpu.memref_slice %arg2[%dma_start3A_10, %dma_start3A_11] : memref<10240x128xf32, #tpu.memory_space<hbm>> -> memref<10240x128xf32, #tpu.memory_space<hbm>>
    %dma_start3A_13 = tpu.memref_slice %arg7[%dma_start3A_3] : memref<4x!tpu.dma_semaphore, #tpu.memory_space<semaphore_mem>> -> memref<1x!tpu.dma_semaphore, #tpu.memory_space<semaphore_mem>>
    %dma_start3A_14 = tpu.memref_squeeze %dma_start3A_13 : memref<1x!tpu.dma_semaphore, #tpu.memory_space<semaphore_mem>> -> memref<!tpu.dma_semaphore, #tpu.memory_space<semaphore_mem>>
    tpu.enqueue_indirect_dma source(%dma_start3A_12 : memref<10240x128xf32, #tpu.memory_space<hbm>>) target(%dma_start3A_7 : memref<80x128xf32, #tpu.memory_space<vmem>>) offsets(%dma_start3A_9 : memref<80xi32, #tpu.memory_space<vmem>>) semaphore(%dma_start3A_14 : memref<!tpu.dma_semaphore, #tpu.memory_space<semaphore_mem>>)
    %dma_start3A_15 = arith.constant 1 : i32
    %dma_start3A_16 = arith.constant 1 : i32
    %dma_start3A_17 = arith.constant 0 : i32
    %dma_start3A_18 = arith.constant 0 : i32
    %dma_start3A_19 = tpu.memref_slice %arg6[%dma_start3A_15, %dma_start3A_17, %dma_start3A_18] : memref<4x80x128xf32, #tpu.memory_space<vmem>> -> memref<1x80x128xf32, #tpu.memory_space<vmem>>
    %dma_start3A_20 = tpu.memref_squeeze %dma_start3A_19 : memref<1x80x128xf32, #tpu.memory_space<vmem>> -> memref<80x128xf32, #tpu.memory_space<vmem>>
    %dma_start3A_21 = arith.constant 80 : i32
    %dma_start3A_22 = tpu.memref_slice %arg5[%dma_start3A_21] : memref<320xi32, #tpu.memory_space<vmem>> -> memref<80xi32, #tpu.memory_space<vmem>>
    %dma_start3A_23 = arith.constant 0 : i32
    %dma_start3A_24 = arith.constant 0 : i32
    %dma_start3A_25 = tpu.memref_slice %arg2[%dma_start3A_23, %dma_start3A_24] : memref<10240x128xf32, #tpu.memory_space<hbm>> -> memref<10240x128xf32, #tpu.memory_space<hbm>>
    %dma_start3A_26 = tpu.memref_slice %arg7[%dma_start3A_16] : memref<4x!tpu.dma_semaphore, #tpu.memory_space<semaphore_mem>> -> memref<1x!tpu.dma_semaphore, #tpu.memory_space<semaphore_mem>>
    %dma_start3A_27 = tpu.memref_squeeze %dma_start3A_26 : memref<1x!tpu.dma_semaphore, #tpu.memory_space<semaphore_mem>> -> memref<!tpu.dma_semaphore, #tpu.memory_space<semaphore_mem>>
    tpu.enqueue_indirect_dma source(%dma_start3A_25 : memref<10240x128xf32, #tpu.memory_space<hbm>>) target(%dma_start3A_20 : memref<80x128xf32, #tpu.memory_space<vmem>>) offsets(%dma_start3A_22 : memref<80xi32, #tpu.memory_space<vmem>>) semaphore(%dma_start3A_27 : memref<!tpu.dma_semaphore, #tpu.memory_space<semaphore_mem>>)
    %dma_start3A_28 = arith.constant 2 : i32
    %dma_start3A_29 = arith.constant 2 : i32
    %dma_start3A_30 = arith.constant 0 : i32
    %dma_start3A_31 = arith.constant 0 : i32
    %dma_start3A_32 = tpu.memref_slice %arg6[%dma_start3A_28, %dma_start3A_30, %dma_start3A_31] : memref<4x80x128xf32, #tpu.memory_space<vmem>> -> memref<1x80x128xf32, #tpu.memory_space<vmem>>
    %dma_start3A_33 = tpu.memref_squeeze %dma_start3A_32 : memref<1x80x128xf32, #tpu.memory_space<vmem>> -> memref<80x128xf32, #tpu.memory_space<vmem>>
    %dma_start3A_34 = arith.constant 160 : i32
    %dma_start3A_35 = tpu.memref_slice %arg5[%dma_start3A_34] : memref<320xi32, #tpu.memory_space<vmem>> -> memref<80xi32, #tpu.memory_space<vmem>>
    %dma_start3A_36 = arith.constant 0 : i32
    %dma_start3A_37 = arith.constant 0 : i32
    %dma_start3A_38 = tpu.memref_slice %arg2[%dma_start3A_36, %dma_start3A_37] : memref<10240x128xf32, #tpu.memory_space<hbm>> -> memref<10240x128xf32, #tpu.memory_space<hbm>>
    %dma_start3A_39 = tpu.memref_slice %arg7[%dma_start3A_29] : memref<4x!tpu.dma_semaphore, #tpu.memory_space<semaphore_mem>> -> memref<1x!tpu.dma_semaphore, #tpu.memory_space<semaphore_mem>>
    %dma_start3A_40 = tpu.memref_squeeze %dma_start3A_39 : memref<1x!tpu.dma_semaphore, #tpu.memory_space<semaphore_mem>> -> memref<!tpu.dma_semaphore, #tpu.memory_space<semaphore_mem>>
    tpu.enqueue_indirect_dma source(%dma_start3A_38 : memref<10240x128xf32, #tpu.memory_space<hbm>>) target(%dma_start3A_33 : memref<80x128xf32, #tpu.memory_space<vmem>>) offsets(%dma_start3A_35 : memref<80xi32, #tpu.memory_space<vmem>>) semaphore(%dma_start3A_40 : memref<!tpu.dma_semaphore, #tpu.memory_space<semaphore_mem>>)
    %dma_start3A_41 = arith.constant 3 : i32
    %dma_start3A_42 = arith.constant 3 : i32
    %dma_start3A_43 = arith.constant 0 : i32
    %dma_start3A_44 = arith.constant 0 : i32
    %dma_start3A_45 = tpu.memref_slice %arg6[%dma_start3A_41, %dma_start3A_43, %dma_start3A_44] : memref<4x80x128xf32, #tpu.memory_space<vmem>> -> memref<1x80x128xf32, #tpu.memory_space<vmem>>
    %dma_start3A_46 = tpu.memref_squeeze %dma_start3A_45 : memref<1x80x128xf32, #tpu.memory_space<vmem>> -> memref<80x128xf32, #tpu.memory_space<vmem>>
    %dma_start3A_47 = arith.constant 240 : i32
    %dma_start3A_48 = tpu.memref_slice %arg5[%dma_start3A_47] : memref<320xi32, #tpu.memory_space<vmem>> -> memref<80xi32, #tpu.memory_space<vmem>>
    %dma_start3A_49 = arith.constant 0 : i32
    %dma_start3A_50 = arith.constant 0 : i32
    %dma_start3A_51 = tpu.memref_slice %arg2[%dma_start3A_49, %dma_start3A_50] : memref<10240x128xf32, #tpu.memory_space<hbm>> -> memref<10240x128xf32, #tpu.memory_space<hbm>>
    %dma_start3A_52 = tpu.memref_slice %arg7[%dma_start3A_42] : memref<4x!tpu.dma_semaphore, #tpu.memory_space<semaphore_mem>> -> memref<1x!tpu.dma_semaphore, #tpu.memory_space<semaphore_mem>>
    %dma_start3A_53 = tpu.memref_squeeze %dma_start3A_52 : memref<1x!tpu.dma_semaphore, #tpu.memory_space<semaphore_mem>> -> memref<!tpu.dma_semaphore, #tpu.memory_space<semaphore_mem>>
    tpu.enqueue_indirect_dma source(%dma_start3A_51 : memref<10240x128xf32, #tpu.memory_space<hbm>>) target(%dma_start3A_46 : memref<80x128xf32, #tpu.memory_space<vmem>>) offsets(%dma_start3A_48 : memref<80xi32, #tpu.memory_space<vmem>>) semaphore(%dma_start3A_53 : memref<!tpu.dma_semaphore, #tpu.memory_space<semaphore_mem>>)
    %scan3A = arith.constant 0 : i32
    %scan3A_54 = arith.constant 0 : i32
    %mul3A_55 = arith.constant 4 : i32
    %mul3A_56 = arith.muli %scan3A_54, %mul3A_55 : i32
    %add3A_57 = arith.constant 0 : i32
    %add3A_58 = arith.addi %mul3A_56, %add3A_57 : i32
    %mul3A_59 = arith.constant 80 : i32
    %mul3A_60 = arith.muli %add3A_58, %mul3A_59 : i32
    %dma_wait3A = arith.constant 0 : i32
    %dma_wait3A_61 = arith.constant 0 : i32
    %dma_wait3A_62 = arith.constant 0 : i32
    %dma_wait3A_63 = arith.constant 0 : i32
    %dma_wait3A_64 = tpu.memref_slice %arg6[%dma_wait3A, %dma_wait3A_62, %dma_wait3A_63] : memref<4x80x128xf32, #tpu.memory_space<vmem>> -> memref<1x80x128xf32, #tpu.memory_space<vmem>>
    %dma_wait3A_65 = tpu.memref_squeeze %dma_wait3A_64 : memref<1x80x128xf32, #tpu.memory_space<vmem>> -> memref<80x128xf32, #tpu.memory_space<vmem>>
    %dma_wait3A_66 = tpu.memref_slice %arg5[%mul3A_60] : memref<320xi32, #tpu.memory_space<vmem>> -> memref<80xi32, #tpu.memory_space<vmem>>
    %dma_wait3A_67 = arith.constant 0 : i32
    %dma_wait3A_68 = arith.constant 0 : i32
    %dma_wait3A_69 = tpu.memref_slice %arg2[%dma_wait3A_67, %dma_wait3A_68] : memref<10240x128xf32, #tpu.memory_space<hbm>> -> memref<10240x128xf32, #tpu.memory_space<hbm>>
    %dma_wait3A_70 = tpu.memref_slice %arg7[%dma_wait3A_61] : memref<4x!tpu.dma_semaphore, #tpu.memory_space<semaphore_mem>> -> memref<1x!tpu.dma_semaphore, #tpu.memory_space<semaphore_mem>>
    %dma_wait3A_71 = tpu.memref_squeeze %dma_wait3A_70 : memref<1x!tpu.dma_semaphore, #tpu.memory_space<semaphore_mem>> -> memref<!tpu.dma_semaphore, #tpu.memory_space<semaphore_mem>>
    tpu.wait_indirect_dma semaphore(%dma_wait3A_71 : memref<!tpu.dma_semaphore, #tpu.memory_space<semaphore_mem>>) src(%dma_wait3A_69 : memref<10240x128xf32, #tpu.memory_space<hbm>>) dst(%dma_wait3A_65 : memref<80x128xf32, #tpu.memory_space<vmem>>)
    %mul3A_72 = arith.constant 80 : i32
    %mul3A_73 = arith.muli %add3A_58, %mul3A_72 : i32
    %add3A_74 = arith.addi %mul3A_2, %mul3A_73 : i32
    %run_scoped3A = arith.constant 0 : i32
    "tpu.region"() ({
      %run_scoped3A_167 = tpu.sem_alloc : memref<!tpu.dma_semaphore, #tpu.memory_space<semaphore_mem>>
      %dma_start3A_168 = arith.constant 0 : i32
      %dma_start3A_169 = arith.constant 0 : i32
      %dma_start3A_170 = tpu.memref_slice %arg6[%run_scoped3A, %dma_start3A_168, %dma_start3A_169] : memref<4x80x128xf32, #tpu.memory_space<vmem>> -> memref<1x80x128xf32, #tpu.memory_space<vmem>>
      %dma_start3A_171 = tpu.memref_squeeze %dma_start3A_170 : memref<1x80x128xf32, #tpu.memory_space<vmem>> -> memref<80x128xf32, #tpu.memory_space<vmem>>
      %dma_start3A_172 = arith.constant 0 : i32
      %dma_start3A_173 = tpu.memref_slice %arg4[%add3A_74, %dma_start3A_172] : memref<10240x128xf32, #tpu.memory_space<hbm>> -> memref<80x128xf32, #tpu.memory_space<hbm>>
      %dma_start3A_174 = arith.constant 0 : i32
      %dma_start3A_175 = tpu.memref_slice %arg4[%add3A_74, %dma_start3A_174] : memref<10240x128xf32, #tpu.memory_space<hbm>> -> memref<80x128xf32, #tpu.memory_space<hbm>>
      %dma_start3A_176 = arith.constant 0 : i32
      %dma_start3A_177 = arith.constant 0 : i32
      %dma_start3A_178 = tpu.memref_slice %arg6[%run_scoped3A, %dma_start3A_176, %dma_start3A_177] : memref<4x80x128xf32, #tpu.memory_space<vmem>> -> memref<1x80x128xf32, #tpu.memory_space<vmem>>
      %dma_start3A_179 = tpu.memref_squeeze %dma_start3A_178 : memref<1x80x128xf32, #tpu.memory_space<vmem>> -> memref<80x128xf32, #tpu.memory_space<vmem>>
      tpu.enqueue_dma source(%dma_start3A_179 : memref<80x128xf32, #tpu.memory_space<vmem>>) target(%dma_start3A_175 : memref<80x128xf32, #tpu.memory_space<hbm>>) target_semaphore(%run_scoped3A_167 : memref<!tpu.dma_semaphore, #tpu.memory_space<semaphore_mem>>)
      %dma_wait3A_180 = arith.constant 0 : i32
      %dma_wait3A_181 = arith.constant 0 : i32
      %dma_wait3A_182 = tpu.memref_slice %arg6[%run_scoped3A, %dma_wait3A_180, %dma_wait3A_181] : memref<4x80x128xf32, #tpu.memory_space<vmem>> -> memref<1x80x128xf32, #tpu.memory_space<vmem>>
      %dma_wait3A_183 = tpu.memref_squeeze %dma_wait3A_182 : memref<1x80x128xf32, #tpu.memory_space<vmem>> -> memref<80x128xf32, #tpu.memory_space<vmem>>
      %dma_wait3A_184 = arith.constant 0 : i32
      %dma_wait3A_185 = tpu.memref_slice %arg4[%add3A_74, %dma_wait3A_184] : memref<10240x128xf32, #tpu.memory_space<hbm>> -> memref<80x128xf32, #tpu.memory_space<hbm>>
      %dma_wait3A_186 = arith.constant 0 : i32
      %dma_wait3A_187 = tpu.memref_slice %arg4[%add3A_74, %dma_wait3A_186] : memref<10240x128xf32, #tpu.memory_space<hbm>> -> memref<80x128xf32, #tpu.memory_space<hbm>>
      %dma_wait3A_188 = arith.constant 0 : i32
      %dma_wait3A_189 = arith.constant 0 : i32
      %dma_wait3A_190 = tpu.memref_slice %arg6[%run_scoped3A, %dma_wait3A_188, %dma_wait3A_189] : memref<4x80x128xf32, #tpu.memory_space<vmem>> -> memref<1x80x128xf32, #tpu.memory_space<vmem>>
      %dma_wait3A_191 = tpu.memref_squeeze %dma_wait3A_190 : memref<1x80x128xf32, #tpu.memory_space<vmem>> -> memref<80x128xf32, #tpu.memory_space<vmem>>
      tpu.wait_dma2 semaphore(%run_scoped3A_167 : memref<!tpu.dma_semaphore, #tpu.memory_space<semaphore_mem>>) src(%dma_wait3A_191 : memref<80x128xf32, #tpu.memory_space<vmem>>) dst(%dma_wait3A_187 : memref<80x128xf32, #tpu.memory_space<hbm>>)
      tpu.yield
    }) : () -> ()
    %add3A_75 = arith.constant 4 : i32
    %add3A_76 = arith.addi %add3A_58, %add3A_75 : i32
    %lt3A = arith.constant 4 : i32
    %lt3A_77 = arith.cmpi slt, %add3A_76, %lt3A : i32
    %convert_element_type3A = arith.extui %lt3A_77 : i1 to i32
    %cond3A = arith.constant 0 : i32
    %cond3A_78 = arith.cmpi ne, %convert_element_type3A, %cond3A : i32
    scf.if %cond3A_78 {
      %mul3A_167 = arith.constant 80 : i32
      %mul3A_168 = arith.muli %add3A_76, %mul3A_167 : i32
      %dma_start3A_169 = arith.constant 0 : i32
      %dma_start3A_170 = arith.constant 0 : i32
      %dma_start3A_171 = arith.constant 0 : i32
      %dma_start3A_172 = arith.constant 0 : i32
      %dma_start3A_173 = tpu.memref_slice %arg6[%dma_start3A_169, %dma_start3A_171, %dma_start3A_172] : memref<4x80x128xf32, #tpu.memory_space<vmem>> -> memref<1x80x128xf32, #tpu.memory_space<vmem>>
      %dma_start3A_174 = tpu.memref_squeeze %dma_start3A_173 : memref<1x80x128xf32, #tpu.memory_space<vmem>> -> memref<80x128xf32, #tpu.memory_space<vmem>>
      %dma_start3A_175 = tpu.memref_slice %arg5[%mul3A_168] : memref<320xi32, #tpu.memory_space<vmem>> -> memref<80xi32, #tpu.memory_space<vmem>>
      %dma_start3A_176 = arith.constant 0 : i32
      %dma_start3A_177 = arith.constant 0 : i32
      %dma_start3A_178 = tpu.memref_slice %arg2[%dma_start3A_176, %dma_start3A_177] : memref<10240x128xf32, #tpu.memory_space<hbm>> -> memref<10240x128xf32, #tpu.memory_space<hbm>>
      %dma_start3A_179 = tpu.memref_slice %arg7[%dma_start3A_170] : memref<4x!tpu.dma_semaphore, #tpu.memory_space<semaphore_mem>> -> memref<1x!tpu.dma_semaphore, #tpu.memory_space<semaphore_mem>>
      %dma_start3A_180 = tpu.memref_squeeze %dma_start3A_179 : memref<1x!tpu.dma_semaphore, #tpu.memory_space<semaphore_mem>> -> memref<!tpu.dma_semaphore, #tpu.memory_space<semaphore_mem>>
      tpu.enqueue_indirect_dma source(%dma_start3A_178 : memref<10240x128xf32, #tpu.memory_space<hbm>>) target(%dma_start3A_174 : memref<80x128xf32, #tpu.memory_space<vmem>>) offsets(%dma_start3A_175 : memref<80xi32, #tpu.memory_space<vmem>>) semaphore(%dma_start3A_180 : memref<!tpu.dma_semaphore, #tpu.memory_space<semaphore_mem>>)
    } else {
    }
    %mul3A_79 = arith.constant 4 : i32
    %mul3A_80 = arith.muli %scan3A_54, %mul3A_79 : i32
    %add3A_81 = arith.constant 1 : i32
    %add3A_82 = arith.addi %mul3A_80, %add3A_81 : i32
    %mul3A_83 = arith.constant 80 : i32
    %mul3A_84 = arith.muli %add3A_82, %mul3A_83 : i32
    %dma_wait3A_85 = arith.constant 1 : i32
    %dma_wait3A_86 = arith.constant 1 : i32
    %dma_wait3A_87 = arith.constant 0 : i32
    %dma_wait3A_88 = arith.constant 0 : i32
    %dma_wait3A_89 = tpu.memref_slice %arg6[%dma_wait3A_85, %dma_wait3A_87, %dma_wait3A_88] : memref<4x80x128xf32, #tpu.memory_space<vmem>> -> memref<1x80x128xf32, #tpu.memory_space<vmem>>
    %dma_wait3A_90 = tpu.memref_squeeze %dma_wait3A_89 : memref<1x80x128xf32, #tpu.memory_space<vmem>> -> memref<80x128xf32, #tpu.memory_space<vmem>>
    %dma_wait3A_91 = tpu.memref_slice %arg5[%mul3A_84] : memref<320xi32, #tpu.memory_space<vmem>> -> memref<80xi32, #tpu.memory_space<vmem>>
    %dma_wait3A_92 = arith.constant 0 : i32
    %dma_wait3A_93 = arith.constant 0 : i32
    %dma_wait3A_94 = tpu.memref_slice %arg2[%dma_wait3A_92, %dma_wait3A_93] : memref<10240x128xf32, #tpu.memory_space<hbm>> -> memref<10240x128xf32, #tpu.memory_space<hbm>>
    %dma_wait3A_95 = tpu.memref_slice %arg7[%dma_wait3A_86] : memref<4x!tpu.dma_semaphore, #tpu.memory_space<semaphore_mem>> -> memref<1x!tpu.dma_semaphore, #tpu.memory_space<semaphore_mem>>
    %dma_wait3A_96 = tpu.memref_squeeze %dma_wait3A_95 : memref<1x!tpu.dma_semaphore, #tpu.memory_space<semaphore_mem>> -> memref<!tpu.dma_semaphore, #tpu.memory_space<semaphore_mem>>
    tpu.wait_indirect_dma semaphore(%dma_wait3A_96 : memref<!tpu.dma_semaphore, #tpu.memory_space<semaphore_mem>>) src(%dma_wait3A_94 : memref<10240x128xf32, #tpu.memory_space<hbm>>) dst(%dma_wait3A_90 : memref<80x128xf32, #tpu.memory_space<vmem>>)
    %mul3A_97 = arith.constant 80 : i32
    %mul3A_98 = arith.muli %add3A_82, %mul3A_97 : i32
    %add3A_99 = arith.addi %mul3A_2, %mul3A_98 : i32
    %run_scoped3A_100 = arith.constant 1 : i32
    "tpu.region"() ({
      %run_scoped3A_167 = tpu.sem_alloc : memref<!tpu.dma_semaphore, #tpu.memory_space<semaphore_mem>>
      %dma_start3A_168 = arith.constant 0 : i32
      %dma_start3A_169 = arith.constant 0 : i32
      %dma_start3A_170 = tpu.memref_slice %arg6[%run_scoped3A_100, %dma_start3A_168, %dma_start3A_169] : memref<4x80x128xf32, #tpu.memory_space<vmem>> -> memref<1x80x128xf32, #tpu.memory_space<vmem>>
      %dma_start3A_171 = tpu.memref_squeeze %dma_start3A_170 : memref<1x80x128xf32, #tpu.memory_space<vmem>> -> memref<80x128xf32, #tpu.memory_space<vmem>>
      %dma_start3A_172 = arith.constant 0 : i32
      %dma_start3A_173 = tpu.memref_slice %arg4[%add3A_99, %dma_start3A_172] : memref<10240x128xf32, #tpu.memory_space<hbm>> -> memref<80x128xf32, #tpu.memory_space<hbm>>
      %dma_start3A_174 = arith.constant 0 : i32
      %dma_start3A_175 = tpu.memref_slice %arg4[%add3A_99, %dma_start3A_174] : memref<10240x128xf32, #tpu.memory_space<hbm>> -> memref<80x128xf32, #tpu.memory_space<hbm>>
      %dma_start3A_176 = arith.constant 0 : i32
      %dma_start3A_177 = arith.constant 0 : i32
      %dma_start3A_178 = tpu.memref_slice %arg6[%run_scoped3A_100, %dma_start3A_176, %dma_start3A_177] : memref<4x80x128xf32, #tpu.memory_space<vmem>> -> memref<1x80x128xf32, #tpu.memory_space<vmem>>
      %dma_start3A_179 = tpu.memref_squeeze %dma_start3A_178 : memref<1x80x128xf32, #tpu.memory_space<vmem>> -> memref<80x128xf32, #tpu.memory_space<vmem>>
      tpu.enqueue_dma source(%dma_start3A_179 : memref<80x128xf32, #tpu.memory_space<vmem>>) target(%dma_start3A_175 : memref<80x128xf32, #tpu.memory_space<hbm>>) target_semaphore(%run_scoped3A_167 : memref<!tpu.dma_semaphore, #tpu.memory_space<semaphore_mem>>)
      %dma_wait3A_180 = arith.constant 0 : i32
      %dma_wait3A_181 = arith.constant 0 : i32
      %dma_wait3A_182 = tpu.memref_slice %arg6[%run_scoped3A_100, %dma_wait3A_180, %dma_wait3A_181] : memref<4x80x128xf32, #tpu.memory_space<vmem>> -> memref<1x80x128xf32, #tpu.memory_space<vmem>>
      %dma_wait3A_183 = tpu.memref_squeeze %dma_wait3A_182 : memref<1x80x128xf32, #tpu.memory_space<vmem>> -> memref<80x128xf32, #tpu.memory_space<vmem>>
      %dma_wait3A_184 = arith.constant 0 : i32
      %dma_wait3A_185 = tpu.memref_slice %arg4[%add3A_99, %dma_wait3A_184] : memref<10240x128xf32, #tpu.memory_space<hbm>> -> memref<80x128xf32, #tpu.memory_space<hbm>>
      %dma_wait3A_186 = arith.constant 0 : i32
      %dma_wait3A_187 = tpu.memref_slice %arg4[%add3A_99, %dma_wait3A_186] : memref<10240x128xf32, #tpu.memory_space<hbm>> -> memref<80x128xf32, #tpu.memory_space<hbm>>
      %dma_wait3A_188 = arith.constant 0 : i32
      %dma_wait3A_189 = arith.constant 0 : i32
      %dma_wait3A_190 = tpu.memref_slice %arg6[%run_scoped3A_100, %dma_wait3A_188, %dma_wait3A_189] : memref<4x80x128xf32, #tpu.memory_space<vmem>> -> memref<1x80x128xf32, #tpu.memory_space<vmem>>
      %dma_wait3A_191 = tpu.memref_squeeze %dma_wait3A_190 : memref<1x80x128xf32, #tpu.memory_space<vmem>> -> memref<80x128xf32, #tpu.memory_space<vmem>>
      tpu.wait_dma2 semaphore(%run_scoped3A_167 : memref<!tpu.dma_semaphore, #tpu.memory_space<semaphore_mem>>) src(%dma_wait3A_191 : memref<80x128xf32, #tpu.memory_space<vmem>>) dst(%dma_wait3A_187 : memref<80x128xf32, #tpu.memory_space<hbm>>)
      tpu.yield
    }) : () -> ()
    %add3A_101 = arith.constant 4 : i32
    %add3A_102 = arith.addi %add3A_82, %add3A_101 : i32
    %lt3A_103 = arith.constant 4 : i32
    %lt3A_104 = arith.cmpi slt, %add3A_102, %lt3A_103 : i32
    %convert_element_type3A_105 = arith.extui %lt3A_104 : i1 to i32
    %cond3A_106 = arith.constant 0 : i32
    %cond3A_107 = arith.cmpi ne, %convert_element_type3A_105, %cond3A_106 : i32
    scf.if %cond3A_107 {
      %mul3A_167 = arith.constant 80 : i32
      %mul3A_168 = arith.muli %add3A_102, %mul3A_167 : i32
      %dma_start3A_169 = arith.constant 1 : i32
      %dma_start3A_170 = arith.constant 1 : i32
      %dma_start3A_171 = arith.constant 0 : i32
      %dma_start3A_172 = arith.constant 0 : i32
      %dma_start3A_173 = tpu.memref_slice %arg6[%dma_start3A_169, %dma_start3A_171, %dma_start3A_172] : memref<4x80x128xf32, #tpu.memory_space<vmem>> -> memref<1x80x128xf32, #tpu.memory_space<vmem>>
      %dma_start3A_174 = tpu.memref_squeeze %dma_start3A_173 : memref<1x80x128xf32, #tpu.memory_space<vmem>> -> memref<80x128xf32, #tpu.memory_space<vmem>>
      %dma_start3A_175 = tpu.memref_slice %arg5[%mul3A_168] : memref<320xi32, #tpu.memory_space<vmem>> -> memref<80xi32, #tpu.memory_space<vmem>>
      %dma_start3A_176 = arith.constant 0 : i32
      %dma_start3A_177 = arith.constant 0 : i32
      %dma_start3A_178 = tpu.memref_slice %arg2[%dma_start3A_176, %dma_start3A_177] : memref<10240x128xf32, #tpu.memory_space<hbm>> -> memref<10240x128xf32, #tpu.memory_space<hbm>>
      %dma_start3A_179 = tpu.memref_slice %arg7[%dma_start3A_170] : memref<4x!tpu.dma_semaphore, #tpu.memory_space<semaphore_mem>> -> memref<1x!tpu.dma_semaphore, #tpu.memory_space<semaphore_mem>>
      %dma_start3A_180 = tpu.memref_squeeze %dma_start3A_179 : memref<1x!tpu.dma_semaphore, #tpu.memory_space<semaphore_mem>> -> memref<!tpu.dma_semaphore, #tpu.memory_space<semaphore_mem>>
      tpu.enqueue_indirect_dma source(%dma_start3A_178 : memref<10240x128xf32, #tpu.memory_space<hbm>>) target(%dma_start3A_174 : memref<80x128xf32, #tpu.memory_space<vmem>>) offsets(%dma_start3A_175 : memref<80xi32, #tpu.memory_space<vmem>>) semaphore(%dma_start3A_180 : memref<!tpu.dma_semaphore, #tpu.memory_space<semaphore_mem>>)
    } else {
    }
    %mul3A_108 = arith.constant 4 : i32
    %mul3A_109 = arith.muli %scan3A_54, %mul3A_108 : i32
    %add3A_110 = arith.constant 2 : i32
    %add3A_111 = arith.addi %mul3A_109, %add3A_110 : i32
    %mul3A_112 = arith.constant 80 : i32
    %mul3A_113 = arith.muli %add3A_111, %mul3A_112 : i32
    %dma_wait3A_114 = arith.constant 2 : i32
    %dma_wait3A_115 = arith.constant 2 : i32
    %dma_wait3A_116 = arith.constant 0 : i32
    %dma_wait3A_117 = arith.constant 0 : i32
    %dma_wait3A_118 = tpu.memref_slice %arg6[%dma_wait3A_114, %dma_wait3A_116, %dma_wait3A_117] : memref<4x80x128xf32, #tpu.memory_space<vmem>> -> memref<1x80x128xf32, #tpu.memory_space<vmem>>
    %dma_wait3A_119 = tpu.memref_squeeze %dma_wait3A_118 : memref<1x80x128xf32, #tpu.memory_space<vmem>> -> memref<80x128xf32, #tpu.memory_space<vmem>>
    %dma_wait3A_120 = tpu.memref_slice %arg5[%mul3A_113] : memref<320xi32, #tpu.memory_space<vmem>> -> memref<80xi32, #tpu.memory_space<vmem>>
    %dma_wait3A_121 = arith.constant 0 : i32
    %dma_wait3A_122 = arith.constant 0 : i32
    %dma_wait3A_123 = tpu.memref_slice %arg2[%dma_wait3A_121, %dma_wait3A_122] : memref<10240x128xf32, #tpu.memory_space<hbm>> -> memref<10240x128xf32, #tpu.memory_space<hbm>>
    %dma_wait3A_124 = tpu.memref_slice %arg7[%dma_wait3A_115] : memref<4x!tpu.dma_semaphore, #tpu.memory_space<semaphore_mem>> -> memref<1x!tpu.dma_semaphore, #tpu.memory_space<semaphore_mem>>
    %dma_wait3A_125 = tpu.memref_squeeze %dma_wait3A_124 : memref<1x!tpu.dma_semaphore, #tpu.memory_space<semaphore_mem>> -> memref<!tpu.dma_semaphore, #tpu.memory_space<semaphore_mem>>
    tpu.wait_indirect_dma semaphore(%dma_wait3A_125 : memref<!tpu.dma_semaphore, #tpu.memory_space<semaphore_mem>>) src(%dma_wait3A_123 : memref<10240x128xf32, #tpu.memory_space<hbm>>) dst(%dma_wait3A_119 : memref<80x128xf32, #tpu.memory_space<vmem>>)
    %mul3A_126 = arith.constant 80 : i32
    %mul3A_127 = arith.muli %add3A_111, %mul3A_126 : i32
    %add3A_128 = arith.addi %mul3A_2, %mul3A_127 : i32
    %run_scoped3A_129 = arith.constant 2 : i32
    "tpu.region"() ({
      %run_scoped3A_167 = tpu.sem_alloc : memref<!tpu.dma_semaphore, #tpu.memory_space<semaphore_mem>>
      %dma_start3A_168 = arith.constant 0 : i32
      %dma_start3A_169 = arith.constant 0 : i32
      %dma_start3A_170 = tpu.memref_slice %arg6[%run_scoped3A_129, %dma_start3A_168, %dma_start3A_169] : memref<4x80x128xf32, #tpu.memory_space<vmem>> -> memref<1x80x128xf32, #tpu.memory_space<vmem>>
      %dma_start3A_171 = tpu.memref_squeeze %dma_start3A_170 : memref<1x80x128xf32, #tpu.memory_space<vmem>> -> memref<80x128xf32, #tpu.memory_space<vmem>>
      %dma_start3A_172 = arith.constant 0 : i32
      %dma_start3A_173 = tpu.memref_slice %arg4[%add3A_128, %dma_start3A_172] : memref<10240x128xf32, #tpu.memory_space<hbm>> -> memref<80x128xf32, #tpu.memory_space<hbm>>
      %dma_start3A_174 = arith.constant 0 : i32
      %dma_start3A_175 = tpu.memref_slice %arg4[%add3A_128, %dma_start3A_174] : memref<10240x128xf32, #tpu.memory_space<hbm>> -> memref<80x128xf32, #tpu.memory_space<hbm>>
      %dma_start3A_176 = arith.constant 0 : i32
      %dma_start3A_177 = arith.constant 0 : i32
      %dma_start3A_178 = tpu.memref_slice %arg6[%run_scoped3A_129, %dma_start3A_176, %dma_start3A_177] : memref<4x80x128xf32, #tpu.memory_space<vmem>> -> memref<1x80x128xf32, #tpu.memory_space<vmem>>
      %dma_start3A_179 = tpu.memref_squeeze %dma_start3A_178 : memref<1x80x128xf32, #tpu.memory_space<vmem>> -> memref<80x128xf32, #tpu.memory_space<vmem>>
      tpu.enqueue_dma source(%dma_start3A_179 : memref<80x128xf32, #tpu.memory_space<vmem>>) target(%dma_start3A_175 : memref<80x128xf32, #tpu.memory_space<hbm>>) target_semaphore(%run_scoped3A_167 : memref<!tpu.dma_semaphore, #tpu.memory_space<semaphore_mem>>)
      %dma_wait3A_180 = arith.constant 0 : i32
      %dma_wait3A_181 = arith.constant 0 : i32
      %dma_wait3A_182 = tpu.memref_slice %arg6[%run_scoped3A_129, %dma_wait3A_180, %dma_wait3A_181] : memref<4x80x128xf32, #tpu.memory_space<vmem>> -> memref<1x80x128xf32, #tpu.memory_space<vmem>>
      %dma_wait3A_183 = tpu.memref_squeeze %dma_wait3A_182 : memref<1x80x128xf32, #tpu.memory_space<vmem>> -> memref<80x128xf32, #tpu.memory_space<vmem>>
      %dma_wait3A_184 = arith.constant 0 : i32
      %dma_wait3A_185 = tpu.memref_slice %arg4[%add3A_128, %dma_wait3A_184] : memref<10240x128xf32, #tpu.memory_space<hbm>> -> memref<80x128xf32, #tpu.memory_space<hbm>>
      %dma_wait3A_186 = arith.constant 0 : i32
      %dma_wait3A_187 = tpu.memref_slice %arg4[%add3A_128, %dma_wait3A_186] : memref<10240x128xf32, #tpu.memory_space<hbm>> -> memref<80x128xf32, #tpu.memory_space<hbm>>
      %dma_wait3A_188 = arith.constant 0 : i32
      %dma_wait3A_189 = arith.constant 0 : i32
      %dma_wait3A_190 = tpu.memref_slice %arg6[%run_scoped3A_129, %dma_wait3A_188, %dma_wait3A_189] : memref<4x80x128xf32, #tpu.memory_space<vmem>> -> memref<1x80x128xf32, #tpu.memory_space<vmem>>
      %dma_wait3A_191 = tpu.memref_squeeze %dma_wait3A_190 : memref<1x80x128xf32, #tpu.memory_space<vmem>> -> memref<80x128xf32, #tpu.memory_space<vmem>>
      tpu.wait_dma2 semaphore(%run_scoped3A_167 : memref<!tpu.dma_semaphore, #tpu.memory_space<semaphore_mem>>) src(%dma_wait3A_191 : memref<80x128xf32, #tpu.memory_space<vmem>>) dst(%dma_wait3A_187 : memref<80x128xf32, #tpu.memory_space<hbm>>)
      tpu.yield
    }) : () -> ()
    %add3A_130 = arith.constant 4 : i32
    %add3A_131 = arith.addi %add3A_111, %add3A_130 : i32
    %lt3A_132 = arith.constant 4 : i32
    %lt3A_133 = arith.cmpi slt, %add3A_131, %lt3A_132 : i32
    %convert_element_type3A_134 = arith.extui %lt3A_133 : i1 to i32
    %cond3A_135 = arith.constant 0 : i32
    %cond3A_136 = arith.cmpi ne, %convert_element_type3A_134, %cond3A_135 : i32
    scf.if %cond3A_136 {
      %mul3A_167 = arith.constant 80 : i32
      %mul3A_168 = arith.muli %add3A_131, %mul3A_167 : i32
      %dma_start3A_169 = arith.constant 2 : i32
      %dma_start3A_170 = arith.constant 2 : i32
      %dma_start3A_171 = arith.constant 0 : i32
      %dma_start3A_172 = arith.constant 0 : i32
      %dma_start3A_173 = tpu.memref_slice %arg6[%dma_start3A_169, %dma_start3A_171, %dma_start3A_172] : memref<4x80x128xf32, #tpu.memory_space<vmem>> -> memref<1x80x128xf32, #tpu.memory_space<vmem>>
      %dma_start3A_174 = tpu.memref_squeeze %dma_start3A_173 : memref<1x80x128xf32, #tpu.memory_space<vmem>> -> memref<80x128xf32, #tpu.memory_space<vmem>>
      %dma_start3A_175 = tpu.memref_slice %arg5[%mul3A_168] : memref<320xi32, #tpu.memory_space<vmem>> -> memref<80xi32, #tpu.memory_space<vmem>>
      %dma_start3A_176 = arith.constant 0 : i32
      %dma_start3A_177 = arith.constant 0 : i32
      %dma_start3A_178 = tpu.memref_slice %arg2[%dma_start3A_176, %dma_start3A_177] : memref<10240x128xf32, #tpu.memory_space<hbm>> -> memref<10240x128xf32, #tpu.memory_space<hbm>>
      %dma_start3A_179 = tpu.memref_slice %arg7[%dma_start3A_170] : memref<4x!tpu.dma_semaphore, #tpu.memory_space<semaphore_mem>> -> memref<1x!tpu.dma_semaphore, #tpu.memory_space<semaphore_mem>>
      %dma_start3A_180 = tpu.memref_squeeze %dma_start3A_179 : memref<1x!tpu.dma_semaphore, #tpu.memory_space<semaphore_mem>> -> memref<!tpu.dma_semaphore, #tpu.memory_space<semaphore_mem>>
      tpu.enqueue_indirect_dma source(%dma_start3A_178 : memref<10240x128xf32, #tpu.memory_space<hbm>>) target(%dma_start3A_174 : memref<80x128xf32, #tpu.memory_space<vmem>>) offsets(%dma_start3A_175 : memref<80xi32, #tpu.memory_space<vmem>>) semaphore(%dma_start3A_180 : memref<!tpu.dma_semaphore, #tpu.memory_space<semaphore_mem>>)
    } else {
    }
    %mul3A_137 = arith.constant 4 : i32
    %mul3A_138 = arith.muli %scan3A_54, %mul3A_137 : i32
    %add3A_139 = arith.constant 3 : i32
    %add3A_140 = arith.addi %mul3A_138, %add3A_139 : i32
    %mul3A_141 = arith.constant 80 : i32
    %mul3A_142 = arith.muli %add3A_140, %mul3A_141 : i32
    %dma_wait3A_143 = arith.constant 3 : i32
    %dma_wait3A_144 = arith.constant 3 : i32
    %dma_wait3A_145 = arith.constant 0 : i32
    %dma_wait3A_146 = arith.constant 0 : i32
    %dma_wait3A_147 = tpu.memref_slice %arg6[%dma_wait3A_143, %dma_wait3A_145, %dma_wait3A_146] : memref<4x80x128xf32, #tpu.memory_space<vmem>> -> memref<1x80x128xf32, #tpu.memory_space<vmem>>
    %dma_wait3A_148 = tpu.memref_squeeze %dma_wait3A_147 : memref<1x80x128xf32, #tpu.memory_space<vmem>> -> memref<80x128xf32, #tpu.memory_space<vmem>>
    %dma_wait3A_149 = tpu.memref_slice %arg5[%mul3A_142] : memref<320xi32, #tpu.memory_space<vmem>> -> memref<80xi32, #tpu.memory_space<vmem>>
    %dma_wait3A_150 = arith.constant 0 : i32
    %dma_wait3A_151 = arith.constant 0 : i32
    %dma_wait3A_152 = tpu.memref_slice %arg2[%dma_wait3A_150, %dma_wait3A_151] : memref<10240x128xf32, #tpu.memory_space<hbm>> -> memref<10240x128xf32, #tpu.memory_space<hbm>>
    %dma_wait3A_153 = tpu.memref_slice %arg7[%dma_wait3A_144] : memref<4x!tpu.dma_semaphore, #tpu.memory_space<semaphore_mem>> -> memref<1x!tpu.dma_semaphore, #tpu.memory_space<semaphore_mem>>
    %dma_wait3A_154 = tpu.memref_squeeze %dma_wait3A_153 : memref<1x!tpu.dma_semaphore, #tpu.memory_space<semaphore_mem>> -> memref<!tpu.dma_semaphore, #tpu.memory_space<semaphore_mem>>
    tpu.wait_indirect_dma semaphore(%dma_wait3A_154 : memref<!tpu.dma_semaphore, #tpu.memory_space<semaphore_mem>>) src(%dma_wait3A_152 : memref<10240x128xf32, #tpu.memory_space<hbm>>) dst(%dma_wait3A_148 : memref<80x128xf32, #tpu.memory_space<vmem>>)
    %mul3A_155 = arith.constant 80 : i32
    %mul3A_156 = arith.muli %add3A_140, %mul3A_155 : i32
    %add3A_157 = arith.addi %mul3A_2, %mul3A_156 : i32
    %run_scoped3A_158 = arith.constant 3 : i32
    "tpu.region"() ({
      %run_scoped3A_167 = tpu.sem_alloc : memref<!tpu.dma_semaphore, #tpu.memory_space<semaphore_mem>>
      %dma_start3A_168 = arith.constant 0 : i32
      %dma_start3A_169 = arith.constant 0 : i32
      %dma_start3A_170 = tpu.memref_slice %arg6[%run_scoped3A_158, %dma_start3A_168, %dma_start3A_169] : memref<4x80x128xf32, #tpu.memory_space<vmem>> -> memref<1x80x128xf32, #tpu.memory_space<vmem>>
      %dma_start3A_171 = tpu.memref_squeeze %dma_start3A_170 : memref<1x80x128xf32, #tpu.memory_space<vmem>> -> memref<80x128xf32, #tpu.memory_space<vmem>>
      %dma_start3A_172 = arith.constant 0 : i32
      %dma_start3A_173 = tpu.memref_slice %arg4[%add3A_157, %dma_start3A_172] : memref<10240x128xf32, #tpu.memory_space<hbm>> -> memref<80x128xf32, #tpu.memory_space<hbm>>
      %dma_start3A_174 = arith.constant 0 : i32
      %dma_start3A_175 = tpu.memref_slice %arg4[%add3A_157, %dma_start3A_174] : memref<10240x128xf32, #tpu.memory_space<hbm>> -> memref<80x128xf32, #tpu.memory_space<hbm>>
      %dma_start3A_176 = arith.constant 0 : i32
      %dma_start3A_177 = arith.constant 0 : i32
      %dma_start3A_178 = tpu.memref_slice %arg6[%run_scoped3A_158, %dma_start3A_176, %dma_start3A_177] : memref<4x80x128xf32, #tpu.memory_space<vmem>> -> memref<1x80x128xf32, #tpu.memory_space<vmem>>
      %dma_start3A_179 = tpu.memref_squeeze %dma_start3A_178 : memref<1x80x128xf32, #tpu.memory_space<vmem>> -> memref<80x128xf32, #tpu.memory_space<vmem>>
      tpu.enqueue_dma source(%dma_start3A_179 : memref<80x128xf32, #tpu.memory_space<vmem>>) target(%dma_start3A_175 : memref<80x128xf32, #tpu.memory_space<hbm>>) target_semaphore(%run_scoped3A_167 : memref<!tpu.dma_semaphore, #tpu.memory_space<semaphore_mem>>)
      %dma_wait3A_180 = arith.constant 0 : i32
      %dma_wait3A_181 = arith.constant 0 : i32
      %dma_wait3A_182 = tpu.memref_slice %arg6[%run_scoped3A_158, %dma_wait3A_180, %dma_wait3A_181] : memref<4x80x128xf32, #tpu.memory_space<vmem>> -> memref<1x80x128xf32, #tpu.memory_space<vmem>>
      %dma_wait3A_183 = tpu.memref_squeeze %dma_wait3A_182 : memref<1x80x128xf32, #tpu.memory_space<vmem>> -> memref<80x128xf32, #tpu.memory_space<vmem>>
      %dma_wait3A_184 = arith.constant 0 : i32
      %dma_wait3A_185 = tpu.memref_slice %arg4[%add3A_157, %dma_wait3A_184] : memref<10240x128xf32, #tpu.memory_space<hbm>> -> memref<80x128xf32, #tpu.memory_space<hbm>>
      %dma_wait3A_186 = arith.constant 0 : i32
      %dma_wait3A_187 = tpu.memref_slice %arg4[%add3A_157, %dma_wait3A_186] : memref<10240x128xf32, #tpu.memory_space<hbm>> -> memref<80x128xf32, #tpu.memory_space<hbm>>
      %dma_wait3A_188 = arith.constant 0 : i32
      %dma_wait3A_189 = arith.constant 0 : i32
      %dma_wait3A_190 = tpu.memref_slice %arg6[%run_scoped3A_158, %dma_wait3A_188, %dma_wait3A_189] : memref<4x80x128xf32, #tpu.memory_space<vmem>> -> memref<1x80x128xf32, #tpu.memory_space<vmem>>
      %dma_wait3A_191 = tpu.memref_squeeze %dma_wait3A_190 : memref<1x80x128xf32, #tpu.memory_space<vmem>> -> memref<80x128xf32, #tpu.memory_space<vmem>>
      tpu.wait_dma2 semaphore(%run_scoped3A_167 : memref<!tpu.dma_semaphore, #tpu.memory_space<semaphore_mem>>) src(%dma_wait3A_191 : memref<80x128xf32, #tpu.memory_space<vmem>>) dst(%dma_wait3A_187 : memref<80x128xf32, #tpu.memory_space<hbm>>)
      tpu.yield
    }) : () -> ()
    %add3A_159 = arith.constant 4 : i32
    %add3A_160 = arith.addi %add3A_140, %add3A_159 : i32
    %lt3A_161 = arith.constant 4 : i32
    %lt3A_162 = arith.cmpi slt, %add3A_160, %lt3A_161 : i32
    %convert_element_type3A_163 = arith.extui %lt3A_162 : i1 to i32
    %cond3A_164 = arith.constant 0 : i32
    %cond3A_165 = arith.cmpi ne, %convert_element_type3A_163, %cond3A_164 : i32
    scf.if %cond3A_165 {
      %mul3A_167 = arith.constant 80 : i32
      %mul3A_168 = arith.muli %add3A_160, %mul3A_167 : i32
      %dma_start3A_169 = arith.constant 3 : i32
      %dma_start3A_170 = arith.constant 3 : i32
      %dma_start3A_171 = arith.constant 0 : i32
      %dma_start3A_172 = arith.constant 0 : i32
      %dma_start3A_173 = tpu.memref_slice %arg6[%dma_start3A_169, %dma_start3A_171, %dma_start3A_172] : memref<4x80x128xf32, #tpu.memory_space<vmem>> -> memref<1x80x128xf32, #tpu.memory_space<vmem>>
      %dma_start3A_174 = tpu.memref_squeeze %dma_start3A_173 : memref<1x80x128xf32, #tpu.memory_space<vmem>> -> memref<80x128xf32, #tpu.memory_space<vmem>>
      %dma_start3A_175 = tpu.memref_slice %arg5[%mul3A_168] : memref<320xi32, #tpu.memory_space<vmem>> -> memref<80xi32, #tpu.memory_space<vmem>>
      %dma_start3A_176 = arith.constant 0 : i32
      %dma_start3A_177 = arith.constant 0 : i32
      %dma_start3A_178 = tpu.memref_slice %arg2[%dma_start3A_176, %dma_start3A_177] : memref<10240x128xf32, #tpu.memory_space<hbm>> -> memref<10240x128xf32, #tpu.memory_space<hbm>>
      %dma_start3A_179 = tpu.memref_slice %arg7[%dma_start3A_170] : memref<4x!tpu.dma_semaphore, #tpu.memory_space<semaphore_mem>> -> memref<1x!tpu.dma_semaphore, #tpu.memory_space<semaphore_mem>>
      %dma_start3A_180 = tpu.memref_squeeze %dma_start3A_179 : memref<1x!tpu.dma_semaphore, #tpu.memory_space<semaphore_mem>> -> memref<!tpu.dma_semaphore, #tpu.memory_space<semaphore_mem>>
      tpu.enqueue_indirect_dma source(%dma_start3A_178 : memref<10240x128xf32, #tpu.memory_space<hbm>>) target(%dma_start3A_174 : memref<80x128xf32, #tpu.memory_space<vmem>>) offsets(%dma_start3A_175 : memref<80xi32, #tpu.memory_space<vmem>>) semaphore(%dma_start3A_180 : memref<!tpu.dma_semaphore, #tpu.memory_space<semaphore_mem>>)
    } else {
    }
    %scan3A_166 = arith.constant 1 : i32
    return
  }
}

module attributes {stable_mosaic.version = 14 : i64} {
  func.func @body(%arg0: i32, %arg1: memref<344064x128xf32, #tpu.memory_space<hbm>>, %arg2: memref<1024xi32, #tpu.memory_space<smem>>, %arg3: memref<1024xi32, #tpu.memory_space<smem>>, %arg4: memref<10xi32, #tpu.memory_space<smem>>, %arg5: memref<1024x128xf32, #tpu.memory_space<vmem>>, %arg6: memref<128x512xf32, #tpu.memory_space<vmem>>, %arg7: memref<128x512xf32, #tpu.memory_space<vmem>>, %arg8: memref<1x512xf32, #tpu.memory_space<vmem>>, %arg9: memref<128x256xf32, #tpu.memory_space<vmem>>, %arg10: memref<1x256xf32, #tpu.memory_space<vmem>>, %arg11: memref<128x256xf32, #tpu.memory_space<vmem>>, %arg12: memref<1024x256xf32, #tpu.memory_space<vmem>>, %arg13: memref<2x1024x128xf32, #tpu.memory_space<vmem>>, %arg14: memref<1024x128xf32, #tpu.memory_space<vmem>>, %arg15: memref<1024x128xf32, #tpu.memory_space<vmem>>, %arg16: memref<2x!tpu.dma_semaphore, #tpu.memory_space<semaphore_mem>>) attributes {dimension_semantics = [#tpu.dimension_semantics<arbitrary>], iteration_bounds = array<i64: 10>, scalar_prefetch = 0 : i64, scratch_operands = 4 : i64, tpu.core_type = #tpu.core_type<tc>, window_params = [{}, {transform_indices = @transform_1, window_bounds = array<i64: 1024>}, {transform_indices = @transform_2, window_bounds = array<i64: 1024>}, {transform_indices = @transform_3, window_bounds = array<i64: 10>}, {transform_indices = @transform_4, window_bounds = array<i64: 1024, 128>}, {pipeline_mode = #tpu.pipeline_mode<synchronous>, transform_indices = @transform_5, window_bounds = array<i64: 128, 512>}, {pipeline_mode = #tpu.pipeline_mode<synchronous>, transform_indices = @transform_6, window_bounds = array<i64: 128, 512>}, {pipeline_mode = #tpu.pipeline_mode<synchronous>, transform_indices = @transform_7, window_bounds = array<i64: 1, 512>}, {pipeline_mode = #tpu.pipeline_mode<synchronous>, transform_indices = @transform_8, window_bounds = array<i64: 128, 256>}, {pipeline_mode = #tpu.pipeline_mode<synchronous>, transform_indices = @transform_9, window_bounds = array<i64: 1, 256>}, {pipeline_mode = #tpu.pipeline_mode<synchronous>, transform_indices = @transform_10, window_bounds = array<i64: 128, 256>}, {transform_indices = @transform_11, window_bounds = array<i64: 1024, 256>}]} {
    %get3A = arith.index_cast %arg0 : i32 to index
    %get3A_0 = memref.load %arg4[%get3A] : memref<10xi32, #tpu.memory_space<smem>>
    %mul3A = arith.constant 1024 : i32
    %mul3A_1 = arith.muli %arg0, %mul3A : i32
    %broadcast_in_dim3A = arith.constant 0.000000e+00 : f32
    %broadcast_in_dim3A_2 = vector.broadcast %broadcast_in_dim3A : f32 to vector<1024x128xf32>
    %swap3A = arith.constant 0 : index
    %swap3A_3 = arith.constant 0 : index
    %swap3A_4 = vector.load %arg14[%swap3A, %swap3A_3] : memref<1024x128xf32, #tpu.memory_space<vmem>>, vector<1024x128xf32>
    tpu.vector_store %arg14[%swap3A, %swap3A_3], %broadcast_in_dim3A_2 {strides = array<i32>} : memref<1024x128xf32, #tpu.memory_space<vmem>>, vector<1024x128xf32>,
    %broadcast_in_dim3A_5 = arith.constant 0.000000e+00 : f32
    %broadcast_in_dim3A_6 = vector.broadcast %broadcast_in_dim3A_5 : f32 to vector<1024x128xf32>
    %swap3A_7 = arith.constant 0 : index
    %swap3A_8 = arith.constant 0 : index
    %swap3A_9 = vector.load %arg15[%swap3A_7, %swap3A_8] : memref<1024x128xf32, #tpu.memory_space<vmem>>, vector<1024x128xf32>
    tpu.vector_store %arg15[%swap3A_7, %swap3A_8], %broadcast_in_dim3A_6 {strides = array<i32>} : memref<1024x128xf32, #tpu.memory_space<vmem>>, vector<1024x128xf32>,
    %gt3A = arith.constant 0 : i32
    %gt3A_10 = arith.cmpi sgt, %get3A_0, %gt3A : i32
    %convert_element_type3A = arith.extui %gt3A_10 : i1 to i32
    %cond3A = arith.constant 0 : i32
    %cond3A_11 = arith.cmpi ne, %convert_element_type3A, %cond3A : i32
    scf.if %cond3A_11 {
      %rem3A = arith.constant 0 : i32
      %rem3A_46 = arith.constant 2 : i32
      %rem3A_47 = arith.remsi %rem3A, %rem3A_46 : i32
      %get3A_48 = arith.constant 0 : index
      %get3A_49 = memref.load %arg2[%get3A_48] : memref<1024xi32, #tpu.memory_space<smem>>
      %add3A_50 = arith.addi %get3A_49, %mul3A_1 : i32
      %multiple_of3A = tpu.assume_multiple %add3A_50, 8 : i32
      %dma_start3A = tpu.memref_slice %arg16[%rem3A_47] : memref<2x!tpu.dma_semaphore, #tpu.memory_space<semaphore_mem>> -> memref<1x!tpu.dma_semaphore, #tpu.memory_space<semaphore_mem>>
      %dma_start3A_51 = tpu.memref_squeeze %dma_start3A : memref<1x!tpu.dma_semaphore, #tpu.memory_space<semaphore_mem>> -> memref<!tpu.dma_semaphore, #tpu.memory_space<semaphore_mem>>
      %dma_start3A_52 = arith.constant 0 : i32
      %dma_start3A_53 = arith.constant 0 : i32
      %dma_start3A_54 = tpu.memref_slice %arg13[%rem3A_47, %dma_start3A_52, %dma_start3A_53] : memref<2x1024x128xf32, #tpu.memory_space<vmem>> -> memref<1x1024x128xf32, #tpu.memory_space<vmem>>
      %dma_start3A_55 = tpu.memref_squeeze %dma_start3A_54 : memref<1x1024x128xf32, #tpu.memory_space<vmem>> -> memref<1024x128xf32, #tpu.memory_space<vmem>>
      %dma_start3A_56 = arith.constant 0 : i32
      %dma_start3A_57 = tpu.memref_slice %arg1[%multiple_of3A, %dma_start3A_56] : memref<344064x128xf32, #tpu.memory_space<hbm>> -> memref<1024x128xf32, #tpu.memory_space<hbm>>
      tpu.enqueue_dma source(%dma_start3A_57 : memref<1024x128xf32, #tpu.memory_space<hbm>>) target(%dma_start3A_55 : memref<1024x128xf32, #tpu.memory_space<vmem>>) target_semaphore(%dma_start3A_51 : memref<!tpu.dma_semaphore, #tpu.memory_space<semaphore_mem>>)
    } else {
    }
    %while3A = arith.constant 0 : i32
    %while3A_12 = arith.constant 0 : i32
    %while3A_13 = arith.subi %get3A_0, %while3A_12 : i32
    %while3A_14 = arith.addi %while3A_12, %while3A_13 : i32
    %while3A_15 = arith.constant 1 : i32
    %while3A_16 = arith.divsi %while3A_13, %while3A_15 : i32
    %while3A_17 = arith.muli %while3A_16, %while3A_15 : i32
    %while3A_18 = arith.addi %while3A_12, %while3A_17 : i32
    %while3A_19 = arith.constant 1 : i32
    scf.for %while3A_46 = %while3A_12 to %while3A_18 step %while3A_19  : i32 {
      %rem3A = arith.constant 2 : i32
      %rem3A_47 = arith.remsi %while3A_46, %rem3A : i32
      %get3A_48 = arith.index_cast %while3A_46 : i32 to index
      %get3A_49 = memref.load %arg2[%get3A_48] : memref<1024xi32, #tpu.memory_space<smem>>
      %add3A_50 = arith.addi %get3A_49, %mul3A_1 : i32
      %multiple_of3A = tpu.assume_multiple %add3A_50, 8 : i32
      %dma_wait3A = tpu.memref_slice %arg16[%rem3A_47] : memref<2x!tpu.dma_semaphore, #tpu.memory_space<semaphore_mem>> -> memref<1x!tpu.dma_semaphore, #tpu.memory_space<semaphore_mem>>
      %dma_wait3A_51 = tpu.memref_squeeze %dma_wait3A : memref<1x!tpu.dma_semaphore, #tpu.memory_space<semaphore_mem>> -> memref<!tpu.dma_semaphore, #tpu.memory_space<semaphore_mem>>
      %dma_wait3A_52 = arith.constant 0 : i32
      %dma_wait3A_53 = arith.constant 0 : i32
      %dma_wait3A_54 = tpu.memref_slice %arg13[%rem3A_47, %dma_wait3A_52, %dma_wait3A_53] : memref<2x1024x128xf32, #tpu.memory_space<vmem>> -> memref<1x1024x128xf32, #tpu.memory_space<vmem>>
      %dma_wait3A_55 = tpu.memref_squeeze %dma_wait3A_54 : memref<1x1024x128xf32, #tpu.memory_space<vmem>> -> memref<1024x128xf32, #tpu.memory_space<vmem>>
      %dma_wait3A_56 = arith.constant 0 : i32
      %dma_wait3A_57 = tpu.memref_slice %arg1[%multiple_of3A, %dma_wait3A_56] : memref<344064x128xf32, #tpu.memory_space<hbm>> -> memref<1024x128xf32, #tpu.memory_space<hbm>>
      tpu.wait_dma2 semaphore(%dma_wait3A_51 : memref<!tpu.dma_semaphore, #tpu.memory_space<semaphore_mem>>) src(%dma_wait3A_57 : memref<1024x128xf32, #tpu.memory_space<hbm>>) dst(%dma_wait3A_55 : memref<1024x128xf32, #tpu.memory_space<vmem>>)
      %add3A_58 = arith.constant 1 : i32
      %add3A_59 = arith.addi %while3A_46, %add3A_58 : i32
      %lt3A = arith.cmpi slt, %add3A_59, %get3A_0 : i32
      %convert_element_type3A_60 = arith.extui %lt3A : i1 to i32
      %cond3A_61 = arith.constant 0 : i32
      %cond3A_62 = arith.cmpi ne, %convert_element_type3A_60, %cond3A_61 : i32
      scf.if %cond3A_62 {
        %add3A_132 = arith.constant 1 : i32
        %add3A_133 = arith.addi %while3A_46, %add3A_132 : i32
        %rem3A_134 = arith.constant 2 : i32
        %rem3A_135 = arith.remsi %add3A_133, %rem3A_134 : i32
        %get3A_136 = arith.index_cast %add3A_133 : i32 to index
        %get3A_137 = memref.load %arg2[%get3A_136] : memref<1024xi32, #tpu.memory_space<smem>>
        %add3A_138 = arith.addi %get3A_137, %mul3A_1 : i32
        %multiple_of3A_139 = tpu.assume_multiple %add3A_138, 8 : i32
        %dma_start3A = tpu.memref_slice %arg16[%rem3A_135] : memref<2x!tpu.dma_semaphore, #tpu.memory_space<semaphore_mem>> -> memref<1x!tpu.dma_semaphore, #tpu.memory_space<semaphore_mem>>
        %dma_start3A_140 = tpu.memref_squeeze %dma_start3A : memref<1x!tpu.dma_semaphore, #tpu.memory_space<semaphore_mem>> -> memref<!tpu.dma_semaphore, #tpu.memory_space<semaphore_mem>>
        %dma_start3A_141 = arith.constant 0 : i32
        %dma_start3A_142 = arith.constant 0 : i32
        %dma_start3A_143 = tpu.memref_slice %arg13[%rem3A_135, %dma_start3A_141, %dma_start3A_142] : memref<2x1024x128xf32, #tpu.memory_space<vmem>> -> memref<1x1024x128xf32, #tpu.memory_space<vmem>>
        %dma_start3A_144 = tpu.memref_squeeze %dma_start3A_143 : memref<1x1024x128xf32, #tpu.memory_space<vmem>> -> memref<1024x128xf32, #tpu.memory_space<vmem>>
        %dma_start3A_145 = arith.constant 0 : i32
        %dma_start3A_146 = tpu.memref_slice %arg1[%multiple_of3A_139, %dma_start3A_145] : memref<344064x128xf32, #tpu.memory_space<hbm>> -> memref<1024x128xf32, #tpu.memory_space<hbm>>
        tpu.enqueue_dma source(%dma_start3A_146 : memref<1024x128xf32, #tpu.memory_space<hbm>>) target(%dma_start3A_144 : memref<1024x128xf32, #tpu.memory_space<vmem>>) target_semaphore(%dma_start3A_140 : memref<!tpu.dma_semaphore, #tpu.memory_space<semaphore_mem>>)
      } else {
      }
      %rem3A_63 = arith.constant 2 : i32
      %rem3A_64 = arith.remsi %while3A_46, %rem3A_63 : i32
      %get3A_65 = arith.index_cast %rem3A_64 : i32 to index
      %get3A_66 = arith.constant 0 : index
      %get3A_67 = arith.constant 0 : index
      %get3A_68 = vector.load %arg13[%get3A_65, %get3A_66, %get3A_67] : memref<2x1024x128xf32, #tpu.memory_space<vmem>>, vector<1x1024x128xf32>
      %get3A_69 = vector.shape_cast %get3A_68 : vector<1x1024x128xf32> to vector<1024x128xf32>
      %get3A_70 = arith.constant 0 : index
      %get3A_71 = arith.constant 0 : index
      %get3A_72 = vector.load %arg14[%get3A_70, %get3A_71] : memref<1024x128xf32, #tpu.memory_space<vmem>>, vector<1024x128xf32>
      %get3A_73 = arith.constant 0 : index
      %get3A_74 = arith.constant 0 : index
      %get3A_75 = vector.load %arg15[%get3A_73, %get3A_74] : memref<1024x128xf32, #tpu.memory_space<vmem>>, vector<1024x128xf32>
      %get3A_76 = arith.constant 0 : index
      %get3A_77 = arith.constant 0 : index
      %get3A_78 = vector.load %arg6[%get3A_76, %get3A_77] : memref<128x512xf32, #tpu.memory_space<vmem>>, vector<128x512xf32>
      %dot_general3A_79 = arith.constant dense<0.000000e+00> : vector<1024x512xf32>
      %dot_general3A_80 = tpu.matmul %get3A_69, %get3A_78, %dot_general3A_79 {dimension_numbers = #tpu.dot_dimension_numbers<[1], [0], [0], [1], [0, 0, 1, 1], [], []>, transpose_lhs_hint = false} : vector<1024x128xf32>, vector<128x512xf32>, vector<1024x512xf32> -> vector<1024x512xf32>
      %get3A_81 = arith.constant 0 : index
      %get3A_82 = arith.constant 0 : index
      %get3A_83 = vector.load %arg7[%get3A_81, %get3A_82] : memref<128x512xf32, #tpu.memory_space<vmem>>, vector<128x512xf32>
      %dot_general3A_84 = arith.constant dense<0.000000e+00> : vector<1024x512xf32>
      %dot_general3A_85 = tpu.matmul %get3A_72, %get3A_83, %dot_general3A_84 {dimension_numbers = #tpu.dot_dimension_numbers<[1], [0], [0], [1], [0, 0, 1, 1], [], []>, transpose_lhs_hint = false} : vector<1024x128xf32>, vector<128x512xf32>, vector<1024x512xf32> -> vector<1024x512xf32>
      %add3A_86 = arith.addf %dot_general3A_80, %dot_general3A_85 : vector<1024x512xf32>
      %get3A_87 = arith.constant 0 : index
      %get3A_88 = arith.constant 0 : index
      %get3A_89 = vector.load %arg8[%get3A_87, %get3A_88] : memref<1x512xf32, #tpu.memory_space<vmem>>, vector<1x512xf32>
      %add3A_90 = vector.broadcast %get3A_89 : vector<1x512xf32> to vector<1024x512xf32>
      %add3A_91 = arith.addf %add3A_86, %add3A_90 : vector<1024x512xf32>
      %slice3A = vector.extract_strided_slice %add3A_91 {offsets = [0, 0], sizes = [1024, 128], strides = [1, 1]} : vector<1024x512xf32> to vector<1024x128xf32>
      %logistic3A = arith.negf %slice3A : vector<1024x128xf32>
      %logistic3A_92 = math.exp %logistic3A : vector<1024x128xf32>
      %logistic3A_93 = arith.constant 1.000000e+00 : f32
      %logistic3A_94 = vector.broadcast %logistic3A_93 : f32 to vector<1024x128xf32>
      %logistic3A_95 = arith.addf %logistic3A_94, %logistic3A_92 : vector<1024x128xf32>
      %logistic3A_96 = arith.divf %logistic3A_94, %logistic3A_95 : vector<1024x128xf32>
      %slice3A_97 = vector.extract_strided_slice %add3A_91 {offsets = [0, 128], sizes = [1024, 128], strides = [1, 1]} : vector<1024x512xf32> to vector<1024x128xf32>
      %logistic3A_98 = arith.negf %slice3A_97 : vector<1024x128xf32>
      %logistic3A_99 = math.exp %logistic3A_98 : vector<1024x128xf32>
      %logistic3A_100 = arith.constant 1.000000e+00 : f32
      %logistic3A_101 = vector.broadcast %logistic3A_100 : f32 to vector<1024x128xf32>
      %logistic3A_102 = arith.addf %logistic3A_101, %logistic3A_99 : vector<1024x128xf32>
      %logistic3A_103 = arith.divf %logistic3A_101, %logistic3A_102 : vector<1024x128xf32>
      %slice3A_104 = vector.extract_strided_slice %add3A_91 {offsets = [0, 256], sizes = [1024, 128], strides = [1, 1]} : vector<1024x512xf32> to vector<1024x128xf32>
      %tanh3A = math.tanh %slice3A_104 : vector<1024x128xf32>
      %slice3A_105 = vector.extract_strided_slice %add3A_91 {offsets = [0, 384], sizes = [1024, 128], strides = [1, 1]} : vector<1024x512xf32> to vector<1024x128xf32>
      %logistic3A_106 = arith.negf %slice3A_105 : vector<1024x128xf32>
      %logistic3A_107 = math.exp %logistic3A_106 : vector<1024x128xf32>
      %logistic3A_108 = arith.constant 1.000000e+00 : f32
      %logistic3A_109 = vector.broadcast %logistic3A_108 : f32 to vector<1024x128xf32>
      %logistic3A_110 = arith.addf %logistic3A_109, %logistic3A_107 : vector<1024x128xf32>
      %logistic3A_111 = arith.divf %logistic3A_109, %logistic3A_110 : vector<1024x128xf32>
      %mul3A_112 = arith.mulf %logistic3A_103, %get3A_75 : vector<1024x128xf32>
      %mul3A_113 = arith.mulf %logistic3A_96, %tanh3A : vector<1024x128xf32>
      %add3A_114 = arith.addf %mul3A_112, %mul3A_113 : vector<1024x128xf32>
      %tanh3A_115 = math.tanh %add3A_114 : vector<1024x128xf32>
      %mul3A_116 = arith.mulf %logistic3A_111, %tanh3A_115 : vector<1024x128xf32>
      %get3A_117 = arith.index_cast %while3A_46 : i32 to index
      %get3A_118 = memref.load %arg3[%get3A_117] : memref<1024xi32, #tpu.memory_space<smem>>
      %sub3A = arith.subi %get3A_118, %mul3A_1 : i32
      %iota3A = tpu.iota {dimensions = array<i32: 0>} : vector<1024x1xi32>
      %lt3A_119 = vector.broadcast %sub3A : i32 to vector<1024x1xi32>
      %lt3A_120 = arith.cmpi slt, %iota3A, %lt3A_119 : vector<1024x1xi32>
      %broadcast_in_dim3A_121 = vector.shape_cast %lt3A_120 : vector<1024x1xi1> to vector<1024x1xi1>
      %broadcast_in_dim3A_122 = vector.broadcast %broadcast_in_dim3A_121 : vector<1024x1xi1> to vector<1024x128xi1>
      %select_n3A = arith.select %broadcast_in_dim3A_122, %mul3A_116, %get3A_72 : vector<1024x128xi1>, vector<1024x128xf32>
      %swap3A_123 = arith.constant 0 : index
      %swap3A_124 = arith.constant 0 : index
      %swap3A_125 = vector.load %arg14[%swap3A_123, %swap3A_124] : memref<1024x128xf32, #tpu.memory_space<vmem>>, vector<1024x128xf32>
      tpu.vector_store %arg14[%swap3A_123, %swap3A_124], %select_n3A {strides = array<i32>} : memref<1024x128xf32, #tpu.memory_space<vmem>>, vector<1024x128xf32>,
      %broadcast_in_dim3A_126 = vector.shape_cast %lt3A_120 : vector<1024x1xi1> to vector<1024x1xi1>
      %broadcast_in_dim3A_127 = vector.broadcast %broadcast_in_dim3A_126 : vector<1024x1xi1> to vector<1024x128xi1>
      %select_n3A_128 = arith.select %broadcast_in_dim3A_127, %add3A_114, %get3A_75 : vector<1024x128xi1>, vector<1024x128xf32>
      %swap3A_129 = arith.constant 0 : index
      %swap3A_130 = arith.constant 0 : index
      %swap3A_131 = vector.load %arg15[%swap3A_129, %swap3A_130] : memref<1024x128xf32, #tpu.memory_space<vmem>>, vector<1024x128xf32>
      tpu.vector_store %arg15[%swap3A_129, %swap3A_130], %select_n3A_128 {strides = array<i32>} : memref<1024x128xf32, #tpu.memory_space<vmem>>, vector<1024x128xf32>,
    }
    %while3A_20 = arith.constant 1 : i32
    scf.for %while3A_46 = %while3A_18 to %while3A_14 step %while3A_20  : i32 {
      %rem3A = arith.constant 2 : i32
      %rem3A_47 = arith.remsi %while3A_46, %rem3A : i32
      %get3A_48 = arith.index_cast %while3A_46 : i32 to index
      %get3A_49 = memref.load %arg2[%get3A_48] : memref<1024xi32, #tpu.memory_space<smem>>
      %add3A_50 = arith.addi %get3A_49, %mul3A_1 : i32
      %multiple_of3A = tpu.assume_multiple %add3A_50, 8 : i32
      %dma_wait3A = tpu.memref_slice %arg16[%rem3A_47] : memref<2x!tpu.dma_semaphore, #tpu.memory_space<semaphore_mem>> -> memref<1x!tpu.dma_semaphore, #tpu.memory_space<semaphore_mem>>
      %dma_wait3A_51 = tpu.memref_squeeze %dma_wait3A : memref<1x!tpu.dma_semaphore, #tpu.memory_space<semaphore_mem>> -> memref<!tpu.dma_semaphore, #tpu.memory_space<semaphore_mem>>
      %dma_wait3A_52 = arith.constant 0 : i32
      %dma_wait3A_53 = arith.constant 0 : i32
      %dma_wait3A_54 = tpu.memref_slice %arg13[%rem3A_47, %dma_wait3A_52, %dma_wait3A_53] : memref<2x1024x128xf32, #tpu.memory_space<vmem>> -> memref<1x1024x128xf32, #tpu.memory_space<vmem>>
      %dma_wait3A_55 = tpu.memref_squeeze %dma_wait3A_54 : memref<1x1024x128xf32, #tpu.memory_space<vmem>> -> memref<1024x128xf32, #tpu.memory_space<vmem>>
      %dma_wait3A_56 = arith.constant 0 : i32
      %dma_wait3A_57 = tpu.memref_slice %arg1[%multiple_of3A, %dma_wait3A_56] : memref<344064x128xf32, #tpu.memory_space<hbm>> -> memref<1024x128xf32, #tpu.memory_space<hbm>>
      tpu.wait_dma2 semaphore(%dma_wait3A_51 : memref<!tpu.dma_semaphore, #tpu.memory_space<semaphore_mem>>) src(%dma_wait3A_57 : memref<1024x128xf32, #tpu.memory_space<hbm>>) dst(%dma_wait3A_55 : memref<1024x128xf32, #tpu.memory_space<vmem>>)
      %add3A_58 = arith.constant 1 : i32
      %add3A_59 = arith.addi %while3A_46, %add3A_58 : i32
      %lt3A = arith.cmpi slt, %add3A_59, %get3A_0 : i32
      %convert_element_type3A_60 = arith.extui %lt3A : i1 to i32
      %cond3A_61 = arith.constant 0 : i32
      %cond3A_62 = arith.cmpi ne, %convert_element_type3A_60, %cond3A_61 : i32
      scf.if %cond3A_62 {
        %add3A_132 = arith.constant 1 : i32
        %add3A_133 = arith.addi %while3A_46, %add3A_132 : i32
        %rem3A_134 = arith.constant 2 : i32
        %rem3A_135 = arith.remsi %add3A_133, %rem3A_134 : i32
        %get3A_136 = arith.index_cast %add3A_133 : i32 to index
        %get3A_137 = memref.load %arg2[%get3A_136] : memref<1024xi32, #tpu.memory_space<smem>>
        %add3A_138 = arith.addi %get3A_137, %mul3A_1 : i32
        %multiple_of3A_139 = tpu.assume_multiple %add3A_138, 8 : i32
        %dma_start3A = tpu.memref_slice %arg16[%rem3A_135] : memref<2x!tpu.dma_semaphore, #tpu.memory_space<semaphore_mem>> -> memref<1x!tpu.dma_semaphore, #tpu.memory_space<semaphore_mem>>
        %dma_start3A_140 = tpu.memref_squeeze %dma_start3A : memref<1x!tpu.dma_semaphore, #tpu.memory_space<semaphore_mem>> -> memref<!tpu.dma_semaphore, #tpu.memory_space<semaphore_mem>>
        %dma_start3A_141 = arith.constant 0 : i32
        %dma_start3A_142 = arith.constant 0 : i32
        %dma_start3A_143 = tpu.memref_slice %arg13[%rem3A_135, %dma_start3A_141, %dma_start3A_142] : memref<2x1024x128xf32, #tpu.memory_space<vmem>> -> memref<1x1024x128xf32, #tpu.memory_space<vmem>>
        %dma_start3A_144 = tpu.memref_squeeze %dma_start3A_143 : memref<1x1024x128xf32, #tpu.memory_space<vmem>> -> memref<1024x128xf32, #tpu.memory_space<vmem>>
        %dma_start3A_145 = arith.constant 0 : i32
        %dma_start3A_146 = tpu.memref_slice %arg1[%multiple_of3A_139, %dma_start3A_145] : memref<344064x128xf32, #tpu.memory_space<hbm>> -> memref<1024x128xf32, #tpu.memory_space<hbm>>
        tpu.enqueue_dma source(%dma_start3A_146 : memref<1024x128xf32, #tpu.memory_space<hbm>>) target(%dma_start3A_144 : memref<1024x128xf32, #tpu.memory_space<vmem>>) target_semaphore(%dma_start3A_140 : memref<!tpu.dma_semaphore, #tpu.memory_space<semaphore_mem>>)
      } else {
      }
      %rem3A_63 = arith.constant 2 : i32
      %rem3A_64 = arith.remsi %while3A_46, %rem3A_63 : i32
      %get3A_65 = arith.index_cast %rem3A_64 : i32 to index
      %get3A_66 = arith.constant 0 : index
      %get3A_67 = arith.constant 0 : index
      %get3A_68 = vector.load %arg13[%get3A_65, %get3A_66, %get3A_67] : memref<2x1024x128xf32, #tpu.memory_space<vmem>>, vector<1x1024x128xf32>
      %get3A_69 = vector.shape_cast %get3A_68 : vector<1x1024x128xf32> to vector<1024x128xf32>
      %get3A_70 = arith.constant 0 : index
      %get3A_71 = arith.constant 0 : index
      %get3A_72 = vector.load %arg14[%get3A_70, %get3A_71] : memref<1024x128xf32, #tpu.memory_space<vmem>>, vector<1024x128xf32>
      %get3A_73 = arith.constant 0 : index
      %get3A_74 = arith.constant 0 : index
      %get3A_75 = vector.load %arg15[%get3A_73, %get3A_74] : memref<1024x128xf32, #tpu.memory_space<vmem>>, vector<1024x128xf32>
      %get3A_76 = arith.constant 0 : index
      %get3A_77 = arith.constant 0 : index
      %get3A_78 = vector.load %arg6[%get3A_76, %get3A_77] : memref<128x512xf32, #tpu.memory_space<vmem>>, vector<128x512xf32>
      %dot_general3A_79 = arith.constant dense<0.000000e+00> : vector<1024x512xf32>
      %dot_general3A_80 = tpu.matmul %get3A_69, %get3A_78, %dot_general3A_79 {dimension_numbers = #tpu.dot_dimension_numbers<[1], [0], [0], [1], [0, 0, 1, 1], [], []>, transpose_lhs_hint = false} : vector<1024x128xf32>, vector<128x512xf32>, vector<1024x512xf32> -> vector<1024x512xf32>
      %get3A_81 = arith.constant 0 : index
      %get3A_82 = arith.constant 0 : index
      %get3A_83 = vector.load %arg7[%get3A_81, %get3A_82] : memref<128x512xf32, #tpu.memory_space<vmem>>, vector<128x512xf32>
      %dot_general3A_84 = arith.constant dense<0.000000e+00> : vector<1024x512xf32>
      %dot_general3A_85 = tpu.matmul %get3A_72, %get3A_83, %dot_general3A_84 {dimension_numbers = #tpu.dot_dimension_numbers<[1], [0], [0], [1], [0, 0, 1, 1], [], []>, transpose_lhs_hint = false} : vector<1024x128xf32>, vector<128x512xf32>, vector<1024x512xf32> -> vector<1024x512xf32>
      %add3A_86 = arith.addf %dot_general3A_80, %dot_general3A_85 : vector<1024x512xf32>
      %get3A_87 = arith.constant 0 : index
      %get3A_88 = arith.constant 0 : index
      %get3A_89 = vector.load %arg8[%get3A_87, %get3A_88] : memref<1x512xf32, #tpu.memory_space<vmem>>, vector<1x512xf32>
      %add3A_90 = vector.broadcast %get3A_89 : vector<1x512xf32> to vector<1024x512xf32>
      %add3A_91 = arith.addf %add3A_86, %add3A_90 : vector<1024x512xf32>
      %slice3A = vector.extract_strided_slice %add3A_91 {offsets = [0, 0], sizes = [1024, 128], strides = [1, 1]} : vector<1024x512xf32> to vector<1024x128xf32>
      %logistic3A = arith.negf %slice3A : vector<1024x128xf32>
      %logistic3A_92 = math.exp %logistic3A : vector<1024x128xf32>
      %logistic3A_93 = arith.constant 1.000000e+00 : f32
      %logistic3A_94 = vector.broadcast %logistic3A_93 : f32 to vector<1024x128xf32>
      %logistic3A_95 = arith.addf %logistic3A_94, %logistic3A_92 : vector<1024x128xf32>
      %logistic3A_96 = arith.divf %logistic3A_94, %logistic3A_95 : vector<1024x128xf32>
      %slice3A_97 = vector.extract_strided_slice %add3A_91 {offsets = [0, 128], sizes = [1024, 128], strides = [1, 1]} : vector<1024x512xf32> to vector<1024x128xf32>
      %logistic3A_98 = arith.negf %slice3A_97 : vector<1024x128xf32>
      %logistic3A_99 = math.exp %logistic3A_98 : vector<1024x128xf32>
      %logistic3A_100 = arith.constant 1.000000e+00 : f32
      %logistic3A_101 = vector.broadcast %logistic3A_100 : f32 to vector<1024x128xf32>
      %logistic3A_102 = arith.addf %logistic3A_101, %logistic3A_99 : vector<1024x128xf32>
      %logistic3A_103 = arith.divf %logistic3A_101, %logistic3A_102 : vector<1024x128xf32>
      %slice3A_104 = vector.extract_strided_slice %add3A_91 {offsets = [0, 256], sizes = [1024, 128], strides = [1, 1]} : vector<1024x512xf32> to vector<1024x128xf32>
      %tanh3A = math.tanh %slice3A_104 : vector<1024x128xf32>
      %slice3A_105 = vector.extract_strided_slice %add3A_91 {offsets = [0, 384], sizes = [1024, 128], strides = [1, 1]} : vector<1024x512xf32> to vector<1024x128xf32>
      %logistic3A_106 = arith.negf %slice3A_105 : vector<1024x128xf32>
      %logistic3A_107 = math.exp %logistic3A_106 : vector<1024x128xf32>
      %logistic3A_108 = arith.constant 1.000000e+00 : f32
      %logistic3A_109 = vector.broadcast %logistic3A_108 : f32 to vector<1024x128xf32>
      %logistic3A_110 = arith.addf %logistic3A_109, %logistic3A_107 : vector<1024x128xf32>
      %logistic3A_111 = arith.divf %logistic3A_109, %logistic3A_110 : vector<1024x128xf32>
      %mul3A_112 = arith.mulf %logistic3A_103, %get3A_75 : vector<1024x128xf32>
      %mul3A_113 = arith.mulf %logistic3A_96, %tanh3A : vector<1024x128xf32>
      %add3A_114 = arith.addf %mul3A_112, %mul3A_113 : vector<1024x128xf32>
      %tanh3A_115 = math.tanh %add3A_114 : vector<1024x128xf32>
      %mul3A_116 = arith.mulf %logistic3A_111, %tanh3A_115 : vector<1024x128xf32>
      %get3A_117 = arith.index_cast %while3A_46 : i32 to index
      %get3A_118 = memref.load %arg3[%get3A_117] : memref<1024xi32, #tpu.memory_space<smem>>
      %sub3A = arith.subi %get3A_118, %mul3A_1 : i32
      %iota3A = tpu.iota {dimensions = array<i32: 0>} : vector<1024x1xi32>
      %lt3A_119 = vector.broadcast %sub3A : i32 to vector<1024x1xi32>
      %lt3A_120 = arith.cmpi slt, %iota3A, %lt3A_119 : vector<1024x1xi32>
      %broadcast_in_dim3A_121 = vector.shape_cast %lt3A_120 : vector<1024x1xi1> to vector<1024x1xi1>
      %broadcast_in_dim3A_122 = vector.broadcast %broadcast_in_dim3A_121 : vector<1024x1xi1> to vector<1024x128xi1>
      %select_n3A = arith.select %broadcast_in_dim3A_122, %mul3A_116, %get3A_72 : vector<1024x128xi1>, vector<1024x128xf32>
      %swap3A_123 = arith.constant 0 : index
      %swap3A_124 = arith.constant 0 : index
      %swap3A_125 = vector.load %arg14[%swap3A_123, %swap3A_124] : memref<1024x128xf32, #tpu.memory_space<vmem>>, vector<1024x128xf32>
      tpu.vector_store %arg14[%swap3A_123, %swap3A_124], %select_n3A {strides = array<i32>} : memref<1024x128xf32, #tpu.memory_space<vmem>>, vector<1024x128xf32>,
      %broadcast_in_dim3A_126 = vector.shape_cast %lt3A_120 : vector<1024x1xi1> to vector<1024x1xi1>
      %broadcast_in_dim3A_127 = vector.broadcast %broadcast_in_dim3A_126 : vector<1024x1xi1> to vector<1024x128xi1>
      %select_n3A_128 = arith.select %broadcast_in_dim3A_127, %add3A_114, %get3A_75 : vector<1024x128xi1>, vector<1024x128xf32>
      %swap3A_129 = arith.constant 0 : index
      %swap3A_130 = arith.constant 0 : index
      %swap3A_131 = vector.load %arg15[%swap3A_129, %swap3A_130] : memref<1024x128xf32, #tpu.memory_space<vmem>>, vector<1024x128xf32>
      tpu.vector_store %arg15[%swap3A_129, %swap3A_130], %select_n3A_128 {strides = array<i32>} : memref<1024x128xf32, #tpu.memory_space<vmem>>, vector<1024x128xf32>,
    }
    %get3A_21 = arith.constant 0 : index
    %get3A_22 = arith.constant 0 : index
    %get3A_23 = vector.load %arg5[%get3A_21, %get3A_22] : memref<1024x128xf32, #tpu.memory_space<vmem>>, vector<1024x128xf32>
    %get3A_24 = arith.constant 0 : index
    %get3A_25 = arith.constant 0 : index
    %get3A_26 = vector.load %arg9[%get3A_24, %get3A_25] : memref<128x256xf32, #tpu.memory_space<vmem>>, vector<128x256xf32>
    %dot_general3A = arith.constant dense<0.000000e+00> : vector<1024x256xf32>
    %dot_general3A_27 = tpu.matmul %get3A_23, %get3A_26, %dot_general3A {dimension_numbers = #tpu.dot_dimension_numbers<[1], [0], [0], [1], [0, 0, 1, 1], [], []>, transpose_lhs_hint = false} : vector<1024x128xf32>, vector<128x256xf32>, vector<1024x256xf32> -> vector<1024x256xf32>
    %get3A_28 = arith.constant 0 : index
    %get3A_29 = arith.constant 0 : index
    %get3A_30 = vector.load %arg10[%get3A_28, %get3A_29] : memref<1x256xf32, #tpu.memory_space<vmem>>, vector<1x256xf32>
    %add3A = vector.broadcast %get3A_30 : vector<1x256xf32> to vector<1024x256xf32>
    %add3A_31 = arith.addf %dot_general3A_27, %add3A : vector<1024x256xf32>
    %get3A_32 = arith.constant 0 : index
    %get3A_33 = arith.constant 0 : index
    %get3A_34 = vector.load %arg14[%get3A_32, %get3A_33] : memref<1024x128xf32, #tpu.memory_space<vmem>>, vector<1024x128xf32>
    %get3A_35 = arith.constant 0 : index
    %get3A_36 = arith.constant 0 : index
    %get3A_37 = vector.load %arg11[%get3A_35, %get3A_36] : memref<128x256xf32, #tpu.memory_space<vmem>>, vector<128x256xf32>
    %dot_general3A_38 = arith.constant dense<0.000000e+00> : vector<1024x256xf32>
    %dot_general3A_39 = tpu.matmul %get3A_34, %get3A_37, %dot_general3A_38 {dimension_numbers = #tpu.dot_dimension_numbers<[1], [0], [0], [1], [0, 0, 1, 1], [], []>, transpose_lhs_hint = false} : vector<1024x128xf32>, vector<128x256xf32>, vector<1024x256xf32> -> vector<1024x256xf32>
    %add3A_40 = arith.addf %add3A_31, %dot_general3A_39 : vector<1024x256xf32>
    %max3A = arith.constant 0.000000e+00 : f32
    %max3A_41 = vector.broadcast %max3A : f32 to vector<1024x256xf32>
    %max3A_42 = arith.maximumf %add3A_40, %max3A_41 : vector<1024x256xf32>
    %swap3A_43 = arith.constant 0 : index
    %swap3A_44 = arith.constant 0 : index
    %swap3A_45 = vector.load %arg12[%swap3A_43, %swap3A_44] : memref<1024x256xf32, #tpu.memory_space<vmem>>, vector<1024x256xf32>
    tpu.vector_store %arg12[%swap3A_43, %swap3A_44], %max3A_42 {strides = array<i32>} : memref<1024x256xf32, #tpu.memory_space<vmem>>, vector<1024x256xf32>,
    return
  }
  func.func @transform_1(%arg0: i32) -> i32 {
    %c0_i32 = arith.constant 0 : i32
    %c0_i32_0 = arith.constant 0 : i32
    return %c0_i32 : i32
  }
  func.func @transform_2(%arg0: i32) -> i32 {
    %c0_i32 = arith.constant 0 : i32
    %c0_i32_0 = arith.constant 0 : i32
    return %c0_i32 : i32
  }
  func.func @transform_3(%arg0: i32) -> i32 {
    %c0_i32 = arith.constant 0 : i32
    %c0_i32_0 = arith.constant 0 : i32
    return %c0_i32 : i32
  }
  func.func @transform_4(%arg0: i32) -> (i32, i32) {
    %c0_i32 = arith.constant 0 : i32
    %c0_i32_0 = arith.constant 0 : i32
    return %arg0, %c0_i32 : i32, i32
  }
  func.func @transform_5(%arg0: i32) -> (i32, i32) {
    %c0_i32 = arith.constant 0 : i32
    %c0_i32_0 = arith.constant 0 : i32
    %c0_i32_1 = arith.constant 0 : i32
    return %c0_i32, %c0_i32_0 : i32, i32
  }
  func.func @transform_6(%arg0: i32) -> (i32, i32) {
    %c0_i32 = arith.constant 0 : i32
    %c0_i32_0 = arith.constant 0 : i32
    %c0_i32_1 = arith.constant 0 : i32
    return %c0_i32, %c0_i32_0 : i32, i32
  }
  func.func @transform_7(%arg0: i32) -> (i32, i32) {
    %c0_i32 = arith.constant 0 : i32
    %c0_i32_0 = arith.constant 0 : i32
    %c0_i32_1 = arith.constant 0 : i32
    return %c0_i32, %c0_i32_0 : i32, i32
  }
  func.func @transform_8(%arg0: i32) -> (i32, i32) {
    %c0_i32 = arith.constant 0 : i32
    %c0_i32_0 = arith.constant 0 : i32
    %c0_i32_1 = arith.constant 0 : i32
    return %c0_i32, %c0_i32_0 : i32, i32
  }
  func.func @transform_9(%arg0: i32) -> (i32, i32) {
    %c0_i32 = arith.constant 0 : i32
    %c0_i32_0 = arith.constant 0 : i32
    %c0_i32_1 = arith.constant 0 : i32
    return %c0_i32, %c0_i32_0 : i32, i32
  }
  func.func @transform_10(%arg0: i32) -> (i32, i32) {
    %c0_i32 = arith.constant 0 : i32
    %c0_i32_0 = arith.constant 0 : i32
    %c0_i32_1 = arith.constant 0 : i32
    return %c0_i32, %c0_i32_0 : i32, i32
  }
  func.func @transform_11(%arg0: i32) -> (i32, i32) {
    %c0_i32 = arith.constant 0 : i32
    %c0_i32_0 = arith.constant 0 : i32
    return %arg0, %c0_i32 : i32, i32
  }
}

module attributes {stable_mosaic.version = 14 : i64} {
  func.func @body(%arg0: i32, %arg1: memref<344064x256xf32, #tpu.memory_space<hbm>>, %arg2: memref<1024xi32, #tpu.memory_space<smem>>, %arg3: memref<1024xi32, #tpu.memory_space<smem>>, %arg4: memref<10xi32, #tpu.memory_space<smem>>, %arg5: memref<1024x256xf32, #tpu.memory_space<vmem>>, %arg6: memref<256x1024xf32, #tpu.memory_space<vmem>>, %arg7: memref<256x1024xf32, #tpu.memory_space<vmem>>, %arg8: memref<1x1024xf32, #tpu.memory_space<vmem>>, %arg9: memref<256x128xf32, #tpu.memory_space<vmem>>, %arg10: memref<1x128xf32, #tpu.memory_space<vmem>>, %arg11: memref<256x128xf32, #tpu.memory_space<vmem>>, %arg12: memref<1024x128xf32, #tpu.memory_space<vmem>>, %arg13: memref<2x1024x256xf32, #tpu.memory_space<vmem>>, %arg14: memref<1024x256xf32, #tpu.memory_space<vmem>>, %arg15: memref<1024x256xf32, #tpu.memory_space<vmem>>, %arg16: memref<2x!tpu.dma_semaphore, #tpu.memory_space<semaphore_mem>>) attributes {dimension_semantics = [#tpu.dimension_semantics<arbitrary>], iteration_bounds = array<i64: 10>, scalar_prefetch = 0 : i64, scratch_operands = 4 : i64, tpu.core_type = #tpu.core_type<tc>, window_params = [{}, {transform_indices = @transform_1, window_bounds = array<i64: 1024>}, {transform_indices = @transform_2, window_bounds = array<i64: 1024>}, {transform_indices = @transform_3, window_bounds = array<i64: 10>}, {transform_indices = @transform_4, window_bounds = array<i64: 1024, 256>}, {pipeline_mode = #tpu.pipeline_mode<synchronous>, transform_indices = @transform_5, window_bounds = array<i64: 256, 1024>}, {pipeline_mode = #tpu.pipeline_mode<synchronous>, transform_indices = @transform_6, window_bounds = array<i64: 256, 1024>}, {pipeline_mode = #tpu.pipeline_mode<synchronous>, transform_indices = @transform_7, window_bounds = array<i64: 1, 1024>}, {pipeline_mode = #tpu.pipeline_mode<synchronous>, transform_indices = @transform_8, window_bounds = array<i64: 256, 128>}, {pipeline_mode = #tpu.pipeline_mode<synchronous>, transform_indices = @transform_9, window_bounds = array<i64: 1, 128>}, {pipeline_mode = #tpu.pipeline_mode<synchronous>, transform_indices = @transform_10, window_bounds = array<i64: 256, 128>}, {transform_indices = @transform_11, window_bounds = array<i64: 1024, 128>}]} {
    %get3A = arith.index_cast %arg0 : i32 to index
    %get3A_0 = memref.load %arg4[%get3A] : memref<10xi32, #tpu.memory_space<smem>>
    %mul3A = arith.constant 1024 : i32
    %mul3A_1 = arith.muli %arg0, %mul3A : i32
    %broadcast_in_dim3A = arith.constant 0.000000e+00 : f32
    %broadcast_in_dim3A_2 = vector.broadcast %broadcast_in_dim3A : f32 to vector<1024x256xf32>
    %swap3A = arith.constant 0 : index
    %swap3A_3 = arith.constant 0 : index
    %swap3A_4 = vector.load %arg14[%swap3A, %swap3A_3] : memref<1024x256xf32, #tpu.memory_space<vmem>>, vector<1024x256xf32>
    tpu.vector_store %arg14[%swap3A, %swap3A_3], %broadcast_in_dim3A_2 {strides = array<i32>} : memref<1024x256xf32, #tpu.memory_space<vmem>>, vector<1024x256xf32>,
    %broadcast_in_dim3A_5 = arith.constant 0.000000e+00 : f32
    %broadcast_in_dim3A_6 = vector.broadcast %broadcast_in_dim3A_5 : f32 to vector<1024x256xf32>
    %swap3A_7 = arith.constant 0 : index
    %swap3A_8 = arith.constant 0 : index
    %swap3A_9 = vector.load %arg15[%swap3A_7, %swap3A_8] : memref<1024x256xf32, #tpu.memory_space<vmem>>, vector<1024x256xf32>
    tpu.vector_store %arg15[%swap3A_7, %swap3A_8], %broadcast_in_dim3A_6 {strides = array<i32>} : memref<1024x256xf32, #tpu.memory_space<vmem>>, vector<1024x256xf32>,
    %gt3A = arith.constant 0 : i32
    %gt3A_10 = arith.cmpi sgt, %get3A_0, %gt3A : i32
    %convert_element_type3A = arith.extui %gt3A_10 : i1 to i32
    %cond3A = arith.constant 0 : i32
    %cond3A_11 = arith.cmpi ne, %convert_element_type3A, %cond3A : i32
    scf.if %cond3A_11 {
      %rem3A = arith.constant 0 : i32
      %rem3A_44 = arith.constant 2 : i32
      %rem3A_45 = arith.remsi %rem3A, %rem3A_44 : i32
      %get3A_46 = arith.constant 0 : index
      %get3A_47 = memref.load %arg2[%get3A_46] : memref<1024xi32, #tpu.memory_space<smem>>
      %add3A_48 = arith.addi %get3A_47, %mul3A_1 : i32
      %multiple_of3A = tpu.assume_multiple %add3A_48, 8 : i32
      %dma_start3A = tpu.memref_slice %arg16[%rem3A_45] : memref<2x!tpu.dma_semaphore, #tpu.memory_space<semaphore_mem>> -> memref<1x!tpu.dma_semaphore, #tpu.memory_space<semaphore_mem>>
      %dma_start3A_49 = tpu.memref_squeeze %dma_start3A : memref<1x!tpu.dma_semaphore, #tpu.memory_space<semaphore_mem>> -> memref<!tpu.dma_semaphore, #tpu.memory_space<semaphore_mem>>
      %dma_start3A_50 = arith.constant 0 : i32
      %dma_start3A_51 = arith.constant 0 : i32
      %dma_start3A_52 = tpu.memref_slice %arg13[%rem3A_45, %dma_start3A_50, %dma_start3A_51] : memref<2x1024x256xf32, #tpu.memory_space<vmem>> -> memref<1x1024x256xf32, #tpu.memory_space<vmem>>
      %dma_start3A_53 = tpu.memref_squeeze %dma_start3A_52 : memref<1x1024x256xf32, #tpu.memory_space<vmem>> -> memref<1024x256xf32, #tpu.memory_space<vmem>>
      %dma_start3A_54 = arith.constant 0 : i32
      %dma_start3A_55 = tpu.memref_slice %arg1[%multiple_of3A, %dma_start3A_54] : memref<344064x256xf32, #tpu.memory_space<hbm>> -> memref<1024x256xf32, #tpu.memory_space<hbm>>
      tpu.enqueue_dma source(%dma_start3A_55 : memref<1024x256xf32, #tpu.memory_space<hbm>>) target(%dma_start3A_53 : memref<1024x256xf32, #tpu.memory_space<vmem>>) target_semaphore(%dma_start3A_49 : memref<!tpu.dma_semaphore, #tpu.memory_space<semaphore_mem>>)
    } else {
    }
    %while3A = arith.constant 0 : i32
    %while3A_12 = arith.constant 0 : i32
    %while3A_13 = arith.subi %get3A_0, %while3A_12 : i32
    %while3A_14 = arith.addi %while3A_12, %while3A_13 : i32
    %while3A_15 = arith.constant 1 : i32
    %while3A_16 = arith.divsi %while3A_13, %while3A_15 : i32
    %while3A_17 = arith.muli %while3A_16, %while3A_15 : i32
    %while3A_18 = arith.addi %while3A_12, %while3A_17 : i32
    %while3A_19 = arith.constant 1 : i32
    scf.for %while3A_44 = %while3A_12 to %while3A_18 step %while3A_19  : i32 {
      %rem3A = arith.constant 2 : i32
      %rem3A_45 = arith.remsi %while3A_44, %rem3A : i32
      %get3A_46 = arith.index_cast %while3A_44 : i32 to index
      %get3A_47 = memref.load %arg2[%get3A_46] : memref<1024xi32, #tpu.memory_space<smem>>
      %add3A_48 = arith.addi %get3A_47, %mul3A_1 : i32
      %multiple_of3A = tpu.assume_multiple %add3A_48, 8 : i32
      %dma_wait3A = tpu.memref_slice %arg16[%rem3A_45] : memref<2x!tpu.dma_semaphore, #tpu.memory_space<semaphore_mem>> -> memref<1x!tpu.dma_semaphore, #tpu.memory_space<semaphore_mem>>
      %dma_wait3A_49 = tpu.memref_squeeze %dma_wait3A : memref<1x!tpu.dma_semaphore, #tpu.memory_space<semaphore_mem>> -> memref<!tpu.dma_semaphore, #tpu.memory_space<semaphore_mem>>
      %dma_wait3A_50 = arith.constant 0 : i32
      %dma_wait3A_51 = arith.constant 0 : i32
      %dma_wait3A_52 = tpu.memref_slice %arg13[%rem3A_45, %dma_wait3A_50, %dma_wait3A_51] : memref<2x1024x256xf32, #tpu.memory_space<vmem>> -> memref<1x1024x256xf32, #tpu.memory_space<vmem>>
      %dma_wait3A_53 = tpu.memref_squeeze %dma_wait3A_52 : memref<1x1024x256xf32, #tpu.memory_space<vmem>> -> memref<1024x256xf32, #tpu.memory_space<vmem>>
      %dma_wait3A_54 = arith.constant 0 : i32
      %dma_wait3A_55 = tpu.memref_slice %arg1[%multiple_of3A, %dma_wait3A_54] : memref<344064x256xf32, #tpu.memory_space<hbm>> -> memref<1024x256xf32, #tpu.memory_space<hbm>>
      tpu.wait_dma2 semaphore(%dma_wait3A_49 : memref<!tpu.dma_semaphore, #tpu.memory_space<semaphore_mem>>) src(%dma_wait3A_55 : memref<1024x256xf32, #tpu.memory_space<hbm>>) dst(%dma_wait3A_53 : memref<1024x256xf32, #tpu.memory_space<vmem>>)
      %add3A_56 = arith.constant 1 : i32
      %add3A_57 = arith.addi %while3A_44, %add3A_56 : i32
      %lt3A = arith.cmpi slt, %add3A_57, %get3A_0 : i32
      %convert_element_type3A_58 = arith.extui %lt3A : i1 to i32
      %cond3A_59 = arith.constant 0 : i32
      %cond3A_60 = arith.cmpi ne, %convert_element_type3A_58, %cond3A_59 : i32
      scf.if %cond3A_60 {
        %add3A_130 = arith.constant 1 : i32
        %add3A_131 = arith.addi %while3A_44, %add3A_130 : i32
        %rem3A_132 = arith.constant 2 : i32
        %rem3A_133 = arith.remsi %add3A_131, %rem3A_132 : i32
        %get3A_134 = arith.index_cast %add3A_131 : i32 to index
        %get3A_135 = memref.load %arg2[%get3A_134] : memref<1024xi32, #tpu.memory_space<smem>>
        %add3A_136 = arith.addi %get3A_135, %mul3A_1 : i32
        %multiple_of3A_137 = tpu.assume_multiple %add3A_136, 8 : i32
        %dma_start3A = tpu.memref_slice %arg16[%rem3A_133] : memref<2x!tpu.dma_semaphore, #tpu.memory_space<semaphore_mem>> -> memref<1x!tpu.dma_semaphore, #tpu.memory_space<semaphore_mem>>
        %dma_start3A_138 = tpu.memref_squeeze %dma_start3A : memref<1x!tpu.dma_semaphore, #tpu.memory_space<semaphore_mem>> -> memref<!tpu.dma_semaphore, #tpu.memory_space<semaphore_mem>>
        %dma_start3A_139 = arith.constant 0 : i32
        %dma_start3A_140 = arith.constant 0 : i32
        %dma_start3A_141 = tpu.memref_slice %arg13[%rem3A_133, %dma_start3A_139, %dma_start3A_140] : memref<2x1024x256xf32, #tpu.memory_space<vmem>> -> memref<1x1024x256xf32, #tpu.memory_space<vmem>>
        %dma_start3A_142 = tpu.memref_squeeze %dma_start3A_141 : memref<1x1024x256xf32, #tpu.memory_space<vmem>> -> memref<1024x256xf32, #tpu.memory_space<vmem>>
        %dma_start3A_143 = arith.constant 0 : i32
        %dma_start3A_144 = tpu.memref_slice %arg1[%multiple_of3A_137, %dma_start3A_143] : memref<344064x256xf32, #tpu.memory_space<hbm>> -> memref<1024x256xf32, #tpu.memory_space<hbm>>
        tpu.enqueue_dma source(%dma_start3A_144 : memref<1024x256xf32, #tpu.memory_space<hbm>>) target(%dma_start3A_142 : memref<1024x256xf32, #tpu.memory_space<vmem>>) target_semaphore(%dma_start3A_138 : memref<!tpu.dma_semaphore, #tpu.memory_space<semaphore_mem>>)
      } else {
      }
      %rem3A_61 = arith.constant 2 : i32
      %rem3A_62 = arith.remsi %while3A_44, %rem3A_61 : i32
      %get3A_63 = arith.index_cast %rem3A_62 : i32 to index
      %get3A_64 = arith.constant 0 : index
      %get3A_65 = arith.constant 0 : index
      %get3A_66 = vector.load %arg13[%get3A_63, %get3A_64, %get3A_65] : memref<2x1024x256xf32, #tpu.memory_space<vmem>>, vector<1x1024x256xf32>
      %get3A_67 = vector.shape_cast %get3A_66 : vector<1x1024x256xf32> to vector<1024x256xf32>
      %get3A_68 = arith.constant 0 : index
      %get3A_69 = arith.constant 0 : index
      %get3A_70 = vector.load %arg14[%get3A_68, %get3A_69] : memref<1024x256xf32, #tpu.memory_space<vmem>>, vector<1024x256xf32>
      %get3A_71 = arith.constant 0 : index
      %get3A_72 = arith.constant 0 : index
      %get3A_73 = vector.load %arg15[%get3A_71, %get3A_72] : memref<1024x256xf32, #tpu.memory_space<vmem>>, vector<1024x256xf32>
      %get3A_74 = arith.constant 0 : index
      %get3A_75 = arith.constant 0 : index
      %get3A_76 = vector.load %arg6[%get3A_74, %get3A_75] : memref<256x1024xf32, #tpu.memory_space<vmem>>, vector<256x1024xf32>
      %dot_general3A_77 = arith.constant dense<0.000000e+00> : vector<1024x1024xf32>
      %dot_general3A_78 = tpu.matmul %get3A_67, %get3A_76, %dot_general3A_77 {dimension_numbers = #tpu.dot_dimension_numbers<[1], [0], [0], [1], [0, 0, 1, 1], [], []>, transpose_lhs_hint = false} : vector<1024x256xf32>, vector<256x1024xf32>, vector<1024x1024xf32> -> vector<1024x1024xf32>
      %get3A_79 = arith.constant 0 : index
      %get3A_80 = arith.constant 0 : index
      %get3A_81 = vector.load %arg7[%get3A_79, %get3A_80] : memref<256x1024xf32, #tpu.memory_space<vmem>>, vector<256x1024xf32>
      %dot_general3A_82 = arith.constant dense<0.000000e+00> : vector<1024x1024xf32>
      %dot_general3A_83 = tpu.matmul %get3A_70, %get3A_81, %dot_general3A_82 {dimension_numbers = #tpu.dot_dimension_numbers<[1], [0], [0], [1], [0, 0, 1, 1], [], []>, transpose_lhs_hint = false} : vector<1024x256xf32>, vector<256x1024xf32>, vector<1024x1024xf32> -> vector<1024x1024xf32>
      %add3A_84 = arith.addf %dot_general3A_78, %dot_general3A_83 : vector<1024x1024xf32>
      %get3A_85 = arith.constant 0 : index
      %get3A_86 = arith.constant 0 : index
      %get3A_87 = vector.load %arg8[%get3A_85, %get3A_86] : memref<1x1024xf32, #tpu.memory_space<vmem>>, vector<1x1024xf32>
      %add3A_88 = vector.broadcast %get3A_87 : vector<1x1024xf32> to vector<1024x1024xf32>
      %add3A_89 = arith.addf %add3A_84, %add3A_88 : vector<1024x1024xf32>
      %slice3A = vector.extract_strided_slice %add3A_89 {offsets = [0, 0], sizes = [1024, 256], strides = [1, 1]} : vector<1024x1024xf32> to vector<1024x256xf32>
      %logistic3A = arith.negf %slice3A : vector<1024x256xf32>
      %logistic3A_90 = math.exp %logistic3A : vector<1024x256xf32>
      %logistic3A_91 = arith.constant 1.000000e+00 : f32
      %logistic3A_92 = vector.broadcast %logistic3A_91 : f32 to vector<1024x256xf32>
      %logistic3A_93 = arith.addf %logistic3A_92, %logistic3A_90 : vector<1024x256xf32>
      %logistic3A_94 = arith.divf %logistic3A_92, %logistic3A_93 : vector<1024x256xf32>
      %slice3A_95 = vector.extract_strided_slice %add3A_89 {offsets = [0, 256], sizes = [1024, 256], strides = [1, 1]} : vector<1024x1024xf32> to vector<1024x256xf32>
      %logistic3A_96 = arith.negf %slice3A_95 : vector<1024x256xf32>
      %logistic3A_97 = math.exp %logistic3A_96 : vector<1024x256xf32>
      %logistic3A_98 = arith.constant 1.000000e+00 : f32
      %logistic3A_99 = vector.broadcast %logistic3A_98 : f32 to vector<1024x256xf32>
      %logistic3A_100 = arith.addf %logistic3A_99, %logistic3A_97 : vector<1024x256xf32>
      %logistic3A_101 = arith.divf %logistic3A_99, %logistic3A_100 : vector<1024x256xf32>
      %slice3A_102 = vector.extract_strided_slice %add3A_89 {offsets = [0, 512], sizes = [1024, 256], strides = [1, 1]} : vector<1024x1024xf32> to vector<1024x256xf32>
      %tanh3A = math.tanh %slice3A_102 : vector<1024x256xf32>
      %slice3A_103 = vector.extract_strided_slice %add3A_89 {offsets = [0, 768], sizes = [1024, 256], strides = [1, 1]} : vector<1024x1024xf32> to vector<1024x256xf32>
      %logistic3A_104 = arith.negf %slice3A_103 : vector<1024x256xf32>
      %logistic3A_105 = math.exp %logistic3A_104 : vector<1024x256xf32>
      %logistic3A_106 = arith.constant 1.000000e+00 : f32
      %logistic3A_107 = vector.broadcast %logistic3A_106 : f32 to vector<1024x256xf32>
      %logistic3A_108 = arith.addf %logistic3A_107, %logistic3A_105 : vector<1024x256xf32>
      %logistic3A_109 = arith.divf %logistic3A_107, %logistic3A_108 : vector<1024x256xf32>
      %mul3A_110 = arith.mulf %logistic3A_101, %get3A_73 : vector<1024x256xf32>
      %mul3A_111 = arith.mulf %logistic3A_94, %tanh3A : vector<1024x256xf32>
      %add3A_112 = arith.addf %mul3A_110, %mul3A_111 : vector<1024x256xf32>
      %tanh3A_113 = math.tanh %add3A_112 : vector<1024x256xf32>
      %mul3A_114 = arith.mulf %logistic3A_109, %tanh3A_113 : vector<1024x256xf32>
      %get3A_115 = arith.index_cast %while3A_44 : i32 to index
      %get3A_116 = memref.load %arg3[%get3A_115] : memref<1024xi32, #tpu.memory_space<smem>>
      %sub3A = arith.subi %get3A_116, %mul3A_1 : i32
      %iota3A = tpu.iota {dimensions = array<i32: 0>} : vector<1024x1xi32>
      %lt3A_117 = vector.broadcast %sub3A : i32 to vector<1024x1xi32>
      %lt3A_118 = arith.cmpi slt, %iota3A, %lt3A_117 : vector<1024x1xi32>
      %broadcast_in_dim3A_119 = vector.shape_cast %lt3A_118 : vector<1024x1xi1> to vector<1024x1xi1>
      %broadcast_in_dim3A_120 = vector.broadcast %broadcast_in_dim3A_119 : vector<1024x1xi1> to vector<1024x256xi1>
      %select_n3A = arith.select %broadcast_in_dim3A_120, %mul3A_114, %get3A_70 : vector<1024x256xi1>, vector<1024x256xf32>
      %swap3A_121 = arith.constant 0 : index
      %swap3A_122 = arith.constant 0 : index
      %swap3A_123 = vector.load %arg14[%swap3A_121, %swap3A_122] : memref<1024x256xf32, #tpu.memory_space<vmem>>, vector<1024x256xf32>
      tpu.vector_store %arg14[%swap3A_121, %swap3A_122], %select_n3A {strides = array<i32>} : memref<1024x256xf32, #tpu.memory_space<vmem>>, vector<1024x256xf32>,
      %broadcast_in_dim3A_124 = vector.shape_cast %lt3A_118 : vector<1024x1xi1> to vector<1024x1xi1>
      %broadcast_in_dim3A_125 = vector.broadcast %broadcast_in_dim3A_124 : vector<1024x1xi1> to vector<1024x256xi1>
      %select_n3A_126 = arith.select %broadcast_in_dim3A_125, %add3A_112, %get3A_73 : vector<1024x256xi1>, vector<1024x256xf32>
      %swap3A_127 = arith.constant 0 : index
      %swap3A_128 = arith.constant 0 : index
      %swap3A_129 = vector.load %arg15[%swap3A_127, %swap3A_128] : memref<1024x256xf32, #tpu.memory_space<vmem>>, vector<1024x256xf32>
      tpu.vector_store %arg15[%swap3A_127, %swap3A_128], %select_n3A_126 {strides = array<i32>} : memref<1024x256xf32, #tpu.memory_space<vmem>>, vector<1024x256xf32>,
    }
    %while3A_20 = arith.constant 1 : i32
    scf.for %while3A_44 = %while3A_18 to %while3A_14 step %while3A_20  : i32 {
      %rem3A = arith.constant 2 : i32
      %rem3A_45 = arith.remsi %while3A_44, %rem3A : i32
      %get3A_46 = arith.index_cast %while3A_44 : i32 to index
      %get3A_47 = memref.load %arg2[%get3A_46] : memref<1024xi32, #tpu.memory_space<smem>>
      %add3A_48 = arith.addi %get3A_47, %mul3A_1 : i32
      %multiple_of3A = tpu.assume_multiple %add3A_48, 8 : i32
      %dma_wait3A = tpu.memref_slice %arg16[%rem3A_45] : memref<2x!tpu.dma_semaphore, #tpu.memory_space<semaphore_mem>> -> memref<1x!tpu.dma_semaphore, #tpu.memory_space<semaphore_mem>>
      %dma_wait3A_49 = tpu.memref_squeeze %dma_wait3A : memref<1x!tpu.dma_semaphore, #tpu.memory_space<semaphore_mem>> -> memref<!tpu.dma_semaphore, #tpu.memory_space<semaphore_mem>>
      %dma_wait3A_50 = arith.constant 0 : i32
      %dma_wait3A_51 = arith.constant 0 : i32
      %dma_wait3A_52 = tpu.memref_slice %arg13[%rem3A_45, %dma_wait3A_50, %dma_wait3A_51] : memref<2x1024x256xf32, #tpu.memory_space<vmem>> -> memref<1x1024x256xf32, #tpu.memory_space<vmem>>
      %dma_wait3A_53 = tpu.memref_squeeze %dma_wait3A_52 : memref<1x1024x256xf32, #tpu.memory_space<vmem>> -> memref<1024x256xf32, #tpu.memory_space<vmem>>
      %dma_wait3A_54 = arith.constant 0 : i32
      %dma_wait3A_55 = tpu.memref_slice %arg1[%multiple_of3A, %dma_wait3A_54] : memref<344064x256xf32, #tpu.memory_space<hbm>> -> memref<1024x256xf32, #tpu.memory_space<hbm>>
      tpu.wait_dma2 semaphore(%dma_wait3A_49 : memref<!tpu.dma_semaphore, #tpu.memory_space<semaphore_mem>>) src(%dma_wait3A_55 : memref<1024x256xf32, #tpu.memory_space<hbm>>) dst(%dma_wait3A_53 : memref<1024x256xf32, #tpu.memory_space<vmem>>)
      %add3A_56 = arith.constant 1 : i32
      %add3A_57 = arith.addi %while3A_44, %add3A_56 : i32
      %lt3A = arith.cmpi slt, %add3A_57, %get3A_0 : i32
      %convert_element_type3A_58 = arith.extui %lt3A : i1 to i32
      %cond3A_59 = arith.constant 0 : i32
      %cond3A_60 = arith.cmpi ne, %convert_element_type3A_58, %cond3A_59 : i32
      scf.if %cond3A_60 {
        %add3A_130 = arith.constant 1 : i32
        %add3A_131 = arith.addi %while3A_44, %add3A_130 : i32
        %rem3A_132 = arith.constant 2 : i32
        %rem3A_133 = arith.remsi %add3A_131, %rem3A_132 : i32
        %get3A_134 = arith.index_cast %add3A_131 : i32 to index
        %get3A_135 = memref.load %arg2[%get3A_134] : memref<1024xi32, #tpu.memory_space<smem>>
        %add3A_136 = arith.addi %get3A_135, %mul3A_1 : i32
        %multiple_of3A_137 = tpu.assume_multiple %add3A_136, 8 : i32
        %dma_start3A = tpu.memref_slice %arg16[%rem3A_133] : memref<2x!tpu.dma_semaphore, #tpu.memory_space<semaphore_mem>> -> memref<1x!tpu.dma_semaphore, #tpu.memory_space<semaphore_mem>>
        %dma_start3A_138 = tpu.memref_squeeze %dma_start3A : memref<1x!tpu.dma_semaphore, #tpu.memory_space<semaphore_mem>> -> memref<!tpu.dma_semaphore, #tpu.memory_space<semaphore_mem>>
        %dma_start3A_139 = arith.constant 0 : i32
        %dma_start3A_140 = arith.constant 0 : i32
        %dma_start3A_141 = tpu.memref_slice %arg13[%rem3A_133, %dma_start3A_139, %dma_start3A_140] : memref<2x1024x256xf32, #tpu.memory_space<vmem>> -> memref<1x1024x256xf32, #tpu.memory_space<vmem>>
        %dma_start3A_142 = tpu.memref_squeeze %dma_start3A_141 : memref<1x1024x256xf32, #tpu.memory_space<vmem>> -> memref<1024x256xf32, #tpu.memory_space<vmem>>
        %dma_start3A_143 = arith.constant 0 : i32
        %dma_start3A_144 = tpu.memref_slice %arg1[%multiple_of3A_137, %dma_start3A_143] : memref<344064x256xf32, #tpu.memory_space<hbm>> -> memref<1024x256xf32, #tpu.memory_space<hbm>>
        tpu.enqueue_dma source(%dma_start3A_144 : memref<1024x256xf32, #tpu.memory_space<hbm>>) target(%dma_start3A_142 : memref<1024x256xf32, #tpu.memory_space<vmem>>) target_semaphore(%dma_start3A_138 : memref<!tpu.dma_semaphore, #tpu.memory_space<semaphore_mem>>)
      } else {
      }
      %rem3A_61 = arith.constant 2 : i32
      %rem3A_62 = arith.remsi %while3A_44, %rem3A_61 : i32
      %get3A_63 = arith.index_cast %rem3A_62 : i32 to index
      %get3A_64 = arith.constant 0 : index
      %get3A_65 = arith.constant 0 : index
      %get3A_66 = vector.load %arg13[%get3A_63, %get3A_64, %get3A_65] : memref<2x1024x256xf32, #tpu.memory_space<vmem>>, vector<1x1024x256xf32>
      %get3A_67 = vector.shape_cast %get3A_66 : vector<1x1024x256xf32> to vector<1024x256xf32>
      %get3A_68 = arith.constant 0 : index
      %get3A_69 = arith.constant 0 : index
      %get3A_70 = vector.load %arg14[%get3A_68, %get3A_69] : memref<1024x256xf32, #tpu.memory_space<vmem>>, vector<1024x256xf32>
      %get3A_71 = arith.constant 0 : index
      %get3A_72 = arith.constant 0 : index
      %get3A_73 = vector.load %arg15[%get3A_71, %get3A_72] : memref<1024x256xf32, #tpu.memory_space<vmem>>, vector<1024x256xf32>
      %get3A_74 = arith.constant 0 : index
      %get3A_75 = arith.constant 0 : index
      %get3A_76 = vector.load %arg6[%get3A_74, %get3A_75] : memref<256x1024xf32, #tpu.memory_space<vmem>>, vector<256x1024xf32>
      %dot_general3A_77 = arith.constant dense<0.000000e+00> : vector<1024x1024xf32>
      %dot_general3A_78 = tpu.matmul %get3A_67, %get3A_76, %dot_general3A_77 {dimension_numbers = #tpu.dot_dimension_numbers<[1], [0], [0], [1], [0, 0, 1, 1], [], []>, transpose_lhs_hint = false} : vector<1024x256xf32>, vector<256x1024xf32>, vector<1024x1024xf32> -> vector<1024x1024xf32>
      %get3A_79 = arith.constant 0 : index
      %get3A_80 = arith.constant 0 : index
      %get3A_81 = vector.load %arg7[%get3A_79, %get3A_80] : memref<256x1024xf32, #tpu.memory_space<vmem>>, vector<256x1024xf32>
      %dot_general3A_82 = arith.constant dense<0.000000e+00> : vector<1024x1024xf32>
      %dot_general3A_83 = tpu.matmul %get3A_70, %get3A_81, %dot_general3A_82 {dimension_numbers = #tpu.dot_dimension_numbers<[1], [0], [0], [1], [0, 0, 1, 1], [], []>, transpose_lhs_hint = false} : vector<1024x256xf32>, vector<256x1024xf32>, vector<1024x1024xf32> -> vector<1024x1024xf32>
      %add3A_84 = arith.addf %dot_general3A_78, %dot_general3A_83 : vector<1024x1024xf32>
      %get3A_85 = arith.constant 0 : index
      %get3A_86 = arith.constant 0 : index
      %get3A_87 = vector.load %arg8[%get3A_85, %get3A_86] : memref<1x1024xf32, #tpu.memory_space<vmem>>, vector<1x1024xf32>
      %add3A_88 = vector.broadcast %get3A_87 : vector<1x1024xf32> to vector<1024x1024xf32>
      %add3A_89 = arith.addf %add3A_84, %add3A_88 : vector<1024x1024xf32>
      %slice3A = vector.extract_strided_slice %add3A_89 {offsets = [0, 0], sizes = [1024, 256], strides = [1, 1]} : vector<1024x1024xf32> to vector<1024x256xf32>
      %logistic3A = arith.negf %slice3A : vector<1024x256xf32>
      %logistic3A_90 = math.exp %logistic3A : vector<1024x256xf32>
      %logistic3A_91 = arith.constant 1.000000e+00 : f32
      %logistic3A_92 = vector.broadcast %logistic3A_91 : f32 to vector<1024x256xf32>
      %logistic3A_93 = arith.addf %logistic3A_92, %logistic3A_90 : vector<1024x256xf32>
      %logistic3A_94 = arith.divf %logistic3A_92, %logistic3A_93 : vector<1024x256xf32>
      %slice3A_95 = vector.extract_strided_slice %add3A_89 {offsets = [0, 256], sizes = [1024, 256], strides = [1, 1]} : vector<1024x1024xf32> to vector<1024x256xf32>
      %logistic3A_96 = arith.negf %slice3A_95 : vector<1024x256xf32>
      %logistic3A_97 = math.exp %logistic3A_96 : vector<1024x256xf32>
      %logistic3A_98 = arith.constant 1.000000e+00 : f32
      %logistic3A_99 = vector.broadcast %logistic3A_98 : f32 to vector<1024x256xf32>
      %logistic3A_100 = arith.addf %logistic3A_99, %logistic3A_97 : vector<1024x256xf32>
      %logistic3A_101 = arith.divf %logistic3A_99, %logistic3A_100 : vector<1024x256xf32>
      %slice3A_102 = vector.extract_strided_slice %add3A_89 {offsets = [0, 512], sizes = [1024, 256], strides = [1, 1]} : vector<1024x1024xf32> to vector<1024x256xf32>
      %tanh3A = math.tanh %slice3A_102 : vector<1024x256xf32>
      %slice3A_103 = vector.extract_strided_slice %add3A_89 {offsets = [0, 768], sizes = [1024, 256], strides = [1, 1]} : vector<1024x1024xf32> to vector<1024x256xf32>
      %logistic3A_104 = arith.negf %slice3A_103 : vector<1024x256xf32>
      %logistic3A_105 = math.exp %logistic3A_104 : vector<1024x256xf32>
      %logistic3A_106 = arith.constant 1.000000e+00 : f32
      %logistic3A_107 = vector.broadcast %logistic3A_106 : f32 to vector<1024x256xf32>
      %logistic3A_108 = arith.addf %logistic3A_107, %logistic3A_105 : vector<1024x256xf32>
      %logistic3A_109 = arith.divf %logistic3A_107, %logistic3A_108 : vector<1024x256xf32>
      %mul3A_110 = arith.mulf %logistic3A_101, %get3A_73 : vector<1024x256xf32>
      %mul3A_111 = arith.mulf %logistic3A_94, %tanh3A : vector<1024x256xf32>
      %add3A_112 = arith.addf %mul3A_110, %mul3A_111 : vector<1024x256xf32>
      %tanh3A_113 = math.tanh %add3A_112 : vector<1024x256xf32>
      %mul3A_114 = arith.mulf %logistic3A_109, %tanh3A_113 : vector<1024x256xf32>
      %get3A_115 = arith.index_cast %while3A_44 : i32 to index
      %get3A_116 = memref.load %arg3[%get3A_115] : memref<1024xi32, #tpu.memory_space<smem>>
      %sub3A = arith.subi %get3A_116, %mul3A_1 : i32
      %iota3A = tpu.iota {dimensions = array<i32: 0>} : vector<1024x1xi32>
      %lt3A_117 = vector.broadcast %sub3A : i32 to vector<1024x1xi32>
      %lt3A_118 = arith.cmpi slt, %iota3A, %lt3A_117 : vector<1024x1xi32>
      %broadcast_in_dim3A_119 = vector.shape_cast %lt3A_118 : vector<1024x1xi1> to vector<1024x1xi1>
      %broadcast_in_dim3A_120 = vector.broadcast %broadcast_in_dim3A_119 : vector<1024x1xi1> to vector<1024x256xi1>
      %select_n3A = arith.select %broadcast_in_dim3A_120, %mul3A_114, %get3A_70 : vector<1024x256xi1>, vector<1024x256xf32>
      %swap3A_121 = arith.constant 0 : index
      %swap3A_122 = arith.constant 0 : index
      %swap3A_123 = vector.load %arg14[%swap3A_121, %swap3A_122] : memref<1024x256xf32, #tpu.memory_space<vmem>>, vector<1024x256xf32>
      tpu.vector_store %arg14[%swap3A_121, %swap3A_122], %select_n3A {strides = array<i32>} : memref<1024x256xf32, #tpu.memory_space<vmem>>, vector<1024x256xf32>,
      %broadcast_in_dim3A_124 = vector.shape_cast %lt3A_118 : vector<1024x1xi1> to vector<1024x1xi1>
      %broadcast_in_dim3A_125 = vector.broadcast %broadcast_in_dim3A_124 : vector<1024x1xi1> to vector<1024x256xi1>
      %select_n3A_126 = arith.select %broadcast_in_dim3A_125, %add3A_112, %get3A_73 : vector<1024x256xi1>, vector<1024x256xf32>
      %swap3A_127 = arith.constant 0 : index
      %swap3A_128 = arith.constant 0 : index
      %swap3A_129 = vector.load %arg15[%swap3A_127, %swap3A_128] : memref<1024x256xf32, #tpu.memory_space<vmem>>, vector<1024x256xf32>
      tpu.vector_store %arg15[%swap3A_127, %swap3A_128], %select_n3A_126 {strides = array<i32>} : memref<1024x256xf32, #tpu.memory_space<vmem>>, vector<1024x256xf32>,
    }
    %get3A_21 = arith.constant 0 : index
    %get3A_22 = arith.constant 0 : index
    %get3A_23 = vector.load %arg5[%get3A_21, %get3A_22] : memref<1024x256xf32, #tpu.memory_space<vmem>>, vector<1024x256xf32>
    %get3A_24 = arith.constant 0 : index
    %get3A_25 = arith.constant 0 : index
    %get3A_26 = vector.load %arg9[%get3A_24, %get3A_25] : memref<256x128xf32, #tpu.memory_space<vmem>>, vector<256x128xf32>
    %dot_general3A = arith.constant dense<0.000000e+00> : vector<1024x128xf32>
    %dot_general3A_27 = tpu.matmul %get3A_23, %get3A_26, %dot_general3A {dimension_numbers = #tpu.dot_dimension_numbers<[1], [0], [0], [1], [0, 0, 1, 1], [], []>, transpose_lhs_hint = false} : vector<1024x256xf32>, vector<256x128xf32>, vector<1024x128xf32> -> vector<1024x128xf32>
    %get3A_28 = arith.constant 0 : index
    %get3A_29 = arith.constant 0 : index
    %get3A_30 = vector.load %arg10[%get3A_28, %get3A_29] : memref<1x128xf32, #tpu.memory_space<vmem>>, vector<1x128xf32>
    %add3A = vector.broadcast %get3A_30 : vector<1x128xf32> to vector<1024x128xf32>
    %add3A_31 = arith.addf %dot_general3A_27, %add3A : vector<1024x128xf32>
    %get3A_32 = arith.constant 0 : index
    %get3A_33 = arith.constant 0 : index
    %get3A_34 = vector.load %arg14[%get3A_32, %get3A_33] : memref<1024x256xf32, #tpu.memory_space<vmem>>, vector<1024x256xf32>
    %get3A_35 = arith.constant 0 : index
    %get3A_36 = arith.constant 0 : index
    %get3A_37 = vector.load %arg11[%get3A_35, %get3A_36] : memref<256x128xf32, #tpu.memory_space<vmem>>, vector<256x128xf32>
    %dot_general3A_38 = arith.constant dense<0.000000e+00> : vector<1024x128xf32>
    %dot_general3A_39 = tpu.matmul %get3A_34, %get3A_37, %dot_general3A_38 {dimension_numbers = #tpu.dot_dimension_numbers<[1], [0], [0], [1], [0, 0, 1, 1], [], []>, transpose_lhs_hint = false} : vector<1024x256xf32>, vector<256x128xf32>, vector<1024x128xf32> -> vector<1024x128xf32>
    %add3A_40 = arith.addf %add3A_31, %dot_general3A_39 : vector<1024x128xf32>
    %swap3A_41 = arith.constant 0 : index
    %swap3A_42 = arith.constant 0 : index
    %swap3A_43 = vector.load %arg12[%swap3A_41, %swap3A_42] : memref<1024x128xf32, #tpu.memory_space<vmem>>, vector<1024x128xf32>
    tpu.vector_store %arg12[%swap3A_41, %swap3A_42], %add3A_40 {strides = array<i32>} : memref<1024x128xf32, #tpu.memory_space<vmem>>, vector<1024x128xf32>,
    return
  }
  func.func @transform_1(%arg0: i32) -> i32 {
    %c0_i32 = arith.constant 0 : i32
    %c0_i32_0 = arith.constant 0 : i32
    return %c0_i32 : i32
  }
  func.func @transform_2(%arg0: i32) -> i32 {
    %c0_i32 = arith.constant 0 : i32
    %c0_i32_0 = arith.constant 0 : i32
    return %c0_i32 : i32
  }
  func.func @transform_3(%arg0: i32) -> i32 {
    %c0_i32 = arith.constant 0 : i32
    %c0_i32_0 = arith.constant 0 : i32
    return %c0_i32 : i32
  }
  func.func @transform_4(%arg0: i32) -> (i32, i32) {
    %c0_i32 = arith.constant 0 : i32
    %c0_i32_0 = arith.constant 0 : i32
    return %arg0, %c0_i32 : i32, i32
  }
  func.func @transform_5(%arg0: i32) -> (i32, i32) {
    %c0_i32 = arith.constant 0 : i32
    %c0_i32_0 = arith.constant 0 : i32
    %c0_i32_1 = arith.constant 0 : i32
    return %c0_i32, %c0_i32_0 : i32, i32
  }
  func.func @transform_6(%arg0: i32) -> (i32, i32) {
    %c0_i32 = arith.constant 0 : i32
    %c0_i32_0 = arith.constant 0 : i32
    %c0_i32_1 = arith.constant 0 : i32
    return %c0_i32, %c0_i32_0 : i32, i32
  }
  func.func @transform_7(%arg0: i32) -> (i32, i32) {
    %c0_i32 = arith.constant 0 : i32
    %c0_i32_0 = arith.constant 0 : i32
    %c0_i32_1 = arith.constant 0 : i32
    return %c0_i32, %c0_i32_0 : i32, i32
  }
  func.func @transform_8(%arg0: i32) -> (i32, i32) {
    %c0_i32 = arith.constant 0 : i32
    %c0_i32_0 = arith.constant 0 : i32
    %c0_i32_1 = arith.constant 0 : i32
    return %c0_i32, %c0_i32_0 : i32, i32
  }
  func.func @transform_9(%arg0: i32) -> (i32, i32) {
    %c0_i32 = arith.constant 0 : i32
    %c0_i32_0 = arith.constant 0 : i32
    %c0_i32_1 = arith.constant 0 : i32
    return %c0_i32, %c0_i32_0 : i32, i32
  }
  func.func @transform_10(%arg0: i32) -> (i32, i32) {
    %c0_i32 = arith.constant 0 : i32
    %c0_i32_0 = arith.constant 0 : i32
    %c0_i32_1 = arith.constant 0 : i32
    return %c0_i32, %c0_i32_0 : i32, i32
  }
  func.func @transform_11(%arg0: i32) -> (i32, i32) {
    %c0_i32 = arith.constant 0 : i32
    %c0_i32_0 = arith.constant 0 : i32
    return %arg0, %c0_i32 : i32, i32
  }
}

</mosaic_0001>

<sc_bundles>
// kernel: gather_offload_async_start
scs
__scs_entry_jumppad:
0x0: {  	(pc) =	sbr.rel $0x88, $3  }
0x1: {  	(tag) =	ssettag $0x0;
	lr =	simm.s32 $0x1  }
0x2: {  	[smem:$0x3F91] =	sst lr;
	_ =	strace $0xD0000000  }
0x3: {  	_ = 	snop  }
0x4: {  	_ = 	snop  }
0x5: {  	_ = 	snop  }
0x6: {  	_ = 	snop  }
0x7: {  	_ = 	snop  }
__scs_overlays_trampoline_lowered:
0x8: {  	[smem:$0x3FA0] =	sst s0  }
0x9: {  	[smem:$0x3FA1] =	sst s1  }
0xa: {  	[smem:$0x3FA2] =	sst s2  }
0xb: {  	[smem:$0x3FA3] =	sst s3  }
0xc: {  	[smem:$0x3FA4] =	sst s4  }
0xd: {  	[smem:$0x3FA5] =	sst s5  }
0xe: {  	[smem:$0x3FA6] =	sst s6  }
0xf: {  	[smem:$0x3FA7] =	sst s7  }
0x10: {  	[smem:$0x3FA8] =	sst s8  }
0x11: {  	[smem:$0x3FA9] =	sst s9;
	s0 =	simm.s32 @!p0 $0x0  }
0x12: {  	s1 =	sld [smem:$0x3F8F];
	s0 =	simm.s32 @p0 $0x1  }
0x13: {  	[smem:$0x3FAA] =	sst s0;
	s0 =	simm.s32 @!p1 $0x0  }
0x14: {  	s2 =	sld [smem:$0x3F8E];
	s0 =	simm.s32 @p1 $0x1  }
0x15: {  	[smem:$0x3FAB] =	sst s0;
	s0 =	simm.s32 @!p2 $0x0  }
0x16: {  	s3 =	sld [smem:$0x3FDB];
	s0 =	simm.s32 @p2 $0x1  }
0x17: {  	s4 =	simm.s32 $0x1BF5;
	[smem:$0x3FAD] =	sst s0  }
0x18: {  	s0 =	sld [smem:$0x3F90];
	_ =	swait.ge [sflag:s4], $0x0  }
0x19: {  	s7 =	sld [smem:$0x3F91]  }
0x1a: {  	s8 =	sadd.s32 $0xFFFFE003, lr  }
0x1b: {  	s9 =	sadd.s32 $0xFFFFFEF7, lr;
	s5 =	simm.s32 $0xFFFFFFFF;
	p2 =	slt.u32 s8, $0xFFFFF086  }
0x1c: {  	p1 =	slt.u32 s9, $0xF7A;
	s5 =	simm.s32 @!p2 $0x0  }
0x1d: {  	s5 =	simm.s32 @p1 $0x1;
	p0 =	seq.s32 s7, s2  }
0x1e: {  	s7 =	smul.u32 @!p0 $0xF7A, s2;
	p2 =	seq.s32 @!p0 s5, $0x0  }
0x1f: {  	s9 =	smul.u32 $0xF7A, s1;
	s8 =	simm.s32 @!p0 $0x1BF5;
	p2 =	por !p2, p0  }
0x20: {  	[sflag:s8] =	ssyncset.s32 @!p0 $0xFFFFF086;
	s6 =	sadd.s32 @!p0 s3, s7;
	s7 =	simm.s32 @!p0 $0x108  }
0x21: {  	s3 =	sadd.s32 s3, s9;
	s6 =	sadd.s32 @!p0 $0x88, s6;
	s7 =	simm.s32 @p2 $0x1082  }
0x22: {  	[simem:s7], [sflag:s8] =	dma.local @!p0 [hbm:s6], $0xF7A  }
0x23: {  	s9 =	sor.u32 $0xD0000000, s2;
	s6 =	simm.s32 $0x108;
	_ =	swait.ge @!p0 [sflag:s8], $0x0  }
0x24: {  	s3 =	sadd.s32 $0x88, s3;
	s6 =	simm.s32 @!p1 $0x1082;
	[sflag:s4] =	ssyncset.s32 $0xFFFFF086  }
0x25: {  	[simem:s6], [sflag:s4] =	dma.local [hbm:s3], $0xF7A  }
0x26: {  	[smem:$0x3F91] =	sst s1;
	(tag) =	ssettag s2;
	_ =	strace s9  }
0x27: {  	s1 =	sld [smem:$0x3FA1]  }
0x28: {  	s2 =	sld [smem:$0x3FA2]  }
0x29: {  	s4 =	sld [smem:$0x3FA4]  }
0x2a: {  	p0 =	seq.s32 s5, $0x0;
	s5 =	sld [smem:$0x3FA5]  }
0x2b: {  	s6 =	sld [smem:$0x3FA6]  }
0x2c: {  	s7 =	sld [smem:$0x3FA7]  }
0x2d: {  	s3 =	simm.s32 $0x108;
	s8 =	sld [smem:$0x3FA8]  }
0x2e: {  	s3 =	simm.s32 @!p0 $0x1082;
	s9 =	sld [smem:$0x3FA9]  }
0x2f: {  	lr =	sadd.s32 s0, s3;
	s0 =	sld [smem:$0x3FA0]  }
0x30: {  	s3 =	sld [smem:$0x3FA3]  }
0x31: {  	[smem:$0x3FAC] =	sst s10  }
0x32: {  	s10 =	sld [smem:$0x3FAA];
	_ =	sdelay $0x3  }
0x33: {  	p0 =	seq.s32 s10, $0x1;
	s10 =	sld [smem:$0x3FAC];
	_ =	sdelay $0x3  }
0x34: {  	[smem:$0x3FAC] =	sst s10  }
0x35: {  	s10 =	sld [smem:$0x3FAB];
	_ =	sdelay $0x3  }
0x36: {  	p1 =	seq.s32 s10, $0x1;
	s10 =	sld [smem:$0x3FAC];
	_ =	sdelay $0x3  }
0x37: {  	[smem:$0x3FAC] =	sst s10  }
0x38: {  	s10 =	sld [smem:$0x3FAD]  }
0x39: {  	_ = 	snop;
	(pc) =	sbr.ind lr, $3  }
0x3a: {  	_ = 	snop  }
0x3b: {  	_ = 	snop  }
0x3c: {  	p2 =	seq.s32 s10, $0x1;
	s10 =	sld [smem:$0x3FAC]  }
0x3d: {  	_ =	shalt  }
0x3e: {  	_ =	shalt  }
0x3f: {  	_ =	shalt  }
0x40: {  	_ =	shalt  }
0x41: {  	_ =	shalt  }
0x42: {  	_ =	shalt  }
0x43: {  	_ =	shalt  }
0x44: {  	_ =	shalt  }
0x45: {  	_ =	shalt  }
0x46: {  	_ =	shalt  }
0x47: {  	_ =	shalt  }
0x48: {  	_ =	shalt  }
0x49: {  	_ =	shalt  }
0x4a: {  	_ =	shalt  }
0x4b: {  	_ =	shalt  }
0x4c: {  	_ =	shalt  }
0x4d: {  	_ =	shalt  }
0x4e: {  	_ =	shalt  }
0x4f: {  	_ =	shalt  }
0x50: {  	_ =	shalt  }
0x51: {  	_ =	shalt  }
0x52: {  	_ =	shalt  }
0x53: {  	_ =	shalt  }
0x54: {  	_ =	shalt  }
0x55: {  	_ =	shalt  }
0x56: {  	_ =	shalt  }
0x57: {  	_ =	shalt  }
0x58: {  	_ =	shalt  }
0x59: {  	_ =	shalt  }
0x5a: {  	_ =	shalt  }
0x5b: {  	_ =	shalt  }
0x5c: {  	_ =	shalt  }
0x5d: {  	_ =	shalt  }
0x5e: {  	_ =	shalt  }
0x5f: {  	_ =	shalt  }
0x60: {  	_ =	shalt  }
0x61: {  	_ =	shalt  }
0x62: {  	_ =	shalt  }
0x63: {  	_ =	shalt  }
0x64: {  	_ =	shalt  }
0x65: {  	_ =	shalt  }
0x66: {  	_ =	shalt  }
0x67: {  	_ =	shalt  }
0x68: {  	_ =	shalt  }
0x69: {  	_ =	shalt  }
0x6a: {  	_ =	shalt  }
0x6b: {  	_ =	shalt  }
0x6c: {  	_ =	shalt  }
0x6d: {  	_ =	shalt  }
0x6e: {  	_ =	shalt  }
0x6f: {  	_ =	shalt  }
0x70: {  	_ =	shalt  }
0x71: {  	_ =	shalt  }
0x72: {  	_ =	shalt  }
0x73: {  	_ =	shalt  }
0x74: {  	_ =	shalt  }
0x75: {  	_ =	shalt  }
0x76: {  	_ =	shalt  }
0x77: {  	_ =	shalt  }
0x78: {  	_ =	shalt  }
0x79: {  	_ =	shalt  }
0x7a: {  	_ =	shalt  }
0x7b: {  	_ =	shalt  }
0x7c: {  	_ =	shalt  }
0x7d: {  	_ =	shalt  }
0x7e: {  	_ =	shalt  }
0x7f: {  	_ =	shalt  }
0x80: {  	_ =	shalt  }
0x81: {  	_ =	shalt  }
0x82: {  	_ =	shalt  }
0x83: {  	_ =	shalt  }
0x84: {  	_ =	shalt  }
0x85: {  	_ =	shalt  }
0x86: {  	_ =	shalt  }
0x87: {  	_ =	shalt  }
.Lfunc_end0:
.L_simem_size_0:
called_computation.1_lowered:
.L_overlay_start_0:
0x88: {  	s0 =	sld [smem:$0x3FD9]  }
0x89: {  	s1 =	sld [smem:$0x3FFE];
	_ =	sdelay $0x3  }
0x8a: {  	s0 =	sadd.s32 s1, s0  }
0x8b: {  	[smem:$0x3FB8] =	sst s0  }
0x8c: {  	_ = 	snop  }
0x8d: {  	(tm) =	ssettm $0x1  }
0x8e: {  	s15 =	sld [smem:$0x3FFB];
	_ =	sdelay $0x3  }
0x8f: {  	_ =	strace s15  }
0x90: {  	s0 =	sld [smem:$0x3FFC];
	_ =	sdelay $0x3  }
0x91: {  	_ =	strace s0  }
0x92: {  	s0 =	sld [smem:$0x3FFD];
	_ =	sdelay $0x3  }
0x93: {  	_ =	strace s0  }
0x94: {  	_ =	strace $0x8FFFFFFF  }
0x95: {  	s16 =	sld [smem:$0x3FDB];
	_ =	sdelay $0x1  }
0x96: {  	s17 =	simm.s32 $_scs_section_size  }
0x97: {  	s2 =	simm.s32 $_size__tile_overlayer_lowered;
	s3 =	simm.s32 $_tile_overlayer_lowered  }
0x98: {  	s20 =	simm.s32 $0x1BFF;
	s19 =	sshll.u32 s3, $0x1;
	s0 =	sadd.s32 s17, s16  }
0x99: {  	s4 =	simm.s32 $0x0;
	s18 =	sshll.u32 s2, $0x1;
	s2 =	sadd.s32 s19, s0  }
0x9a: {  	[timem:s4], [sflag:s20] =	dma.local [hbm:s2], s18  }
0x9b: {  	_ =	swait.ge [sflag:s20], s18  }
0x9c: {  	s1 =	ssub.s32 $0x0, s18;
	[sflag:s20] =	ssyncset.done $0x0  }
0x9d: {  	[sflag:s20] =	ssyncadd.s32 s1;
	_ =	sdelay $0x1  }
0x9e: {  	s21 =	simm.s32 $0x1B8B  }
0x9f: {  	_ =	swait.ge [sflag:s21], $0x1  }
0xa0: {  	[sflag:s21] =	ssyncset.done $0x0  }
0xa1: {  	s23 =	simm.s32 $0x1B8E;
	s22 =	sld [smem:$0x3FFE];
	[sflag:s21] =	ssyncadd.s32 $0xFFFFFFFF  }
0xa2: {  	s24 =	simm.s32 $execute0_lowered;
	[smem:$0x3FD2] =	sst s23  }
0xa3: {  	s2 =	sshll.u32 s24, $0x1;
	_ =	strace $0x8000004C;
	[dreg:$0x1] =	wrdreg $0xFFFFFFFF  }
0xa4: {  	s25 =	simm.s32 $_size_execute0_lowered;
	s0 =	sadd.s32 s0, s2;
	[dreg:$0x0] =	wrdreg $0x0  }
0xa5: {  	s2 =	sshll.u32 s25, $0x1;
	[dreg:$0x2] =	wrdreg s0  }
0xa6: {  	[dreg:$0x3] =	wrdreg s2  }
0xa7: {  	[dreg:$0x4] =	wrdreg $0xC0  }
0xa8: {  	_ =	task [dreg:s4], $0x5FFFF  }
0xa9: {  	[dreg:$0x1] =	wrdreg $0xFFFFFFFF  }
0xaa: {  	[dreg:$0x0] =	wrdreg $0x60  }
0xab: {  	[dreg:$0x2] =	wrdreg s22  }
0xac: {  	[dreg:$0x3] =	wrdreg $0x9  }
0xad: {  	_ =	task.clear_ibuf [dreg:s4], $0x4FFFF;
	_ =	strace $0x9000004C  }
0xae: {  	s26 =	simm.s32 $0x9;
	_ =	strace $0x8000004E  }
0xaf: {  	_ =	swait.ge [sflag:s26], $0x1  }
0xb0: {  	[sflag:s26] =	ssyncadd.s32 $0xFFFFFFFF  }
0xb1: {  	_ =	strace $0x9000004E  }
0xb2: {  	_ =	sfence  }
0xb3: {  	s28 =	sld [smem:$0x0];
	_ =	sdelay $0x1  }
0xb4: {  	s29 =	srdreg.scid  }
0xb5: {  	s30 =	sshll.u32 s29, $0xD;
	s31 =	sshrl.u32 s29, $0x2  }
0xb6: {  	s1 =	sand.u32 $0x1, s29;
	s2 =	sand.u32 $0x4000, s30;
	s0 =	sadd.s32 s31, s28  }
0xb7: {  	s1 =	sor.u32 s2, s1;
	s0 =	sshll.u32 s0, $0x11  }
0xb8: {  	s0 =	sor.u32 s0, s1  }
0xb9: {  	s0 =	sadd.s32 $0x8F2B, s0  }
0xba: {  	[sflag:s0] =	ssyncadd.remote.s32 $0x1  }
0xbb: {  	_ =	sfence.sel $0xFFFF  }
0xbc: {  	[dreg:$0x0] =	wrdreg $0xFFFFFFFF;
	(pc) =	sbr.abs _section_cstart, $3  }
0xbd: {  	[dreg:$0x1] =	wrdreg $0xFFFFFFFF  }
0xbe: {  	_ =	task.clear_ibuf [dreg:s4], $0x2FFFF;
	_ =	strace $0x9FFFFFFF  }
0xbf: {  	(tm) =	ssettm $0x7FFFFFFF  }
tec
execute0_lowered:
.L_overlay_start_1:
0x0: {  	(tag) =	ssettag $0x1  }
0x1: {  	s8 =	rddreg [dreg:$0x0]  }
0x2: {  	s0 =	rddreg [dreg:$0x1];
	_ =	strace $0x8000004D  }
0x3: {  	s4 =	simm.s32 $0x1;
	s1 =	stileid.u32;
	s7 =	simm.s32 $0x1  }
0x4: {  	s9 =	simm.s32 $0x1;
	s6 =	simm.s32 $0x2;
	s10 =	simm.s32 $0x3  }
0x5: {  	s13 =	simm.s32 $0x0;
	s12 =	simm.s32 $0x0;
	s2 =	sadd.s32 $0x14400, s8  }
.Ltmp0:
0x6: {  	s3 =	sadd.s32 $0x1800, s8;
	p0 =	slt.u32 s1, $0xA;
	(pc) =	sbr.rel .LBB2_1-.Ltmp0, $4  }
0x7: {  	[sflag:s4] =	ssyncpa.u1 $0x0;
	s7 =	simm.s32 @!p0 $0x0;
	p0 =	sne.s32 s1, $0x9  }
0x8: {  	s5 =	smul.u32 $0x190, s1;
	[sflag:s6] =	ssyncpa.u1 $0x0;
	s9 =	simm.s32 @!p0 $0x0  }
0x9: {  	s8 =	sadd.s32 $0x1E00, s8;
	[sflag:s10] =	ssyncpa.u1 $0x0;
	s7 =	sadd.s32 s9, s7  }
0xa: {  	vm0 =	vmmov $0xffff;
	s10 =	simm.s32 $0x0;
	s11 =	smov.u32 s5;
	s9 =	sadd.s32 $0x1, s7  }
.LBB2_4:
0xb: {  	v2 =	vnsel vm1, $0x0, v2  }
0xc: {  	vm1 =	vgt.s32 v0, $0x0;
	v2 =	vmin.u32 v2, $0x270F  }
0xd: {  	v0 =	vnsel vm1, $0x0, v0  }
0xe: {  	v0 =	vmin.u32 v0, $0x270F  }
0xf: {  	[tilespmem:s18], [sflag:$0x1] =	stream.indirect_vreg.gather [hbm4b:s2+s10], $0x1, v1, vm0, $0x4038;
	[tilespmem:$0x640] =	vst v63  }
0x10: {  	(ifvalue) =	ssetifvalue $0x7FFFFFFF  }
0x11: {  	[tilespmem:s15], [sflag:$0x1] =	stream.indirect_vreg.gather [hbm4b:s2+s10], $0x1, v2, vm0, $0x4038;
	[tilespmem:$0x640] =	vst v63  }
0x12: {  	s29 =	sadd.s32 $0x10, s15;
	(ifvalue) =	ssetifvalue $0x7FFFFFFF  }
0x13: {  	[tilespmem:s29], [sflag:$0x1] =	stream.indirect_vreg.gather [hbm4b:s2+s10], $0x1, v0, vm0, $0x4038;
	[tilespmem:$0x640] =	vst v63  }
0x14: {  	_ =	swait.ge [sflag:s4], $0x190  }
0x15: {  	s30 =	sshrl.u32 s13, $0x3;
	[sflag:s4] =	ssyncset.done $0x0  }
0x16: {  	s31 =	sand.u32 $0x7, s13;
	s15 =	sadd.s32 s8, s30;
	[sflag:s4] =	ssyncadd.s32 $0xFFFFFE70  }
0x17: {  	[hbm4b:s15+s31] =	stream.linear.scatter [tilespmem:s14], [sflag:$0x3], $0x190, $0x38;
	[tilespmem:$0x640] =	vst v63  }
.LBB2_5:
0x18: {  	s15 =	sadd.s32 $0x1900, s11  }
0x19: {  	p1 =	sgt.s32 s15, $0x270F  }
0x1a: {  	s15 =	smov.u32 @p1 s5;
	p1 =	sne.s32 s12, s9  }
.Ltmp1:
0x1b: {  	p0 =	slt.u32 s12, $0x2;
	(pc) =	sbr.rel @!p1 .LBB2_6-.Ltmp1, $4  }
0x1c: {  	s14 =	simm.s32 @!p0 $0x3  }
0x1d: {  	_ =	swait.ge @!p0 [sflag:s14], $0x190  }
0x1e: {  	s16 =	sadd.s32 $0x1, s12;
	s13 =	smov.u32 s11;
	[sflag:s14] =	ssyncset.done @!p0 $0x0  }
0x1f: {  	s12 =	smov.u32 s16;
	s11 =	smov.u32 s15;
	[sflag:s14] =	ssyncadd.s32 @!p0 $0xFFFFFE70  }
.LBB2_1:
0x20: {  	p0 =	sge.u32 s12, s7  }
0x21: {  	s14 =	sxor.u32 @!p0 $0x1, s12  }
0x22: {  	s14 =	smul.u32 @!p0 $0x640, s14  }
0x23: {  	s31 =	sadd.s32 $0xFFFFFFFF, s12;
	s15 =	sshrl.u32 @!p0 s11, $0x3  }
0x24: {  	s16 =	sand.u32 @!p0 $0x7, s11;
	s15 =	sadd.s32 @!p0 s3, s15;
	s14 =	sshra.s32 @!p0 s14, $0x2  }
0x25: {  	[tilespmem:s14], [sflag:$0x2] =	stream.linear.gather @!p0 [hbm4b:s15+s16], $0x190, $0x38;
	[tilespmem:$0x640] =	vst v63  }
0x26: {  	p0 =	sge.u32 s31, s7  }
.Ltmp2:
0x27: {  	_ = 	snop;
	(pc) =	sbr.rel @p0 .LBB2_5-.Ltmp2, $1  }
0x28: {  	_ =	sdelay $0x3  }
0x29: {  	s14 =	sand.u32 $0x1, s12  }
0x2a: {  	_ =	swait.ge [sflag:s6], $0x190;
	p0 =	seq.s32 s14, $0x1;
	s14 =	simm.s32 $0x190  }
0x2b: {  	[sflag:s6] =	ssyncset.done $0x0;
	s14 =	simm.s32 @!p0 $0x0  }
0x2c: {  	[sflag:s6] =	ssyncadd.s32 $0xFFFFFE70;
	(ifvalue) =	ssetifvalue $0x7FFFFFFF;
	v0 =	vld.msk [tilespmem:s14+$0x0 ss:$0x1], $0xffff;
	_ =	sdelay $0x4  }
0x2d: {  	s15 =	sadd.s32 $0x10, s14;
	vm1 =	vgt.s32 v0, $0x0  }
0x2e: {  	v2 =	vld.msk [tilespmem:s15+$0x0 ss:$0x1], $0xffff;
	v1 =	vnsel vm1, $0x0, v0  }
0x2f: {  	v1 =	vmin.u32 v1, $0x270F;
	_ =	sdelay $0x2  }
0x30: {  	s17 =	simm.s32 $0x20;
	s14 =	sadd.s32 $0x320, s14;
	s16 =	sadd.s32 $0x10, s15  }
0x31: {  	s15 =	sadd.s32 $0x10, s14;
	s18 =	smov.u32 s14;
	v0 =	vld.msk [tilespmem:s16+$0x0 ss:$0x1], $0xffff;
	vm1 =	vgt.s32 v2, $0x0;
	(ifvalue) =	ssetifvalue $0x7FFFFFFF  }
.LBB2_3:
0x32: {  	[tilespmem:s18], [sflag:$0x1] =	stream.indirect_vreg.gather [hbm4b:s2+s10], $0x1, v1, vm0, $0x4038;
	[tilespmem:$0x640] =	vst v63  }
0x33: {  	s17 =	sadd.s32 $0x10, s17  }
0x34: {  	v2 =	vnsel vm1, $0x0, v2;
	p0 =	slt.u32 s17, $0x180  }
.Ltmp3:
0x35: {  	s18 =	smov.u32 s15;
	v1 =	vmin.u32 v2, $0x270F;
	(pc) =	sbr.rel @p0 .LBB2_3-.Ltmp3, $3  }
0x36: {  	_ =	sdelay $0x1  }
0x37: {  	s16 =	sadd.s32 $0x10, s16  }
0x38: {  	vm1 =	vgt.s32 v0, $0x0;
	s15 =	sadd.s32 $0x10, s15;
	v2 =	vmov v0;
	(ifvalue) =	ssetifvalue $0x7FFFFFFF;
	v0 =	vld.msk [tilespmem:s16+$0x0 ss:$0x1], $0xffff  }
.Ltmp4:
0x39: {  	_ = 	snop;
	(pc) =	sbr.rel .LBB2_4-.Ltmp4, $1  }
0x3a: {  	_ =	sdelay $0x3  }
.LBB2_6:
0x3b: {  	_ =	sfence.sel $0x180000  }
0x3c: {  	s2 =	simm.s32 $0x2;
	[bflag:$0x0] =	sbarrier.arrive $0xFFFF  }
0x3d: {  	s30 =	simm.s32 $0x3;
	[sflag:s2] =	ssyncpa.u1 $0x1  }
0x3e: {  	s31 =	simm.s32 $0x1;
	[sflag:s30] =	ssyncpa.u1 $0x1  }
0x3f: {  	[sflag:s31] =	ssyncpa.u1 $0x1  }
0x40: {  	p0 =	sne.s32 s1, $0x0;
	_ =	strace $0x9000004D  }
0x41: {  	s0 =	sadd.s32 @!p0 $0x100000, s0;
	[bflag:$0x2] =	sbarrier.arrive $0xFFFF  }
0x42: {  	[sflag:s0] =	ssyncadd.tile.s32 @!p0 $0x1;
	_ =	shalt  }
.Lfunc_end2:
_tile_overlayer_lowered:
.L_overlay_start_2:
0x43: {  	(tag) =	ssettag $0x2  }
0x44: {  	s0 =	rddreg [dreg:$0x0];
	s2 =	stileid.u32  }
0x45: {  	s1 =	rddreg [dreg:$0x1];
	p0 =	sne.s32 s2, $0x0  }
0x46: {  	s3 =	rddreg [dreg:$0x2];
	[bflag:$0x3] =	sbarrier.arrive $0xFFFF;
	s2 =	simm.s32 @!p0 $0x1C01  }
0x47: {  	[timem:s3], [sflag:s2] =	dma.local @!p0 [hbm:s0], s1  }
0x48: {  	s0 =	simm.s32 @!p0 $0x1  }
0x49: {  	_ =	swait.ge @!p0 [sflag:s0], s1  }
0x4a: {  	s1 =	ssub.s32 @!p0 $0x0, s1;
	[sflag:s0] =	ssyncset.done @!p0 $0x0  }
0x4b: {  	[sflag:s0] =	ssyncadd.s32 @!p0 s1  }
0x4c: {  	[bflag:$0x3] =	sbarrier.arrive $0xFFFF  }
0x4d: {  	_ =	shalt  }

// kernel: kernel.12.cloned.1.call-start
scs
__scs_entry_jumppad:
0x0: {  	(pc) =	sbr.rel $0x88, $3  }
0x1: {  	(tag) =	ssettag $0x0;
	lr =	simm.s32 $0x1  }
0x2: {  	[smem:$0x3F91] =	sst lr;
	_ =	strace $0xD0000000  }
0x3: {  	_ = 	snop  }
0x4: {  	_ = 	snop  }
0x5: {  	_ = 	snop  }
0x6: {  	_ = 	snop  }
0x7: {  	_ = 	snop  }
__scs_overlays_trampoline_lowered:
0x8: {  	[smem:$0x3FA0] =	sst s0  }
0x9: {  	[smem:$0x3FA1] =	sst s1  }
0xa: {  	[smem:$0x3FA2] =	sst s2  }
0xb: {  	[smem:$0x3FA3] =	sst s3  }
0xc: {  	[smem:$0x3FA4] =	sst s4  }
0xd: {  	[smem:$0x3FA5] =	sst s5  }
0xe: {  	[smem:$0x3FA6] =	sst s6  }
0xf: {  	[smem:$0x3FA7] =	sst s7  }
0x10: {  	[smem:$0x3FA8] =	sst s8  }
0x11: {  	[smem:$0x3FA9] =	sst s9;
	s0 =	simm.s32 @!p0 $0x0  }
0x12: {  	s1 =	sld [smem:$0x3F8F];
	s0 =	simm.s32 @p0 $0x1  }
0x13: {  	[smem:$0x3FAA] =	sst s0;
	s0 =	simm.s32 @!p1 $0x0  }
0x14: {  	s2 =	sld [smem:$0x3F8E];
	s0 =	simm.s32 @p1 $0x1  }
0x15: {  	[smem:$0x3FAB] =	sst s0;
	s0 =	simm.s32 @!p2 $0x0  }
0x16: {  	s3 =	sld [smem:$0x3FDB];
	s0 =	simm.s32 @p2 $0x1  }
0x17: {  	s4 =	simm.s32 $0x1BF5;
	[smem:$0x3FAD] =	sst s0  }
0x18: {  	s0 =	sld [smem:$0x3F90];
	_ =	swait.ge [sflag:s4], $0x0  }
0x19: {  	s7 =	sld [smem:$0x3F91]  }
0x1a: {  	s8 =	sadd.s32 $0xFFFFE003, lr  }
0x1b: {  	s9 =	sadd.s32 $0xFFFFFEF7, lr;
	s5 =	simm.s32 $0xFFFFFFFF;
	p2 =	slt.u32 s8, $0xFFFFF086  }
0x1c: {  	p1 =	slt.u32 s9, $0xF7A;
	s5 =	simm.s32 @!p2 $0x0  }
0x1d: {  	s5 =	simm.s32 @p1 $0x1;
	p0 =	seq.s32 s7, s2  }
0x1e: {  	s7 =	smul.u32 @!p0 $0xF7A, s2;
	p2 =	seq.s32 @!p0 s5, $0x0  }
0x1f: {  	s9 =	smul.u32 $0xF7A, s1;
	s8 =	simm.s32 @!p0 $0x1BF5;
	p2 =	por !p2, p0  }
0x20: {  	[sflag:s8] =	ssyncset.s32 @!p0 $0xFFFFF086;
	s6 =	sadd.s32 @!p0 s3, s7;
	s7 =	simm.s32 @!p0 $0x108  }
0x21: {  	s3 =	sadd.s32 s3, s9;
	s6 =	sadd.s32 @!p0 $0x88, s6;
	s7 =	simm.s32 @p2 $0x1082  }
0x22: {  	[simem:s7], [sflag:s8] =	dma.local @!p0 [hbm:s6], $0xF7A  }
0x23: {  	s9 =	sor.u32 $0xD0000000, s2;
	s6 =	simm.s32 $0x108;
	_ =	swait.ge @!p0 [sflag:s8], $0x0  }
0x24: {  	s3 =	sadd.s32 $0x88, s3;
	s6 =	simm.s32 @!p1 $0x1082;
	[sflag:s4] =	ssyncset.s32 $0xFFFFF086  }
0x25: {  	[simem:s6], [sflag:s4] =	dma.local [hbm:s3], $0xF7A  }
0x26: {  	[smem:$0x3F91] =	sst s1;
	(tag) =	ssettag s2;
	_ =	strace s9  }
0x27: {  	s1 =	sld [smem:$0x3FA1]  }
0x28: {  	s2 =	sld [smem:$0x3FA2]  }
0x29: {  	s4 =	sld [smem:$0x3FA4]  }
0x2a: {  	p0 =	seq.s32 s5, $0x0;
	s5 =	sld [smem:$0x3FA5]  }
0x2b: {  	s6 =	sld [smem:$0x3FA6]  }
0x2c: {  	s7 =	sld [smem:$0x3FA7]  }
0x2d: {  	s3 =	simm.s32 $0x108;
	s8 =	sld [smem:$0x3FA8]  }
0x2e: {  	s3 =	simm.s32 @!p0 $0x1082;
	s9 =	sld [smem:$0x3FA9]  }
0x2f: {  	lr =	sadd.s32 s0, s3;
	s0 =	sld [smem:$0x3FA0]  }
0x30: {  	s3 =	sld [smem:$0x3FA3]  }
0x31: {  	[smem:$0x3FAC] =	sst s10  }
0x32: {  	s10 =	sld [smem:$0x3FAA];
	_ =	sdelay $0x3  }
0x33: {  	p0 =	seq.s32 s10, $0x1;
	s10 =	sld [smem:$0x3FAC];
	_ =	sdelay $0x3  }
0x34: {  	[smem:$0x3FAC] =	sst s10  }
0x35: {  	s10 =	sld [smem:$0x3FAB];
	_ =	sdelay $0x3  }
0x36: {  	p1 =	seq.s32 s10, $0x1;
	s10 =	sld [smem:$0x3FAC];
	_ =	sdelay $0x3  }
0x37: {  	[smem:$0x3FAC] =	sst s10  }
0x38: {  	s10 =	sld [smem:$0x3FAD]  }
0x39: {  	_ = 	snop;
	(pc) =	sbr.ind lr, $3  }
0x3a: {  	_ = 	snop  }
0x3b: {  	_ = 	snop  }
0x3c: {  	p2 =	seq.s32 s10, $0x1;
	s10 =	sld [smem:$0x3FAC]  }
0x3d: {  	_ =	shalt  }
0x3e: {  	_ =	shalt  }
0x3f: {  	_ =	shalt  }
0x40: {  	_ =	shalt  }
0x41: {  	_ =	shalt  }
0x42: {  	_ =	shalt  }
0x43: {  	_ =	shalt  }
0x44: {  	_ =	shalt  }
0x45: {  	_ =	shalt  }
0x46: {  	_ =	shalt  }
0x47: {  	_ =	shalt  }
0x48: {  	_ =	shalt  }
0x49: {  	_ =	shalt  }
0x4a: {  	_ =	shalt  }
0x4b: {  	_ =	shalt  }
0x4c: {  	_ =	shalt  }
0x4d: {  	_ =	shalt  }
0x4e: {  	_ =	shalt  }
0x4f: {  	_ =	shalt  }
0x50: {  	_ =	shalt  }
0x51: {  	_ =	shalt  }
0x52: {  	_ =	shalt  }
0x53: {  	_ =	shalt  }
0x54: {  	_ =	shalt  }
0x55: {  	_ =	shalt  }
0x56: {  	_ =	shalt  }
0x57: {  	_ =	shalt  }
0x58: {  	_ =	shalt  }
0x59: {  	_ =	shalt  }
0x5a: {  	_ =	shalt  }
0x5b: {  	_ =	shalt  }
0x5c: {  	_ =	shalt  }
0x5d: {  	_ =	shalt  }
0x5e: {  	_ =	shalt  }
0x5f: {  	_ =	shalt  }
0x60: {  	_ =	shalt  }
0x61: {  	_ =	shalt  }
0x62: {  	_ =	shalt  }
0x63: {  	_ =	shalt  }
0x64: {  	_ =	shalt  }
0x65: {  	_ =	shalt  }
0x66: {  	_ =	shalt  }
0x67: {  	_ =	shalt  }
0x68: {  	_ =	shalt  }
0x69: {  	_ =	shalt  }
0x6a: {  	_ =	shalt  }
0x6b: {  	_ =	shalt  }
0x6c: {  	_ =	shalt  }
0x6d: {  	_ =	shalt  }
0x6e: {  	_ =	shalt  }
0x6f: {  	_ =	shalt  }
0x70: {  	_ =	shalt  }
0x71: {  	_ =	shalt  }
0x72: {  	_ =	shalt  }
0x73: {  	_ =	shalt  }
0x74: {  	_ =	shalt  }
0x75: {  	_ =	shalt  }
0x76: {  	_ =	shalt  }
0x77: {  	_ =	shalt  }
0x78: {  	_ =	shalt  }
0x79: {  	_ =	shalt  }
0x7a: {  	_ =	shalt  }
0x7b: {  	_ =	shalt  }
0x7c: {  	_ =	shalt  }
0x7d: {  	_ =	shalt  }
0x7e: {  	_ =	shalt  }
0x7f: {  	_ =	shalt  }
0x80: {  	_ =	shalt  }
0x81: {  	_ =	shalt  }
0x82: {  	_ =	shalt  }
0x83: {  	_ =	shalt  }
0x84: {  	_ =	shalt  }
0x85: {  	_ =	shalt  }
0x86: {  	_ =	shalt  }
0x87: {  	_ =	shalt  }
.Lfunc_end0:
.L_simem_size_0:
called_computation.3_lowered:
.L_overlay_start_0:
0x88: {  	s2 =	sld [smem:$0x3FD9]  }
0x89: {  	s3 =	sld [smem:$0x3FFE];
	_ =	sdelay $0x1  }
0x8a: {  	s1 =	srdreg.scid  }
0x8b: {  	s0 =	sand.u32 $0x1, s1  }
0x8c: {  	s17 =	sshll.u32 s0, $0xA;
	s2 =	sadd.s32 s3, s2  }
0x8d: {  	s2 =	sadd.s32 s2, s17  }
0x8e: {  	[smem:$0x3FB8] =	sst s2  }
0x8f: {  	_ = 	snop  }
0x90: {  	s18 =	sld [smem:$0x3FC9];
	(tm) =	ssettm $0x1  }
0x91: {  	s19 =	sld [smem:$0x3FFB];
	_ =	sdelay $0x3  }
0x92: {  	_ =	strace s19  }
0x93: {  	s2 =	sld [smem:$0x3FFC];
	_ =	sdelay $0x3  }
0x94: {  	_ =	strace s2  }
0x95: {  	s2 =	sld [smem:$0x3FFD];
	_ =	sdelay $0x3  }
0x96: {  	_ =	strace s2  }
0x97: {  	_ =	strace $0x8FFFFFFF  }
0x98: {  	s20 =	sld [smem:$0x3FDB];
	_ =	sdelay $0x1  }
0x99: {  	s4 =	simm.s32 $_scs_section_size  }
0x9a: {  	s5 =	simm.s32 $_size__tile_overlayer_lowered;
	s6 =	simm.s32 $_tile_overlayer_lowered  }
0x9b: {  	s7 =	simm.s32 $0x1BFF;
	s21 =	sshll.u32 s6, $0x1;
	s4 =	sadd.s32 s4, s20  }
0x9c: {  	s22 =	simm.s32 $0x0;
	s5 =	sshll.u32 s5, $0x1;
	s6 =	sadd.s32 s21, s4  }
0x9d: {  	[timem:s22], [sflag:s7] =	dma.local [hbm:s6], s5  }
0x9e: {  	_ =	swait.ge [sflag:s7], s5  }
0x9f: {  	s5 =	ssub.s32 $0x0, s5;
	[sflag:s7] =	ssyncset.done $0x0  }
0xa0: {  	[sflag:s7] =	ssyncadd.s32 s5;
	_ =	sdelay $0x1  }
0xa1: {  	s23 =	simm.s32 $0x1B8B  }
0xa2: {  	_ =	swait.ge [sflag:s23], $0x1  }
0xa3: {  	[sflag:s23] =	ssyncset.done $0x0  }
0xa4: {  	[sflag:s23] =	ssyncadd.s32 $0xFFFFFFFF  }
0xa5: {  	s5 =	sld [smem:$0x0]  }
0xa6: {  	s6 =	sand.u32 $0xFFFFFFFE, s1  }
0xa7: {  	p0 =	sne.s32 s1, s6  }
0xa8: {  	s6 =	sshll.u32 @p0 s6, $0xE  }
0xa9: {  	s6 =	sadd.s32 @p0 $0x11B8D, s6;
	s7 =	sshll.u32 @p0 s5, $0x11  }
0xaa: {  	s6 =	sor.u32 @p0 s7, s6  }
0xab: {  	[sflag:s6] =	ssyncadd.remote.s32 @p0 $0x1;
	_ =	sdelay $0x1  }
0xac: {  	s6 =	simm.s32 @p0 $0x1B8D  }
0xad: {  	_ =	swait.eq @p0 [sflag:s6], $0x1  }
0xae: {  	[sflag:s6] =	ssyncadd.s32 @p0 $0xFFFFFFFF  }
0xaf: {  	s7 =	sshll.u32 @!p0 s1, $0xE  }
0xb0: {  	s7 =	sor.u32 @!p0 $0x4000, s7;
	s6 =	simm.s32 @!p0 $0x1B8D  }
0xb1: {  	s5 =	sshll.u32 @!p0 s5, $0x11;
	s7 =	sadd.s32 @!p0 $0x11B8D, s7;
	_ =	swait.eq @!p0 [sflag:s6], $0x1  }
0xb2: {  	s5 =	sor.u32 @!p0 s5, s7;
	[sflag:s6] =	ssyncadd.s32 @!p0 $0xFFFFFFFF  }
0xb3: {  	s25 =	simm.s32 $0x1B8E;
	s24 =	sld [smem:$0x3FFE];
	[sflag:s5] =	ssyncadd.remote.s32 @!p0 $0x1  }
0xb4: {  	s26 =	simm.s32 $execute0_lowered;
	[smem:$0x3FD2] =	sst s25  }
0xb5: {  	s6 =	sshll.u32 s26, $0x1;
	_ =	strace $0x8000004F;
	[dreg:$0x1] =	wrdreg $0xFFFFFFFF  }
0xb6: {  	s28 =	simm.s32 $_size_execute0_lowered;
	s4 =	sadd.s32 s4, s6;
	[dreg:$0x0] =	wrdreg $0x0  }
0xb7: {  	s6 =	sshll.u32 s28, $0x1;
	[dreg:$0x2] =	wrdreg s4  }
0xb8: {  	[dreg:$0x3] =	wrdreg s6  }
0xb9: {  	[dreg:$0x4] =	wrdreg $0xC0  }
0xba: {  	_ =	task [dreg:s22], $0x5FFFF  }
0xbb: {  	[dreg:$0x1] =	wrdreg $0xFFFFFFFF  }
0xbc: {  	[dreg:$0x0] =	wrdreg $0x60  }
0xbd: {  	[dreg:$0x2] =	wrdreg s18  }
0xbe: {  	[dreg:$0x3] =	wrdreg s24  }
0xbf: {  	[dreg:$0x4] =	wrdreg $0xA  }
0xc0: {  	_ =	task.clear_ibuf [dreg:s22], $0x5FFFF;
	_ =	strace $0x9000004F  }
0xc1: {  	s29 =	simm.s32 $0xA;
	_ =	strace $0x80000051  }
0xc2: {  	_ =	swait.ge [sflag:s29], $0x1  }
0xc3: {  	[sflag:s29] =	ssyncadd.s32 $0xFFFFFFFF  }
0xc4: {  	_ =	strace $0x90000051  }
0xc5: {  	_ =	sfence  }
0xc6: {  	s30 =	sld [smem:$0x0];
	_ =	sdelay $0x2  }
0xc7: {  	s31 =	sshll.u32 s1, $0xD;
	s1 =	sshrl.u32 s1, $0x2  }
0xc8: {  	s4 =	sand.u32 $0x4000, s31;
	s1 =	sadd.s32 s1, s30  }
0xc9: {  	s0 =	sor.u32 s4, s0;
	s1 =	sshll.u32 s1, $0x11  }
0xca: {  	s0 =	sor.u32 s1, s0  }
0xcb: {  	s0 =	sadd.s32 $0x8F2B, s0  }
0xcc: {  	[sflag:s0] =	ssyncadd.remote.s32 $0x1  }
0xcd: {  	_ =	sfence.sel $0xFFFF  }
0xce: {  	[dreg:$0x0] =	wrdreg $0xFFFFFFFF;
	(pc) =	sbr.abs _section_cstart, $3  }
0xcf: {  	[dreg:$0x1] =	wrdreg $0xFFFFFFFF  }
0xd0: {  	_ =	task.clear_ibuf [dreg:s22], $0x2FFFF;
	_ =	strace $0x9FFFFFFF  }
0xd1: {  	(tm) =	ssettm $0x7FFFFFFF  }
tec
execute0_lowered:
.L_overlay_start_1:
0x0: {  	(tag) =	ssettag $0x1  }
0x1: {  	s1 =	srdreg.scid;
	s0 =	stileid.u32  }
0x2: {  	s19 =	sand.u32 $0x1, s1;
	s30 =	sshll.u32 s0, $0x1  }
0x3: {  	s2 =	rddreg [dreg:$0x0];
	s15 =	sor.u32 s19, s30  }
0x4: {  	s14 =	rddreg [dreg:$0x1];
	s4 =	smul.u32 $0x28, s15  }
0x5: {  	s3 =	simm.s32 $0x0;
	s1 =	rddreg [dreg:$0x2]  }
0x6: {  	[smem:$0x7FF] =	sst s3;
	s4 =	sadd.s32 s4, s14  }
0x7: {  	_ =	strace $0x80000050;
	s5 =	sadd.s32 $0x1200, s4;
	s4 =	simm.s32 $0x5  }
0x8: {  	[tilespmem:s3], [sflag:$0x5] =	stream.linear.gather [hbm4b:s5+s3], $0x140, $0x38;
	[tilespmem:$0xA180] =	vst v63  }
0x9: {  	_ =	swait.ge [sflag:s4], $0x140  }
0xa: {  	[sflag:s4] =	ssyncset.done $0x0  }
0xb: {  	s6 =	simm.s32 $0x50;
	s7 =	simm.s32 $0x180;
	[sflag:s4] =	ssyncadd.s32 $0xFFFFFEC0  }
0xc: {  	[tilespmem:s7], [sflag:$0x1] =	stream.indirect.gather [hbm4b:s2+s6], $0x80, s3, s6, $0xb8;
	[tilespmem:$0xA180] =	vst v63  }
0xd: {  	s8 =	simm.s32 $0x2980  }
0xe: {  	[tilespmem:s8], [sflag:$0x2] =	stream.indirect.gather [hbm4b:s2+s6], $0x80, s6, s6, $0xb8;
	[tilespmem:$0xA180] =	vst v63  }
0xf: {  	s9 =	simm.s32 $0xA0;
	s10 =	simm.s32 $0x5180  }
0x10: {  	[tilespmem:s10], [sflag:$0x3] =	stream.indirect.gather [hbm4b:s2+s6], $0x80, s9, s6, $0xb8;
	[tilespmem:$0xA180] =	vst v63  }
0x11: {  	s11 =	simm.s32 $0xF0;
	s12 =	simm.s32 $0x7980;
	s13 =	simm.s32 $0x1  }
0x12: {  	[tilespmem:s12], [sflag:$0x4] =	stream.indirect.gather [hbm4b:s2+s6], $0x80, s11, s6, $0xb8;
	[tilespmem:$0xA180] =	vst v63  }
0x13: {  	s16 =	smul.u32 $0x1400, s15;
	_ =	swait.ge [sflag:s13], $0x2800  }
0x14: {  	s17 =	sadd.s32 $0x32A00, s14;
	[sflag:s13] =	ssyncset.done $0x0  }
0x15: {  	s14 =	sadd.s32 s17, s16;
	[sflag:s13] =	ssyncadd.s32 $0xFFFFD800  }
0x16: {  	[hbm4b:s14+s3] =	stream.linear.scatter [tilespmem:s7], [sflag:$0x5], $0x2800, $0x38;
	[tilespmem:$0xA180] =	vst v63  }
0x17: {  	_ =	swait.ge [sflag:s4], $0x2800  }
0x18: {  	s31 =	smul.u32 $0xA000, s15;
	[sflag:s4] =	ssyncset.done $0x0  }
0x19: {  	s15 =	simm.s32 $0x2;
	[sflag:s4] =	ssyncadd.s32 $0xFFFFD800  }
0x1a: {  	s16 =	sshrl.u32 s31, $0x3;
	_ =	swait.ge [sflag:s15], $0x2800  }
0x1b: {  	s20 =	sadd.s32 s17, s16;
	[sflag:s15] =	ssyncset.done $0x0  }
0x1c: {  	s16 =	sadd.s32 $0x500, s20;
	[sflag:s15] =	ssyncadd.s32 $0xFFFFD800  }
0x1d: {  	[hbm4b:s16+s3] =	stream.linear.scatter [tilespmem:s8], [sflag:$0x5], $0x2800, $0x38;
	[tilespmem:$0xA180] =	vst v63  }
0x1e: {  	_ =	swait.ge [sflag:s4], $0x2800  }
0x1f: {  	[sflag:s4] =	ssyncset.done $0x0  }
0x20: {  	s17 =	simm.s32 $0x3;
	[sflag:s4] =	ssyncadd.s32 $0xFFFFD800  }
0x21: {  	_ =	swait.ge [sflag:s17], $0x2800  }
0x22: {  	[sflag:s17] =	ssyncset.done $0x0  }
0x23: {  	s21 =	ssub.s32 $0x2, s19;
	s18 =	sadd.s32 $0xA00, s20;
	[sflag:s17] =	ssyncadd.s32 $0xFFFFD800  }
0x24: {  	[hbm4b:s18+s3] =	stream.linear.scatter [tilespmem:s10], [sflag:$0x5], $0x2800, $0x38;
	[tilespmem:$0xA180] =	vst v63  }
0x25: {  	s22 =	sshrl.u32 s21, $0x1;
	_ =	swait.ge [sflag:s4], $0x2800  }
0x26: {  	s21 =	ssub.s32 s21, s22;
	[sflag:s4] =	ssyncset.done $0x0  }
0x27: {  	s19 =	simm.s32 $0x4;
	s21 =	smax.u32 s21, $0x1;
	[sflag:s4] =	ssyncadd.s32 $0xFFFFD800  }
0x28: {  	p0 =	sne.s32 s21, $0x1;
	_ =	swait.ge [sflag:s19], $0x2800  }
.Ltmp0:
0x29: {  	[sflag:s19] =	ssyncset.done $0x0;
	(pc) =	sbr.rel @!p0 .LBB2_2-.Ltmp0, $4  }
0x2a: {  	s20 =	sadd.s32 $0xF00, s20;
	[sflag:s19] =	ssyncadd.s32 $0xFFFFD800  }
0x2b: {  	[hbm4b:s20+s3] =	stream.linear.scatter [tilespmem:s12], [sflag:$0x5], $0x2800, $0x38;
	[tilespmem:$0xA180] =	vst v63  }
0x2c: {  	_ =	swait.ge [sflag:s4], $0x2800  }
0x2d: {  	s21 =	sadd.s32 $0xFFFFFFFF, s21;
	[sflag:s4] =	ssyncset.done $0x0  }
.LBB2_1:
0x2e: {  	p0 =	sne.s32 s21, $0x1;
	s21 =	sadd.s32 $0xFFFFFFFF, s21;
	[sflag:s4] =	ssyncadd.s32 $0xFFFFD800  }
0x2f: {  	[tilespmem:s3], [sflag:$0x5] =	stream.linear.gather [hbm4b:s5+s3], $0x140, $0x38;
	[tilespmem:$0xA180] =	vst v63  }
0x30: {  	_ =	swait.ge [sflag:s4], $0x140  }
0x31: {  	[sflag:s4] =	ssyncset.done $0x0  }
0x32: {  	[sflag:s4] =	ssyncadd.s32 $0xFFFFFEC0  }
0x33: {  	[tilespmem:s7], [sflag:$0x1] =	stream.indirect.gather [hbm4b:s2+s6], $0x80, s3, s6, $0xb8;
	[tilespmem:$0xA180] =	vst v63  }
0x34: {  	_ = 	snop  }
0x35: {  	[tilespmem:s8], [sflag:$0x2] =	stream.indirect.gather [hbm4b:s2+s6], $0x80, s6, s6, $0xb8;
	[tilespmem:$0xA180] =	vst v63  }
0x36: {  	_ = 	snop  }
0x37: {  	[tilespmem:s10], [sflag:$0x3] =	stream.indirect.gather [hbm4b:s2+s6], $0x80, s9, s6, $0xb8;
	[tilespmem:$0xA180] =	vst v63  }
0x38: {  	_ = 	snop  }
0x39: {  	[tilespmem:s12], [sflag:$0x4] =	stream.indirect.gather [hbm4b:s2+s6], $0x80, s11, s6, $0xb8;
	[tilespmem:$0xA180] =	vst v63  }
0x3a: {  	_ =	swait.ge [sflag:s13], $0x2800  }
0x3b: {  	[sflag:s13] =	ssyncset.done $0x0  }
0x3c: {  	[sflag:s13] =	ssyncadd.s32 $0xFFFFD800  }
0x3d: {  	[hbm4b:s14+s3] =	stream.linear.scatter [tilespmem:s7], [sflag:$0x5], $0x2800, $0x38;
	[tilespmem:$0xA180] =	vst v63  }
0x3e: {  	_ =	swait.ge [sflag:s4], $0x2800  }
0x3f: {  	[sflag:s4] =	ssyncset.done $0x0  }
0x40: {  	[sflag:s4] =	ssyncadd.s32 $0xFFFFD800  }
0x41: {  	_ =	swait.ge [sflag:s15], $0x2800  }
0x42: {  	[sflag:s15] =	ssyncset.done $0x0  }
0x43: {  	[sflag:s15] =	ssyncadd.s32 $0xFFFFD800  }
0x44: {  	[hbm4b:s16+s3] =	stream.linear.scatter [tilespmem:s8], [sflag:$0x5], $0x2800, $0x38;
	[tilespmem:$0xA180] =	vst v63  }
0x45: {  	_ =	swait.ge [sflag:s4], $0x2800  }
0x46: {  	[sflag:s4] =	ssyncset.done $0x0  }
0x47: {  	[sflag:s4] =	ssyncadd.s32 $0xFFFFD800  }
0x48: {  	_ =	swait.ge [sflag:s17], $0x2800  }
0x49: {  	[sflag:s17] =	ssyncset.done $0x0  }
0x4a: {  	[sflag:s17] =	ssyncadd.s32 $0xFFFFD800  }
0x4b: {  	[hbm4b:s18+s3] =	stream.linear.scatter [tilespmem:s10], [sflag:$0x5], $0x2800, $0x38;
	[tilespmem:$0xA180] =	vst v63  }
0x4c: {  	_ =	swait.ge [sflag:s4], $0x2800  }
0x4d: {  	[sflag:s4] =	ssyncset.done $0x0  }
0x4e: {  	[sflag:s4] =	ssyncadd.s32 $0xFFFFD800  }
0x4f: {  	_ =	swait.ge [sflag:s19], $0x2800  }
.Ltmp1:
0x50: {  	[sflag:s19] =	ssyncset.done $0x0;
	(pc) =	sbr.rel @p0 .LBB2_1-.Ltmp1, $4  }
0x51: {  	[sflag:s19] =	ssyncadd.s32 $0xFFFFD800  }
0x52: {  	[hbm4b:s20+s3] =	stream.linear.scatter [tilespmem:s12], [sflag:$0x5], $0x2800, $0x38;
	[tilespmem:$0xA180] =	vst v63  }
0x53: {  	_ =	swait.ge [sflag:s4], $0x2800  }
0x54: {  	[sflag:s4] =	ssyncset.done $0x0  }
.LBB2_2:
0x55: {  	[sflag:s4] =	ssyncadd.s32 $0xFFFFD800  }
0x56: {  	_ =	sfence.sel $0x180000  }
0x57: {  	[bflag:$0x0] =	sbarrier.arrive $0xFFFF  }
0x58: {  	p0 =	sne.s32 s0, $0x0;
	_ =	strace $0x90000050  }
0x59: {  	s0 =	sadd.s32 @!p0 $0x100000, s1;
	[bflag:$0x2] =	sbarrier.arrive $0xFFFF  }
0x5a: {  	[sflag:s0] =	ssyncadd.tile.s32 @!p0 $0x1;
	_ =	shalt  }
.Lfunc_end2:
_tile_overlayer_lowered:
.L_overlay_start_2:
0x5b: {  	(tag) =	ssettag $0x2  }
0x5c: {  	s0 =	rddreg [dreg:$0x0];
	s2 =	stileid.u32  }
0x5d: {  	s1 =	rddreg [dreg:$0x1];
	p0 =	sne.s32 s2, $0x0  }
0x5e: {  	s3 =	rddreg [dreg:$0x2];
	[bflag:$0x3] =	sbarrier.arrive $0xFFFF;
	s2 =	simm.s32 @!p0 $0x1C05  }
0x5f: {  	[timem:s3], [sflag:s2] =	dma.local @!p0 [hbm:s0], s1  }
0x60: {  	s0 =	simm.s32 @!p0 $0x5  }
0x61: {  	_ =	swait.ge @!p0 [sflag:s0], s1  }
0x62: {  	s1 =	ssub.s32 @!p0 $0x0, s1;
	[sflag:s0] =	ssyncset.done @!p0 $0x0  }
0x63: {  	[sflag:s0] =	ssyncadd.s32 @!p0 s1  }
0x64: {  	[bflag:$0x3] =	sbarrier.arrive $0xFFFF  }
0x65: {  	_ =	shalt  }

// kernel: kernel.15.cloned.1.call-start
scs
__scs_entry_jumppad:
0x0: {  	(pc) =	sbr.rel $0x88, $3  }
0x1: {  	(tag) =	ssettag $0x0;
	lr =	simm.s32 $0x1  }
0x2: {  	[smem:$0x3F91] =	sst lr;
	_ =	strace $0xD0000000  }
0x3: {  	_ = 	snop  }
0x4: {  	_ = 	snop  }
0x5: {  	_ = 	snop  }
0x6: {  	_ = 	snop  }
0x7: {  	_ = 	snop  }
__scs_overlays_trampoline_lowered:
0x8: {  	[smem:$0x3FA0] =	sst s0  }
0x9: {  	[smem:$0x3FA1] =	sst s1  }
0xa: {  	[smem:$0x3FA2] =	sst s2  }
0xb: {  	[smem:$0x3FA3] =	sst s3  }
0xc: {  	[smem:$0x3FA4] =	sst s4  }
0xd: {  	[smem:$0x3FA5] =	sst s5  }
0xe: {  	[smem:$0x3FA6] =	sst s6  }
0xf: {  	[smem:$0x3FA7] =	sst s7  }
0x10: {  	[smem:$0x3FA8] =	sst s8  }
0x11: {  	[smem:$0x3FA9] =	sst s9;
	s0 =	simm.s32 @!p0 $0x0  }
0x12: {  	s1 =	sld [smem:$0x3F8F];
	s0 =	simm.s32 @p0 $0x1  }
0x13: {  	[smem:$0x3FAA] =	sst s0;
	s0 =	simm.s32 @!p1 $0x0  }
0x14: {  	s2 =	sld [smem:$0x3F8E];
	s0 =	simm.s32 @p1 $0x1  }
0x15: {  	[smem:$0x3FAB] =	sst s0;
	s0 =	simm.s32 @!p2 $0x0  }
0x16: {  	s3 =	sld [smem:$0x3FDB];
	s0 =	simm.s32 @p2 $0x1  }
0x17: {  	s4 =	simm.s32 $0x1BF5;
	[smem:$0x3FAD] =	sst s0  }
0x18: {  	s0 =	sld [smem:$0x3F90];
	_ =	swait.ge [sflag:s4], $0x0  }
0x19: {  	s7 =	sld [smem:$0x3F91]  }
0x1a: {  	s8 =	sadd.s32 $0xFFFFE003, lr  }
0x1b: {  	s9 =	sadd.s32 $0xFFFFFEF7, lr;
	s5 =	simm.s32 $0xFFFFFFFF;
	p2 =	slt.u32 s8, $0xFFFFF086  }
0x1c: {  	p1 =	slt.u32 s9, $0xF7A;
	s5 =	simm.s32 @!p2 $0x0  }
0x1d: {  	s5 =	simm.s32 @p1 $0x1;
	p0 =	seq.s32 s7, s2  }
0x1e: {  	s7 =	smul.u32 @!p0 $0xF7A, s2;
	p2 =	seq.s32 @!p0 s5, $0x0  }
0x1f: {  	s9 =	smul.u32 $0xF7A, s1;
	s8 =	simm.s32 @!p0 $0x1BF5;
	p2 =	por !p2, p0  }
0x20: {  	[sflag:s8] =	ssyncset.s32 @!p0 $0xFFFFF086;
	s6 =	sadd.s32 @!p0 s3, s7;
	s7 =	simm.s32 @!p0 $0x108  }
0x21: {  	s3 =	sadd.s32 s3, s9;
	s6 =	sadd.s32 @!p0 $0x88, s6;
	s7 =	simm.s32 @p2 $0x1082  }
0x22: {  	[simem:s7], [sflag:s8] =	dma.local @!p0 [hbm:s6], $0xF7A  }
0x23: {  	s9 =	sor.u32 $0xD0000000, s2;
	s6 =	simm.s32 $0x108;
	_ =	swait.ge @!p0 [sflag:s8], $0x0  }
0x24: {  	s3 =	sadd.s32 $0x88, s3;
	s6 =	simm.s32 @!p1 $0x1082;
	[sflag:s4] =	ssyncset.s32 $0xFFFFF086  }
0x25: {  	[simem:s6], [sflag:s4] =	dma.local [hbm:s3], $0xF7A  }
0x26: {  	[smem:$0x3F91] =	sst s1;
	(tag) =	ssettag s2;
	_ =	strace s9  }
0x27: {  	s1 =	sld [smem:$0x3FA1]  }
0x28: {  	s2 =	sld [smem:$0x3FA2]  }
0x29: {  	s4 =	sld [smem:$0x3FA4]  }
0x2a: {  	p0 =	seq.s32 s5, $0x0;
	s5 =	sld [smem:$0x3FA5]  }
0x2b: {  	s6 =	sld [smem:$0x3FA6]  }
0x2c: {  	s7 =	sld [smem:$0x3FA7]  }
0x2d: {  	s3 =	simm.s32 $0x108;
	s8 =	sld [smem:$0x3FA8]  }
0x2e: {  	s3 =	simm.s32 @!p0 $0x1082;
	s9 =	sld [smem:$0x3FA9]  }
0x2f: {  	lr =	sadd.s32 s0, s3;
	s0 =	sld [smem:$0x3FA0]  }
0x30: {  	s3 =	sld [smem:$0x3FA3]  }
0x31: {  	[smem:$0x3FAC] =	sst s10  }
0x32: {  	s10 =	sld [smem:$0x3FAA];
	_ =	sdelay $0x3  }
0x33: {  	p0 =	seq.s32 s10, $0x1;
	s10 =	sld [smem:$0x3FAC];
	_ =	sdelay $0x3  }
0x34: {  	[smem:$0x3FAC] =	sst s10  }
0x35: {  	s10 =	sld [smem:$0x3FAB];
	_ =	sdelay $0x3  }
0x36: {  	p1 =	seq.s32 s10, $0x1;
	s10 =	sld [smem:$0x3FAC];
	_ =	sdelay $0x3  }
0x37: {  	[smem:$0x3FAC] =	sst s10  }
0x38: {  	s10 =	sld [smem:$0x3FAD]  }
0x39: {  	_ = 	snop;
	(pc) =	sbr.ind lr, $3  }
0x3a: {  	_ = 	snop  }
0x3b: {  	_ = 	snop  }
0x3c: {  	p2 =	seq.s32 s10, $0x1;
	s10 =	sld [smem:$0x3FAC]  }
0x3d: {  	_ =	shalt  }
0x3e: {  	_ =	shalt  }
0x3f: {  	_ =	shalt  }
0x40: {  	_ =	shalt  }
0x41: {  	_ =	shalt  }
0x42: {  	_ =	shalt  }
0x43: {  	_ =	shalt  }
0x44: {  	_ =	shalt  }
0x45: {  	_ =	shalt  }
0x46: {  	_ =	shalt  }
0x47: {  	_ =	shalt  }
0x48: {  	_ =	shalt  }
0x49: {  	_ =	shalt  }
0x4a: {  	_ =	shalt  }
0x4b: {  	_ =	shalt  }
0x4c: {  	_ =	shalt  }
0x4d: {  	_ =	shalt  }
0x4e: {  	_ =	shalt  }
0x4f: {  	_ =	shalt  }
0x50: {  	_ =	shalt  }
0x51: {  	_ =	shalt  }
0x52: {  	_ =	shalt  }
0x53: {  	_ =	shalt  }
0x54: {  	_ =	shalt  }
0x55: {  	_ =	shalt  }
0x56: {  	_ =	shalt  }
0x57: {  	_ =	shalt  }
0x58: {  	_ =	shalt  }
0x59: {  	_ =	shalt  }
0x5a: {  	_ =	shalt  }
0x5b: {  	_ =	shalt  }
0x5c: {  	_ =	shalt  }
0x5d: {  	_ =	shalt  }
0x5e: {  	_ =	shalt  }
0x5f: {  	_ =	shalt  }
0x60: {  	_ =	shalt  }
0x61: {  	_ =	shalt  }
0x62: {  	_ =	shalt  }
0x63: {  	_ =	shalt  }
0x64: {  	_ =	shalt  }
0x65: {  	_ =	shalt  }
0x66: {  	_ =	shalt  }
0x67: {  	_ =	shalt  }
0x68: {  	_ =	shalt  }
0x69: {  	_ =	shalt  }
0x6a: {  	_ =	shalt  }
0x6b: {  	_ =	shalt  }
0x6c: {  	_ =	shalt  }
0x6d: {  	_ =	shalt  }
0x6e: {  	_ =	shalt  }
0x6f: {  	_ =	shalt  }
0x70: {  	_ =	shalt  }
0x71: {  	_ =	shalt  }
0x72: {  	_ =	shalt  }
0x73: {  	_ =	shalt  }
0x74: {  	_ =	shalt  }
0x75: {  	_ =	shalt  }
0x76: {  	_ =	shalt  }
0x77: {  	_ =	shalt  }
0x78: {  	_ =	shalt  }
0x79: {  	_ =	shalt  }
0x7a: {  	_ =	shalt  }
0x7b: {  	_ =	shalt  }
0x7c: {  	_ =	shalt  }
0x7d: {  	_ =	shalt  }
0x7e: {  	_ =	shalt  }
0x7f: {  	_ =	shalt  }
0x80: {  	_ =	shalt  }
0x81: {  	_ =	shalt  }
0x82: {  	_ =	shalt  }
0x83: {  	_ =	shalt  }
0x84: {  	_ =	shalt  }
0x85: {  	_ =	shalt  }
0x86: {  	_ =	shalt  }
0x87: {  	_ =	shalt  }
.Lfunc_end0:
.L_simem_size_0:
called_computation.4_lowered:
.L_overlay_start_0:
0x88: {  	s2 =	sld [smem:$0x3FD9]  }
0x89: {  	s3 =	sld [smem:$0x3FFE];
	_ =	sdelay $0x1  }
0x8a: {  	s1 =	srdreg.scid  }
0x8b: {  	s0 =	sand.u32 $0x1, s1  }
0x8c: {  	s17 =	sshll.u32 s0, $0xA;
	s2 =	sadd.s32 s3, s2  }
0x8d: {  	s2 =	sadd.s32 s2, s17  }
0x8e: {  	[smem:$0x3FB8] =	sst s2  }
0x8f: {  	_ = 	snop  }
0x90: {  	s18 =	sld [smem:$0x3FC9];
	(tm) =	ssettm $0x1  }
0x91: {  	s19 =	sld [smem:$0x3FFB];
	_ =	sdelay $0x3  }
0x92: {  	_ =	strace s19  }
0x93: {  	s2 =	sld [smem:$0x3FFC];
	_ =	sdelay $0x3  }
0x94: {  	_ =	strace s2  }
0x95: {  	s2 =	sld [smem:$0x3FFD];
	_ =	sdelay $0x3  }
0x96: {  	_ =	strace s2  }
0x97: {  	_ =	strace $0x8FFFFFFF  }
0x98: {  	s20 =	sld [smem:$0x3FDB];
	_ =	sdelay $0x1  }
0x99: {  	s4 =	simm.s32 $_scs_section_size  }
0x9a: {  	s5 =	simm.s32 $_size__tile_overlayer_lowered;
	s6 =	simm.s32 $_tile_overlayer_lowered  }
0x9b: {  	s7 =	simm.s32 $0x1BFF;
	s21 =	sshll.u32 s6, $0x1;
	s4 =	sadd.s32 s4, s20  }
0x9c: {  	s22 =	simm.s32 $0x0;
	s5 =	sshll.u32 s5, $0x1;
	s6 =	sadd.s32 s21, s4  }
0x9d: {  	[timem:s22], [sflag:s7] =	dma.local [hbm:s6], s5  }
0x9e: {  	_ =	swait.ge [sflag:s7], s5  }
0x9f: {  	s5 =	ssub.s32 $0x0, s5;
	[sflag:s7] =	ssyncset.done $0x0  }
0xa0: {  	[sflag:s7] =	ssyncadd.s32 s5;
	_ =	sdelay $0x1  }
0xa1: {  	s23 =	simm.s32 $0x1B8B  }
0xa2: {  	_ =	swait.ge [sflag:s23], $0x1  }
0xa3: {  	[sflag:s23] =	ssyncset.done $0x0  }
0xa4: {  	[sflag:s23] =	ssyncadd.s32 $0xFFFFFFFF  }
0xa5: {  	s5 =	sld [smem:$0x0]  }
0xa6: {  	s6 =	sand.u32 $0xFFFFFFFE, s1  }
0xa7: {  	p0 =	sne.s32 s1, s6  }
0xa8: {  	s6 =	sshll.u32 @p0 s6, $0xE  }
0xa9: {  	s6 =	sadd.s32 @p0 $0x11B8D, s6;
	s7 =	sshll.u32 @p0 s5, $0x11  }
0xaa: {  	s6 =	sor.u32 @p0 s7, s6  }
0xab: {  	[sflag:s6] =	ssyncadd.remote.s32 @p0 $0x1;
	_ =	sdelay $0x1  }
0xac: {  	s6 =	simm.s32 @p0 $0x1B8D  }
0xad: {  	_ =	swait.eq @p0 [sflag:s6], $0x1  }
0xae: {  	[sflag:s6] =	ssyncadd.s32 @p0 $0xFFFFFFFF  }
0xaf: {  	s7 =	sshll.u32 @!p0 s1, $0xE  }
0xb0: {  	s7 =	sor.u32 @!p0 $0x4000, s7;
	s6 =	simm.s32 @!p0 $0x1B8D  }
0xb1: {  	s5 =	sshll.u32 @!p0 s5, $0x11;
	s7 =	sadd.s32 @!p0 $0x11B8D, s7;
	_ =	swait.eq @!p0 [sflag:s6], $0x1  }
0xb2: {  	s5 =	sor.u32 @!p0 s5, s7;
	[sflag:s6] =	ssyncadd.s32 @!p0 $0xFFFFFFFF  }
0xb3: {  	s25 =	simm.s32 $0x1B8E;
	s24 =	sld [smem:$0x3FFE];
	[sflag:s5] =	ssyncadd.remote.s32 @!p0 $0x1  }
0xb4: {  	s26 =	simm.s32 $execute0_lowered;
	[smem:$0x3FD2] =	sst s25  }
0xb5: {  	s6 =	sshll.u32 s26, $0x1;
	_ =	strace $0x80000052;
	[dreg:$0x1] =	wrdreg $0xFFFFFFFF  }
0xb6: {  	s28 =	simm.s32 $_size_execute0_lowered;
	s4 =	sadd.s32 s4, s6;
	[dreg:$0x0] =	wrdreg $0x0  }
0xb7: {  	s6 =	sshll.u32 s28, $0x1;
	[dreg:$0x2] =	wrdreg s4  }
0xb8: {  	[dreg:$0x3] =	wrdreg s6  }
0xb9: {  	[dreg:$0x4] =	wrdreg $0xC0  }
0xba: {  	_ =	task [dreg:s22], $0x5FFFF  }
0xbb: {  	[dreg:$0x1] =	wrdreg $0xFFFFFFFF  }
0xbc: {  	[dreg:$0x0] =	wrdreg $0x60  }
0xbd: {  	[dreg:$0x2] =	wrdreg s18  }
0xbe: {  	[dreg:$0x3] =	wrdreg s24  }
0xbf: {  	[dreg:$0x4] =	wrdreg $0xB  }
0xc0: {  	_ =	task.clear_ibuf [dreg:s22], $0x5FFFF;
	_ =	strace $0x90000052  }
0xc1: {  	s29 =	simm.s32 $0xB;
	_ =	strace $0x80000054  }
0xc2: {  	_ =	swait.ge [sflag:s29], $0x1  }
0xc3: {  	[sflag:s29] =	ssyncadd.s32 $0xFFFFFFFF  }
0xc4: {  	_ =	strace $0x90000054  }
0xc5: {  	_ =	sfence  }
0xc6: {  	s30 =	sld [smem:$0x0];
	_ =	sdelay $0x2  }
0xc7: {  	s31 =	sshll.u32 s1, $0xD;
	s1 =	sshrl.u32 s1, $0x2  }
0xc8: {  	s4 =	sand.u32 $0x4000, s31;
	s1 =	sadd.s32 s1, s30  }
0xc9: {  	s0 =	sor.u32 s4, s0;
	s1 =	sshll.u32 s1, $0x11  }
0xca: {  	s0 =	sor.u32 s1, s0  }
0xcb: {  	s0 =	sadd.s32 $0x8F2B, s0  }
0xcc: {  	[sflag:s0] =	ssyncadd.remote.s32 $0x1  }
0xcd: {  	_ =	sfence.sel $0xFFFF  }
0xce: {  	[dreg:$0x0] =	wrdreg $0xFFFFFFFF;
	(pc) =	sbr.abs _section_cstart, $3  }
0xcf: {  	[dreg:$0x1] =	wrdreg $0xFFFFFFFF  }
0xd0: {  	_ =	task.clear_ibuf [dreg:s22], $0x2FFFF;
	_ =	strace $0x9FFFFFFF  }
0xd1: {  	(tm) =	ssettm $0x7FFFFFFF  }
tec
execute0_lowered:
.L_overlay_start_1:
0x0: {  	(tag) =	ssettag $0x1  }
0x1: {  	s2 =	rddreg [dreg:$0x0];
	s1 =	srdreg.scid  }
0x2: {  	s0 =	stileid.u32;
	s4 =	rddreg [dreg:$0x1]  }
0x3: {  	s3 =	simm.s32 $0x0;
	s8 =	simm.s32 $0x9;
	s9 =	simm.s32 $0x2800  }
0x4: {  	s10 =	simm.s32 $0x80;
	s11 =	simm.s32 $0x5000;
	s12 =	simm.s32 $0x9000  }
0x5: {  	s13 =	simm.s32 $0x1;
	s14 =	simm.s32 $0x15000;
	s15 =	simm.s32 $0xD000  }
0x6: {  	s16 =	simm.s32 $0x2;
	s17 =	simm.s32 $0x15080;
	s18 =	simm.s32 $0x11000  }
0x7: {  	s19 =	simm.s32 $0x3;
	s20 =	simm.s32 $0x15100;
	s21 =	simm.s32 $0x4  }
0x8: {  	s22 =	simm.s32 $0x15180;
	s23 =	simm.s32 $0x5;
	s24 =	simm.s32 $0x6  }
0x9: {  	s25 =	simm.s32 $0x7;
	s5 =	sand.u32 $0x1, s1;
	s6 =	sshll.u32 s0, $0x1  }
.Ltmp0:
0xa: {  	s26 =	simm.s32 $0x8;
	s6 =	sor.u32 s5, s6;
	(pc) =	sbr.rel .LBB2_1-.Ltmp0, $4  }
0xb: {  	[smem:$0x7FF] =	sst s3;
	s5 =	ssub.s32 $0x2, s5;
	s6 =	smul.u32 $0x500, s6  }
0xc: {  	s28 =	simm.s32 $0x0;
	_ =	strace $0x80000053;
	s7 =	sshrl.u32 s5, $0x1  }
0xd: {  	s7 =	ssub.s32 s5, s7;
	s6 =	sadd.s32 s6, s4;
	s4 =	sadd.s32 $0x5AA00, s4  }
0xe: {  	s7 =	smax.u32 s7, $0x1;
	s5 =	sadd.s32 $0x14A00, s6;
	s6 =	sadd.s32 $0x1EA00, s6  }
.LBB2_4:
0xf: {  	_ =	swait.ge [sflag:s23], $0x4000  }
0x10: {  	[sflag:s23] =	ssyncset.done $0x0  }
0x11: {  	[sflag:s23] =	ssyncadd.s32 $0xFFFFC000  }
0x12: {  	_ =	swait.ge [sflag:s24], $0x4000  }
0x13: {  	[sflag:s24] =	ssyncset.done $0x0  }
0x14: {  	s28 =	sadd.s32 $0x1, s28;
	[sflag:s24] =	ssyncadd.s32 $0xFFFFC000  }
0x15: {  	p0 =	sne.s32 s28, s7;
	_ =	swait.ge [sflag:s25], $0x4000  }
.Ltmp1:
0x16: {  	[sflag:s25] =	ssyncset.done $0x0;
	(pc) =	sbr.rel @!p0 .LBB2_5-.Ltmp1, $4  }
0x17: {  	[sflag:s25] =	ssyncadd.s32 $0xFFFFC000  }
0x18: {  	_ =	swait.ge [sflag:s26], $0x4000  }
0x19: {  	[sflag:s26] =	ssyncset.done $0x0  }
0x1a: {  	[sflag:s26] =	ssyncadd.s32 $0xFFFFC000  }
.LBB2_1:
0x1b: {  	[tilespmem:s3], [sflag:$0x9] =	stream.linear.gather [hbm4b:s5+s3], $0x2800, $0x38;
	[tilespmem:$0x15200] =	vst v63  }
0x1c: {  	_ =	swait.ge [sflag:s8], $0x2800  }
0x1d: {  	[sflag:s8] =	ssyncset.done $0x0  }
0x1e: {  	[sflag:s8] =	ssyncadd.s32 $0xFFFFD800  }
0x1f: {  	[tilespmem:s9], [sflag:$0x9] =	stream.linear.gather [hbm4b:s6+s3], $0x2800, $0x38;
	[tilespmem:$0x15200] =	vst v63  }
0x20: {  	_ =	swait.ge [sflag:s8], $0x2800  }
0x21: {  	[sflag:s8] =	ssyncset.done $0x0  }
0x22: {  	[sflag:s8] =	ssyncadd.s32 $0xFFFFD800  }
0x23: {  	[tilespmem:s11], [sflag:$0x1] =	stream.indirect.gather [hbm4b:s2+s10], $0x80, s3, s10, $0xb8;
	[tilespmem:$0x15200] =	vst v63  }
0x24: {  	s29 =	simm.s32 $0x0  }
0x25: {  	[tilespmem:s12], [sflag:$0x2] =	stream.indirect.gather [hbm4b:s2+s10], $0x80, s10, s10, $0xb8;
	[tilespmem:$0x15200] =	vst v63  }
.LBB2_2:
0x26: {  	_ =	swait.ge [sflag:s13], $0x4000  }
0x27: {  	[sflag:s13] =	ssyncset.done $0x0  }
0x28: {  	s30 =	sshra.s32 s29, $0x2;
	[sflag:s13] =	ssyncadd.s32 $0xFFFFC000  }
0x29: {  	v0 =	vld [tilespmem:s30+$0x2800];
	_ =	sdelay $0x4  }
0x2a: {  	[tilespmem:$0x15000] =	vst v0  }
0x2b: {  	v0 =	vld [tilespmem:s30+$0x2810];
	_ =	sdelay $0x4  }
0x2c: {  	[tilespmem:$0x15010] =	vst v0  }
0x2d: {  	v0 =	vld [tilespmem:s30+$0x2820];
	_ =	sdelay $0x4  }
0x2e: {  	[tilespmem:$0x15020] =	vst v0  }
0x2f: {  	v0 =	vld [tilespmem:s30+$0x2830];
	_ =	sdelay $0x4  }
0x30: {  	[tilespmem:$0x15030] =	vst v0  }
0x31: {  	v0 =	vld [tilespmem:s30+$0x2840];
	_ =	sdelay $0x4  }
0x32: {  	[tilespmem:$0x15040] =	vst v0  }
0x33: {  	v0 =	vld [tilespmem:s30+$0x2850];
	_ =	sdelay $0x4  }
0x34: {  	[tilespmem:$0x15050] =	vst v0  }
0x35: {  	v0 =	vld [tilespmem:s30+$0x2860];
	_ =	sdelay $0x4  }
0x36: {  	[tilespmem:$0x15060] =	vst v0  }
0x37: {  	v0 =	vld [tilespmem:s30+$0x2870];
	_ =	sdelay $0x3  }
0x38: {  	p0 =	seq.s32 s29, $0x0  }
0x39: {  	s31 =	simm.s32 @!p0 $0x7;
	[tilespmem:$0x15070] =	vst v0  }
0x3a: {  	[hbm4b:s4+s10] =	stream.indirect.scatter [tilespmem:s11], [sflag:$0x5], $0x80, s14, s10, $0xb8;
	[tilespmem:$0x15200] =	vst v63  }
0x3b: {  	_ =	swait.ge @!p0 [sflag:s31], $0x4000  }
0x3c: {  	[sflag:s31] =	ssyncset.done @!p0 $0x0  }
0x3d: {  	s0 =	sadd.s32 $0x100, s30;
	[sflag:s31] =	ssyncadd.s32 @!p0 $0xFFFFC000  }
0x3e: {  	[tilespmem:s15], [sflag:$0x3] =	stream.indirect.gather [hbm4b:s2+s10], $0x80, s0, s10, $0xb8;
	[tilespmem:$0x15200] =	vst v63  }
0x3f: {  	_ =	swait.ge [sflag:s16], $0x4000  }
0x40: {  	[sflag:s16] =	ssyncset.done $0x0  }
0x41: {  	[sflag:s16] =	ssyncadd.s32 $0xFFFFC000  }
0x42: {  	v61 =	vld [tilespmem:s30+$0x2880];
	_ =	sdelay $0x4  }
0x43: {  	[tilespmem:$0x15080] =	vst v61  }
0x44: {  	v0 =	vld [tilespmem:s30+$0x2890];
	_ =	sdelay $0x4  }
0x45: {  	[tilespmem:$0x15090] =	vst v0  }
0x46: {  	v0 =	vld [tilespmem:s30+$0x28A0];
	_ =	sdelay $0x4  }
0x47: {  	[tilespmem:$0x150A0] =	vst v0  }
0x48: {  	v0 =	vld [tilespmem:s30+$0x28B0];
	_ =	sdelay $0x4  }
0x49: {  	[tilespmem:$0x150B0] =	vst v0  }
0x4a: {  	v0 =	vld [tilespmem:s30+$0x28C0];
	_ =	sdelay $0x4  }
0x4b: {  	[tilespmem:$0x150C0] =	vst v0  }
0x4c: {  	v0 =	vld [tilespmem:s30+$0x28D0];
	_ =	sdelay $0x4  }
0x4d: {  	[tilespmem:$0x150D0] =	vst v0  }
0x4e: {  	v0 =	vld [tilespmem:s30+$0x28E0];
	_ =	sdelay $0x4  }
0x4f: {  	[tilespmem:$0x150E0] =	vst v0  }
0x50: {  	v0 =	vld [tilespmem:s30+$0x28F0];
	_ =	sdelay $0x4  }
0x51: {  	s31 =	simm.s32 @!p0 $0x8;
	[tilespmem:$0x150F0] =	vst v0  }
0x52: {  	[hbm4b:s4+s10] =	stream.indirect.scatter [tilespmem:s12], [sflag:$0x6], $0x80, s17, s10, $0xb8;
	[tilespmem:$0x15200] =	vst v63  }
0x53: {  	_ =	swait.ge @!p0 [sflag:s31], $0x4000  }
0x54: {  	[sflag:s31] =	ssyncset.done @!p0 $0x0  }
0x55: {  	s1 =	sadd.s32 $0x180, s30;
	[sflag:s31] =	ssyncadd.s32 @!p0 $0xFFFFC000  }
0x56: {  	[tilespmem:s18], [sflag:$0x4] =	stream.indirect.gather [hbm4b:s2+s10], $0x80, s1, s10, $0xb8;
	[tilespmem:$0x15200] =	vst v63  }
0x57: {  	_ =	swait.ge [sflag:s19], $0x4000  }
0x58: {  	[sflag:s19] =	ssyncset.done $0x0  }
0x59: {  	[sflag:s19] =	ssyncadd.s32 $0xFFFFC000  }
0x5a: {  	v62 =	vld [tilespmem:s30+$0x2900];
	_ =	sdelay $0x4  }
0x5b: {  	[tilespmem:$0x15100] =	vst v62  }
0x5c: {  	v0 =	vld [tilespmem:s30+$0x2910];
	_ =	sdelay $0x4  }
0x5d: {  	[tilespmem:$0x15110] =	vst v0  }
0x5e: {  	v0 =	vld [tilespmem:s30+$0x2920];
	_ =	sdelay $0x4  }
0x5f: {  	[tilespmem:$0x15120] =	vst v0  }
0x60: {  	v0 =	vld [tilespmem:s30+$0x2930];
	_ =	sdelay $0x4  }
0x61: {  	[tilespmem:$0x15130] =	vst v0  }
0x62: {  	v0 =	vld [tilespmem:s30+$0x2940];
	_ =	sdelay $0x4  }
0x63: {  	[tilespmem:$0x15140] =	vst v0  }
0x64: {  	v0 =	vld [tilespmem:s30+$0x2950];
	_ =	sdelay $0x4  }
0x65: {  	[tilespmem:$0x15150] =	vst v0  }
0x66: {  	v0 =	vld [tilespmem:s30+$0x2960];
	_ =	sdelay $0x4  }
0x67: {  	[tilespmem:$0x15160] =	vst v0  }
0x68: {  	v0 =	vld [tilespmem:s30+$0x2970];
	_ =	sdelay $0x3  }
0x69: {  	p0 =	seq.s32 s29, $0x9800  }
0x6a: {  	s31 =	simm.s32 @!p0 $0x5;
	[tilespmem:$0x15170] =	vst v0  }
0x6b: {  	[hbm4b:s4+s10] =	stream.indirect.scatter [tilespmem:s15], [sflag:$0x7], $0x80, s20, s10, $0xb8;
	[tilespmem:$0x15200] =	vst v63  }
0x6c: {  	_ =	swait.ge @!p0 [sflag:s31], $0x4000  }
0x6d: {  	[sflag:s31] =	ssyncset.done @!p0 $0x0  }
0x6e: {  	[sflag:s31] =	ssyncadd.s32 @!p0 $0xFFFFC000;
	s31 =	sshra.s32 @!p0 s29, $0x2  }
0x6f: {  	s1 =	simm.s32 @!p0 $0x80;
	s0 =	simm.s32 @!p0 $0x5000;
	s31 =	sadd.s32 @!p0 $0x200, s31  }
0x70: {  	[tilespmem:s0], [sflag:$0x1] =	stream.indirect.gather @!p0 [hbm4b:s2+s1], $0x80, s31, s1, $0xb8;
	[tilespmem:$0x15200] =	vst v63  }
0x71: {  	_ =	swait.ge [sflag:s21], $0x4000  }
0x72: {  	[sflag:s21] =	ssyncset.done $0x0  }
0x73: {  	[sflag:s21] =	ssyncadd.s32 $0xFFFFC000  }
0x74: {  	v63 =	vld [tilespmem:s30+$0x2980];
	_ =	sdelay $0x4  }
0x75: {  	[tilespmem:$0x15180] =	vst v63  }
0x76: {  	v0 =	vld [tilespmem:s30+$0x2990];
	_ =	sdelay $0x4  }
0x77: {  	[tilespmem:$0x15190] =	vst v0  }
0x78: {  	v0 =	vld [tilespmem:s30+$0x29A0];
	_ =	sdelay $0x4  }
0x79: {  	[tilespmem:$0x151A0] =	vst v0  }
0x7a: {  	v0 =	vld [tilespmem:s30+$0x29B0];
	_ =	sdelay $0x4  }
0x7b: {  	[tilespmem:$0x151B0] =	vst v0  }
0x7c: {  	v0 =	vld [tilespmem:s30+$0x29C0];
	_ =	sdelay $0x4  }
0x7d: {  	[tilespmem:$0x151C0] =	vst v0  }
0x7e: {  	v0 =	vld [tilespmem:s30+$0x29D0];
	_ =	sdelay $0x4  }
0x7f: {  	[tilespmem:$0x151D0] =	vst v0  }
0x80: {  	v0 =	vld [tilespmem:s30+$0x29E0];
	_ =	sdelay $0x4  }
0x81: {  	[tilespmem:$0x151E0] =	vst v0  }
0x82: {  	v0 =	vld [tilespmem:s30+$0x29F0];
	_ =	sdelay $0x1  }
.Ltmp2:
0x83: {  	_ = 	snop;
	(pc) =	sbr.rel @p0 .LBB2_4-.Ltmp2, $3  }
0x84: {  	_ =	sdelay $0x1  }
0x85: {  	[tilespmem:$0x151F0] =	vst v0  }
0x86: {  	[hbm4b:s4+s10] =	stream.indirect.scatter [tilespmem:s18], [sflag:$0x8], $0x80, s22, s10, $0xb8;
	[tilespmem:$0x15200] =	vst v63  }
.Ltmp3:
0x87: {  	(pc) =	sbr.rel .LBB2_2-.Ltmp3, $4  }
0x88: {  	_ =	swait.ge [sflag:s24], $0x4000  }
0x89: {  	[sflag:s24] =	ssyncset.done $0x0  }
0x8a: {  	s0 =	sadd.s32 $0x280, s30;
	s29 =	sadd.s32 $0x800, s29;
	[sflag:s24] =	ssyncadd.s32 $0xFFFFC000  }
0x8b: {  	[tilespmem:s12], [sflag:$0x2] =	stream.indirect.gather [hbm4b:s2+s10], $0x80, s0, s10, $0xb8;
	[tilespmem:$0x15200] =	vst v63  }
.LBB2_5:
0x8c: {  	_ =	sfence.sel $0x180000  }
0x8d: {  	[bflag:$0x0] =	sbarrier.arrive $0xFFFF  }
0x8e: {  	_ =	strace $0x90000053  }
0x8f: {  	s0 =	stileid.u32;
	[bflag:$0x2] =	sbarrier.arrive $0xFFFF  }
0x90: {  	p0 =	sne.s32 s0, $0x0;
	s0 =	rddreg [dreg:$0x2]  }
0x91: {  	s0 =	sadd.s32 @!p0 $0x100000, s0  }
0x92: {  	[sflag:s0] =	ssyncadd.tile.s32 @!p0 $0x1;
	_ =	shalt  }
.Lfunc_end2:
_tile_overlayer_lowered:
.L_overlay_start_2:
0x93: {  	(tag) =	ssettag $0x2  }
0x94: {  	s0 =	rddreg [dreg:$0x0];
	s2 =	stileid.u32  }
0x95: {  	s1 =	rddreg [dreg:$0x1];
	p0 =	sne.s32 s2, $0x0  }
0x96: {  	s3 =	rddreg [dreg:$0x2];
	[bflag:$0x3] =	sbarrier.arrive $0xFFFF;
	s2 =	simm.s32 @!p0 $0x1C09  }
0x97: {  	[timem:s3], [sflag:s2] =	dma.local @!p0 [hbm:s0], s1  }
0x98: {  	s0 =	simm.s32 @!p0 $0x9  }
0x99: {  	_ =	swait.ge @!p0 [sflag:s0], s1  }
0x9a: {  	s1 =	ssub.s32 @!p0 $0x0, s1;
	[sflag:s0] =	ssyncset.done @!p0 $0x0  }
0x9b: {  	[sflag:s0] =	ssyncadd.s32 @!p0 s1  }
0x9c: {  	[bflag:$0x3] =	sbarrier.arrive $0xFFFF  }
0x9d: {  	_ =	shalt  }

// kernel: kernel.18.cloned.1.call-start
scs
__scs_entry_jumppad:
0x0: {  	(pc) =	sbr.rel $0x88, $3  }
0x1: {  	(tag) =	ssettag $0x0;
	lr =	simm.s32 $0x1  }
0x2: {  	[smem:$0x3F91] =	sst lr;
	_ =	strace $0xD0000000  }
0x3: {  	_ = 	snop  }
0x4: {  	_ = 	snop  }
0x5: {  	_ = 	snop  }
0x6: {  	_ = 	snop  }
0x7: {  	_ = 	snop  }
__scs_overlays_trampoline_lowered:
0x8: {  	[smem:$0x3FA0] =	sst s0  }
0x9: {  	[smem:$0x3FA1] =	sst s1  }
0xa: {  	[smem:$0x3FA2] =	sst s2  }
0xb: {  	[smem:$0x3FA3] =	sst s3  }
0xc: {  	[smem:$0x3FA4] =	sst s4  }
0xd: {  	[smem:$0x3FA5] =	sst s5  }
0xe: {  	[smem:$0x3FA6] =	sst s6  }
0xf: {  	[smem:$0x3FA7] =	sst s7  }
0x10: {  	[smem:$0x3FA8] =	sst s8  }
0x11: {  	[smem:$0x3FA9] =	sst s9;
	s0 =	simm.s32 @!p0 $0x0  }
0x12: {  	s1 =	sld [smem:$0x3F8F];
	s0 =	simm.s32 @p0 $0x1  }
0x13: {  	[smem:$0x3FAA] =	sst s0;
	s0 =	simm.s32 @!p1 $0x0  }
0x14: {  	s2 =	sld [smem:$0x3F8E];
	s0 =	simm.s32 @p1 $0x1  }
0x15: {  	[smem:$0x3FAB] =	sst s0;
	s0 =	simm.s32 @!p2 $0x0  }
0x16: {  	s3 =	sld [smem:$0x3FDB];
	s0 =	simm.s32 @p2 $0x1  }
0x17: {  	s4 =	simm.s32 $0x1BF5;
	[smem:$0x3FAD] =	sst s0  }
0x18: {  	s0 =	sld [smem:$0x3F90];
	_ =	swait.ge [sflag:s4], $0x0  }
0x19: {  	s7 =	sld [smem:$0x3F91]  }
0x1a: {  	s8 =	sadd.s32 $0xFFFFE003, lr  }
0x1b: {  	s9 =	sadd.s32 $0xFFFFFEF7, lr;
	s5 =	simm.s32 $0xFFFFFFFF;
	p2 =	slt.u32 s8, $0xFFFFF086  }
0x1c: {  	p1 =	slt.u32 s9, $0xF7A;
	s5 =	simm.s32 @!p2 $0x0  }
0x1d: {  	s5 =	simm.s32 @p1 $0x1;
	p0 =	seq.s32 s7, s2  }
0x1e: {  	s7 =	smul.u32 @!p0 $0xF7A, s2;
	p2 =	seq.s32 @!p0 s5, $0x0  }
0x1f: {  	s9 =	smul.u32 $0xF7A, s1;
	s8 =	simm.s32 @!p0 $0x1BF5;
	p2 =	por !p2, p0  }
0x20: {  	[sflag:s8] =	ssyncset.s32 @!p0 $0xFFFFF086;
	s6 =	sadd.s32 @!p0 s3, s7;
	s7 =	simm.s32 @!p0 $0x108  }
0x21: {  	s3 =	sadd.s32 s3, s9;
	s6 =	sadd.s32 @!p0 $0x88, s6;
	s7 =	simm.s32 @p2 $0x1082  }
0x22: {  	[simem:s7], [sflag:s8] =	dma.local @!p0 [hbm:s6], $0xF7A  }
0x23: {  	s9 =	sor.u32 $0xD0000000, s2;
	s6 =	simm.s32 $0x108;
	_ =	swait.ge @!p0 [sflag:s8], $0x0  }
0x24: {  	s3 =	sadd.s32 $0x88, s3;
	s6 =	simm.s32 @!p1 $0x1082;
	[sflag:s4] =	ssyncset.s32 $0xFFFFF086  }
0x25: {  	[simem:s6], [sflag:s4] =	dma.local [hbm:s3], $0xF7A  }
0x26: {  	[smem:$0x3F91] =	sst s1;
	(tag) =	ssettag s2;
	_ =	strace s9  }
0x27: {  	s1 =	sld [smem:$0x3FA1]  }
0x28: {  	s2 =	sld [smem:$0x3FA2]  }
0x29: {  	s4 =	sld [smem:$0x3FA4]  }
0x2a: {  	p0 =	seq.s32 s5, $0x0;
	s5 =	sld [smem:$0x3FA5]  }
0x2b: {  	s6 =	sld [smem:$0x3FA6]  }
0x2c: {  	s7 =	sld [smem:$0x3FA7]  }
0x2d: {  	s3 =	simm.s32 $0x108;
	s8 =	sld [smem:$0x3FA8]  }
0x2e: {  	s3 =	simm.s32 @!p0 $0x1082;
	s9 =	sld [smem:$0x3FA9]  }
0x2f: {  	lr =	sadd.s32 s0, s3;
	s0 =	sld [smem:$0x3FA0]  }
0x30: {  	s3 =	sld [smem:$0x3FA3]  }
0x31: {  	[smem:$0x3FAC] =	sst s10  }
0x32: {  	s10 =	sld [smem:$0x3FAA];
	_ =	sdelay $0x3  }
0x33: {  	p0 =	seq.s32 s10, $0x1;
	s10 =	sld [smem:$0x3FAC];
	_ =	sdelay $0x3  }
0x34: {  	[smem:$0x3FAC] =	sst s10  }
0x35: {  	s10 =	sld [smem:$0x3FAB];
	_ =	sdelay $0x3  }
0x36: {  	p1 =	seq.s32 s10, $0x1;
	s10 =	sld [smem:$0x3FAC];
	_ =	sdelay $0x3  }
0x37: {  	[smem:$0x3FAC] =	sst s10  }
0x38: {  	s10 =	sld [smem:$0x3FAD]  }
0x39: {  	_ = 	snop;
	(pc) =	sbr.ind lr, $3  }
0x3a: {  	_ = 	snop  }
0x3b: {  	_ = 	snop  }
0x3c: {  	p2 =	seq.s32 s10, $0x1;
	s10 =	sld [smem:$0x3FAC]  }
0x3d: {  	_ =	shalt  }
0x3e: {  	_ =	shalt  }
0x3f: {  	_ =	shalt  }
0x40: {  	_ =	shalt  }
0x41: {  	_ =	shalt  }
0x42: {  	_ =	shalt  }
0x43: {  	_ =	shalt  }
0x44: {  	_ =	shalt  }
0x45: {  	_ =	shalt  }
0x46: {  	_ =	shalt  }
0x47: {  	_ =	shalt  }
0x48: {  	_ =	shalt  }
0x49: {  	_ =	shalt  }
0x4a: {  	_ =	shalt  }
0x4b: {  	_ =	shalt  }
0x4c: {  	_ =	shalt  }
0x4d: {  	_ =	shalt  }
0x4e: {  	_ =	shalt  }
0x4f: {  	_ =	shalt  }
0x50: {  	_ =	shalt  }
0x51: {  	_ =	shalt  }
0x52: {  	_ =	shalt  }
0x53: {  	_ =	shalt  }
0x54: {  	_ =	shalt  }
0x55: {  	_ =	shalt  }
0x56: {  	_ =	shalt  }
0x57: {  	_ =	shalt  }
0x58: {  	_ =	shalt  }
0x59: {  	_ =	shalt  }
0x5a: {  	_ =	shalt  }
0x5b: {  	_ =	shalt  }
0x5c: {  	_ =	shalt  }
0x5d: {  	_ =	shalt  }
0x5e: {  	_ =	shalt  }
0x5f: {  	_ =	shalt  }
0x60: {  	_ =	shalt  }
0x61: {  	_ =	shalt  }
0x62: {  	_ =	shalt  }
0x63: {  	_ =	shalt  }
0x64: {  	_ =	shalt  }
0x65: {  	_ =	shalt  }
0x66: {  	_ =	shalt  }
0x67: {  	_ =	shalt  }
0x68: {  	_ =	shalt  }
0x69: {  	_ =	shalt  }
0x6a: {  	_ =	shalt  }
0x6b: {  	_ =	shalt  }
0x6c: {  	_ =	shalt  }
0x6d: {  	_ =	shalt  }
0x6e: {  	_ =	shalt  }
0x6f: {  	_ =	shalt  }
0x70: {  	_ =	shalt  }
0x71: {  	_ =	shalt  }
0x72: {  	_ =	shalt  }
0x73: {  	_ =	shalt  }
0x74: {  	_ =	shalt  }
0x75: {  	_ =	shalt  }
0x76: {  	_ =	shalt  }
0x77: {  	_ =	shalt  }
0x78: {  	_ =	shalt  }
0x79: {  	_ =	shalt  }
0x7a: {  	_ =	shalt  }
0x7b: {  	_ =	shalt  }
0x7c: {  	_ =	shalt  }
0x7d: {  	_ =	shalt  }
0x7e: {  	_ =	shalt  }
0x7f: {  	_ =	shalt  }
0x80: {  	_ =	shalt  }
0x81: {  	_ =	shalt  }
0x82: {  	_ =	shalt  }
0x83: {  	_ =	shalt  }
0x84: {  	_ =	shalt  }
0x85: {  	_ =	shalt  }
0x86: {  	_ =	shalt  }
0x87: {  	_ =	shalt  }
.Lfunc_end0:
.L_simem_size_0:
called_computation.5_lowered:
.L_overlay_start_0:
0x88: {  	s2 =	sld [smem:$0x3FD9]  }
0x89: {  	s3 =	sld [smem:$0x3FFE];
	_ =	sdelay $0x1  }
0x8a: {  	s1 =	srdreg.scid  }
0x8b: {  	s0 =	sand.u32 $0x1, s1  }
0x8c: {  	s16 =	sshll.u32 s0, $0xA;
	s2 =	sadd.s32 s3, s2  }
0x8d: {  	s2 =	sadd.s32 s2, s16  }
0x8e: {  	[smem:$0x3FB8] =	sst s2  }
0x8f: {  	_ = 	snop  }
0x90: {  	(tm) =	ssettm $0x1  }
0x91: {  	s17 =	sld [smem:$0x3FFB];
	_ =	sdelay $0x3  }
0x92: {  	_ =	strace s17  }
0x93: {  	s2 =	sld [smem:$0x3FFC];
	_ =	sdelay $0x3  }
0x94: {  	_ =	strace s2  }
0x95: {  	s2 =	sld [smem:$0x3FFD];
	_ =	sdelay $0x3  }
0x96: {  	_ =	strace s2  }
0x97: {  	_ =	strace $0x8FFFFFFF  }
0x98: {  	s18 =	sld [smem:$0x3FDB];
	_ =	sdelay $0x1  }
0x99: {  	s19 =	simm.s32 $_scs_section_size  }
0x9a: {  	s4 =	simm.s32 $_size__tile_overlayer_lowered;
	s5 =	simm.s32 $_tile_overlayer_lowered  }
0x9b: {  	s22 =	simm.s32 $0x1BFF;
	s21 =	sshll.u32 s5, $0x1;
	s2 =	sadd.s32 s19, s18  }
0x9c: {  	s6 =	simm.s32 $0x0;
	s20 =	sshll.u32 s4, $0x1;
	s4 =	sadd.s32 s21, s2  }
0x9d: {  	[timem:s6], [sflag:s22] =	dma.local [hbm:s4], s20  }
0x9e: {  	_ =	swait.ge [sflag:s22], s20  }
0x9f: {  	s3 =	ssub.s32 $0x0, s20;
	[sflag:s22] =	ssyncset.done $0x0  }
0xa0: {  	[sflag:s22] =	ssyncadd.s32 s3;
	_ =	sdelay $0x1  }
0xa1: {  	s23 =	simm.s32 $0x1B8B  }
0xa2: {  	_ =	swait.ge [sflag:s23], $0x1  }
0xa3: {  	[sflag:s23] =	ssyncset.done $0x0  }
0xa4: {  	s25 =	simm.s32 $0x1B8E;
	s24 =	sld [smem:$0x3FFE];
	[sflag:s23] =	ssyncadd.s32 $0xFFFFFFFF  }
0xa5: {  	s26 =	simm.s32 $execute0_lowered;
	[smem:$0x3FD2] =	sst s25  }
0xa6: {  	s4 =	sshll.u32 s26, $0x1;
	_ =	strace $0x80000055;
	[dreg:$0x1] =	wrdreg $0xFFFFFFFF  }
0xa7: {  	s28 =	simm.s32 $_size_execute0_lowered;
	s2 =	sadd.s32 s2, s4;
	[dreg:$0x0] =	wrdreg $0x0  }
0xa8: {  	s4 =	sshll.u32 s28, $0x1;
	[dreg:$0x2] =	wrdreg s2  }
0xa9: {  	[dreg:$0x3] =	wrdreg s4  }
0xaa: {  	[dreg:$0x4] =	wrdreg $0xC0  }
0xab: {  	_ =	task [dreg:s6], $0x5FFFF  }
0xac: {  	[dreg:$0x1] =	wrdreg $0xFFFFFFFF  }
0xad: {  	[dreg:$0x0] =	wrdreg $0x60  }
0xae: {  	[dreg:$0x2] =	wrdreg s24  }
0xaf: {  	[dreg:$0x3] =	wrdreg $0x9  }
0xb0: {  	_ =	task.clear_ibuf [dreg:s6], $0x4FFFF;
	_ =	strace $0x90000055  }
0xb1: {  	s29 =	simm.s32 $0x9;
	_ =	strace $0x80000057  }
0xb2: {  	_ =	swait.ge [sflag:s29], $0x1  }
0xb3: {  	[sflag:s29] =	ssyncadd.s32 $0xFFFFFFFF  }
0xb4: {  	_ =	strace $0x90000057  }
0xb5: {  	_ =	sfence  }
0xb6: {  	s30 =	sld [smem:$0x0];
	_ =	sdelay $0x2  }
0xb7: {  	s31 =	sshll.u32 s1, $0xD;
	s1 =	sshrl.u32 s1, $0x2  }
0xb8: {  	s3 =	sand.u32 $0x4000, s31;
	s1 =	sadd.s32 s1, s30  }
0xb9: {  	s0 =	sor.u32 s3, s0;
	s1 =	sshll.u32 s1, $0x11  }
0xba: {  	s0 =	sor.u32 s1, s0  }
0xbb: {  	s0 =	sadd.s32 $0x8F2B, s0  }
0xbc: {  	[sflag:s0] =	ssyncadd.remote.s32 $0x1  }
0xbd: {  	_ =	sfence.sel $0xFFFF  }
0xbe: {  	[dreg:$0x0] =	wrdreg $0xFFFFFFFF;
	(pc) =	sbr.abs _section_cstart, $3  }
0xbf: {  	[dreg:$0x1] =	wrdreg $0xFFFFFFFF  }
0xc0: {  	_ =	task.clear_ibuf [dreg:s6], $0x2FFFF;
	_ =	strace $0x9FFFFFFF  }
0xc1: {  	(tm) =	ssettm $0x7FFFFFFF  }
tec
execute0_lowered:
.L_overlay_start_1:
0x0: {  	(tag) =	ssettag $0x1  }
0x1: {  	s0 =	srdreg.scid  }
0x2: {  	s2 =	stileid.u32;
	s1 =	rddreg [dreg:$0x0]  }
0x3: {  	s23 =	simm.s32 $0x9000;
	s24 =	simm.s32 $0x9800;
	s28 =	simm.s32 $0xA800  }
0x4: {  	s29 =	simm.s32 $0xB000;
	s30 =	simm.s32 $0xB800;
	s31 =	simm.s32 $0xC000  }
0x5: {  	s9 =	simm.s32 $0xD800;
	s7 =	simm.s32 $0xE800;
	s8 =	simm.s32 $0xF000  }
0x6: {  	s10 =	simm.s32 $0xF800;
	s11 =	simm.s32 $0x10000;
	s12 =	simm.s32 $0x10800  }
0x7: {  	s13 =	simm.s32 $0x11000;
	s14 =	simm.s32 $0x11800;
	s15 =	simm.s32 $0x12000  }
0x8: {  	s16 =	simm.s32 $0x13800;
	s17 =	simm.s32 $0x14000;
	s18 =	simm.s32 $0x14800  }
0x9: {  	s0 =	sand.u32 $0x1, s0;
	s3 =	sshll.u32 s2, $0x1;
	s2 =	simm.s32 $0x0  }
0xa: {  	s3 =	sor.u32 s0, s3;
	[smem:$0x7FF] =	sst s2;
	s0 =	ssub.s32 $0x2, s0  }
0xb: {  	s4 =	smul.u32 $0x500, s3;
	_ =	strace $0x80000056;
	s6 =	sshrl.u32 s0, $0x1  }
.Ltmp0:
0xc: {  	s3 =	sadd.s32 $0x32A00, s1;
	s0 =	ssub.s32 s0, s6;
	(pc) =	sbr.rel .LBB2_1-.Ltmp0, $4  }
0xd: {  	s5 =	sadd.s32 s4, s1;
	s4 =	sadd.s32 $0x82A00, s1;
	s0 =	smax.u32 s0, $0x1  }
0xe: {  	v2 =	vlaneseq.u32;
	s1 =	simm.s32 $0xC800;
	s25 =	sadd.s32 $0x28A00, s5;
	[dreg:$0x4] =	wrdreg s0  }
0xf: {  	vm0 =	vmmov $0xffff;
	v1 =	vshrl.u32 v2, $0x3;
	s26 =	sadd.s32 $0x1EA00, s5;
	s5 =	simm.s32 $0x0;
	[dreg:$0x2] =	wrdreg s25  }
0x10: {  	v0 =	vand.u32 $0x7, v2;
	v2 =	vor.u32 $0x8, v2;
	v1 =	vmul.u32 $0x8, v1;
	[dreg:$0x3] =	wrdreg s26;
	s25 =	simm.s32 $0xA000;
	s26 =	simm.s32 $0x12800  }
.LBB2_4:
0x11: {  	s0 =	simm.s32 $0x5  }
0x12: {  	_ =	swait.ge [sflag:s0], $0x4000  }
0x13: {  	[sflag:s0] =	ssyncset.done $0x0  }
0x14: {  	s23 =	simm.s32 $0x6;
	[sflag:s0] =	ssyncadd.s32 $0xFFFFC000  }
0x15: {  	_ =	swait.ge [sflag:s23], $0x4000  }
0x16: {  	[sflag:s23] =	ssyncset.done $0x0  }
0x17: {  	s24 =	simm.s32 $0x7;
	[sflag:s23] =	ssyncadd.s32 $0xFFFFC000  }
0x18: {  	_ =	swait.ge [sflag:s24], $0x4000  }
0x19: {  	[sflag:s24] =	ssyncset.done $0x0  }
0x1a: {  	s25 =	simm.s32 $0x8;
	[sflag:s24] =	ssyncadd.s32 $0xFFFFC000  }
0x1b: {  	_ =	swait.ge [sflag:s25], $0x4000  }
0x1c: {  	s5 =	rddreg [dreg:$0x5]  }
0x1d: {  	s19 =	rddreg [dreg:$0x4];
	s5 =	sadd.s32 $0x1, s5  }
0x1e: {  	p0 =	sne.s32 s5, s19  }
.Ltmp1:
0x1f: {  	_ = 	snop;
	(pc) =	sbr.rel @!p0 .LBB2_5-.Ltmp1, $4  }
0x20: {  	s28 =	simm.s32 $0xA800  }
0x21: {  	s29 =	simm.s32 $0xB000;
	s30 =	simm.s32 $0xB800;
	s31 =	simm.s32 $0xC000  }
0x22: {  	s1 =	simm.s32 $0xC800;
	s23 =	simm.s32 $0x9000;
	[sflag:s25] =	ssyncset.done $0x0  }
0x23: {  	s24 =	simm.s32 $0x9800;
	[sflag:s25] =	ssyncadd.s32 $0xFFFFC000;
	s25 =	simm.s32 $0xA000  }
.LBB2_1:
0x24: {  	[dreg:$0x5] =	wrdreg s5  }
0x25: {  	s19 =	rddreg [dreg:$0x2];
	s20 =	simm.s32 $0x9  }
0x26: {  	[tilespmem:s2], [sflag:$0x9] =	stream.linear.gather [hbm4b:s19+s2], $0x2800, $0x38;
	[tilespmem:$0x15200] =	vst v63  }
0x27: {  	_ =	swait.ge [sflag:s20], $0x2800  }
0x28: {  	[sflag:s20] =	ssyncset.done $0x0  }
0x29: {  	s21 =	simm.s32 $0x2800;
	s6 =	rddreg [dreg:$0x3];
	[sflag:s20] =	ssyncadd.s32 $0xFFFFD800  }
0x2a: {  	[tilespmem:s21], [sflag:$0x9] =	stream.linear.gather [hbm4b:s6+s2], $0x2800, $0x38;
	[tilespmem:$0x15200] =	vst v63  }
0x2b: {  	_ =	swait.ge [sflag:s20], $0x2800  }
0x2c: {  	[sflag:s20] =	ssyncset.done $0x0  }
0x2d: {  	[sflag:s20] =	ssyncadd.s32 $0xFFFFD800  }
0x2e: {  	v3 =	vld [tilespmem:$0x0];
	_ =	sdelay $0x4  }
0x2f: {  	v4 =	vshll.u32 v3, $0x1  }
0x30: {  	v3 =	vand.u32 $0x7, v3;
	v4 =	vand.u32 $0xFFFFFFF0, v4  }
0x31: {  	v3 =	vor.u32 v3, v4  }
0x32: {  	v4 =	vperm.xlane v3, v0;
	_ =	sdelay $0x1  }
0x33: {  	v3 =	vperm.xlane v3, v2;
	v4 =	vadd.s32 v1, v4;
	_ =	sdelay $0x1  }
0x34: {  	v3 =	vadd.s32 v1, v3;
	_ =	sdelay $0x1  }
0x35: {  	s21 =	simm.s32 $0x5000  }
0x36: {  	[tilespmem:s21], [sflag:$0x1] =	stream.indirect_vreg.gather [hbm4b:s3+s2], $0x80, v4, vm0, $0xb8;
	[tilespmem:$0x15200] =	vst v63  }
0x37: {  	s22 =	simm.s32 $0x5800  }
0x38: {  	[tilespmem:s22], [sflag:$0x1] =	stream.indirect_vreg.gather [hbm4b:s3+s2], $0x80, v3, vm0, $0xb8;
	[tilespmem:$0x15200] =	vst v63  }
0x39: {  	v3 =	vld [tilespmem:$0x10];
	_ =	sdelay $0x4  }
0x3a: {  	v57 =	vshll.u32 v3, $0x1  }
0x3b: {  	v3 =	vand.u32 $0x7, v3;
	v4 =	vand.u32 $0xFFFFFFF0, v57  }
0x3c: {  	v3 =	vor.u32 v3, v4  }
0x3d: {  	v4 =	vperm.xlane v3, v0;
	_ =	sdelay $0x1  }
0x3e: {  	v3 =	vperm.xlane v3, v2;
	v4 =	vadd.s32 v1, v4;
	_ =	sdelay $0x1  }
0x3f: {  	v3 =	vadd.s32 v1, v3;
	_ =	sdelay $0x1  }
0x40: {  	s0 =	simm.s32 $0x6000  }
0x41: {  	[tilespmem:s0], [sflag:$0x1] =	stream.indirect_vreg.gather [hbm4b:s3+s2], $0x80, v4, vm0, $0xb8;
	[tilespmem:$0x15200] =	vst v63  }
0x42: {  	s5 =	simm.s32 $0x6800  }
0x43: {  	[tilespmem:s5], [sflag:$0x1] =	stream.indirect_vreg.gather [hbm4b:s3+s2], $0x80, v3, vm0, $0xb8;
	[tilespmem:$0x15200] =	vst v63  }
0x44: {  	v3 =	vld [tilespmem:$0x20];
	_ =	sdelay $0x4  }
0x45: {  	v58 =	vshll.u32 v3, $0x1  }
0x46: {  	v3 =	vand.u32 $0x7, v3;
	v4 =	vand.u32 $0xFFFFFFF0, v58  }
0x47: {  	v3 =	vor.u32 v3, v4  }
0x48: {  	v4 =	vperm.xlane v3, v0;
	_ =	sdelay $0x1  }
0x49: {  	v3 =	vperm.xlane v3, v2;
	v4 =	vadd.s32 v1, v4;
	_ =	sdelay $0x1  }
0x4a: {  	v3 =	vadd.s32 v1, v3;
	_ =	sdelay $0x1  }
0x4b: {  	s6 =	simm.s32 $0x7000  }
0x4c: {  	[tilespmem:s6], [sflag:$0x1] =	stream.indirect_vreg.gather [hbm4b:s3+s2], $0x80, v4, vm0, $0xb8;
	[tilespmem:$0x15200] =	vst v63  }
0x4d: {  	s20 =	simm.s32 $0x7800  }
0x4e: {  	[tilespmem:s20], [sflag:$0x1] =	stream.indirect_vreg.gather [hbm4b:s3+s2], $0x80, v3, vm0, $0xb8;
	[tilespmem:$0x15200] =	vst v63  }
0x4f: {  	v3 =	vld [tilespmem:$0x30];
	_ =	sdelay $0x4  }
0x50: {  	v59 =	vshll.u32 v3, $0x1  }
0x51: {  	v3 =	vand.u32 $0x7, v3;
	v4 =	vand.u32 $0xFFFFFFF0, v59  }
0x52: {  	v3 =	vor.u32 v3, v4  }
0x53: {  	v4 =	vperm.xlane v3, v0;
	_ =	sdelay $0x1  }
0x54: {  	v3 =	vperm.xlane v3, v2;
	v4 =	vadd.s32 v1, v4;
	_ =	sdelay $0x1  }
0x55: {  	v3 =	vadd.s32 v1, v3;
	_ =	sdelay $0x1  }
0x56: {  	s21 =	simm.s32 $0x8000  }
0x57: {  	[tilespmem:s21], [sflag:$0x1] =	stream.indirect_vreg.gather [hbm4b:s3+s2], $0x80, v4, vm0, $0xb8;
	[tilespmem:$0x15200] =	vst v63  }
0x58: {  	s22 =	simm.s32 $0x8800  }
0x59: {  	[tilespmem:s22], [sflag:$0x1] =	stream.indirect_vreg.gather [hbm4b:s3+s2], $0x80, v3, vm0, $0xb8;
	[tilespmem:$0x15200] =	vst v63  }
0x5a: {  	v3 =	vld [tilespmem:$0x40];
	_ =	sdelay $0x4  }
0x5b: {  	v60 =	vshll.u32 v3, $0x1  }
0x5c: {  	v3 =	vand.u32 $0x7, v3;
	v4 =	vand.u32 $0xFFFFFFF0, v60  }
0x5d: {  	v3 =	vor.u32 v3, v4  }
0x5e: {  	v4 =	vperm.xlane v3, v0;
	_ =	sdelay $0x1  }
0x5f: {  	v3 =	vperm.xlane v3, v2;
	v4 =	vadd.s32 v1, v4;
	_ =	sdelay $0x1  }
0x60: {  	v3 =	vadd.s32 v1, v3;
	_ =	sdelay $0x2  }
0x61: {  	[tilespmem:s23], [sflag:$0x2] =	stream.indirect_vreg.gather [hbm4b:s3+s2], $0x80, v4, vm0, $0xb8;
	[tilespmem:$0x15200] =	vst v63  }
0x62: {  	_ = 	snop  }
0x63: {  	[tilespmem:s24], [sflag:$0x2] =	stream.indirect_vreg.gather [hbm4b:s3+s2], $0x80, v3, vm0, $0xb8;
	[tilespmem:$0x15200] =	vst v63  }
0x64: {  	v3 =	vld [tilespmem:$0x50];
	_ =	sdelay $0x4  }
0x65: {  	v61 =	vshll.u32 v3, $0x1  }
0x66: {  	v3 =	vand.u32 $0x7, v3;
	v4 =	vand.u32 $0xFFFFFFF0, v61  }
0x67: {  	v3 =	vor.u32 v3, v4  }
0x68: {  	v4 =	vperm.xlane v3, v0;
	_ =	sdelay $0x1  }
0x69: {  	v3 =	vperm.xlane v3, v2;
	v4 =	vadd.s32 v1, v4;
	_ =	sdelay $0x1  }
0x6a: {  	v3 =	vadd.s32 v1, v3;
	_ =	sdelay $0x2  }
0x6b: {  	[tilespmem:s25], [sflag:$0x2] =	stream.indirect_vreg.gather [hbm4b:s3+s2], $0x80, v4, vm0, $0xb8;
	[tilespmem:$0x15200] =	vst v63  }
0x6c: {  	_ = 	snop  }
0x6d: {  	[tilespmem:s28], [sflag:$0x2] =	stream.indirect_vreg.gather [hbm4b:s3+s2], $0x80, v3, vm0, $0xb8;
	[tilespmem:$0x15200] =	vst v63  }
0x6e: {  	v3 =	vld [tilespmem:$0x60];
	_ =	sdelay $0x4  }
0x6f: {  	v62 =	vshll.u32 v3, $0x1  }
0x70: {  	v3 =	vand.u32 $0x7, v3;
	v4 =	vand.u32 $0xFFFFFFF0, v62  }
0x71: {  	v3 =	vor.u32 v3, v4  }
0x72: {  	v4 =	vperm.xlane v3, v0;
	_ =	sdelay $0x1  }
0x73: {  	v3 =	vperm.xlane v3, v2;
	v4 =	vadd.s32 v1, v4;
	_ =	sdelay $0x1  }
0x74: {  	v3 =	vadd.s32 v1, v3;
	_ =	sdelay $0x2  }
0x75: {  	[tilespmem:s29], [sflag:$0x2] =	stream.indirect_vreg.gather [hbm4b:s3+s2], $0x80, v4, vm0, $0xb8;
	[tilespmem:$0x15200] =	vst v63  }
0x76: {  	_ = 	snop  }
0x77: {  	[tilespmem:s30], [sflag:$0x2] =	stream.indirect_vreg.gather [hbm4b:s3+s2], $0x80, v3, vm0, $0xb8;
	[tilespmem:$0x15200] =	vst v63  }
0x78: {  	v3 =	vld [tilespmem:$0x70];
	_ =	sdelay $0x4  }
0x79: {  	v63 =	vshll.u32 v3, $0x1  }
0x7a: {  	v3 =	vand.u32 $0x7, v3;
	v4 =	vand.u32 $0xFFFFFFF0, v63  }
0x7b: {  	v3 =	vor.u32 v3, v4  }
0x7c: {  	v4 =	vperm.xlane v3, v0;
	_ =	sdelay $0x1  }
0x7d: {  	v3 =	vperm.xlane v3, v2;
	v4 =	vadd.s32 v1, v4;
	_ =	sdelay $0x1  }
0x7e: {  	v3 =	vadd.s32 v1, v3;
	_ =	sdelay $0x2  }
0x7f: {  	[tilespmem:s31], [sflag:$0x2] =	stream.indirect_vreg.gather [hbm4b:s3+s2], $0x80, v4, vm0, $0xb8;
	[tilespmem:$0x15200] =	vst v63  }
0x80: {  	s19 =	simm.s32 $0xC0;
	s20 =	simm.s32 $0x2860;
	s21 =	simm.s32 $0xC0  }
0x81: {  	[tilespmem:s1], [sflag:$0x2] =	stream.indirect_vreg.gather [hbm4b:s3+s2], $0x80, v3, vm0, $0xb8;
	[tilespmem:$0x15200] =	vst v63  }
.LBB2_2:
0x82: {  	s0 =	simm.s32 $0x1  }
0x83: {  	_ =	swait.ge [sflag:s0], $0x4000  }
0x84: {  	[sflag:s0] =	ssyncset.done $0x0  }
0x85: {  	[sflag:s0] =	ssyncadd.s32 $0xFFFFC000  }
0x86: {  	v3 =	vld [tilespmem:s20+$0xFFFFFFA0];
	_ =	sdelay $0x4  }
0x87: {  	[tilespmem:$0x15000] =	vst v3  }
0x88: {  	v4 =	vld [tilespmem:s20+$0xFFFFFFB0];
	_ =	sdelay $0x4  }
0x89: {  	[tilespmem:$0x15010] =	vst v4  }
0x8a: {  	v4 =	vld [tilespmem:s20+$0xFFFFFFC0];
	_ =	sdelay $0x1  }
0x8b: {  	v5 =	vshll.u32 v3, $0x1  }
0x8c: {  	v3 =	vand.u32 $0x7, v3;
	v5 =	vand.u32 $0xFFFFFFF0, v5  }
0x8d: {  	v3 =	vor.u32 v3, v5  }
0x8e: {  	v30 =	vperm.xlane v3, v0;
	[tilespmem:$0x15020] =	vst v4  }
0x8f: {  	v31 =	vld [tilespmem:s20+$0xFFFFFFD0]  }
0x90: {  	v3 =	vperm.xlane v3, v2;
	v4 =	vadd.s32 v1, v30;
	_ =	sdelay $0x1  }
0x91: {  	v3 =	vadd.s32 v1, v3;
	_ =	sdelay $0x1  }
0x92: {  	s22 =	simm.s32 $0x5000;
	[tilespmem:$0x15030] =	vst v31  }
0x93: {  	[hbm4b:s4+s2] =	stream.indirect_vreg.scatter [tilespmem:s22], [sflag:$0x5], $0x80, v4, vm0, $0xb8;
	[tilespmem:$0x15200] =	vst v63  }
0x94: {  	s6 =	simm.s32 $0x5800  }
0x95: {  	[hbm4b:s4+s2] =	stream.indirect_vreg.scatter [tilespmem:s6], [sflag:$0x5], $0x80, v3, vm0, $0xb8;
	[tilespmem:$0x15200] =	vst v63  }
0x96: {  	v3 =	vld [tilespmem:$0x15010];
	_ =	sdelay $0x4  }
0x97: {  	v32 =	vshll.u32 v3, $0x1  }
0x98: {  	v3 =	vand.u32 $0x7, v3;
	v4 =	vand.u32 $0xFFFFFFF0, v32  }
0x99: {  	v3 =	vor.u32 v3, v4  }
0x9a: {  	v4 =	vperm.xlane v3, v0;
	_ =	sdelay $0x1  }
0x9b: {  	v3 =	vperm.xlane v3, v2;
	v4 =	vadd.s32 v1, v4;
	_ =	sdelay $0x1  }
0x9c: {  	v3 =	vadd.s32 v1, v3;
	_ =	sdelay $0x1  }
0x9d: {  	s0 =	simm.s32 $0x6000  }
0x9e: {  	[hbm4b:s4+s2] =	stream.indirect_vreg.scatter [tilespmem:s0], [sflag:$0x5], $0x80, v4, vm0, $0xb8;
	[tilespmem:$0x15200] =	vst v63  }
0x9f: {  	s5 =	simm.s32 $0x6800  }
0xa0: {  	[hbm4b:s4+s2] =	stream.indirect_vreg.scatter [tilespmem:s5], [sflag:$0x5], $0x80, v3, vm0, $0xb8;
	[tilespmem:$0x15200] =	vst v63  }
0xa1: {  	v3 =	vld [tilespmem:$0x15020];
	_ =	sdelay $0x4  }
0xa2: {  	v33 =	vshll.u32 v3, $0x1  }
0xa3: {  	v3 =	vand.u32 $0x7, v3;
	v4 =	vand.u32 $0xFFFFFFF0, v33  }
0xa4: {  	v3 =	vor.u32 v3, v4  }
0xa5: {  	v4 =	vperm.xlane v3, v0;
	_ =	sdelay $0x1  }
0xa6: {  	v3 =	vperm.xlane v3, v2;
	v4 =	vadd.s32 v1, v4;
	_ =	sdelay $0x1  }
0xa7: {  	v3 =	vadd.s32 v1, v3;
	_ =	sdelay $0x1  }
0xa8: {  	s6 =	simm.s32 $0x7000  }
0xa9: {  	[hbm4b:s4+s2] =	stream.indirect_vreg.scatter [tilespmem:s6], [sflag:$0x5], $0x80, v4, vm0, $0xb8;
	[tilespmem:$0x15200] =	vst v63  }
0xaa: {  	s0 =	simm.s32 $0x7800  }
0xab: {  	[hbm4b:s4+s2] =	stream.indirect_vreg.scatter [tilespmem:s0], [sflag:$0x5], $0x80, v3, vm0, $0xb8;
	[tilespmem:$0x15200] =	vst v63  }
0xac: {  	v3 =	vld [tilespmem:$0x15030];
	_ =	sdelay $0x4  }
0xad: {  	v34 =	vshll.u32 v3, $0x1  }
0xae: {  	v3 =	vand.u32 $0x7, v3;
	v4 =	vand.u32 $0xFFFFFFF0, v34  }
0xaf: {  	v3 =	vor.u32 v3, v4  }
0xb0: {  	v4 =	vperm.xlane v3, v0;
	_ =	sdelay $0x1  }
0xb1: {  	v3 =	vperm.xlane v3, v2;
	v4 =	vadd.s32 v1, v4;
	_ =	sdelay $0x1  }
0xb2: {  	v3 =	vadd.s32 v1, v3;
	_ =	sdelay $0x1  }
0xb3: {  	p0 =	seq.s32 s21, $0xC0;
	s5 =	simm.s32 $0x8000  }
0xb4: {  	[hbm4b:s4+s2] =	stream.indirect_vreg.scatter [tilespmem:s5], [sflag:$0x5], $0x80, v4, vm0, $0xb8;
	[tilespmem:$0x15200] =	vst v63  }
0xb5: {  	s22 =	simm.s32 @!p0 $0x7;
	s6 =	simm.s32 $0x8800  }
0xb6: {  	[hbm4b:s4+s2] =	stream.indirect_vreg.scatter [tilespmem:s6], [sflag:$0x5], $0x80, v3, vm0, $0xb8;
	[tilespmem:$0x15200] =	vst v63  }
0xb7: {  	_ =	swait.ge @!p0 [sflag:s22], $0x4000  }
0xb8: {  	[sflag:s22] =	ssyncset.done @!p0 $0x0  }
0xb9: {  	[sflag:s22] =	ssyncadd.s32 @!p0 $0xFFFFC000  }
0xba: {  	v3 =	vld [tilespmem:s19+$0xFFFFFFC0];
	_ =	sdelay $0x4  }
0xbb: {  	v35 =	vshll.u32 v3, $0x1  }
0xbc: {  	v3 =	vand.u32 $0x7, v3;
	v4 =	vand.u32 $0xFFFFFFF0, v35  }
0xbd: {  	v3 =	vor.u32 v3, v4  }
0xbe: {  	v4 =	vperm.xlane v3, v0;
	_ =	sdelay $0x1  }
0xbf: {  	v3 =	vperm.xlane v3, v2;
	v4 =	vadd.s32 v1, v4;
	_ =	sdelay $0x1  }
0xc0: {  	v3 =	vadd.s32 v1, v3;
	_ =	sdelay $0x1  }
0xc1: {  	s0 =	simm.s32 $0xD000  }
0xc2: {  	[tilespmem:s0], [sflag:$0x3] =	stream.indirect_vreg.gather [hbm4b:s3+s2], $0x80, v4, vm0, $0xb8;
	[tilespmem:$0x15200] =	vst v63  }
0xc3: {  	_ = 	snop  }
0xc4: {  	[tilespmem:s9], [sflag:$0x3] =	stream.indirect_vreg.gather [hbm4b:s3+s2], $0x80, v3, vm0, $0xb8;
	[tilespmem:$0x15200] =	vst v63  }
0xc5: {  	v3 =	vld [tilespmem:s19+$0xFFFFFFD0];
	_ =	sdelay $0x4  }
0xc6: {  	v36 =	vshll.u32 v3, $0x1  }
0xc7: {  	v3 =	vand.u32 $0x7, v3;
	v4 =	vand.u32 $0xFFFFFFF0, v36  }
0xc8: {  	v3 =	vor.u32 v3, v4  }
0xc9: {  	v4 =	vperm.xlane v3, v0;
	_ =	sdelay $0x1  }
0xca: {  	v3 =	vperm.xlane v3, v2;
	v4 =	vadd.s32 v1, v4;
	_ =	sdelay $0x1  }
0xcb: {  	v3 =	vadd.s32 v1, v3;
	_ =	sdelay $0x1  }
0xcc: {  	s5 =	simm.s32 $0xE000  }
0xcd: {  	[tilespmem:s5], [sflag:$0x3] =	stream.indirect_vreg.gather [hbm4b:s3+s2], $0x80, v4, vm0, $0xb8;
	[tilespmem:$0x15200] =	vst v63  }
0xce: {  	_ = 	snop  }
0xcf: {  	[tilespmem:s7], [sflag:$0x3] =	stream.indirect_vreg.gather [hbm4b:s3+s2], $0x80, v3, vm0, $0xb8;
	[tilespmem:$0x15200] =	vst v63  }
0xd0: {  	v3 =	vld [tilespmem:s19+$0xFFFFFFE0];
	_ =	sdelay $0x4  }
0xd1: {  	v37 =	vshll.u32 v3, $0x1  }
0xd2: {  	v3 =	vand.u32 $0x7, v3;
	v4 =	vand.u32 $0xFFFFFFF0, v37  }
0xd3: {  	v3 =	vor.u32 v3, v4  }
0xd4: {  	v4 =	vperm.xlane v3, v0;
	_ =	sdelay $0x1  }
0xd5: {  	v3 =	vperm.xlane v3, v2;
	v4 =	vadd.s32 v1, v4;
	_ =	sdelay $0x1  }
0xd6: {  	v3 =	vadd.s32 v1, v3;
	_ =	sdelay $0x2  }
0xd7: {  	[tilespmem:s8], [sflag:$0x3] =	stream.indirect_vreg.gather [hbm4b:s3+s2], $0x80, v4, vm0, $0xb8;
	[tilespmem:$0x15200] =	vst v63  }
0xd8: {  	_ = 	snop  }
0xd9: {  	[tilespmem:s10], [sflag:$0x3] =	stream.indirect_vreg.gather [hbm4b:s3+s2], $0x80, v3, vm0, $0xb8;
	[tilespmem:$0x15200] =	vst v63  }
0xda: {  	v3 =	vld [tilespmem:s19+$0xFFFFFFF0];
	_ =	sdelay $0x4  }
0xdb: {  	v38 =	vshll.u32 v3, $0x1  }
0xdc: {  	v3 =	vand.u32 $0x7, v3;
	v4 =	vand.u32 $0xFFFFFFF0, v38  }
0xdd: {  	v3 =	vor.u32 v3, v4  }
0xde: {  	v4 =	vperm.xlane v3, v0;
	_ =	sdelay $0x1  }
0xdf: {  	v3 =	vperm.xlane v3, v2;
	v4 =	vadd.s32 v1, v4;
	_ =	sdelay $0x1  }
0xe0: {  	v3 =	vadd.s32 v1, v3;
	_ =	sdelay $0x2  }
0xe1: {  	[tilespmem:s11], [sflag:$0x3] =	stream.indirect_vreg.gather [hbm4b:s3+s2], $0x80, v4, vm0, $0xb8;
	[tilespmem:$0x15200] =	vst v63  }
0xe2: {  	s6 =	simm.s32 $0x2  }
0xe3: {  	[tilespmem:s12], [sflag:$0x3] =	stream.indirect_vreg.gather [hbm4b:s3+s2], $0x80, v3, vm0, $0xb8;
	[tilespmem:$0x15200] =	vst v63  }
0xe4: {  	_ =	swait.ge [sflag:s6], $0x4000  }
0xe5: {  	[sflag:s6] =	ssyncset.done $0x0  }
0xe6: {  	[sflag:s6] =	ssyncadd.s32 $0xFFFFC000  }
0xe7: {  	v3 =	vld [tilespmem:s20+$0xFFFFFFE0];
	_ =	sdelay $0x4  }
0xe8: {  	[tilespmem:$0x15080] =	vst v3  }
0xe9: {  	v39 =	vld [tilespmem:s20+$0xFFFFFFF0];
	_ =	sdelay $0x4  }
0xea: {  	[tilespmem:$0x15090] =	vst v39  }
0xeb: {  	v4 =	vld [tilespmem:s20+$0x0];
	_ =	sdelay $0x1  }
0xec: {  	v40 =	vshll.u32 v3, $0x1  }
0xed: {  	v3 =	vand.u32 $0x7, v3;
	v5 =	vand.u32 $0xFFFFFFF0, v40  }
0xee: {  	v3 =	vor.u32 v3, v5  }
0xef: {  	v41 =	vperm.xlane v3, v0;
	[tilespmem:$0x150A0] =	vst v4  }
0xf0: {  	v42 =	vld [tilespmem:s20+$0x10]  }
0xf1: {  	v3 =	vperm.xlane v3, v2;
	v4 =	vadd.s32 v1, v41;
	_ =	sdelay $0x1  }
0xf2: {  	v3 =	vadd.s32 v1, v3;
	_ =	sdelay $0x1  }
0xf3: {  	[tilespmem:$0x150B0] =	vst v42  }
0xf4: {  	[hbm4b:s4+s2] =	stream.indirect_vreg.scatter [tilespmem:s23], [sflag:$0x6], $0x80, v4, vm0, $0xb8;
	[tilespmem:$0x15200] =	vst v63  }
0xf5: {  	_ = 	snop  }
0xf6: {  	[hbm4b:s4+s2] =	stream.indirect_vreg.scatter [tilespmem:s24], [sflag:$0x6], $0x80, v3, vm0, $0xb8;
	[tilespmem:$0x15200] =	vst v63  }
0xf7: {  	v3 =	vld [tilespmem:$0x15090];
	_ =	sdelay $0x4  }
0xf8: {  	v43 =	vshll.u32 v3, $0x1  }
0xf9: {  	v3 =	vand.u32 $0x7, v3;
	v4 =	vand.u32 $0xFFFFFFF0, v43  }
0xfa: {  	v3 =	vor.u32 v3, v4  }
0xfb: {  	v4 =	vperm.xlane v3, v0;
	_ =	sdelay $0x1  }
0xfc: {  	v3 =	vperm.xlane v3, v2;
	v4 =	vadd.s32 v1, v4;
	_ =	sdelay $0x1  }
0xfd: {  	v3 =	vadd.s32 v1, v3;
	_ =	sdelay $0x2  }
0xfe: {  	[hbm4b:s4+s2] =	stream.indirect_vreg.scatter [tilespmem:s25], [sflag:$0x6], $0x80, v4, vm0, $0xb8;
	[tilespmem:$0x15200] =	vst v63  }
0xff: {  	_ = 	snop  }
0x100: {  	[hbm4b:s4+s2] =	stream.indirect_vreg.scatter [tilespmem:s28], [sflag:$0x6], $0x80, v3, vm0, $0xb8;
	[tilespmem:$0x15200] =	vst v63  }
0x101: {  	v3 =	vld [tilespmem:$0x150A0];
	_ =	sdelay $0x4  }
0x102: {  	v44 =	vshll.u32 v3, $0x1  }
0x103: {  	v3 =	vand.u32 $0x7, v3;
	v4 =	vand.u32 $0xFFFFFFF0, v44  }
0x104: {  	v3 =	vor.u32 v3, v4  }
0x105: {  	v4 =	vperm.xlane v3, v0;
	_ =	sdelay $0x1  }
0x106: {  	v3 =	vperm.xlane v3, v2;
	v4 =	vadd.s32 v1, v4;
	_ =	sdelay $0x1  }
0x107: {  	v3 =	vadd.s32 v1, v3;
	_ =	sdelay $0x2  }
0x108: {  	[hbm4b:s4+s2] =	stream.indirect_vreg.scatter [tilespmem:s29], [sflag:$0x6], $0x80, v4, vm0, $0xb8;
	[tilespmem:$0x15200] =	vst v63  }
0x109: {  	_ = 	snop  }
0x10a: {  	[hbm4b:s4+s2] =	stream.indirect_vreg.scatter [tilespmem:s30], [sflag:$0x6], $0x80, v3, vm0, $0xb8;
	[tilespmem:$0x15200] =	vst v63  }
0x10b: {  	v3 =	vld [tilespmem:$0x150B0];
	_ =	sdelay $0x4  }
0x10c: {  	v45 =	vshll.u32 v3, $0x1  }
0x10d: {  	v3 =	vand.u32 $0x7, v3;
	v4 =	vand.u32 $0xFFFFFFF0, v45  }
0x10e: {  	v3 =	vor.u32 v3, v4  }
0x10f: {  	v4 =	vperm.xlane v3, v0;
	_ =	sdelay $0x1  }
0x110: {  	v3 =	vperm.xlane v3, v2;
	v4 =	vadd.s32 v1, v4;
	_ =	sdelay $0x1  }
0x111: {  	v3 =	vadd.s32 v1, v3;
	_ =	sdelay $0x2  }
0x112: {  	[hbm4b:s4+s2] =	stream.indirect_vreg.scatter [tilespmem:s31], [sflag:$0x6], $0x80, v4, vm0, $0xb8;
	[tilespmem:$0x15200] =	vst v63  }
0x113: {  	s22 =	simm.s32 @!p0 $0x8  }
0x114: {  	[hbm4b:s4+s2] =	stream.indirect_vreg.scatter [tilespmem:s1], [sflag:$0x6], $0x80, v3, vm0, $0xb8;
	[tilespmem:$0x15200] =	vst v63  }
0x115: {  	_ =	swait.ge @!p0 [sflag:s22], $0x4000  }
0x116: {  	[sflag:s22] =	ssyncset.done @!p0 $0x0  }
0x117: {  	[sflag:s22] =	ssyncadd.s32 @!p0 $0xFFFFC000  }
0x118: {  	v3 =	vld [tilespmem:s19+$0x0];
	_ =	sdelay $0x4  }
0x119: {  	v46 =	vshll.u32 v3, $0x1  }
0x11a: {  	v3 =	vand.u32 $0x7, v3;
	v4 =	vand.u32 $0xFFFFFFF0, v46  }
0x11b: {  	v3 =	vor.u32 v3, v4  }
0x11c: {  	v4 =	vperm.xlane v3, v0;
	_ =	sdelay $0x1  }
0x11d: {  	v3 =	vperm.xlane v3, v2;
	v4 =	vadd.s32 v1, v4;
	_ =	sdelay $0x1  }
0x11e: {  	v3 =	vadd.s32 v1, v3;
	_ =	sdelay $0x2  }
0x11f: {  	[tilespmem:s13], [sflag:$0x4] =	stream.indirect_vreg.gather [hbm4b:s3+s2], $0x80, v4, vm0, $0xb8;
	[tilespmem:$0x15200] =	vst v63  }
0x120: {  	_ = 	snop  }
0x121: {  	[tilespmem:s14], [sflag:$0x4] =	stream.indirect_vreg.gather [hbm4b:s3+s2], $0x80, v3, vm0, $0xb8;
	[tilespmem:$0x15200] =	vst v63  }
0x122: {  	v3 =	vld [tilespmem:s19+$0x10];
	_ =	sdelay $0x4  }
0x123: {  	v47 =	vshll.u32 v3, $0x1  }
0x124: {  	v3 =	vand.u32 $0x7, v3;
	v4 =	vand.u32 $0xFFFFFFF0, v47  }
0x125: {  	v3 =	vor.u32 v3, v4  }
0x126: {  	v4 =	vperm.xlane v3, v0;
	_ =	sdelay $0x1  }
0x127: {  	v3 =	vperm.xlane v3, v2;
	v4 =	vadd.s32 v1, v4;
	_ =	sdelay $0x1  }
0x128: {  	v3 =	vadd.s32 v1, v3;
	_ =	sdelay $0x2  }
0x129: {  	[tilespmem:s15], [sflag:$0x4] =	stream.indirect_vreg.gather [hbm4b:s3+s2], $0x80, v4, vm0, $0xb8;
	[tilespmem:$0x15200] =	vst v63  }
0x12a: {  	_ = 	snop  }
0x12b: {  	[tilespmem:s26], [sflag:$0x4] =	stream.indirect_vreg.gather [hbm4b:s3+s2], $0x80, v3, vm0, $0xb8;
	[tilespmem:$0x15200] =	vst v63  }
0x12c: {  	v3 =	vld [tilespmem:s19+$0x20];
	_ =	sdelay $0x4  }
0x12d: {  	v48 =	vshll.u32 v3, $0x1  }
0x12e: {  	v3 =	vand.u32 $0x7, v3;
	v4 =	vand.u32 $0xFFFFFFF0, v48  }
0x12f: {  	v3 =	vor.u32 v3, v4  }
0x130: {  	v4 =	vperm.xlane v3, v0;
	_ =	sdelay $0x1  }
0x131: {  	v3 =	vperm.xlane v3, v2;
	v4 =	vadd.s32 v1, v4;
	_ =	sdelay $0x1  }
0x132: {  	v3 =	vadd.s32 v1, v3;
	_ =	sdelay $0x1  }
0x133: {  	s6 =	simm.s32 $0x13000  }
0x134: {  	[tilespmem:s6], [sflag:$0x4] =	stream.indirect_vreg.gather [hbm4b:s3+s2], $0x80, v4, vm0, $0xb8;
	[tilespmem:$0x15200] =	vst v63  }
0x135: {  	_ = 	snop  }
0x136: {  	[tilespmem:s16], [sflag:$0x4] =	stream.indirect_vreg.gather [hbm4b:s3+s2], $0x80, v3, vm0, $0xb8;
	[tilespmem:$0x15200] =	vst v63  }
0x137: {  	v3 =	vld [tilespmem:s19+$0x30];
	_ =	sdelay $0x4  }
0x138: {  	v49 =	vshll.u32 v3, $0x1  }
0x139: {  	v3 =	vand.u32 $0x7, v3;
	v4 =	vand.u32 $0xFFFFFFF0, v49  }
0x13a: {  	v3 =	vor.u32 v3, v4  }
0x13b: {  	v4 =	vperm.xlane v3, v0;
	_ =	sdelay $0x1  }
0x13c: {  	v3 =	vperm.xlane v3, v2;
	v4 =	vadd.s32 v1, v4;
	_ =	sdelay $0x1  }
0x13d: {  	v3 =	vadd.s32 v1, v3;
	_ =	sdelay $0x2  }
0x13e: {  	[tilespmem:s17], [sflag:$0x4] =	stream.indirect_vreg.gather [hbm4b:s3+s2], $0x80, v4, vm0, $0xb8;
	[tilespmem:$0x15200] =	vst v63  }
0x13f: {  	s25 =	simm.s32 $0x3  }
0x140: {  	[tilespmem:s18], [sflag:$0x4] =	stream.indirect_vreg.gather [hbm4b:s3+s2], $0x80, v3, vm0, $0xb8;
	[tilespmem:$0x15200] =	vst v63  }
0x141: {  	_ =	swait.ge [sflag:s25], $0x4000  }
0x142: {  	[sflag:s25] =	ssyncset.done $0x0  }
0x143: {  	[sflag:s25] =	ssyncadd.s32 $0xFFFFC000  }
0x144: {  	v3 =	vld [tilespmem:s20+$0x20];
	_ =	sdelay $0x4  }
0x145: {  	[tilespmem:$0x15100] =	vst v3  }
0x146: {  	v50 =	vld [tilespmem:s20+$0x30];
	_ =	sdelay $0x4  }
0x147: {  	[tilespmem:$0x15110] =	vst v50  }
0x148: {  	v4 =	vld [tilespmem:s20+$0x40];
	_ =	sdelay $0x1  }
0x149: {  	v51 =	vshll.u32 v3, $0x1  }
0x14a: {  	v3 =	vand.u32 $0x7, v3;
	v5 =	vand.u32 $0xFFFFFFF0, v51  }
0x14b: {  	v3 =	vor.u32 v3, v5  }
0x14c: {  	v52 =	vperm.xlane v3, v0;
	[tilespmem:$0x15120] =	vst v4  }
0x14d: {  	v53 =	vld [tilespmem:s20+$0x50]  }
0x14e: {  	v3 =	vperm.xlane v3, v2;
	v4 =	vadd.s32 v1, v52;
	_ =	sdelay $0x1  }
0x14f: {  	v3 =	vadd.s32 v1, v3;
	_ =	sdelay $0x1  }
0x150: {  	[tilespmem:$0x15130] =	vst v53  }
0x151: {  	[hbm4b:s4+s2] =	stream.indirect_vreg.scatter [tilespmem:s0], [sflag:$0x7], $0x80, v4, vm0, $0xb8;
	[tilespmem:$0x15200] =	vst v63  }
0x152: {  	_ = 	snop  }
0x153: {  	[hbm4b:s4+s2] =	stream.indirect_vreg.scatter [tilespmem:s9], [sflag:$0x7], $0x80, v3, vm0, $0xb8;
	[tilespmem:$0x15200] =	vst v63  }
0x154: {  	v3 =	vld [tilespmem:$0x15110];
	_ =	sdelay $0x4  }
0x155: {  	v54 =	vshll.u32 v3, $0x1  }
0x156: {  	v3 =	vand.u32 $0x7, v3;
	v4 =	vand.u32 $0xFFFFFFF0, v54  }
0x157: {  	v3 =	vor.u32 v3, v4  }
0x158: {  	v4 =	vperm.xlane v3, v0;
	_ =	sdelay $0x1  }
0x159: {  	v3 =	vperm.xlane v3, v2;
	v4 =	vadd.s32 v1, v4;
	_ =	sdelay $0x1  }
0x15a: {  	v3 =	vadd.s32 v1, v3;
	_ =	sdelay $0x2  }
0x15b: {  	[hbm4b:s4+s2] =	stream.indirect_vreg.scatter [tilespmem:s5], [sflag:$0x7], $0x80, v4, vm0, $0xb8;
	[tilespmem:$0x15200] =	vst v63  }
0x15c: {  	_ = 	snop  }
0x15d: {  	[hbm4b:s4+s2] =	stream.indirect_vreg.scatter [tilespmem:s7], [sflag:$0x7], $0x80, v3, vm0, $0xb8;
	[tilespmem:$0x15200] =	vst v63  }
0x15e: {  	v3 =	vld [tilespmem:$0x15120];
	_ =	sdelay $0x4  }
0x15f: {  	v55 =	vshll.u32 v3, $0x1  }
0x160: {  	v3 =	vand.u32 $0x7, v3;
	v4 =	vand.u32 $0xFFFFFFF0, v55  }
0x161: {  	v3 =	vor.u32 v3, v4  }
0x162: {  	v4 =	vperm.xlane v3, v0;
	_ =	sdelay $0x1  }
0x163: {  	v3 =	vperm.xlane v3, v2;
	v4 =	vadd.s32 v1, v4;
	_ =	sdelay $0x1  }
0x164: {  	v3 =	vadd.s32 v1, v3;
	_ =	sdelay $0x2  }
0x165: {  	[hbm4b:s4+s2] =	stream.indirect_vreg.scatter [tilespmem:s8], [sflag:$0x7], $0x80, v4, vm0, $0xb8;
	[tilespmem:$0x15200] =	vst v63  }
0x166: {  	_ = 	snop  }
0x167: {  	[hbm4b:s4+s2] =	stream.indirect_vreg.scatter [tilespmem:s10], [sflag:$0x7], $0x80, v3, vm0, $0xb8;
	[tilespmem:$0x15200] =	vst v63  }
0x168: {  	v3 =	vld [tilespmem:$0x15130];
	_ =	sdelay $0x4  }
0x169: {  	v56 =	vshll.u32 v3, $0x1  }
0x16a: {  	v3 =	vand.u32 $0x7, v3;
	v4 =	vand.u32 $0xFFFFFFF0, v56  }
0x16b: {  	v3 =	vor.u32 v3, v4  }
0x16c: {  	v4 =	vperm.xlane v3, v0;
	_ =	sdelay $0x1  }
0x16d: {  	v3 =	vperm.xlane v3, v2;
	v4 =	vadd.s32 v1, v4;
	_ =	sdelay $0x1  }
0x16e: {  	v3 =	vadd.s32 v1, v3;
	_ =	sdelay $0x1  }
0x16f: {  	p0 =	seq.s32 s21, $0x27C0  }
0x170: {  	[hbm4b:s4+s2] =	stream.indirect_vreg.scatter [tilespmem:s11], [sflag:$0x7], $0x80, v4, vm0, $0xb8;
	[tilespmem:$0x15200] =	vst v63  }
0x171: {  	s22 =	simm.s32 @!p0 $0x5  }
0x172: {  	[hbm4b:s4+s2] =	stream.indirect_vreg.scatter [tilespmem:s12], [sflag:$0x7], $0x80, v3, vm0, $0xb8;
	[tilespmem:$0x15200] =	vst v63  }
0x173: {  	_ =	swait.ge @!p0 [sflag:s22], $0x4000  }
0x174: {  	[sflag:s22] =	ssyncset.done @!p0 $0x0  }
0x175: {  	[sflag:s22] =	ssyncadd.s32 @!p0 $0xFFFFC000  }
0x176: {  	v3 =	vld @!p0 [tilespmem:s19+$0x40];
	_ =	sdelay $0x4  }
0x177: {  	v4 =	vshll.u32 @!p0 v3, $0x1  }
0x178: {  	v5 =	vlaneseq.u32 @!p0;
	v3 =	vand.u32 @!p0 $0x7, v3;
	v4 =	vand.u32 @!p0 $0xFFFFFFF0, v4  }
0x179: {  	v6 =	vshrl.u32 @!p0 v5, $0x3;
	v3 =	vor.u32 @!p0 v3, v4;
	v4 =	vand.u32 @!p0 $0x7, v5  }
0x17a: {  	v6 =	vmul.u32 @!p0 $0x8, v6;
	v7 =	vperm.xlane @!p0 v3, v4  }
0x17b: {  	v5 =	vor.u32 @!p0 $0x8, v5  }
0x17c: {  	v3 =	vperm.xlane @!p0 v3, v5;
	v7 =	vadd.s32 @!p0 v6, v7;
	_ =	sdelay $0x1  }
0x17d: {  	v3 =	vadd.s32 @!p0 v6, v3;
	_ =	sdelay $0x1  }
0x17e: {  	vm1 =	vmmov @!p0 $0xffff;
	s23 =	simm.s32 @!p0 $0x5000;
	s22 =	simm.s32 @!p0 $0x0  }
0x17f: {  	[tilespmem:s23], [sflag:$0x1] =	stream.indirect_vreg.gather @!p0 [hbm4b:s3+s22], $0x80, v7, vm1, $0xb8;
	[tilespmem:$0x15200] =	vst v63  }
0x180: {  	s23 =	simm.s32 @!p0 $0x5800  }
0x181: {  	[tilespmem:s23], [sflag:$0x1] =	stream.indirect_vreg.gather @!p0 [hbm4b:s3+s22], $0x80, v3, vm1, $0xb8;
	[tilespmem:$0x15200] =	vst v63  }
0x182: {  	v3 =	vld @!p0 [tilespmem:s19+$0x50];
	_ =	sdelay $0x4  }
0x183: {  	v7 =	vshll.u32 @!p0 v3, $0x1  }
0x184: {  	v3 =	vand.u32 @!p0 $0x7, v3;
	v7 =	vand.u32 @!p0 $0xFFFFFFF0, v7  }
0x185: {  	v3 =	vor.u32 @!p0 v3, v7  }
0x186: {  	v7 =	vperm.xlane @!p0 v3, v4;
	_ =	sdelay $0x1  }
0x187: {  	v3 =	vperm.xlane @!p0 v3, v5;
	v7 =	vadd.s32 @!p0 v6, v7;
	_ =	sdelay $0x1  }
0x188: {  	v3 =	vadd.s32 @!p0 v6, v3;
	_ =	sdelay $0x1  }
0x189: {  	s23 =	simm.s32 @!p0 $0x6000  }
0x18a: {  	[tilespmem:s23], [sflag:$0x1] =	stream.indirect_vreg.gather @!p0 [hbm4b:s3+s22], $0x80, v7, vm1, $0xb8;
	[tilespmem:$0x15200] =	vst v63  }
0x18b: {  	s23 =	simm.s32 @!p0 $0x6800  }
0x18c: {  	[tilespmem:s23], [sflag:$0x1] =	stream.indirect_vreg.gather @!p0 [hbm4b:s3+s22], $0x80, v3, vm1, $0xb8;
	[tilespmem:$0x15200] =	vst v63  }
0x18d: {  	v3 =	vld @!p0 [tilespmem:s19+$0x60];
	_ =	sdelay $0x4  }
0x18e: {  	v7 =	vshll.u32 @!p0 v3, $0x1  }
0x18f: {  	v3 =	vand.u32 @!p0 $0x7, v3;
	v7 =	vand.u32 @!p0 $0xFFFFFFF0, v7  }
0x190: {  	v3 =	vor.u32 @!p0 v3, v7  }
0x191: {  	v7 =	vperm.xlane @!p0 v3, v4;
	_ =	sdelay $0x1  }
0x192: {  	v3 =	vperm.xlane @!p0 v3, v5;
	v7 =	vadd.s32 @!p0 v6, v7;
	_ =	sdelay $0x1  }
0x193: {  	v3 =	vadd.s32 @!p0 v6, v3;
	_ =	sdelay $0x1  }
0x194: {  	s23 =	simm.s32 @!p0 $0x7000  }
0x195: {  	[tilespmem:s23], [sflag:$0x1] =	stream.indirect_vreg.gather @!p0 [hbm4b:s3+s22], $0x80, v7, vm1, $0xb8;
	[tilespmem:$0x15200] =	vst v63  }
0x196: {  	s23 =	simm.s32 @!p0 $0x7800  }
0x197: {  	[tilespmem:s23], [sflag:$0x1] =	stream.indirect_vreg.gather @!p0 [hbm4b:s3+s22], $0x80, v3, vm1, $0xb8;
	[tilespmem:$0x15200] =	vst v63  }
0x198: {  	v3 =	vld @!p0 [tilespmem:s19+$0x70];
	_ =	sdelay $0x4  }
0x199: {  	v7 =	vshll.u32 @!p0 v3, $0x1  }
0x19a: {  	v3 =	vand.u32 @!p0 $0x7, v3;
	v7 =	vand.u32 @!p0 $0xFFFFFFF0, v7  }
0x19b: {  	v3 =	vor.u32 @!p0 v3, v7  }
0x19c: {  	v4 =	vperm.xlane @!p0 v3, v4;
	_ =	sdelay $0x1  }
0x19d: {  	v3 =	vperm.xlane @!p0 v3, v5;
	v4 =	vadd.s32 @!p0 v6, v4;
	_ =	sdelay $0x1  }
0x19e: {  	v3 =	vadd.s32 @!p0 v6, v3;
	_ =	sdelay $0x1  }
0x19f: {  	s23 =	simm.s32 @!p0 $0x8000  }
0x1a0: {  	[tilespmem:s23], [sflag:$0x1] =	stream.indirect_vreg.gather @!p0 [hbm4b:s3+s22], $0x80, v4, vm1, $0xb8;
	[tilespmem:$0x15200] =	vst v63  }
0x1a1: {  	s23 =	simm.s32 @!p0 $0x8800  }
0x1a2: {  	[tilespmem:s23], [sflag:$0x1] =	stream.indirect_vreg.gather @!p0 [hbm4b:s3+s22], $0x80, v3, vm1, $0xb8;
	[tilespmem:$0x15200] =	vst v63  }
0x1a3: {  	s22 =	simm.s32 $0x4  }
0x1a4: {  	_ =	swait.ge [sflag:s22], $0x4000  }
0x1a5: {  	[sflag:s22] =	ssyncset.done $0x0  }
0x1a6: {  	[sflag:s22] =	ssyncadd.s32 $0xFFFFC000  }
0x1a7: {  	v3 =	vld [tilespmem:s20+$0x60];
	_ =	sdelay $0x4  }
0x1a8: {  	s23 =	sor.u32 $0x50, s21;
	[tilespmem:$0x15180] =	vst v3  }
0x1a9: {  	v57 =	vld [tilespmem:s23+$0x2800];
	_ =	sdelay $0x4  }
0x1aa: {  	s5 =	sor.u32 $0x60, s21;
	[tilespmem:$0x15190] =	vst v57  }
0x1ab: {  	v4 =	vld [tilespmem:s5+$0x2800];
	_ =	sdelay $0x1  }
0x1ac: {  	v58 =	vshll.u32 v3, $0x1  }
0x1ad: {  	v3 =	vand.u32 $0x7, v3;
	v5 =	vand.u32 $0xFFFFFFF0, v58  }
0x1ae: {  	v3 =	vor.u32 v3, v5  }
0x1af: {  	s23 =	sor.u32 $0x70, s21;
	v59 =	vperm.xlane v3, v0;
	[tilespmem:$0x151A0] =	vst v4  }
0x1b0: {  	v60 =	vld [tilespmem:s23+$0x2800]  }
0x1b1: {  	v3 =	vperm.xlane v3, v2;
	v4 =	vadd.s32 v1, v59;
	_ =	sdelay $0x1  }
0x1b2: {  	v3 =	vadd.s32 v1, v3;
	_ =	sdelay $0x1  }
0x1b3: {  	[tilespmem:$0x151B0] =	vst v60  }
0x1b4: {  	[hbm4b:s4+s2] =	stream.indirect_vreg.scatter [tilespmem:s13], [sflag:$0x8], $0x80, v4, vm0, $0xb8;
	[tilespmem:$0x15200] =	vst v63  }
0x1b5: {  	_ = 	snop  }
0x1b6: {  	[hbm4b:s4+s2] =	stream.indirect_vreg.scatter [tilespmem:s14], [sflag:$0x8], $0x80, v3, vm0, $0xb8;
	[tilespmem:$0x15200] =	vst v63  }
0x1b7: {  	v3 =	vld [tilespmem:$0x15190];
	_ =	sdelay $0x4  }
0x1b8: {  	v61 =	vshll.u32 v3, $0x1  }
0x1b9: {  	v3 =	vand.u32 $0x7, v3;
	v4 =	vand.u32 $0xFFFFFFF0, v61  }
0x1ba: {  	v3 =	vor.u32 v3, v4  }
0x1bb: {  	v4 =	vperm.xlane v3, v0;
	_ =	sdelay $0x1  }
0x1bc: {  	v3 =	vperm.xlane v3, v2;
	v4 =	vadd.s32 v1, v4;
	_ =	sdelay $0x1  }
0x1bd: {  	v3 =	vadd.s32 v1, v3;
	_ =	sdelay $0x2  }
0x1be: {  	[hbm4b:s4+s2] =	stream.indirect_vreg.scatter [tilespmem:s15], [sflag:$0x8], $0x80, v4, vm0, $0xb8;
	[tilespmem:$0x15200] =	vst v63  }
0x1bf: {  	_ = 	snop  }
0x1c0: {  	[hbm4b:s4+s2] =	stream.indirect_vreg.scatter [tilespmem:s26], [sflag:$0x8], $0x80, v3, vm0, $0xb8;
	[tilespmem:$0x15200] =	vst v63  }
0x1c1: {  	v3 =	vld [tilespmem:$0x151A0];
	_ =	sdelay $0x4  }
0x1c2: {  	v62 =	vshll.u32 v3, $0x1  }
0x1c3: {  	v3 =	vand.u32 $0x7, v3;
	v4 =	vand.u32 $0xFFFFFFF0, v62  }
0x1c4: {  	v3 =	vor.u32 v3, v4  }
0x1c5: {  	v4 =	vperm.xlane v3, v0;
	_ =	sdelay $0x1  }
0x1c6: {  	v3 =	vperm.xlane v3, v2;
	v4 =	vadd.s32 v1, v4;
	_ =	sdelay $0x1  }
0x1c7: {  	v3 =	vadd.s32 v1, v3;
	_ =	sdelay $0x2  }
0x1c8: {  	[hbm4b:s4+s2] =	stream.indirect_vreg.scatter [tilespmem:s6], [sflag:$0x8], $0x80, v4, vm0, $0xb8;
	[tilespmem:$0x15200] =	vst v63  }
0x1c9: {  	_ = 	snop  }
0x1ca: {  	[hbm4b:s4+s2] =	stream.indirect_vreg.scatter [tilespmem:s16], [sflag:$0x8], $0x80, v3, vm0, $0xb8;
	[tilespmem:$0x15200] =	vst v63  }
0x1cb: {  	v3 =	vld [tilespmem:$0x151B0];
	_ =	sdelay $0x4  }
0x1cc: {  	v63 =	vshll.u32 v3, $0x1  }
0x1cd: {  	v3 =	vand.u32 $0x7, v3;
	v4 =	vand.u32 $0xFFFFFFF0, v63  }
0x1ce: {  	v3 =	vor.u32 v3, v4  }
0x1cf: {  	v4 =	vperm.xlane v3, v0;
	_ =	sdelay $0x1  }
0x1d0: {  	v3 =	vperm.xlane v3, v2;
	v4 =	vadd.s32 v1, v4;
	_ =	sdelay $0x1  }
0x1d1: {  	v3 =	vadd.s32 v1, v3  }
.Ltmp2:
0x1d2: {  	s24 =	simm.s32 $0x9000;
	s28 =	simm.s32 $0xA000;
	(pc) =	sbr.rel @p0 .LBB2_4-.Ltmp2, $4  }
0x1d3: {  	s29 =	simm.s32 $0xA800;
	s30 =	simm.s32 $0xB000;
	s31 =	simm.s32 $0xB800  }
0x1d4: {  	[hbm4b:s4+s2] =	stream.indirect_vreg.scatter [tilespmem:s17], [sflag:$0x8], $0x80, v4, vm0, $0xb8;
	[tilespmem:$0x15200] =	vst v63  }
0x1d5: {  	s1 =	simm.s32 $0xC000;
	s25 =	simm.s32 $0x9800;
	s0 =	simm.s32 $0xC800  }
0x1d6: {  	[hbm4b:s4+s2] =	stream.indirect_vreg.scatter [tilespmem:s18], [sflag:$0x8], $0x80, v3, vm0, $0xb8;
	[tilespmem:$0x15200] =	vst v63  }
0x1d7: {  	s5 =	simm.s32 $0x6  }
0x1d8: {  	_ =	swait.ge [sflag:s5], $0x4000  }
0x1d9: {  	[sflag:s5] =	ssyncset.done $0x0  }
0x1da: {  	[sflag:s5] =	ssyncadd.s32 $0xFFFFC000  }
0x1db: {  	v3 =	vld [tilespmem:s19+$0x80];
	_ =	sdelay $0x4  }
0x1dc: {  	v4 =	vshll.u32 v3, $0x1  }
0x1dd: {  	v3 =	vand.u32 $0x7, v3;
	v4 =	vand.u32 $0xFFFFFFF0, v4  }
0x1de: {  	v3 =	vor.u32 v3, v4  }
0x1df: {  	v4 =	vperm.xlane v3, v0;
	_ =	sdelay $0x1  }
0x1e0: {  	v3 =	vperm.xlane v3, v2;
	v4 =	vadd.s32 v1, v4;
	_ =	sdelay $0x1  }
0x1e1: {  	v3 =	vadd.s32 v1, v3;
	_ =	sdelay $0x2  }
0x1e2: {  	[tilespmem:s24], [sflag:$0x2] =	stream.indirect_vreg.gather [hbm4b:s3+s2], $0x80, v4, vm0, $0xb8;
	[tilespmem:$0x15200] =	vst v63  }
0x1e3: {  	_ = 	snop  }
0x1e4: {  	[tilespmem:s25], [sflag:$0x2] =	stream.indirect_vreg.gather [hbm4b:s3+s2], $0x80, v3, vm0, $0xb8;
	[tilespmem:$0x15200] =	vst v63  }
0x1e5: {  	v3 =	vld [tilespmem:s19+$0x90];
	_ =	sdelay $0x4  }
0x1e6: {  	v61 =	vshll.u32 v3, $0x1  }
0x1e7: {  	v3 =	vand.u32 $0x7, v3;
	v4 =	vand.u32 $0xFFFFFFF0, v61  }
0x1e8: {  	v3 =	vor.u32 v3, v4  }
0x1e9: {  	v4 =	vperm.xlane v3, v0;
	_ =	sdelay $0x1  }
0x1ea: {  	v3 =	vperm.xlane v3, v2;
	v4 =	vadd.s32 v1, v4;
	_ =	sdelay $0x1  }
0x1eb: {  	v3 =	vadd.s32 v1, v3;
	_ =	sdelay $0x2  }
0x1ec: {  	[tilespmem:s28], [sflag:$0x2] =	stream.indirect_vreg.gather [hbm4b:s3+s2], $0x80, v4, vm0, $0xb8;
	[tilespmem:$0x15200] =	vst v63  }
0x1ed: {  	_ = 	snop  }
0x1ee: {  	[tilespmem:s29], [sflag:$0x2] =	stream.indirect_vreg.gather [hbm4b:s3+s2], $0x80, v3, vm0, $0xb8;
	[tilespmem:$0x15200] =	vst v63  }
0x1ef: {  	v3 =	vld [tilespmem:s19+$0xA0];
	_ =	sdelay $0x4  }
0x1f0: {  	v62 =	vshll.u32 v3, $0x1  }
0x1f1: {  	v3 =	vand.u32 $0x7, v3;
	v4 =	vand.u32 $0xFFFFFFF0, v62  }
0x1f2: {  	v3 =	vor.u32 v3, v4  }
0x1f3: {  	v4 =	vperm.xlane v3, v0;
	_ =	sdelay $0x1  }
0x1f4: {  	v3 =	vperm.xlane v3, v2;
	v4 =	vadd.s32 v1, v4;
	_ =	sdelay $0x1  }
0x1f5: {  	v3 =	vadd.s32 v1, v3;
	_ =	sdelay $0x2  }
0x1f6: {  	[tilespmem:s30], [sflag:$0x2] =	stream.indirect_vreg.gather [hbm4b:s3+s2], $0x80, v4, vm0, $0xb8;
	[tilespmem:$0x15200] =	vst v63  }
0x1f7: {  	_ = 	snop  }
0x1f8: {  	[tilespmem:s31], [sflag:$0x2] =	stream.indirect_vreg.gather [hbm4b:s3+s2], $0x80, v3, vm0, $0xb8;
	[tilespmem:$0x15200] =	vst v63  }
0x1f9: {  	v3 =	vld [tilespmem:s19+$0xB0];
	_ =	sdelay $0x4  }
0x1fa: {  	v63 =	vshll.u32 v3, $0x1  }
0x1fb: {  	v3 =	vand.u32 $0x7, v3;
	v4 =	vand.u32 $0xFFFFFFF0, v63  }
0x1fc: {  	v3 =	vor.u32 v3, v4  }
0x1fd: {  	v4 =	vperm.xlane v3, v0;
	_ =	sdelay $0x1  }
0x1fe: {  	v3 =	vperm.xlane v3, v2;
	v4 =	vadd.s32 v1, v4;
	_ =	sdelay $0x1  }
0x1ff: {  	s21 =	sadd.s32 $0x100, s21;
	s20 =	sadd.s32 $0x100, s20;
	s23 =	simm.s32 $0x9000;
	v3 =	vadd.s32 v1, v3  }
.Ltmp3:
0x200: {  	s24 =	simm.s32 $0x9800;
	s25 =	simm.s32 $0xA000;
	(pc) =	sbr.rel .LBB2_2-.Ltmp3, $4  }
0x201: {  	s28 =	simm.s32 $0xA800;
	s29 =	simm.s32 $0xB000;
	s30 =	simm.s32 $0xB800  }
0x202: {  	[tilespmem:s1], [sflag:$0x2] =	stream.indirect_vreg.gather [hbm4b:s3+s2], $0x80, v4, vm0, $0xb8;
	[tilespmem:$0x15200] =	vst v63  }
0x203: {  	s31 =	simm.s32 $0xC000;
	s19 =	sadd.s32 $0x100, s19;
	s1 =	simm.s32 $0xC800  }
0x204: {  	[tilespmem:s0], [sflag:$0x2] =	stream.indirect_vreg.gather [hbm4b:s3+s2], $0x80, v3, vm0, $0xb8;
	[tilespmem:$0x15200] =	vst v63  }
.LBB2_5:
0x205: {  	_ =	sfence.sel $0x180000  }
0x206: {  	[bflag:$0x0] =	sbarrier.arrive $0xFFFF  }
0x207: {  	_ =	strace $0x90000056  }
0x208: {  	s0 =	stileid.u32;
	[bflag:$0x2] =	sbarrier.arrive $0xFFFF  }
0x209: {  	p0 =	sne.s32 s0, $0x0;
	s0 =	rddreg [dreg:$0x1]  }
0x20a: {  	s0 =	sadd.s32 @!p0 $0x100000, s0  }
0x20b: {  	[sflag:s0] =	ssyncadd.tile.s32 @!p0 $0x1;
	_ =	shalt  }
.Lfunc_end2:
_tile_overlayer_lowered:
.L_overlay_start_2:
0x20c: {  	(tag) =	ssettag $0x2  }
0x20d: {  	s0 =	rddreg [dreg:$0x0];
	s2 =	stileid.u32  }
0x20e: {  	s1 =	rddreg [dreg:$0x1];
	p0 =	sne.s32 s2, $0x0  }
0x20f: {  	s3 =	rddreg [dreg:$0x2];
	[bflag:$0x3] =	sbarrier.arrive $0xFFFF;
	s2 =	simm.s32 @!p0 $0x1C09  }
0x210: {  	[timem:s3], [sflag:s2] =	dma.local @!p0 [hbm:s0], s1  }
0x211: {  	s0 =	simm.s32 @!p0 $0x9  }
0x212: {  	_ =	swait.ge @!p0 [sflag:s0], s1  }
0x213: {  	s1 =	ssub.s32 @!p0 $0x0, s1;
	[sflag:s0] =	ssyncset.done @!p0 $0x0  }
0x214: {  	[sflag:s0] =	ssyncadd.s32 @!p0 s1  }
0x215: {  	[bflag:$0x3] =	sbarrier.arrive $0xFFFF  }
0x216: {  	_ =	shalt  }

// kernel: kernel.21.cloned.1.call-start
scs
__scs_entry_jumppad:
0x0: {  	(pc) =	sbr.rel $0x88, $3  }
0x1: {  	(tag) =	ssettag $0x0;
	lr =	simm.s32 $0x1  }
0x2: {  	[smem:$0x3F91] =	sst lr;
	_ =	strace $0xD0000000  }
0x3: {  	_ = 	snop  }
0x4: {  	_ = 	snop  }
0x5: {  	_ = 	snop  }
0x6: {  	_ = 	snop  }
0x7: {  	_ = 	snop  }
__scs_overlays_trampoline_lowered:
0x8: {  	[smem:$0x3FA0] =	sst s0  }
0x9: {  	[smem:$0x3FA1] =	sst s1  }
0xa: {  	[smem:$0x3FA2] =	sst s2  }
0xb: {  	[smem:$0x3FA3] =	sst s3  }
0xc: {  	[smem:$0x3FA4] =	sst s4  }
0xd: {  	[smem:$0x3FA5] =	sst s5  }
0xe: {  	[smem:$0x3FA6] =	sst s6  }
0xf: {  	[smem:$0x3FA7] =	sst s7  }
0x10: {  	[smem:$0x3FA8] =	sst s8  }
0x11: {  	[smem:$0x3FA9] =	sst s9;
	s0 =	simm.s32 @!p0 $0x0  }
0x12: {  	s1 =	sld [smem:$0x3F8F];
	s0 =	simm.s32 @p0 $0x1  }
0x13: {  	[smem:$0x3FAA] =	sst s0;
	s0 =	simm.s32 @!p1 $0x0  }
0x14: {  	s2 =	sld [smem:$0x3F8E];
	s0 =	simm.s32 @p1 $0x1  }
0x15: {  	[smem:$0x3FAB] =	sst s0;
	s0 =	simm.s32 @!p2 $0x0  }
0x16: {  	s3 =	sld [smem:$0x3FDB];
	s0 =	simm.s32 @p2 $0x1  }
0x17: {  	s4 =	simm.s32 $0x1BF5;
	[smem:$0x3FAD] =	sst s0  }
0x18: {  	s0 =	sld [smem:$0x3F90];
	_ =	swait.ge [sflag:s4], $0x0  }
0x19: {  	s7 =	sld [smem:$0x3F91]  }
0x1a: {  	s8 =	sadd.s32 $0xFFFFE003, lr  }
0x1b: {  	s9 =	sadd.s32 $0xFFFFFEF7, lr;
	s5 =	simm.s32 $0xFFFFFFFF;
	p2 =	slt.u32 s8, $0xFFFFF086  }
0x1c: {  	p1 =	slt.u32 s9, $0xF7A;
	s5 =	simm.s32 @!p2 $0x0  }
0x1d: {  	s5 =	simm.s32 @p1 $0x1;
	p0 =	seq.s32 s7, s2  }
0x1e: {  	s7 =	smul.u32 @!p0 $0xF7A, s2;
	p2 =	seq.s32 @!p0 s5, $0x0  }
0x1f: {  	s9 =	smul.u32 $0xF7A, s1;
	s8 =	simm.s32 @!p0 $0x1BF5;
	p2 =	por !p2, p0  }
0x20: {  	[sflag:s8] =	ssyncset.s32 @!p0 $0xFFFFF086;
	s6 =	sadd.s32 @!p0 s3, s7;
	s7 =	simm.s32 @!p0 $0x108  }
0x21: {  	s3 =	sadd.s32 s3, s9;
	s6 =	sadd.s32 @!p0 $0x88, s6;
	s7 =	simm.s32 @p2 $0x1082  }
0x22: {  	[simem:s7], [sflag:s8] =	dma.local @!p0 [hbm:s6], $0xF7A  }
0x23: {  	s9 =	sor.u32 $0xD0000000, s2;
	s6 =	simm.s32 $0x108;
	_ =	swait.ge @!p0 [sflag:s8], $0x0  }
0x24: {  	s3 =	sadd.s32 $0x88, s3;
	s6 =	simm.s32 @!p1 $0x1082;
	[sflag:s4] =	ssyncset.s32 $0xFFFFF086  }
0x25: {  	[simem:s6], [sflag:s4] =	dma.local [hbm:s3], $0xF7A  }
0x26: {  	[smem:$0x3F91] =	sst s1;
	(tag) =	ssettag s2;
	_ =	strace s9  }
0x27: {  	s1 =	sld [smem:$0x3FA1]  }
0x28: {  	s2 =	sld [smem:$0x3FA2]  }
0x29: {  	s4 =	sld [smem:$0x3FA4]  }
0x2a: {  	p0 =	seq.s32 s5, $0x0;
	s5 =	sld [smem:$0x3FA5]  }
0x2b: {  	s6 =	sld [smem:$0x3FA6]  }
0x2c: {  	s7 =	sld [smem:$0x3FA7]  }
0x2d: {  	s3 =	simm.s32 $0x108;
	s8 =	sld [smem:$0x3FA8]  }
0x2e: {  	s3 =	simm.s32 @!p0 $0x1082;
	s9 =	sld [smem:$0x3FA9]  }
0x2f: {  	lr =	sadd.s32 s0, s3;
	s0 =	sld [smem:$0x3FA0]  }
0x30: {  	s3 =	sld [smem:$0x3FA3]  }
0x31: {  	[smem:$0x3FAC] =	sst s10  }
0x32: {  	s10 =	sld [smem:$0x3FAA];
	_ =	sdelay $0x3  }
0x33: {  	p0 =	seq.s32 s10, $0x1;
	s10 =	sld [smem:$0x3FAC];
	_ =	sdelay $0x3  }
0x34: {  	[smem:$0x3FAC] =	sst s10  }
0x35: {  	s10 =	sld [smem:$0x3FAB];
	_ =	sdelay $0x3  }
0x36: {  	p1 =	seq.s32 s10, $0x1;
	s10 =	sld [smem:$0x3FAC];
	_ =	sdelay $0x3  }
0x37: {  	[smem:$0x3FAC] =	sst s10  }
0x38: {  	s10 =	sld [smem:$0x3FAD]  }
0x39: {  	_ = 	snop;
	(pc) =	sbr.ind lr, $3  }
0x3a: {  	_ = 	snop  }
0x3b: {  	_ = 	snop  }
0x3c: {  	p2 =	seq.s32 s10, $0x1;
	s10 =	sld [smem:$0x3FAC]  }
0x3d: {  	_ =	shalt  }
0x3e: {  	_ =	shalt  }
0x3f: {  	_ =	shalt  }
0x40: {  	_ =	shalt  }
0x41: {  	_ =	shalt  }
0x42: {  	_ =	shalt  }
0x43: {  	_ =	shalt  }
0x44: {  	_ =	shalt  }
0x45: {  	_ =	shalt  }
0x46: {  	_ =	shalt  }
0x47: {  	_ =	shalt  }
0x48: {  	_ =	shalt  }
0x49: {  	_ =	shalt  }
0x4a: {  	_ =	shalt  }
0x4b: {  	_ =	shalt  }
0x4c: {  	_ =	shalt  }
0x4d: {  	_ =	shalt  }
0x4e: {  	_ =	shalt  }
0x4f: {  	_ =	shalt  }
0x50: {  	_ =	shalt  }
0x51: {  	_ =	shalt  }
0x52: {  	_ =	shalt  }
0x53: {  	_ =	shalt  }
0x54: {  	_ =	shalt  }
0x55: {  	_ =	shalt  }
0x56: {  	_ =	shalt  }
0x57: {  	_ =	shalt  }
0x58: {  	_ =	shalt  }
0x59: {  	_ =	shalt  }
0x5a: {  	_ =	shalt  }
0x5b: {  	_ =	shalt  }
0x5c: {  	_ =	shalt  }
0x5d: {  	_ =	shalt  }
0x5e: {  	_ =	shalt  }
0x5f: {  	_ =	shalt  }
0x60: {  	_ =	shalt  }
0x61: {  	_ =	shalt  }
0x62: {  	_ =	shalt  }
0x63: {  	_ =	shalt  }
0x64: {  	_ =	shalt  }
0x65: {  	_ =	shalt  }
0x66: {  	_ =	shalt  }
0x67: {  	_ =	shalt  }
0x68: {  	_ =	shalt  }
0x69: {  	_ =	shalt  }
0x6a: {  	_ =	shalt  }
0x6b: {  	_ =	shalt  }
0x6c: {  	_ =	shalt  }
0x6d: {  	_ =	shalt  }
0x6e: {  	_ =	shalt  }
0x6f: {  	_ =	shalt  }
0x70: {  	_ =	shalt  }
0x71: {  	_ =	shalt  }
0x72: {  	_ =	shalt  }
0x73: {  	_ =	shalt  }
0x74: {  	_ =	shalt  }
0x75: {  	_ =	shalt  }
0x76: {  	_ =	shalt  }
0x77: {  	_ =	shalt  }
0x78: {  	_ =	shalt  }
0x79: {  	_ =	shalt  }
0x7a: {  	_ =	shalt  }
0x7b: {  	_ =	shalt  }
0x7c: {  	_ =	shalt  }
0x7d: {  	_ =	shalt  }
0x7e: {  	_ =	shalt  }
0x7f: {  	_ =	shalt  }
0x80: {  	_ =	shalt  }
0x81: {  	_ =	shalt  }
0x82: {  	_ =	shalt  }
0x83: {  	_ =	shalt  }
0x84: {  	_ =	shalt  }
0x85: {  	_ =	shalt  }
0x86: {  	_ =	shalt  }
0x87: {  	_ =	shalt  }
.Lfunc_end0:
.L_simem_size_0:
called_computation.6_lowered:
.L_overlay_start_0:
0x88: {  	s2 =	sld [smem:$0x3FD9]  }
0x89: {  	s3 =	sld [smem:$0x3FFE];
	_ =	sdelay $0x1  }
0x8a: {  	s1 =	srdreg.scid  }
0x8b: {  	s0 =	sand.u32 $0x1, s1  }
0x8c: {  	s16 =	sshll.u32 s0, $0xA;
	s2 =	sadd.s32 s3, s2  }
0x8d: {  	s2 =	sadd.s32 s2, s16  }
0x8e: {  	[smem:$0x3FB8] =	sst s2  }
0x8f: {  	_ = 	snop  }
0x90: {  	(tm) =	ssettm $0x1  }
0x91: {  	s17 =	sld [smem:$0x3FFB];
	_ =	sdelay $0x3  }
0x92: {  	_ =	strace s17  }
0x93: {  	s2 =	sld [smem:$0x3FFC];
	_ =	sdelay $0x3  }
0x94: {  	_ =	strace s2  }
0x95: {  	s2 =	sld [smem:$0x3FFD];
	_ =	sdelay $0x3  }
0x96: {  	_ =	strace s2  }
0x97: {  	_ =	strace $0x8FFFFFFF  }
0x98: {  	s18 =	sld [smem:$0x3FDB];
	_ =	sdelay $0x1  }
0x99: {  	s19 =	simm.s32 $_scs_section_size  }
0x9a: {  	s4 =	simm.s32 $_size__tile_overlayer_lowered;
	s5 =	simm.s32 $_tile_overlayer_lowered  }
0x9b: {  	s22 =	simm.s32 $0x1BFF;
	s21 =	sshll.u32 s5, $0x1;
	s2 =	sadd.s32 s19, s18  }
0x9c: {  	s6 =	simm.s32 $0x0;
	s20 =	sshll.u32 s4, $0x1;
	s4 =	sadd.s32 s21, s2  }
0x9d: {  	[timem:s6], [sflag:s22] =	dma.local [hbm:s4], s20  }
0x9e: {  	_ =	swait.ge [sflag:s22], s20  }
0x9f: {  	s3 =	ssub.s32 $0x0, s20;
	[sflag:s22] =	ssyncset.done $0x0  }
0xa0: {  	[sflag:s22] =	ssyncadd.s32 s3;
	_ =	sdelay $0x1  }
0xa1: {  	s23 =	simm.s32 $0x1B8B  }
0xa2: {  	_ =	swait.ge [sflag:s23], $0x1  }
0xa3: {  	[sflag:s23] =	ssyncset.done $0x0  }
0xa4: {  	s25 =	simm.s32 $0x1B8E;
	s24 =	sld [smem:$0x3FFE];
	[sflag:s23] =	ssyncadd.s32 $0xFFFFFFFF  }
0xa5: {  	s26 =	simm.s32 $execute0_lowered;
	[smem:$0x3FD2] =	sst s25  }
0xa6: {  	s4 =	sshll.u32 s26, $0x1;
	_ =	strace $0x80000058;
	[dreg:$0x1] =	wrdreg $0xFFFFFFFF  }
0xa7: {  	s28 =	simm.s32 $_size_execute0_lowered;
	s2 =	sadd.s32 s2, s4;
	[dreg:$0x0] =	wrdreg $0x0  }
0xa8: {  	s4 =	sshll.u32 s28, $0x1;
	[dreg:$0x2] =	wrdreg s2  }
0xa9: {  	[dreg:$0x3] =	wrdreg s4  }
0xaa: {  	[dreg:$0x4] =	wrdreg $0xC0  }
0xab: {  	_ =	task [dreg:s6], $0x5FFFF  }
0xac: {  	[dreg:$0x1] =	wrdreg $0xFFFFFFFF  }
0xad: {  	[dreg:$0x0] =	wrdreg $0x60  }
0xae: {  	[dreg:$0x2] =	wrdreg s24  }
0xaf: {  	[dreg:$0x3] =	wrdreg $0x9  }
0xb0: {  	_ =	task.clear_ibuf [dreg:s6], $0x4FFFF;
	_ =	strace $0x90000058  }
0xb1: {  	s29 =	simm.s32 $0x9;
	_ =	strace $0x8000005A  }
0xb2: {  	_ =	swait.ge [sflag:s29], $0x1  }
0xb3: {  	[sflag:s29] =	ssyncadd.s32 $0xFFFFFFFF  }
0xb4: {  	_ =	strace $0x9000005A  }
0xb5: {  	_ =	sfence  }
0xb6: {  	s30 =	sld [smem:$0x0];
	_ =	sdelay $0x2  }
0xb7: {  	s31 =	sshll.u32 s1, $0xD;
	s1 =	sshrl.u32 s1, $0x2  }
0xb8: {  	s3 =	sand.u32 $0x4000, s31;
	s1 =	sadd.s32 s1, s30  }
0xb9: {  	s0 =	sor.u32 s3, s0;
	s1 =	sshll.u32 s1, $0x11  }
0xba: {  	s0 =	sor.u32 s1, s0  }
0xbb: {  	s0 =	sadd.s32 $0x8F2B, s0  }
0xbc: {  	[sflag:s0] =	ssyncadd.remote.s32 $0x1  }
0xbd: {  	_ =	sfence.sel $0xFFFF  }
0xbe: {  	[dreg:$0x0] =	wrdreg $0xFFFFFFFF;
	(pc) =	sbr.abs _section_cstart, $3  }
0xbf: {  	[dreg:$0x1] =	wrdreg $0xFFFFFFFF  }
0xc0: {  	_ =	task.clear_ibuf [dreg:s6], $0x2FFFF;
	_ =	strace $0x9FFFFFFF  }
0xc1: {  	(tm) =	ssettm $0x7FFFFFFF  }
tec
execute0_lowered:
.L_overlay_start_1:
0x0: {  	(tag) =	ssettag $0x1  }
0x1: {  	s1 =	srdreg.scid;
	s0 =	stileid.u32  }
0x2: {  	s19 =	sand.u32 $0x1, s1;
	s30 =	sshll.u32 s0, $0x1  }
0x3: {  	s15 =	sor.u32 s19, s30  }
0x4: {  	s14 =	rddreg [dreg:$0x0];
	s3 =	smul.u32 $0x28, s15  }
0x5: {  	s2 =	simm.s32 $0x0;
	s1 =	rddreg [dreg:$0x1]  }
0x6: {  	[smem:$0x7FF] =	sst s2;
	s3 =	sadd.s32 s3, s14  }
0x7: {  	_ =	strace $0x80000059;
	s4 =	sadd.s32 $0x600, s3;
	s3 =	simm.s32 $0x5  }
0x8: {  	[tilespmem:s2], [sflag:$0x5] =	stream.linear.gather [hbm4b:s4+s2], $0x140, $0x38;
	[tilespmem:$0xA180] =	vst v63  }
0x9: {  	_ =	swait.ge [sflag:s3], $0x140  }
0xa: {  	s6 =	simm.s32 $0x50;
	[sflag:s3] =	ssyncset.done $0x0  }
0xb: {  	s7 =	simm.s32 $0x180;
	s5 =	sadd.s32 $0xC00, s14;
	[sflag:s3] =	ssyncadd.s32 $0xFFFFFEC0  }
0xc: {  	[tilespmem:s7], [sflag:$0x1] =	stream.indirect.gather [hbm4b:s5+s6], $0x80, s2, s6, $0xb8;
	[tilespmem:$0xA180] =	vst v63  }
0xd: {  	s8 =	simm.s32 $0x2980  }
0xe: {  	[tilespmem:s8], [sflag:$0x2] =	stream.indirect.gather [hbm4b:s5+s6], $0x80, s6, s6, $0xb8;
	[tilespmem:$0xA180] =	vst v63  }
0xf: {  	s9 =	simm.s32 $0xA0;
	s10 =	simm.s32 $0x5180  }
0x10: {  	[tilespmem:s10], [sflag:$0x3] =	stream.indirect.gather [hbm4b:s5+s6], $0x80, s9, s6, $0xb8;
	[tilespmem:$0xA180] =	vst v63  }
0x11: {  	s11 =	simm.s32 $0xF0;
	s12 =	simm.s32 $0x7980;
	s13 =	simm.s32 $0x1  }
0x12: {  	[tilespmem:s12], [sflag:$0x4] =	stream.indirect.gather [hbm4b:s5+s6], $0x80, s11, s6, $0xb8;
	[tilespmem:$0xA180] =	vst v63  }
0x13: {  	s16 =	smul.u32 $0x1400, s15;
	_ =	swait.ge [sflag:s13], $0x2800  }
0x14: {  	s17 =	sadd.s32 $0x28C00, s14;
	[sflag:s13] =	ssyncset.done $0x0  }
0x15: {  	s14 =	sadd.s32 s17, s16;
	[sflag:s13] =	ssyncadd.s32 $0xFFFFD800  }
0x16: {  	[hbm4b:s14+s2] =	stream.linear.scatter [tilespmem:s7], [sflag:$0x5], $0x2800, $0x38;
	[tilespmem:$0xA180] =	vst v63  }
0x17: {  	_ =	swait.ge [sflag:s3], $0x2800  }
0x18: {  	s31 =	smul.u32 $0xA000, s15;
	[sflag:s3] =	ssyncset.done $0x0  }
0x19: {  	s15 =	simm.s32 $0x2;
	[sflag:s3] =	ssyncadd.s32 $0xFFFFD800  }
0x1a: {  	s16 =	sshrl.u32 s31, $0x3;
	_ =	swait.ge [sflag:s15], $0x2800  }
0x1b: {  	s20 =	sadd.s32 s17, s16;
	[sflag:s15] =	ssyncset.done $0x0  }
0x1c: {  	s16 =	sadd.s32 $0x500, s20;
	[sflag:s15] =	ssyncadd.s32 $0xFFFFD800  }
0x1d: {  	[hbm4b:s16+s2] =	stream.linear.scatter [tilespmem:s8], [sflag:$0x5], $0x2800, $0x38;
	[tilespmem:$0xA180] =	vst v63  }
0x1e: {  	_ =	swait.ge [sflag:s3], $0x2800  }
0x1f: {  	[sflag:s3] =	ssyncset.done $0x0  }
0x20: {  	s17 =	simm.s32 $0x3;
	[sflag:s3] =	ssyncadd.s32 $0xFFFFD800  }
0x21: {  	_ =	swait.ge [sflag:s17], $0x2800  }
0x22: {  	[sflag:s17] =	ssyncset.done $0x0  }
0x23: {  	s21 =	ssub.s32 $0x2, s19;
	s18 =	sadd.s32 $0xA00, s20;
	[sflag:s17] =	ssyncadd.s32 $0xFFFFD800  }
0x24: {  	[hbm4b:s18+s2] =	stream.linear.scatter [tilespmem:s10], [sflag:$0x5], $0x2800, $0x38;
	[tilespmem:$0xA180] =	vst v63  }
0x25: {  	s22 =	sshrl.u32 s21, $0x1;
	_ =	swait.ge [sflag:s3], $0x2800  }
0x26: {  	s21 =	ssub.s32 s21, s22;
	[sflag:s3] =	ssyncset.done $0x0  }
0x27: {  	s19 =	simm.s32 $0x4;
	s21 =	smax.u32 s21, $0x1;
	[sflag:s3] =	ssyncadd.s32 $0xFFFFD800  }
0x28: {  	p0 =	sne.s32 s21, $0x1;
	_ =	swait.ge [sflag:s19], $0x2800  }
.Ltmp0:
0x29: {  	[sflag:s19] =	ssyncset.done $0x0;
	(pc) =	sbr.rel @!p0 .LBB2_2-.Ltmp0, $4  }
0x2a: {  	s20 =	sadd.s32 $0xF00, s20;
	[sflag:s19] =	ssyncadd.s32 $0xFFFFD800  }
0x2b: {  	[hbm4b:s20+s2] =	stream.linear.scatter [tilespmem:s12], [sflag:$0x5], $0x2800, $0x38;
	[tilespmem:$0xA180] =	vst v63  }
0x2c: {  	_ =	swait.ge [sflag:s3], $0x2800  }
0x2d: {  	s21 =	sadd.s32 $0xFFFFFFFF, s21;
	[sflag:s3] =	ssyncset.done $0x0  }
.LBB2_1:
0x2e: {  	p0 =	sne.s32 s21, $0x1;
	s21 =	sadd.s32 $0xFFFFFFFF, s21;
	[sflag:s3] =	ssyncadd.s32 $0xFFFFD800  }
0x2f: {  	[tilespmem:s2], [sflag:$0x5] =	stream.linear.gather [hbm4b:s4+s2], $0x140, $0x38;
	[tilespmem:$0xA180] =	vst v63  }
0x30: {  	_ =	swait.ge [sflag:s3], $0x140  }
0x31: {  	[sflag:s3] =	ssyncset.done $0x0  }
0x32: {  	[sflag:s3] =	ssyncadd.s32 $0xFFFFFEC0  }
0x33: {  	[tilespmem:s7], [sflag:$0x1] =	stream.indirect.gather [hbm4b:s5+s6], $0x80, s2, s6, $0xb8;
	[tilespmem:$0xA180] =	vst v63  }
0x34: {  	_ = 	snop  }
0x35: {  	[tilespmem:s8], [sflag:$0x2] =	stream.indirect.gather [hbm4b:s5+s6], $0x80, s6, s6, $0xb8;
	[tilespmem:$0xA180] =	vst v63  }
0x36: {  	_ = 	snop  }
0x37: {  	[tilespmem:s10], [sflag:$0x3] =	stream.indirect.gather [hbm4b:s5+s6], $0x80, s9, s6, $0xb8;
	[tilespmem:$0xA180] =	vst v63  }
0x38: {  	_ = 	snop  }
0x39: {  	[tilespmem:s12], [sflag:$0x4] =	stream.indirect.gather [hbm4b:s5+s6], $0x80, s11, s6, $0xb8;
	[tilespmem:$0xA180] =	vst v63  }
0x3a: {  	_ =	swait.ge [sflag:s13], $0x2800  }
0x3b: {  	[sflag:s13] =	ssyncset.done $0x0  }
0x3c: {  	[sflag:s13] =	ssyncadd.s32 $0xFFFFD800  }
0x3d: {  	[hbm4b:s14+s2] =	stream.linear.scatter [tilespmem:s7], [sflag:$0x5], $0x2800, $0x38;
	[tilespmem:$0xA180] =	vst v63  }
0x3e: {  	_ =	swait.ge [sflag:s3], $0x2800  }
0x3f: {  	[sflag:s3] =	ssyncset.done $0x0  }
0x40: {  	[sflag:s3] =	ssyncadd.s32 $0xFFFFD800  }
0x41: {  	_ =	swait.ge [sflag:s15], $0x2800  }
0x42: {  	[sflag:s15] =	ssyncset.done $0x0  }
0x43: {  	[sflag:s15] =	ssyncadd.s32 $0xFFFFD800  }
0x44: {  	[hbm4b:s16+s2] =	stream.linear.scatter [tilespmem:s8], [sflag:$0x5], $0x2800, $0x38;
	[tilespmem:$0xA180] =	vst v63  }
0x45: {  	_ =	swait.ge [sflag:s3], $0x2800  }
0x46: {  	[sflag:s3] =	ssyncset.done $0x0  }
0x47: {  	[sflag:s3] =	ssyncadd.s32 $0xFFFFD800  }
0x48: {  	_ =	swait.ge [sflag:s17], $0x2800  }
0x49: {  	[sflag:s17] =	ssyncset.done $0x0  }
0x4a: {  	[sflag:s17] =	ssyncadd.s32 $0xFFFFD800  }
0x4b: {  	[hbm4b:s18+s2] =	stream.linear.scatter [tilespmem:s10], [sflag:$0x5], $0x2800, $0x38;
	[tilespmem:$0xA180] =	vst v63  }
0x4c: {  	_ =	swait.ge [sflag:s3], $0x2800  }
0x4d: {  	[sflag:s3] =	ssyncset.done $0x0  }
0x4e: {  	[sflag:s3] =	ssyncadd.s32 $0xFFFFD800  }
0x4f: {  	_ =	swait.ge [sflag:s19], $0x2800  }
.Ltmp1:
0x50: {  	[sflag:s19] =	ssyncset.done $0x0;
	(pc) =	sbr.rel @p0 .LBB2_1-.Ltmp1, $4  }
0x51: {  	[sflag:s19] =	ssyncadd.s32 $0xFFFFD800  }
0x52: {  	[hbm4b:s20+s2] =	stream.linear.scatter [tilespmem:s12], [sflag:$0x5], $0x2800, $0x38;
	[tilespmem:$0xA180] =	vst v63  }
0x53: {  	_ =	swait.ge [sflag:s3], $0x2800  }
0x54: {  	[sflag:s3] =	ssyncset.done $0x0  }
.LBB2_2:
0x55: {  	[sflag:s3] =	ssyncadd.s32 $0xFFFFD800  }
0x56: {  	_ =	sfence.sel $0x180000  }
0x57: {  	[bflag:$0x0] =	sbarrier.arrive $0xFFFF  }
0x58: {  	p0 =	sne.s32 s0, $0x0;
	_ =	strace $0x90000059  }
0x59: {  	s0 =	sadd.s32 @!p0 $0x100000, s1;
	[bflag:$0x2] =	sbarrier.arrive $0xFFFF  }
0x5a: {  	[sflag:s0] =	ssyncadd.tile.s32 @!p0 $0x1;
	_ =	shalt  }
.Lfunc_end2:
_tile_overlayer_lowered:
.L_overlay_start_2:
0x5b: {  	(tag) =	ssettag $0x2  }
0x5c: {  	s0 =	rddreg [dreg:$0x0];
	s2 =	stileid.u32  }
0x5d: {  	s1 =	rddreg [dreg:$0x1];
	p0 =	sne.s32 s2, $0x0  }
0x5e: {  	s3 =	rddreg [dreg:$0x2];
	[bflag:$0x3] =	sbarrier.arrive $0xFFFF;
	s2 =	simm.s32 @!p0 $0x1C05  }
0x5f: {  	[timem:s3], [sflag:s2] =	dma.local @!p0 [hbm:s0], s1  }
0x60: {  	s0 =	simm.s32 @!p0 $0x5  }
0x61: {  	_ =	swait.ge @!p0 [sflag:s0], s1  }
0x62: {  	s1 =	ssub.s32 @!p0 $0x0, s1;
	[sflag:s0] =	ssyncset.done @!p0 $0x0  }
0x63: {  	[sflag:s0] =	ssyncadd.s32 @!p0 s1  }
0x64: {  	[bflag:$0x3] =	sbarrier.arrive $0xFFFF  }
0x65: {  	_ =	shalt  }

// kernel: kernel.9.cloned.1.call-start
scs
__scs_entry_jumppad:
0x0: {  	(pc) =	sbr.rel $0x88, $3  }
0x1: {  	(tag) =	ssettag $0x0;
	lr =	simm.s32 $0x1  }
0x2: {  	[smem:$0x3F91] =	sst lr;
	_ =	strace $0xD0000000  }
0x3: {  	_ = 	snop  }
0x4: {  	_ = 	snop  }
0x5: {  	_ = 	snop  }
0x6: {  	_ = 	snop  }
0x7: {  	_ = 	snop  }
__scs_overlays_trampoline_lowered:
0x8: {  	[smem:$0x3FA0] =	sst s0  }
0x9: {  	[smem:$0x3FA1] =	sst s1  }
0xa: {  	[smem:$0x3FA2] =	sst s2  }
0xb: {  	[smem:$0x3FA3] =	sst s3  }
0xc: {  	[smem:$0x3FA4] =	sst s4  }
0xd: {  	[smem:$0x3FA5] =	sst s5  }
0xe: {  	[smem:$0x3FA6] =	sst s6  }
0xf: {  	[smem:$0x3FA7] =	sst s7  }
0x10: {  	[smem:$0x3FA8] =	sst s8  }
0x11: {  	[smem:$0x3FA9] =	sst s9;
	s0 =	simm.s32 @!p0 $0x0  }
0x12: {  	s1 =	sld [smem:$0x3F8F];
	s0 =	simm.s32 @p0 $0x1  }
0x13: {  	[smem:$0x3FAA] =	sst s0;
	s0 =	simm.s32 @!p1 $0x0  }
0x14: {  	s2 =	sld [smem:$0x3F8E];
	s0 =	simm.s32 @p1 $0x1  }
0x15: {  	[smem:$0x3FAB] =	sst s0;
	s0 =	simm.s32 @!p2 $0x0  }
0x16: {  	s3 =	sld [smem:$0x3FDB];
	s0 =	simm.s32 @p2 $0x1  }
0x17: {  	s4 =	simm.s32 $0x1BF5;
	[smem:$0x3FAD] =	sst s0  }
0x18: {  	s0 =	sld [smem:$0x3F90];
	_ =	swait.ge [sflag:s4], $0x0  }
0x19: {  	s7 =	sld [smem:$0x3F91]  }
0x1a: {  	s8 =	sadd.s32 $0xFFFFE003, lr  }
0x1b: {  	s9 =	sadd.s32 $0xFFFFFEF7, lr;
	s5 =	simm.s32 $0xFFFFFFFF;
	p2 =	slt.u32 s8, $0xFFFFF086  }
0x1c: {  	p1 =	slt.u32 s9, $0xF7A;
	s5 =	simm.s32 @!p2 $0x0  }
0x1d: {  	s5 =	simm.s32 @p1 $0x1;
	p0 =	seq.s32 s7, s2  }
0x1e: {  	s7 =	smul.u32 @!p0 $0xF7A, s2;
	p2 =	seq.s32 @!p0 s5, $0x0  }
0x1f: {  	s9 =	smul.u32 $0xF7A, s1;
	s8 =	simm.s32 @!p0 $0x1BF5;
	p2 =	por !p2, p0  }
0x20: {  	[sflag:s8] =	ssyncset.s32 @!p0 $0xFFFFF086;
	s6 =	sadd.s32 @!p0 s3, s7;
	s7 =	simm.s32 @!p0 $0x108  }
0x21: {  	s3 =	sadd.s32 s3, s9;
	s6 =	sadd.s32 @!p0 $0x88, s6;
	s7 =	simm.s32 @p2 $0x1082  }
0x22: {  	[simem:s7], [sflag:s8] =	dma.local @!p0 [hbm:s6], $0xF7A  }
0x23: {  	s9 =	sor.u32 $0xD0000000, s2;
	s6 =	simm.s32 $0x108;
	_ =	swait.ge @!p0 [sflag:s8], $0x0  }
0x24: {  	s3 =	sadd.s32 $0x88, s3;
	s6 =	simm.s32 @!p1 $0x1082;
	[sflag:s4] =	ssyncset.s32 $0xFFFFF086  }
0x25: {  	[simem:s6], [sflag:s4] =	dma.local [hbm:s3], $0xF7A  }
0x26: {  	[smem:$0x3F91] =	sst s1;
	(tag) =	ssettag s2;
	_ =	strace s9  }
0x27: {  	s1 =	sld [smem:$0x3FA1]  }
0x28: {  	s2 =	sld [smem:$0x3FA2]  }
0x29: {  	s4 =	sld [smem:$0x3FA4]  }
0x2a: {  	p0 =	seq.s32 s5, $0x0;
	s5 =	sld [smem:$0x3FA5]  }
0x2b: {  	s6 =	sld [smem:$0x3FA6]  }
0x2c: {  	s7 =	sld [smem:$0x3FA7]  }
0x2d: {  	s3 =	simm.s32 $0x108;
	s8 =	sld [smem:$0x3FA8]  }
0x2e: {  	s3 =	simm.s32 @!p0 $0x1082;
	s9 =	sld [smem:$0x3FA9]  }
0x2f: {  	lr =	sadd.s32 s0, s3;
	s0 =	sld [smem:$0x3FA0]  }
0x30: {  	s3 =	sld [smem:$0x3FA3]  }
0x31: {  	[smem:$0x3FAC] =	sst s10  }
0x32: {  	s10 =	sld [smem:$0x3FAA];
	_ =	sdelay $0x3  }
0x33: {  	p0 =	seq.s32 s10, $0x1;
	s10 =	sld [smem:$0x3FAC];
	_ =	sdelay $0x3  }
0x34: {  	[smem:$0x3FAC] =	sst s10  }
0x35: {  	s10 =	sld [smem:$0x3FAB];
	_ =	sdelay $0x3  }
0x36: {  	p1 =	seq.s32 s10, $0x1;
	s10 =	sld [smem:$0x3FAC];
	_ =	sdelay $0x3  }
0x37: {  	[smem:$0x3FAC] =	sst s10  }
0x38: {  	s10 =	sld [smem:$0x3FAD]  }
0x39: {  	_ = 	snop;
	(pc) =	sbr.ind lr, $3  }
0x3a: {  	_ = 	snop  }
0x3b: {  	_ = 	snop  }
0x3c: {  	p2 =	seq.s32 s10, $0x1;
	s10 =	sld [smem:$0x3FAC]  }
0x3d: {  	_ =	shalt  }
0x3e: {  	_ =	shalt  }
0x3f: {  	_ =	shalt  }
0x40: {  	_ =	shalt  }
0x41: {  	_ =	shalt  }
0x42: {  	_ =	shalt  }
0x43: {  	_ =	shalt  }
0x44: {  	_ =	shalt  }
0x45: {  	_ =	shalt  }
0x46: {  	_ =	shalt  }
0x47: {  	_ =	shalt  }
0x48: {  	_ =	shalt  }
0x49: {  	_ =	shalt  }
0x4a: {  	_ =	shalt  }
0x4b: {  	_ =	shalt  }
0x4c: {  	_ =	shalt  }
0x4d: {  	_ =	shalt  }
0x4e: {  	_ =	shalt  }
0x4f: {  	_ =	shalt  }
0x50: {  	_ =	shalt  }
0x51: {  	_ =	shalt  }
0x52: {  	_ =	shalt  }
0x53: {  	_ =	shalt  }
0x54: {  	_ =	shalt  }
0x55: {  	_ =	shalt  }
0x56: {  	_ =	shalt  }
0x57: {  	_ =	shalt  }
0x58: {  	_ =	shalt  }
0x59: {  	_ =	shalt  }
0x5a: {  	_ =	shalt  }
0x5b: {  	_ =	shalt  }
0x5c: {  	_ =	shalt  }
0x5d: {  	_ =	shalt  }
0x5e: {  	_ =	shalt  }
0x5f: {  	_ =	shalt  }
0x60: {  	_ =	shalt  }
0x61: {  	_ =	shalt  }
0x62: {  	_ =	shalt  }
0x63: {  	_ =	shalt  }
0x64: {  	_ =	shalt  }
0x65: {  	_ =	shalt  }
0x66: {  	_ =	shalt  }
0x67: {  	_ =	shalt  }
0x68: {  	_ =	shalt  }
0x69: {  	_ =	shalt  }
0x6a: {  	_ =	shalt  }
0x6b: {  	_ =	shalt  }
0x6c: {  	_ =	shalt  }
0x6d: {  	_ =	shalt  }
0x6e: {  	_ =	shalt  }
0x6f: {  	_ =	shalt  }
0x70: {  	_ =	shalt  }
0x71: {  	_ =	shalt  }
0x72: {  	_ =	shalt  }
0x73: {  	_ =	shalt  }
0x74: {  	_ =	shalt  }
0x75: {  	_ =	shalt  }
0x76: {  	_ =	shalt  }
0x77: {  	_ =	shalt  }
0x78: {  	_ =	shalt  }
0x79: {  	_ =	shalt  }
0x7a: {  	_ =	shalt  }
0x7b: {  	_ =	shalt  }
0x7c: {  	_ =	shalt  }
0x7d: {  	_ =	shalt  }
0x7e: {  	_ =	shalt  }
0x7f: {  	_ =	shalt  }
0x80: {  	_ =	shalt  }
0x81: {  	_ =	shalt  }
0x82: {  	_ =	shalt  }
0x83: {  	_ =	shalt  }
0x84: {  	_ =	shalt  }
0x85: {  	_ =	shalt  }
0x86: {  	_ =	shalt  }
0x87: {  	_ =	shalt  }
.Lfunc_end0:
.L_simem_size_0:
called_computation.2_lowered:
.L_overlay_start_0:
0x88: {  	s2 =	sld [smem:$0x3FD9]  }
0x89: {  	s3 =	sld [smem:$0x3FFE];
	_ =	sdelay $0x1  }
0x8a: {  	s1 =	srdreg.scid  }
0x8b: {  	s0 =	sand.u32 $0x1, s1  }
0x8c: {  	s17 =	sshll.u32 s0, $0xA;
	s2 =	sadd.s32 s3, s2  }
0x8d: {  	s2 =	sadd.s32 s2, s17  }
0x8e: {  	[smem:$0x3FB8] =	sst s2  }
0x8f: {  	_ = 	snop  }
0x90: {  	s2 =	sld [smem:$0x3FD0];
	(tm) =	ssettm $0x1  }
0x91: {  	s18 =	sld [smem:$0x3FFB];
	_ =	sdelay $0x3  }
0x92: {  	_ =	strace s18  }
0x93: {  	s3 =	sld [smem:$0x3FFC];
	_ =	sdelay $0x3  }
0x94: {  	_ =	strace s3  }
0x95: {  	s3 =	sld [smem:$0x3FFD];
	_ =	sdelay $0x3  }
0x96: {  	_ =	strace s3  }
0x97: {  	_ =	strace $0x8FFFFFFF  }
0x98: {  	s19 =	sld [smem:$0x3FDB];
	_ =	sdelay $0x1  }
0x99: {  	s4 =	simm.s32 $_scs_section_size  }
0x9a: {  	s5 =	simm.s32 $_size__tile_overlayer_lowered;
	s6 =	simm.s32 $_tile_overlayer_lowered  }
0x9b: {  	s22 =	simm.s32 $0x1BFF;
	s21 =	sshll.u32 s6, $0x1;
	s3 =	sadd.s32 s4, s19  }
0x9c: {  	s7 =	simm.s32 $0x0;
	s20 =	sshll.u32 s5, $0x1;
	s5 =	sadd.s32 s21, s3  }
0x9d: {  	[timem:s7], [sflag:s22] =	dma.local [hbm:s5], s20  }
0x9e: {  	_ =	swait.ge [sflag:s22], s20  }
0x9f: {  	s4 =	ssub.s32 $0x0, s20;
	[sflag:s22] =	ssyncset.done $0x0  }
0xa0: {  	[sflag:s22] =	ssyncadd.s32 s4;
	_ =	sdelay $0x1  }
0xa1: {  	s23 =	simm.s32 $0x1B8B  }
0xa2: {  	_ =	swait.ge [sflag:s23], $0x1  }
0xa3: {  	[sflag:s23] =	ssyncset.done $0x0  }
0xa4: {  	s25 =	simm.s32 $0x1B8E;
	s24 =	sld [smem:$0x3FFE];
	[sflag:s23] =	ssyncadd.s32 $0xFFFFFFFF  }
0xa5: {  	s26 =	simm.s32 $execute0_lowered;
	[smem:$0x3FD2] =	sst s25  }
0xa6: {  	s5 =	sshll.u32 s26, $0x1;
	_ =	strace $0x80000049;
	[dreg:$0x1] =	wrdreg $0xFFFFFFFF  }
0xa7: {  	s28 =	simm.s32 $_size_execute0_lowered;
	s3 =	sadd.s32 s3, s5;
	[dreg:$0x0] =	wrdreg $0x0  }
0xa8: {  	s5 =	sshll.u32 s28, $0x1;
	[dreg:$0x2] =	wrdreg s3  }
0xa9: {  	[dreg:$0x3] =	wrdreg s5  }
0xaa: {  	[dreg:$0x4] =	wrdreg $0xC0  }
0xab: {  	_ =	task [dreg:s7], $0x5FFFF  }
0xac: {  	[dreg:$0x1] =	wrdreg $0xFFFFFFFF  }
0xad: {  	[dreg:$0x0] =	wrdreg $0x60  }
0xae: {  	[dreg:$0x2] =	wrdreg s2  }
0xaf: {  	[dreg:$0x3] =	wrdreg s24  }
0xb0: {  	[dreg:$0x4] =	wrdreg $0xB  }
0xb1: {  	_ =	task.clear_ibuf [dreg:s7], $0x5FFFF;
	_ =	strace $0x90000049  }
0xb2: {  	s29 =	simm.s32 $0xB;
	_ =	strace $0x8000004B  }
0xb3: {  	_ =	swait.ge [sflag:s29], $0x1  }
0xb4: {  	[sflag:s29] =	ssyncadd.s32 $0xFFFFFFFF  }
0xb5: {  	_ =	strace $0x9000004B  }
0xb6: {  	_ =	sfence  }
0xb7: {  	s30 =	sld [smem:$0x0];
	_ =	sdelay $0x2  }
0xb8: {  	s31 =	sshll.u32 s1, $0xD;
	s1 =	sshrl.u32 s1, $0x2  }
0xb9: {  	s3 =	sand.u32 $0x4000, s31;
	s1 =	sadd.s32 s1, s30  }
0xba: {  	s0 =	sor.u32 s3, s0;
	s1 =	sshll.u32 s1, $0x11  }
0xbb: {  	s0 =	sor.u32 s1, s0  }
0xbc: {  	s0 =	sadd.s32 $0x8F2B, s0  }
0xbd: {  	[sflag:s0] =	ssyncadd.remote.s32 $0x1  }
0xbe: {  	_ =	sfence.sel $0xFFFF  }
0xbf: {  	[dreg:$0x0] =	wrdreg $0xFFFFFFFF;
	(pc) =	sbr.abs _section_cstart, $3  }
0xc0: {  	[dreg:$0x1] =	wrdreg $0xFFFFFFFF  }
0xc1: {  	_ =	task.clear_ibuf [dreg:s7], $0x2FFFF;
	_ =	strace $0x9FFFFFFF  }
0xc2: {  	(tm) =	ssettm $0x7FFFFFFF  }
0xc3: {  	_ =	shalt  }
tec
execute0_lowered:
.L_overlay_start_1:
0x0: {  	(tag) =	ssettag $0x1  }
0x1: {  	s6 =	rddreg [dreg:$0x0];
	s1 =	srdreg.scid  }
0x2: {  	s0 =	stileid.u32;
	s7 =	rddreg [dreg:$0x1];
	s2 =	simm.s32 $0x0  }
0x3: {  	s15 =	simm.s32 $0x5000;
	s16 =	simm.s32 $0x7800;
	s17 =	simm.s32 $0xA000  }
0x4: {  	s18 =	simm.s32 $0xA400;
	s19 =	simm.s32 $0xCC00;
	s20 =	simm.s32 $0xF400  }
0x5: {  	s21 =	simm.s32 $0x0;
	s8 =	sand.u32 $0x1, s1;
	s1 =	rddreg [dreg:$0x2]  }
0x6: {  	s3 =	sshll.u32 s0, $0x1;
	[smem:$0x7FF] =	sst s2;
	s12 =	smul.u32 $0x5000, s0  }
0x7: {  	s4 =	sadd.s32 $0x600, s7;
	s3 =	sor.u32 s8, s3;
	s14 =	smul.u32 $0x2800, s8  }
0x8: {  	s5 =	sadd.s32 $0x200, s7;
	s10 =	ssub.s32 $0x2, s8;
	s9 =	smul.u32 $0x2800, s3  }
0x9: {  	_ =	strace $0x8000004A;
	s3 =	sadd.s32 $0xC00, s7;
	s31 =	sshrl.u32 s10, $0x1  }
0xa: {  	s13 =	ssub.s32 s10, s31;
	s12 =	sadd.s32 s14, s12;
	s9 =	sshrl.u32 s9, $0x3  }
0xb: {  	s14 =	simm.s32 $0x2800;
	s11 =	sadd.s32 s9, s7;
	s6 =	sadd.s32 s6, s9  }
0xc: {  	s7 =	sadd.s32 $0xA400, s11;
	s8 =	sadd.s32 $0x1EA00, s11;
	s9 =	sadd.s32 $0x14A00, s11  }
0xd: {  	v0 =	vlaneseq.u32;
	s10 =	sadd.s32 $0x28A00, s11;
	s11 =	smax.u32 s13, $0x1;
	s13 =	simm.s32 $0x1  }
.LBB2_1:
0xe: {  	[tilespmem:s2], [sflag:$0x1] =	stream.linear.gather [hbm4b:s6+s2], $0x2800, $0x38;
	[tilespmem:$0x11C00] =	vst v63  }
0xf: {  	_ =	swait.ge [sflag:s13], $0x2800  }
0x10: {  	[sflag:s13] =	ssyncset.done $0x0  }
0x11: {  	[sflag:s13] =	ssyncadd.s32 $0xFFFFD800  }
0x12: {  	[tilespmem:s14], [sflag:$0x1] =	stream.linear.gather [hbm4b:s7+s2], $0x2800, $0x38;
	[tilespmem:$0x11C00] =	vst v63  }
0x13: {  	_ =	swait.ge [sflag:s13], $0x2800  }
0x14: {  	[sflag:s13] =	ssyncset.done $0x0  }
0x15: {  	[sflag:s13] =	ssyncadd.s32 $0xFFFFD800  }
0x16: {  	[tilespmem:s15], [sflag:$0x1] =	stream.linear.gather [hbm4b:s3+s2], $0x2800, $0x38;
	[tilespmem:$0x11C00] =	vst v63  }
0x17: {  	_ =	swait.ge [sflag:s13], $0x2800  }
0x18: {  	[sflag:s13] =	ssyncset.done $0x0  }
0x19: {  	[sflag:s13] =	ssyncadd.s32 $0xFFFFD800  }
0x1a: {  	[tilespmem:s16], [sflag:$0x1] =	stream.linear.gather [hbm4b:s4+s2], $0x2800, $0x38;
	[tilespmem:$0x11C00] =	vst v63  }
0x1b: {  	_ =	swait.ge [sflag:s13], $0x2800  }
0x1c: {  	[sflag:s13] =	ssyncset.done $0x0  }
0x1d: {  	[sflag:s13] =	ssyncadd.s32 $0xFFFFD800  }
0x1e: {  	[tilespmem:s17], [sflag:$0x1] =	stream.linear.gather [hbm4b:s5+s2], $0x400, $0x38;
	[tilespmem:$0x11C00] =	vst v63  }
0x1f: {  	_ =	swait.ge [sflag:s13], $0x400  }
0x20: {  	[sflag:s13] =	ssyncset.done $0x0  }
0x21: {  	s22 =	simm.s32 $0x0;
	[sflag:s13] =	ssyncadd.s32 $0xFFFFFC00  }
0x22: {  	v1 =	vld [tilespmem:s22+$0x2800];
	_ =	sdelay $0x7  }
0x23: {  	v2 =	vld.idx.msk [tilespmem:v1+s15+$0x0], $0xffff;
	_ =	sdelay $0x3  }
0x24: {  	v3 =	vor.u32 s12, v0  }
0x25: {  	v2 =	vsub.s32 v3, v2  }
0x26: {  	vm0 =	vgt.s32 v2, $0x0  }
0x27: {  	v3 =	vnsel vm0, $0x0, v2  }
0x28: {  	v3 =	vmin.u32 v3, $0x3FF;
	_ =	sdelay $0x2  }
0x29: {  	v4 =	vld.idx.msk [tilespmem:v1+s16+$0x0], $0xffff  }
0x2a: {  	v1 =	vld [tilespmem:s22+$0x0]  }
0x2b: {  	v3 =	vld.idx.msk [tilespmem:v3+s17+$0x0], $0xffff;
	_ =	sdelay $0x2  }
0x2c: {  	v5 =	vmov s12  }
0x2d: {  	vm1 =	vlt.u32 v5, $0x4E200;
	vm15 =	vlt.s32 v2, $0x400  }
0x2e: {  	vm0 =	vmand vm1, vm15;
	v2 =	vadd.s32 v4, v3  }
0x2f: {  	s25 =	simm.s32 $0x10;
	s24 =	simm.s32 $0x80;
	s23 =	smov.u32 s12;
	[tilespmem:s22+$0xCC00] =	vst v1;
	v2 =	vnsel vm0, $0x53FF8, v2  }
.LBB2_2:
0x30: {  	p0 =	sne.s32 s24, $0x9FC0;
	v3 =	vld [tilespmem:s25+$0x2800];
	[tilespmem:s22+$0xA400] =	vst v2  }
0x31: {  	v1 =	vld.idx.msk [tilespmem:v1+s16+$0x0], $0xffff;
	_ =	sdelay $0x5  }
0x32: {  	[tilespmem:s22+$0xF400] =	vst v1;
	s22 =	smov.u32 s25  }
0x33: {  	v1 =	vld.idx.msk [tilespmem:v3+s15+$0x0], $0xffff;
	_ =	sdelay $0x3  }
0x34: {  	s23 =	sadd.s32 $0x10, s23  }
0x35: {  	v2 =	vor.u32 s23, v0  }
0x36: {  	v2 =	vsub.s32 v2, v1  }
0x37: {  	vm0 =	vgt.s32 v2, $0x0  }
0x38: {  	v4 =	vnsel vm0, $0x0, v2  }
0x39: {  	v4 =	vmin.u32 v4, $0x3FF;
	v1 =	vld [tilespmem:s22+$0x0];
	_ =	sdelay $0x3  }
0x3a: {  	v3 =	vld.idx.msk [tilespmem:v3+s16+$0x0], $0xffff  }
0x3b: {  	v4 =	vld.idx.msk [tilespmem:v4+s17+$0x0], $0xffff;
	[tilespmem:s22+$0xCC00] =	vst v1;
	_ =	sdelay $0x2  }
.Ltmp0:
0x3c: {  	(pc) =	sbr.rel @p0 .LBB2_2-.Ltmp0, $4  }
0x3d: {  	v5 =	vmov s23  }
0x3e: {  	vm1 =	vlt.u32 v5, $0x4E200;
	vm0 =	vlt.s32 v2, $0x400  }
0x3f: {  	vm0 =	vmand vm1, vm0;
	v2 =	vadd.s32 v3, v4  }
0x40: {  	s25 =	sshra.s32 s24, $0x2;
	s24 =	sadd.s32 $0x40, s24;
	v2 =	vnsel vm0, $0x53FF8, v2  }
0x41: {  	_ =	sdelay $0x1  }
0x42: {  	v3 =	vld [tilespmem:s25+$0x2800]  }
0x43: {  	[tilespmem:s22+$0xA400] =	vst v2  }
0x44: {  	v1 =	vld.idx.msk [tilespmem:v1+s16+$0x0], $0xffff;
	_ =	sdelay $0x4  }
0x45: {  	[tilespmem:s22+$0xF400] =	vst v1  }
0x46: {  	v1 =	vld.idx.msk [tilespmem:v3+s15+$0x0], $0xffff;
	_ =	sdelay $0x2  }
0x47: {  	s31 =	sadd.s32 $0x10, s23  }
0x48: {  	v2 =	vor.u32 s31, v0  }
0x49: {  	v1 =	vsub.s32 v2, v1  }
0x4a: {  	vm0 =	vgt.s32 v1, $0x0  }
0x4b: {  	v2 =	vnsel vm0, $0x0, v1  }
0x4c: {  	v2 =	vmin.u32 v2, $0x3FF;
	_ =	sdelay $0x2  }
0x4d: {  	v4 =	vld [tilespmem:s25+$0x0]  }
0x4e: {  	v3 =	vld.idx.msk [tilespmem:v3+s16+$0x0], $0xffff  }
0x4f: {  	v2 =	vld.idx.msk [tilespmem:v2+s17+$0x0], $0xffff;
	_ =	sdelay $0x2  }
0x50: {  	v5 =	vmov s31  }
0x51: {  	vm1 =	vlt.u32 v5, $0x4E200;
	vm15 =	vlt.s32 v1, $0x400  }
0x52: {  	vm0 =	vmand vm1, vm15;
	v1 =	vadd.s32 v3, v2  }
0x53: {  	[tilespmem:s25+$0xCC00] =	vst v4;
	v1 =	vnsel vm0, $0x53FF8, v1  }
0x54: {  	[tilespmem:s25+$0xA400] =	vst v1  }
0x55: {  	v1 =	vld.idx.msk [tilespmem:v4+s16+$0x0], $0xffff;
	_ =	sdelay $0x4  }
0x56: {  	[tilespmem:s25+$0xF400] =	vst v1  }
0x57: {  	[hbm4b:s8+s2] =	stream.linear.scatter [tilespmem:s18], [sflag:$0x1], $0x2800, $0x38;
	[tilespmem:$0x11C00] =	vst v63  }
0x58: {  	_ =	swait.ge [sflag:s13], $0x2800  }
0x59: {  	[sflag:s13] =	ssyncset.done $0x0  }
0x5a: {  	[sflag:s13] =	ssyncadd.s32 $0xFFFFD800  }
0x5b: {  	[hbm4b:s9+s2] =	stream.linear.scatter [tilespmem:s19], [sflag:$0x1], $0x2800, $0x38;
	[tilespmem:$0x11C00] =	vst v63  }
0x5c: {  	s21 =	sadd.s32 $0x1, s21;
	_ =	swait.ge [sflag:s13], $0x2800  }
0x5d: {  	p0 =	sne.s32 s21, s11;
	[sflag:s13] =	ssyncset.done $0x0  }
.Ltmp1:
0x5e: {  	[sflag:s13] =	ssyncadd.s32 $0xFFFFD800;
	(pc) =	sbr.rel @p0 .LBB2_1-.Ltmp1, $4  }
0x5f: {  	[hbm4b:s10+s2] =	stream.linear.scatter [tilespmem:s20], [sflag:$0x1], $0x2800, $0x38;
	[tilespmem:$0x11C00] =	vst v63  }
0x60: {  	_ =	swait.ge [sflag:s13], $0x2800  }
0x61: {  	[sflag:s13] =	ssyncset.done $0x0  }
0x62: {  	[sflag:s13] =	ssyncadd.s32 $0xFFFFD800  }
0x63: {  	_ =	sfence.sel $0x180000  }
0x64: {  	[bflag:$0x0] =	sbarrier.arrive $0xFFFF  }
0x65: {  	p0 =	sne.s32 s0, $0x0;
	_ =	strace $0x9000004A  }
0x66: {  	s0 =	sadd.s32 @!p0 $0x100000, s1;
	[bflag:$0x2] =	sbarrier.arrive $0xFFFF  }
0x67: {  	[sflag:s0] =	ssyncadd.tile.s32 @!p0 $0x1;
	_ =	shalt  }
.Lfunc_end2:
_tile_overlayer_lowered:
.L_overlay_start_2:
0x68: {  	(tag) =	ssettag $0x2  }
0x69: {  	s0 =	rddreg [dreg:$0x0];
	s2 =	stileid.u32  }
0x6a: {  	s1 =	rddreg [dreg:$0x1];
	p0 =	sne.s32 s2, $0x0  }
0x6b: {  	s3 =	rddreg [dreg:$0x2];
	[bflag:$0x3] =	sbarrier.arrive $0xFFFF;
	s2 =	simm.s32 @!p0 $0x1C01  }
0x6c: {  	[timem:s3], [sflag:s2] =	dma.local @!p0 [hbm:s0], s1  }
0x6d: {  	s0 =	simm.s32 @!p0 $0x1  }
0x6e: {  	_ =	swait.ge @!p0 [sflag:s0], s1  }
0x6f: {  	s1 =	ssub.s32 @!p0 $0x0, s1;
	[sflag:s0] =	ssyncset.done @!p0 $0x0  }
0x70: {  	[sflag:s0] =	ssyncadd.s32 @!p0 s1  }
0x71: {  	[bflag:$0x3] =	sbarrier.arrive $0xFFFF  }
0x72: {  	_ =	shalt  }

// kernel: scatter_offload_async_start
scs
__scs_entry_jumppad:
0x0: {  	(pc) =	sbr.rel $0x88, $3  }
0x1: {  	(tag) =	ssettag $0x0;
	lr =	simm.s32 $0x1  }
0x2: {  	[smem:$0x3F91] =	sst lr;
	_ =	strace $0xD0000000  }
0x3: {  	_ = 	snop  }
0x4: {  	_ = 	snop  }
0x5: {  	_ = 	snop  }
0x6: {  	_ = 	snop  }
0x7: {  	_ = 	snop  }
__scs_overlays_trampoline_lowered:
0x8: {  	[smem:$0x3FA0] =	sst s0  }
0x9: {  	[smem:$0x3FA1] =	sst s1  }
0xa: {  	[smem:$0x3FA2] =	sst s2  }
0xb: {  	[smem:$0x3FA3] =	sst s3  }
0xc: {  	[smem:$0x3FA4] =	sst s4  }
0xd: {  	[smem:$0x3FA5] =	sst s5  }
0xe: {  	[smem:$0x3FA6] =	sst s6  }
0xf: {  	[smem:$0x3FA7] =	sst s7  }
0x10: {  	[smem:$0x3FA8] =	sst s8  }
0x11: {  	[smem:$0x3FA9] =	sst s9;
	s0 =	simm.s32 @!p0 $0x0  }
0x12: {  	s1 =	sld [smem:$0x3F8F];
	s0 =	simm.s32 @p0 $0x1  }
0x13: {  	[smem:$0x3FAA] =	sst s0;
	s0 =	simm.s32 @!p1 $0x0  }
0x14: {  	s2 =	sld [smem:$0x3F8E];
	s0 =	simm.s32 @p1 $0x1  }
0x15: {  	[smem:$0x3FAB] =	sst s0;
	s0 =	simm.s32 @!p2 $0x0  }
0x16: {  	s3 =	sld [smem:$0x3FDB];
	s0 =	simm.s32 @p2 $0x1  }
0x17: {  	s4 =	simm.s32 $0x1BF5;
	[smem:$0x3FAD] =	sst s0  }
0x18: {  	s0 =	sld [smem:$0x3F90];
	_ =	swait.ge [sflag:s4], $0x0  }
0x19: {  	s7 =	sld [smem:$0x3F91]  }
0x1a: {  	s8 =	sadd.s32 $0xFFFFE003, lr  }
0x1b: {  	s9 =	sadd.s32 $0xFFFFFEF7, lr;
	s5 =	simm.s32 $0xFFFFFFFF;
	p2 =	slt.u32 s8, $0xFFFFF086  }
0x1c: {  	p1 =	slt.u32 s9, $0xF7A;
	s5 =	simm.s32 @!p2 $0x0  }
0x1d: {  	s5 =	simm.s32 @p1 $0x1;
	p0 =	seq.s32 s7, s2  }
0x1e: {  	s7 =	smul.u32 @!p0 $0xF7A, s2;
	p2 =	seq.s32 @!p0 s5, $0x0  }
0x1f: {  	s9 =	smul.u32 $0xF7A, s1;
	s8 =	simm.s32 @!p0 $0x1BF5;
	p2 =	por !p2, p0  }
0x20: {  	[sflag:s8] =	ssyncset.s32 @!p0 $0xFFFFF086;
	s6 =	sadd.s32 @!p0 s3, s7;
	s7 =	simm.s32 @!p0 $0x108  }
0x21: {  	s3 =	sadd.s32 s3, s9;
	s6 =	sadd.s32 @!p0 $0x88, s6;
	s7 =	simm.s32 @p2 $0x1082  }
0x22: {  	[simem:s7], [sflag:s8] =	dma.local @!p0 [hbm:s6], $0xF7A  }
0x23: {  	s9 =	sor.u32 $0xD0000000, s2;
	s6 =	simm.s32 $0x108;
	_ =	swait.ge @!p0 [sflag:s8], $0x0  }
0x24: {  	s3 =	sadd.s32 $0x88, s3;
	s6 =	simm.s32 @!p1 $0x1082;
	[sflag:s4] =	ssyncset.s32 $0xFFFFF086  }
0x25: {  	[simem:s6], [sflag:s4] =	dma.local [hbm:s3], $0xF7A  }
0x26: {  	[smem:$0x3F91] =	sst s1;
	(tag) =	ssettag s2;
	_ =	strace s9  }
0x27: {  	s1 =	sld [smem:$0x3FA1]  }
0x28: {  	s2 =	sld [smem:$0x3FA2]  }
0x29: {  	s4 =	sld [smem:$0x3FA4]  }
0x2a: {  	p0 =	seq.s32 s5, $0x0;
	s5 =	sld [smem:$0x3FA5]  }
0x2b: {  	s6 =	sld [smem:$0x3FA6]  }
0x2c: {  	s7 =	sld [smem:$0x3FA7]  }
0x2d: {  	s3 =	simm.s32 $0x108;
	s8 =	sld [smem:$0x3FA8]  }
0x2e: {  	s3 =	simm.s32 @!p0 $0x1082;
	s9 =	sld [smem:$0x3FA9]  }
0x2f: {  	lr =	sadd.s32 s0, s3;
	s0 =	sld [smem:$0x3FA0]  }
0x30: {  	s3 =	sld [smem:$0x3FA3]  }
0x31: {  	[smem:$0x3FAC] =	sst s10  }
0x32: {  	s10 =	sld [smem:$0x3FAA];
	_ =	sdelay $0x3  }
0x33: {  	p0 =	seq.s32 s10, $0x1;
	s10 =	sld [smem:$0x3FAC];
	_ =	sdelay $0x3  }
0x34: {  	[smem:$0x3FAC] =	sst s10  }
0x35: {  	s10 =	sld [smem:$0x3FAB];
	_ =	sdelay $0x3  }
0x36: {  	p1 =	seq.s32 s10, $0x1;
	s10 =	sld [smem:$0x3FAC];
	_ =	sdelay $0x3  }
0x37: {  	[smem:$0x3FAC] =	sst s10  }
0x38: {  	s10 =	sld [smem:$0x3FAD]  }
0x39: {  	_ = 	snop;
	(pc) =	sbr.ind lr, $3  }
0x3a: {  	_ = 	snop  }
0x3b: {  	_ = 	snop  }
0x3c: {  	p2 =	seq.s32 s10, $0x1;
	s10 =	sld [smem:$0x3FAC]  }
0x3d: {  	_ =	shalt  }
0x3e: {  	_ =	shalt  }
0x3f: {  	_ =	shalt  }
0x40: {  	_ =	shalt  }
0x41: {  	_ =	shalt  }
0x42: {  	_ =	shalt  }
0x43: {  	_ =	shalt  }
0x44: {  	_ =	shalt  }
0x45: {  	_ =	shalt  }
0x46: {  	_ =	shalt  }
0x47: {  	_ =	shalt  }
0x48: {  	_ =	shalt  }
0x49: {  	_ =	shalt  }
0x4a: {  	_ =	shalt  }
0x4b: {  	_ =	shalt  }
0x4c: {  	_ =	shalt  }
0x4d: {  	_ =	shalt  }
0x4e: {  	_ =	shalt  }
0x4f: {  	_ =	shalt  }
0x50: {  	_ =	shalt  }
0x51: {  	_ =	shalt  }
0x52: {  	_ =	shalt  }
0x53: {  	_ =	shalt  }
0x54: {  	_ =	shalt  }
0x55: {  	_ =	shalt  }
0x56: {  	_ =	shalt  }
0x57: {  	_ =	shalt  }
0x58: {  	_ =	shalt  }
0x59: {  	_ =	shalt  }
0x5a: {  	_ =	shalt  }
0x5b: {  	_ =	shalt  }
0x5c: {  	_ =	shalt  }
0x5d: {  	_ =	shalt  }
0x5e: {  	_ =	shalt  }
0x5f: {  	_ =	shalt  }
0x60: {  	_ =	shalt  }
0x61: {  	_ =	shalt  }
0x62: {  	_ =	shalt  }
0x63: {  	_ =	shalt  }
0x64: {  	_ =	shalt  }
0x65: {  	_ =	shalt  }
0x66: {  	_ =	shalt  }
0x67: {  	_ =	shalt  }
0x68: {  	_ =	shalt  }
0x69: {  	_ =	shalt  }
0x6a: {  	_ =	shalt  }
0x6b: {  	_ =	shalt  }
0x6c: {  	_ =	shalt  }
0x6d: {  	_ =	shalt  }
0x6e: {  	_ =	shalt  }
0x6f: {  	_ =	shalt  }
0x70: {  	_ =	shalt  }
0x71: {  	_ =	shalt  }
0x72: {  	_ =	shalt  }
0x73: {  	_ =	shalt  }
0x74: {  	_ =	shalt  }
0x75: {  	_ =	shalt  }
0x76: {  	_ =	shalt  }
0x77: {  	_ =	shalt  }
0x78: {  	_ =	shalt  }
0x79: {  	_ =	shalt  }
0x7a: {  	_ =	shalt  }
0x7b: {  	_ =	shalt  }
0x7c: {  	_ =	shalt  }
0x7d: {  	_ =	shalt  }
0x7e: {  	_ =	shalt  }
0x7f: {  	_ =	shalt  }
0x80: {  	_ =	shalt  }
0x81: {  	_ =	shalt  }
0x82: {  	_ =	shalt  }
0x83: {  	_ =	shalt  }
0x84: {  	_ =	shalt  }
0x85: {  	_ =	shalt  }
0x86: {  	_ =	shalt  }
0x87: {  	_ =	shalt  }
.Lfunc_end0:
.L_simem_size_0:
called_computation_lowered:
.L_overlay_start_0:
0x88: {  	s0 =	sld [smem:$0x3FD9]  }
0x89: {  	s1 =	sld [smem:$0x3FFE];
	_ =	sdelay $0x3  }
0x8a: {  	s0 =	sadd.s32 s1, s0  }
0x8b: {  	[smem:$0x3FB8] =	sst s0  }
0x8c: {  	_ = 	snop  }
0x8d: {  	(tm) =	ssettm $0x1  }
0x8e: {  	s15 =	sld [smem:$0x3FFB];
	_ =	sdelay $0x3  }
0x8f: {  	_ =	strace s15  }
0x90: {  	s0 =	sld [smem:$0x3FFC];
	_ =	sdelay $0x3  }
0x91: {  	_ =	strace s0  }
0x92: {  	s0 =	sld [smem:$0x3FFD];
	_ =	sdelay $0x3  }
0x93: {  	_ =	strace s0  }
0x94: {  	_ =	strace $0x8FFFFFFF  }
0x95: {  	s16 =	sld [smem:$0x3FDB];
	_ =	sdelay $0x1  }
0x96: {  	s17 =	simm.s32 $_scs_section_size  }
0x97: {  	s2 =	simm.s32 $_size__tile_overlayer_lowered;
	s3 =	simm.s32 $_tile_overlayer_lowered  }
0x98: {  	s20 =	simm.s32 $0x1BFF;
	s19 =	sshll.u32 s3, $0x1;
	s0 =	sadd.s32 s17, s16  }
0x99: {  	s4 =	simm.s32 $0x0;
	s18 =	sshll.u32 s2, $0x1;
	s2 =	sadd.s32 s19, s0  }
0x9a: {  	[timem:s4], [sflag:s20] =	dma.local [hbm:s2], s18  }
0x9b: {  	_ =	swait.ge [sflag:s20], s18  }
0x9c: {  	s1 =	ssub.s32 $0x0, s18;
	[sflag:s20] =	ssyncset.done $0x0  }
0x9d: {  	[sflag:s20] =	ssyncadd.s32 s1;
	_ =	sdelay $0x1  }
0x9e: {  	s21 =	simm.s32 $0x1B8B  }
0x9f: {  	_ =	swait.ge [sflag:s21], $0x1  }
0xa0: {  	[sflag:s21] =	ssyncset.done $0x0  }
0xa1: {  	s23 =	simm.s32 $0x1B8E;
	s22 =	sld [smem:$0x3FFE];
	[sflag:s21] =	ssyncadd.s32 $0xFFFFFFFF  }
0xa2: {  	s24 =	simm.s32 $execute0_lowered;
	[smem:$0x3FD2] =	sst s23  }
0xa3: {  	s2 =	sshll.u32 s24, $0x1;
	_ =	strace $0x80000046;
	[dreg:$0x1] =	wrdreg $0xFFFFFFFF  }
0xa4: {  	s25 =	simm.s32 $_size_execute0_lowered;
	s0 =	sadd.s32 s0, s2;
	[dreg:$0x0] =	wrdreg $0x0  }
0xa5: {  	s2 =	sshll.u32 s25, $0x1;
	[dreg:$0x2] =	wrdreg s0  }
0xa6: {  	[dreg:$0x3] =	wrdreg s2  }
0xa7: {  	[dreg:$0x4] =	wrdreg $0xC0  }
0xa8: {  	_ =	task [dreg:s4], $0x5FFFF  }
0xa9: {  	[dreg:$0x1] =	wrdreg $0xFFFFFFFF  }
0xaa: {  	[dreg:$0x0] =	wrdreg $0x60  }
0xab: {  	[dreg:$0x2] =	wrdreg s22  }
0xac: {  	[dreg:$0x3] =	wrdreg $0x9  }
0xad: {  	_ =	task.clear_ibuf [dreg:s4], $0x4FFFF;
	_ =	strace $0x90000046  }
0xae: {  	s26 =	simm.s32 $0x9;
	_ =	strace $0x80000048  }
0xaf: {  	_ =	swait.ge [sflag:s26], $0x1  }
0xb0: {  	[sflag:s26] =	ssyncadd.s32 $0xFFFFFFFF  }
0xb1: {  	_ =	strace $0x90000048  }
0xb2: {  	_ =	sfence  }
0xb3: {  	s28 =	sld [smem:$0x0];
	_ =	sdelay $0x1  }
0xb4: {  	s29 =	srdreg.scid  }
0xb5: {  	s30 =	sshll.u32 s29, $0xD;
	s31 =	sshrl.u32 s29, $0x2  }
0xb6: {  	s1 =	sand.u32 $0x1, s29;
	s2 =	sand.u32 $0x4000, s30;
	s0 =	sadd.s32 s31, s28  }
0xb7: {  	s1 =	sor.u32 s2, s1;
	s0 =	sshll.u32 s0, $0x11  }
0xb8: {  	s0 =	sor.u32 s0, s1  }
0xb9: {  	s0 =	sadd.s32 $0x8F2B, s0  }
0xba: {  	[sflag:s0] =	ssyncadd.remote.s32 $0x1  }
0xbb: {  	_ =	sfence.sel $0xFFFF  }
0xbc: {  	[dreg:$0x0] =	wrdreg $0xFFFFFFFF;
	(pc) =	sbr.abs _section_cstart, $3  }
0xbd: {  	[dreg:$0x1] =	wrdreg $0xFFFFFFFF  }
0xbe: {  	_ =	task.clear_ibuf [dreg:s4], $0x2FFFF;
	_ =	strace $0x9FFFFFFF  }
0xbf: {  	(tm) =	ssettm $0x7FFFFFFF  }
tec
execute0_lowered:
.L_overlay_start_1:
0x0: {  	(tag) =	ssettag $0x1  }
0x1: {  	s7 =	rddreg [dreg:$0x0]  }
0x2: {  	s0 =	rddreg [dreg:$0x1];
	_ =	strace $0x80000047  }
0x3: {  	s3 =	stileid.u32;
	s4 =	simm.s32 $0x3E;
	s1 =	sadd.s32 $0x14400, s7  }
0x4: {  	p0 =	sne.s32 s3, $0x0;
	[sflag:s4] =	ssyncpa.u1 $0x0;
	s29 =	smin.u32 s3, $0x8  }
0x5: {  	s30 =	sshll.u32 s3, $0x1;
	s2 =	simm.s32 @!p0 $0x1C3E;
	s5 =	simm.s32 @!p0 $0x0  }
0x6: {  	[spmem:s5], [sflag:s2] =	dma.local @!p0 [hbm:s1], $0x500  }
0x7: {  	s2 =	sadd.s32 s29, s30  }
0x8: {  	p1 =	slt.u32 s3, $0x8;
	s3 =	simm.s32 $0x5DC0;
	s2 =	smul.u32 $0x1F40, s2  }
0x9: {  	s3 =	simm.s32 @!p1 $0x3E80  }
0xa: {  	s3 =	sadd.s32 s3, s2  }
0xb: {  	s3 =	smin.u32 s3, $0x4E200  }
0xc: {  	s8 =	ssub.s32 s3, s2  }
0xd: {  	p1 =	sgt.s32 s8, $0x0  }
0xe: {  	s8 =	simm.s32 @!p1 $0x0  }
0xf: {  	s5 =	simm.s32 @!p0 $0x3E;
	s31 =	smulhi.u32 $0x10624DD3, s8  }
0x10: {  	_ =	swait.ge @!p0 [sflag:s5], $0x500  }
0x11: {  	s6 =	simm.s32 $0x2;
	[sflag:s5] =	ssyncset.done @!p0 $0x0;
	s9 =	sshrl.u32 s31, $0x9  }
0x12: {  	s11 =	simm.s32 $0x0;
	[sflag:s5] =	ssyncadd.s32 @!p0 $0xFFFFFB00;
	s10 =	smul.u32 $0x1F40, s9  }
.Ltmp0:
0x13: {  	s5 =	sadd.s32 $0x600, s7;
	[bflag:$0x0] =	sbarrier.arrive $0xFFFF;
	(pc) =	sbr.rel .LBB2_1-.Ltmp0, $4  }
0x14: {  	s7 =	sadd.s32 $0x14A00, s7;
	[sflag:s4] =	ssyncpa.u1 $0x1;
	s4 =	simm.s32 $0x1  }
0x15: {  	[sflag:s4] =	ssyncpa.u1 $0x0;
	p1 =	sne.s32 s8, s10;
	s8 =	simm.s32 $0x1  }
0x16: {  	(ifvalue) =	ssetifvalue $0x2800;
	[sflag:s6] =	ssyncpa.u1 $0x0;
	s8 =	simm.s32 @!p1 $0x0  }
0x17: {  	vm0 =	vmmov $0xffff;
	s10 =	smov.u32 s2;
	s8 =	sadd.s32 s8, s9;
	s9 =	simm.s32 $0x0  }
.LBB2_5:
0x18: {  	p2 =	sne.s32 s11, s8  }
.Ltmp1:
0x19: {  	_ = 	snop;
	(pc) =	sbr.rel @!p2 .LBB2_6-.Ltmp1, $4  }
0x1a: {  	_ = 	snop  }
0x1b: {  	s12 =	sadd.s32 $0x1F40, s10  }
0x1c: {  	s10 =	smov.u32 s2;
	s13 =	sadd.s32 $0x1, s11;
	p1 =	slt.s32 s12, s3  }
0x1d: {  	s11 =	smov.u32 s13;
	s10 =	smov.u32 @p1 s12  }
.LBB2_1:
0x1e: {  	p1 =	sge.u32 s11, s8  }
0x1f: {  	s12 =	sxor.u32 @!p1 $0xFFFFFFFF, s11  }
0x20: {  	s12 =	sand.u32 @!p1 $0x1, s12  }
0x21: {  	s12 =	smul.u32 @!p1 $0x1F40, s12  }
0x22: {  	s13 =	sshrl.u32 @!p1 s10, $0x3  }
0x23: {  	s16 =	sand.u32 @!p1 $0x7, s10;
	s14 =	sadd.s32 @!p1 s5, s13;
	s15 =	sadd.s32 @!p1 $0x280, s12  }
0x24: {  	[tilespmem:s15], [sflag:$0x2] =	stream.linear.gather @!p1 [hbm4b:s14+s16], $0x1F40, $0x38;
	[tilespmem:$0x7F80] =	vst v63  }
0x25: {  	s13 =	sadd.s32 @!p1 s7, s13;
	s12 =	sadd.s32 @!p1 $0x4100, s12  }
0x26: {  	[tilespmem:s12], [sflag:$0x2] =	stream.linear.gather @!p1 [hbm4b:s13+s16], $0x1F40, $0x38;
	[tilespmem:$0x7F80] =	vst v63  }
0x27: {  	p1 =	seq.s32 s11, $0x0  }
.Ltmp2:
0x28: {  	_ = 	snop;
	(pc) =	sbr.rel @p1 .LBB2_5-.Ltmp2, $1  }
0x29: {  	_ =	sdelay $0x3  }
0x2a: {  	s12 =	sand.u32 $0x1, s11  }
0x2b: {  	_ =	swait.ge [sflag:s6], $0x3E80;
	p1 =	seq.s32 s12, $0x1;
	s12 =	simm.s32 $0x1F40  }
0x2c: {  	[sflag:s6] =	ssyncset.done $0x0;
	s12 =	simm.s32 @!p1 $0x0  }
0x2d: {  	[sflag:s6] =	ssyncadd.s32 $0xFFFFC180;
	s14 =	sadd.s32 $0x280, s12  }
0x2e: {  	v0 =	vld.msk [tilespmem:s14+$0x0 ss:$0x1], $0xffff;
	_ =	sdelay $0x4  }
0x2f: {  	v0 =	vmin.u32 v0, $0x2800;
	_ =	sdelay $0x3  }
0x30: {  	s13 =	simm.s32 $0x0;
	s12 =	sadd.s32 $0x4100, s12;
	s14 =	sadd.s32 $0x10, s14  }
0x31: {  	[spmem:s9] =	stream.indirect_vreg.scatter.add.s32 [tilespmem:s12], [sflag:$0x1], $0x1, v0, vm0, $0x4038;
	[tilespmem:$0x7F80] =	vst v63  }
.LBB2_3:
0x32: {  	v0 =	vld.msk [tilespmem:s14+$0x0 ss:$0x1], $0xffff;
	s13 =	sadd.s32 $0x10, s13  }
0x33: {  	p1 =	slt.u32 s13, $0x1F30;
	_ =	sdelay $0x4  }
0x34: {  	v0 =	vmin.u32 v0, $0x2800  }
.Ltmp3:
0x35: {  	(pc) =	sbr.rel @p1 .LBB2_3-.Ltmp3, $3  }
0x36: {  	_ =	sdelay $0x1  }
0x37: {  	s14 =	sadd.s32 $0x10, s14;
	s12 =	sadd.s32 $0x10, s12  }
0x38: {  	[spmem:s9] =	stream.indirect_vreg.scatter.add.s32 [tilespmem:s12], [sflag:$0x1], $0x1, v0, vm0, $0x4038;
	[tilespmem:$0x7F80] =	vst v63  }
.Ltmp4:
0x39: {  	(pc) =	sbr.rel .LBB2_5-.Ltmp4, $4  }
0x3a: {  	_ = 	snop  }
0x3b: {  	_ =	swait.ge [sflag:s4], $0x1F40  }
0x3c: {  	[sflag:s4] =	ssyncset.done $0x0  }
0x3d: {  	[sflag:s4] =	ssyncadd.s32 $0xFFFFE0C0  }
.LBB2_6:
0x3e: {  	_ =	sfence.sel $0x180000  }
0x3f: {  	s2 =	simm.s32 $0x2;
	[bflag:$0x0] =	sbarrier.arrive $0xFFFF  }
0x40: {  	s30 =	simm.s32 $0x1;
	[sflag:s2] =	ssyncpa.u1 $0x1  }
0x41: {  	[sflag:s30] =	ssyncpa.u1 $0x1  }
0x42: {  	_ =	sfence.stream.spmem  }
0x43: {  	s31 =	simm.s32 $0x3D;
	[bflag:$0x0] =	sbarrier.arrive $0xFFFF  }
0x44: {  	s2 =	simm.s32 @p0 $0x3D;
	[sflag:s31] =	ssyncpa.u1 $0x0  }
0x45: {  	[sflag:s2] =	ssyncpa.u1 @p0 $0x1  }
0x46: {  	[bflag:$0x0] =	sbarrier.arrive @p0 $0xFFFF  }
0x47: {  	_ =	strace @p0 $0x90000047  }
0x48: {  	s3 =	simm.s32 @!p0 $0x1C3D;
	s2 =	simm.s32 @!p0 $0x0;
	[bflag:$0x2] =	sbarrier.arrive @p0 $0xFFFF  }
0x49: {  	[hbm:s1], [sflag:s3] =	dma.local @!p0 [spmem:s2], $0x500  }
0x4a: {  	s1 =	simm.s32 @!p0 $0x3D  }
0x4b: {  	_ =	swait.ge @!p0 [sflag:s1], $0x500  }
0x4c: {  	[sflag:s1] =	ssyncset.done @!p0 $0x0  }
0x4d: {  	[sflag:s1] =	ssyncadd.s32 @!p0 $0xFFFFFB00  }
0x4e: {  	[sflag:s1] =	ssyncpa.u1 @!p0 $0x1  }
0x4f: {  	[bflag:$0x0] =	sbarrier.arrive @!p0 $0xFFFF  }
0x50: {  	_ =	strace @!p0 $0x90000047  }
0x51: {  	s0 =	sadd.s32 @!p0 $0x100000, s0;
	[bflag:$0x2] =	sbarrier.arrive @!p0 $0xFFFF  }
0x52: {  	[sflag:s0] =	ssyncadd.tile.s32 @!p0 $0x1;
	_ =	shalt  }
.Lfunc_end2:
_tile_overlayer_lowered:
.L_overlay_start_2:
0x53: {  	(tag) =	ssettag $0x2  }
0x54: {  	s0 =	rddreg [dreg:$0x0];
	s2 =	stileid.u32  }
0x55: {  	s1 =	rddreg [dreg:$0x1];
	p0 =	sne.s32 s2, $0x0  }
0x56: {  	s3 =	rddreg [dreg:$0x2];
	[bflag:$0x3] =	sbarrier.arrive $0xFFFF;
	s2 =	simm.s32 @!p0 $0x1C01  }
0x57: {  	[timem:s3], [sflag:s2] =	dma.local @!p0 [hbm:s0], s1  }
0x58: {  	s0 =	simm.s32 @!p0 $0x1  }
0x59: {  	_ =	swait.ge @!p0 [sflag:s0], s1  }
0x5a: {  	s1 =	ssub.s32 @!p0 $0x0, s1;
	[sflag:s0] =	ssyncset.done @!p0 $0x0  }
0x5b: {  	[sflag:s0] =	ssyncadd.s32 @!p0 s1  }
0x5c: {  	[bflag:$0x3] =	sbarrier.arrive $0xFFFF  }
0x5d: {  	_ =	shalt  }

</sc_bundles>
